<compile_context>
chip_gen: v7x
topology: tpu7x:2x2x1
jax: 0.10.2.dev20260603
libtpu: 0.0.44.dev20260713+nightly
codegen_flags: <defaults>
</compile_context>

<pallas_src>
import jax
import jax.numpy as jnp
from jax import lax
from jax.experimental import pallas as pl
from jax.experimental.pallas import tpu as pltpu
from jax.experimental.pallas import tpu_sc as plsc

N_NODES = 10000
N_EDGES = 320000
D_IN = 128
D_HID = 256

NC = 2
NS = 16
L = 16
C = 128
N_PAD = 10240
HN = 5120
ACC_ROWS = 5376
ZROWS = ACC_ROWS // NS
WROWS = HN // NS
DUMMY = HN
DST_PAD = 2 * HN

CE = 64
BC = 64
NB = 5
E_PAD2 = NS * NB * BC * CE


def _chunk_pad(a, e_pad, fill, lead_shape):
    pad = e_pad - N_EDGES
    ap = jnp.concatenate([a, jnp.full((pad,), fill, jnp.int32)])
    return ap.reshape(lead_shape)


def _phase_dst(dst):
    outs = []
    for p in range(2):
        lo = p * HN
        inr = (dst >= lo) & (dst < lo + HN)
        outs.append(jnp.where(inr, dst - lo, DUMMY))
    return jnp.stack(outs)


def _make_sc_agg2():
    dh = D_HID // 2
    mesh = plsc.VectorSubcoreMesh(core_axis_name="c", subcore_axis_name="s")
    out_types = (jax.ShapeDtypeStruct((2, N_PAD, dh), jnp.float32),)
    scratch = [
        pltpu.VMEM((BC, CE), jnp.int32),
        pltpu.VMEM((BC, CE), jnp.int32),
        pltpu.VMEM((CE, dh), jnp.float32),
        pltpu.VMEM((CE, dh), jnp.float32),
        pltpu.VMEM_SHARED((ACC_ROWS, dh), jnp.float32),
        pltpu.SemaphoreType.DMA,
        pltpu.SemaphoreType.DMA,
        pltpu.SemaphoreType.DMA,
        pltpu.SemaphoreType.DMA,
    ]

    def body(h2d, srcs, dsts, zrow, out_agg, src_blk, dst_blk, r0, r1,
             acc_sh, g0, g1, v0, v1):
        c = lax.axis_index("c")
        s = lax.axis_index("s")

        def gather(j, rb, sem):
            pltpu.async_copy(h2d.at[src_blk.at[j]], rb, sem)

        def gather_wait(j, rb, sem):
            pltpu.make_async_copy(h2d.at[src_blk.at[j]], rb, sem).wait()

        def scat(j, rb, sem):
            pltpu.async_copy(rb, acc_sh.at[dst_blk.at[j]], sem, add=True)

        def scat_wait(j, rb, sem):
            pltpu.make_async_copy(rb, acc_sh.at[dst_blk.at[j]],
                                  sem).wait()

        for p in range(2):
            z0 = s * ZROWS
            pltpu.sync_copy(zrow, r0)
            for k in range(5):
                pltpu.sync_copy(r0, acc_sh.at[pl.ds(z0 + k * CE, CE)])
            pltpu.sync_copy(r0.at[pl.ds(0, 16)],
                            acc_sh.at[pl.ds(z0 + 5 * CE, 16)])
            plsc.subcore_barrier()

            def block(bi, _):
                pltpu.sync_copy(srcs.at[c, s * NB + bi], src_blk)
                pltpu.sync_copy(dsts.at[p, s * NB + bi], dst_blk)
                gather(0, r0, g0)
                gather(1, r1, g1)

                def gen(kk, _):
                    j0 = 2 * kk
                    gather_wait(j0, r0, g0)
                    scat(j0, r0, v0)
                    gather_wait(j0 + 1, r1, g1)
                    scat(j0 + 1, r1, v1)
                    scat_wait(j0, r0, v0)
                    gather(j0 + 2, r0, g0)
                    scat_wait(j0 + 1, r1, v1)
                    gather(j0 + 3, r1, g1)
                    return 0
                lax.fori_loop(0, BC // 2 - 1, gen, 0)
                gather_wait(BC - 2, r0, g0)
                scat(BC - 2, r0, v0)
                gather_wait(BC - 1, r1, g1)
                scat(BC - 1, r1, v1)
                scat_wait(BC - 2, r0, v0)
                scat_wait(BC - 1, r1, v1)
                return 0
            lax.fori_loop(0, NB, block, 0)
            plsc.subcore_barrier()
            w0 = s * WROWS
            for k in range(WROWS // CE):
                pltpu.sync_copy(acc_sh.at[pl.ds(w0 + k * CE, CE)], r0)
                pltpu.sync_copy(
                    r0, out_agg.at[c, pl.ds(p * HN + w0 + k * CE, CE)])

    return pl.kernel(body, out_type=out_types, mesh=mesh,
                     scratch_types=scratch)


def _make_tc_layer1():
    R = 1024
    nb = N_PAD // R
    row = lambda i: (i, 0)
    full = lambda i: (0, 0)
    in_specs = [
        pl.BlockSpec((R, D_IN), row),
        pl.BlockSpec((1, R, D_IN), lambda i: (0, i, 0)),
        pl.BlockSpec((1, R, D_IN), lambda i: (1, i, 0)),
        pl.BlockSpec((D_IN, D_HID), full),
        pl.BlockSpec((D_IN, D_HID), full),
        pl.BlockSpec((1, D_HID), full),
    ]

    def body(xb, ag, dg, ws, wn, b, o):
        invd = 1.0 / jnp.maximum(dg[0][:, 0:1], 1.0)
        mean = ag[0] * invd
        acc = jnp.dot(xb[...], ws[...], preferred_element_type=jnp.float32)
        acc += jnp.dot(mean, wn[...], preferred_element_type=jnp.float32)
        acc += b[...]
        acc = jnp.maximum(acc, 0.0)
        o[0] = acc[:, :128]
        o[1] = acc[:, 128:]

    return pl.pallas_call(
        body, grid=(nb,), in_specs=in_specs,
        out_specs=pl.BlockSpec((2, R, 128), lambda i: (0, i, 0)),
        out_shape=jax.ShapeDtypeStruct((2, N_PAD, 128), jnp.float32))


def _make_tc_layer23(relu, stacked_out):
    dh = D_HID // 2
    R = 1024
    nb = N_PAD // R
    row_l = lambda i: (i, 0)
    row_r = lambda i: (i + nb, 0)
    full = lambda i: (0, 0)
    in_specs = [
        pl.BlockSpec((R, dh), row_l),
        pl.BlockSpec((R, dh), row_r),
        pl.BlockSpec((R, dh), row_l),
        pl.BlockSpec((R, dh), row_r),
        pl.BlockSpec((1, R, D_IN), lambda i: (1, i, 0)),
        pl.BlockSpec((D_HID, D_HID), full),
        pl.BlockSpec((D_HID, D_HID), full),
        pl.BlockSpec((1, D_HID), full),
    ]
    if stacked_out:
        out_spec = pl.BlockSpec((2, R, 128), lambda i: (0, i, 0))
        out_shape = jax.ShapeDtypeStruct((2, N_PAD, 128), jnp.float32)
    else:
        out_spec = pl.BlockSpec((R, D_HID), row_l)
        out_shape = jax.ShapeDtypeStruct((N_PAD, D_HID), jnp.float32)

    def body(h_l, h_r, a_l, a_r, dg, ws, wn, b, o):
        invd = 1.0 / jnp.maximum(dg[0][:, 0:1], 1.0)
        acc = jnp.dot(h_l[...], ws[:dh, :], preferred_element_type=jnp.float32)
        acc += jnp.dot(h_r[...], ws[dh:, :], preferred_element_type=jnp.float32)
        acc += jnp.dot(a_l[...] * invd, wn[:dh, :],
                       preferred_element_type=jnp.float32)
        acc += jnp.dot(a_r[...] * invd, wn[dh:, :],
                       preferred_element_type=jnp.float32)
        acc += b[...]
        if relu:
            acc = jnp.maximum(acc, 0.0)
        if stacked_out:
            o[0] = acc[:, :128]
            o[1] = acc[:, 128:]
        else:
            o[...] = acc

    return pl.pallas_call(
        body, grid=(nb,), in_specs=in_specs, out_specs=out_spec,
        out_shape=out_shape)


_sc_agg2 = _make_sc_agg2()
_tc_l1 = _make_tc_layer1()
_tc_l2 = _make_tc_layer23(relu=True, stacked_out=True)
_tc_l3 = _make_tc_layer23(relu=False, stacked_out=False)


def kernel(x, edge_index, W_self1, W_neigh1, b1, W_self2, W_neigh2, b2,
           W_self3, W_neigh3, b3):
    src = edge_index[0].astype(jnp.int32)
    dst = edge_index[1].astype(jnp.int32)
    src2 = _chunk_pad(src, E_PAD2, 0, (NS * NB, BC, CE))
    srcs2 = jnp.stack([src2, src2 + N_PAD])
    dst2 = _chunk_pad(dst, E_PAD2, DST_PAD, (NS * NB, BC, CE))
    dsts2 = _phase_dst(dst2)
    svec = jnp.repeat(jnp.arange(NS, dtype=jnp.int32), NB)
    dsts2 = jnp.where(dsts2 == DUMMY,
                      DUMMY + svec[None, :, None, None], dsts2)

    zrow = jnp.zeros((CE, D_IN), jnp.float32)

    xp = jnp.pad(x, ((0, N_PAD - N_NODES), (0, 0)))
    onehot = jnp.zeros((N_PAD, D_IN), jnp.float32).at[:, 0].set(1.0)
    x_aug = jnp.concatenate([xp, onehot], axis=0)
    b1r = b1.reshape(1, D_HID)
    b2r = b2.reshape(1, D_HID)
    b3r = b3.reshape(1, D_HID)

    (agg1,) = _sc_agg2(x_aug, srcs2, dsts2, zrow)
    h2 = _tc_l1(xp, agg1, agg1, W_self1, W_neigh1, b1r)
    h2d = h2.reshape(2 * N_PAD, 128)

    (agg2,) = _sc_agg2(h2d, srcs2, dsts2, zrow)
    a2 = agg2.reshape(2 * N_PAD, 128)
    h3 = _tc_l2(h2d, h2d, a2, a2, agg1, W_self2, W_neigh2, b2r)
    h3d = h3.reshape(2 * N_PAD, 128)

    (agg3,) = _sc_agg2(h3d, srcs2, dsts2, zrow)
    a3 = agg3.reshape(2 * N_PAD, 128)
    out = _tc_l3(h3d, h3d, a3, a3, agg1, W_self3, W_neigh3, b3r)
    return out[:N_NODES]

# --- scband reference (transcript-rebuilt; emitter-appended) ---
"""Pipeline reference for scband-sage-25013889532310 (READ-ONLY COPY).

The authoritative reference and input builder live on the scoring server;
editing this copy changes nothing except your own understanding.
"""

import jax, jax.numpy as jnp
import numpy as np

N_NODES = 10000
N_EDGES = 320000
D_IN = 128
D_HID = 256


def setup_inputs(seed: int = 0) -> dict:
    key = jax.random.key(seed)
    ks = jax.random.split(key, 12)
    x = jax.random.normal(ks[0], (N_NODES, D_IN), dtype=jnp.float32)
    edge_index = jax.random.randint(ks[1], (2, N_EDGES), 0, N_NODES, dtype=jnp.int64)
    def lin(k, fan_in, fan_out):
        s = 1.0 / np.sqrt(fan_in)
        return jax.random.uniform(k, (fan_in, fan_out), dtype=jnp.float32, minval=-s, maxval=s)
    W_self1 = lin(ks[2], D_IN, D_HID)
    W_neigh1 = lin(ks[3], D_IN, D_HID)
    b1 = jnp.zeros((D_HID,), dtype=jnp.float32)
    W_self2 = lin(ks[4], D_HID, D_HID)
    W_neigh2 = lin(ks[5], D_HID, D_HID)
    b2 = jnp.zeros((D_HID,), dtype=jnp.float32)
    W_self3 = lin(ks[6], D_HID, D_HID)
    W_neigh3 = lin(ks[7], D_HID, D_HID)
    b3 = jnp.zeros((D_HID,), dtype=jnp.float32)
    return {"x": x, "edge_index": edge_index,
            "W_self1": W_self1, "W_neigh1": W_neigh1, "b1": b1,
            "W_self2": W_self2, "W_neigh2": W_neigh2, "b2": b2,
            "W_self3": W_self3, "W_neigh3": W_neigh3, "b3": b3}


def _sage_conv_mean(x, src, dst, W_self, W_neigh, b, n_nodes):
    # DGL SAGEConv with 'mean' aggregator: fc_self(x) + fc_neigh(mean_{u in N(v)} x_u) + bias
    gathered = jnp.take(x, src, axis=0)
    agg = jax.ops.segment_sum(gathered, dst, num_segments=n_nodes)
    deg = jax.ops.segment_sum(jnp.ones((src.shape[0],), dtype=x.dtype), dst, num_segments=n_nodes)
    mean_neigh = agg / jnp.maximum(deg, 1.0)[:, None]
    return x @ W_self + mean_neigh @ W_neigh + b


def reference(x, edge_index, W_self1, W_neigh1, b1, W_self2, W_neigh2, b2, W_self3, W_neigh3, b3):
    src = edge_index[0]
    dst = edge_index[1]
    n = x.shape[0]
    h = _sage_conv_mean(x, src, dst, W_self1, W_neigh1, b1, n)
    h = jax.nn.relu(h)
    h = _sage_conv_mean(h, src, dst, W_self2, W_neigh2, b2, n)
    h = jax.nn.relu(h)
    h = _sage_conv_mean(h, src, dst, W_self3, W_neigh3, b3, n)
    return h

if __name__ == "__main__":
    import jax
    _d = setup_inputs()
    print(jax.jit(kernel)(*tuple(_d.values())))

</pallas_src>

<mosaic_0001>
#map = affine_map<(d0, d1) -> (0, 0)>
#map1 = affine_map<(d0, d1) -> (0, 0, 0, 0)>
#map2 = affine_map<(d0, d1) -> (0, 0, 0)>
module attributes {stable_mosaic.version = 14 : i64} {
  func.func @body(%arg0: i32, %arg1: i32, %arg2: memref<20480x128xf32, #tpu.memory_space<hbm>>, %arg3: memref<2x80x64x64xi32, #tpu.memory_space<hbm>>, %arg4: memref<2x80x64x64xi32, #tpu.memory_space<hbm>>, %arg5: memref<64x128xf32, #tpu.memory_space<hbm>>, %arg6: memref<2x10240x128xf32, #tpu.memory_space<hbm>>, %arg7: memref<64x64xi32, #tpu.memory_space<vmem>>, %arg8: memref<64x64xi32, #tpu.memory_space<vmem>>, %arg9: memref<64x128xf32, #tpu.memory_space<vmem>>, %arg10: memref<64x128xf32, #tpu.memory_space<vmem>>, %arg11: memref<5376x128xf32, #tpu.memory_space<vmem_shared>>, %arg12: memref<!tpu.dma_semaphore, #tpu.memory_space<semaphore_mem>>, %arg13: memref<!tpu.dma_semaphore, #tpu.memory_space<semaphore_mem>>, %arg14: memref<!tpu.dma_semaphore, #tpu.memory_space<semaphore_mem>>, %arg15: memref<!tpu.dma_semaphore, #tpu.memory_space<semaphore_mem>>) attributes {dimension_semantics = [#tpu.dimension_semantics<core_parallel>, #tpu.dimension_semantics<subcore_parallel>], iteration_bounds = array<i64: 2, 16>, scalar_prefetch = 0 : i64, scratch_operands = 9 : i64, tpu.core_type = #tpu.core_type<sc_vector_subcore>, window_params = [{transform_indices = #map}, {transform_indices = #map1}, {transform_indices = #map1}, {transform_indices = #map}, {transform_indices = #map2}]} {
    %mul3A = arith.constant 336 : i32
    %mul3A_0 = arith.muli %arg1, %mul3A : i32
    "tpu.region"() ({
      %run_scoped3A = tpu.sem_alloc : memref<!tpu.dma_semaphore, #tpu.memory_space<semaphore_mem>>
      tpu.enqueue_dma source(%arg5 : memref<64x128xf32, #tpu.memory_space<hbm>>) target(%arg9 : memref<64x128xf32, #tpu.memory_space<vmem>>) target_semaphore(%run_scoped3A : memref<!tpu.dma_semaphore, #tpu.memory_space<semaphore_mem>>)
      tpu.wait_dma2 semaphore(%run_scoped3A : memref<!tpu.dma_semaphore, #tpu.memory_space<semaphore_mem>>) src(%arg5 : memref<64x128xf32, #tpu.memory_space<hbm>>) dst(%arg9 : memref<64x128xf32, #tpu.memory_space<vmem>>)
      tpu.yield
    }) : () -> ()
    %add3A = arith.constant 0 : i32
    %add3A_1 = arith.addi %mul3A_0, %add3A : i32
    "tpu.region"() ({
      %run_scoped3A = tpu.sem_alloc : memref<!tpu.dma_semaphore, #tpu.memory_space<semaphore_mem>>
      %dma_start3A = arith.constant 0 : i32
      %dma_start3A_106 = tpu.memref_slice %arg11[%add3A_1, %dma_start3A] : memref<5376x128xf32, #tpu.memory_space<vmem_shared>> -> memref<64x128xf32, #tpu.memory_space<vmem_shared>>
      %dma_start3A_107 = arith.constant 0 : i32
      %dma_start3A_108 = tpu.memref_slice %arg11[%add3A_1, %dma_start3A_107] : memref<5376x128xf32, #tpu.memory_space<vmem_shared>> -> memref<64x128xf32, #tpu.memory_space<vmem_shared>>
      tpu.enqueue_dma source(%arg9 : memref<64x128xf32, #tpu.memory_space<vmem>>) target(%dma_start3A_108 : memref<64x128xf32, #tpu.memory_space<vmem_shared>>) target_semaphore(%run_scoped3A : memref<!tpu.dma_semaphore, #tpu.memory_space<semaphore_mem>>)
      %dma_wait3A = arith.constant 0 : i32
      %dma_wait3A_109 = tpu.memref_slice %arg11[%add3A_1, %dma_wait3A] : memref<5376x128xf32, #tpu.memory_space<vmem_shared>> -> memref<64x128xf32, #tpu.memory_space<vmem_shared>>
      %dma_wait3A_110 = arith.constant 0 : i32
      %dma_wait3A_111 = tpu.memref_slice %arg11[%add3A_1, %dma_wait3A_110] : memref<5376x128xf32, #tpu.memory_space<vmem_shared>> -> memref<64x128xf32, #tpu.memory_space<vmem_shared>>
      tpu.wait_dma2 semaphore(%run_scoped3A : memref<!tpu.dma_semaphore, #tpu.memory_space<semaphore_mem>>) src(%arg9 : memref<64x128xf32, #tpu.memory_space<vmem>>) dst(%dma_wait3A_111 : memref<64x128xf32, #tpu.memory_space<vmem_shared>>)
      tpu.yield
    }) : () -> ()
    %add3A_2 = arith.constant 64 : i32
    %add3A_3 = arith.addi %mul3A_0, %add3A_2 : i32
    "tpu.region"() ({
      %run_scoped3A = tpu.sem_alloc : memref<!tpu.dma_semaphore, #tpu.memory_space<semaphore_mem>>
      %dma_start3A = arith.constant 0 : i32
      %dma_start3A_106 = tpu.memref_slice %arg11[%add3A_3, %dma_start3A] : memref<5376x128xf32, #tpu.memory_space<vmem_shared>> -> memref<64x128xf32, #tpu.memory_space<vmem_shared>>
      %dma_start3A_107 = arith.constant 0 : i32
      %dma_start3A_108 = tpu.memref_slice %arg11[%add3A_3, %dma_start3A_107] : memref<5376x128xf32, #tpu.memory_space<vmem_shared>> -> memref<64x128xf32, #tpu.memory_space<vmem_shared>>
      tpu.enqueue_dma source(%arg9 : memref<64x128xf32, #tpu.memory_space<vmem>>) target(%dma_start3A_108 : memref<64x128xf32, #tpu.memory_space<vmem_shared>>) target_semaphore(%run_scoped3A : memref<!tpu.dma_semaphore, #tpu.memory_space<semaphore_mem>>)
      %dma_wait3A = arith.constant 0 : i32
      %dma_wait3A_109 = tpu.memref_slice %arg11[%add3A_3, %dma_wait3A] : memref<5376x128xf32, #tpu.memory_space<vmem_shared>> -> memref<64x128xf32, #tpu.memory_space<vmem_shared>>
      %dma_wait3A_110 = arith.constant 0 : i32
      %dma_wait3A_111 = tpu.memref_slice %arg11[%add3A_3, %dma_wait3A_110] : memref<5376x128xf32, #tpu.memory_space<vmem_shared>> -> memref<64x128xf32, #tpu.memory_space<vmem_shared>>
      tpu.wait_dma2 semaphore(%run_scoped3A : memref<!tpu.dma_semaphore, #tpu.memory_space<semaphore_mem>>) src(%arg9 : memref<64x128xf32, #tpu.memory_space<vmem>>) dst(%dma_wait3A_111 : memref<64x128xf32, #tpu.memory_space<vmem_shared>>)
      tpu.yield
    }) : () -> ()
    %add3A_4 = arith.constant 128 : i32
    %add3A_5 = arith.addi %mul3A_0, %add3A_4 : i32
    "tpu.region"() ({
      %run_scoped3A = tpu.sem_alloc : memref<!tpu.dma_semaphore, #tpu.memory_space<semaphore_mem>>
      %dma_start3A = arith.constant 0 : i32
      %dma_start3A_106 = tpu.memref_slice %arg11[%add3A_5, %dma_start3A] : memref<5376x128xf32, #tpu.memory_space<vmem_shared>> -> memref<64x128xf32, #tpu.memory_space<vmem_shared>>
      %dma_start3A_107 = arith.constant 0 : i32
      %dma_start3A_108 = tpu.memref_slice %arg11[%add3A_5, %dma_start3A_107] : memref<5376x128xf32, #tpu.memory_space<vmem_shared>> -> memref<64x128xf32, #tpu.memory_space<vmem_shared>>
      tpu.enqueue_dma source(%arg9 : memref<64x128xf32, #tpu.memory_space<vmem>>) target(%dma_start3A_108 : memref<64x128xf32, #tpu.memory_space<vmem_shared>>) target_semaphore(%run_scoped3A : memref<!tpu.dma_semaphore, #tpu.memory_space<semaphore_mem>>)
      %dma_wait3A = arith.constant 0 : i32
      %dma_wait3A_109 = tpu.memref_slice %arg11[%add3A_5, %dma_wait3A] : memref<5376x128xf32, #tpu.memory_space<vmem_shared>> -> memref<64x128xf32, #tpu.memory_space<vmem_shared>>
      %dma_wait3A_110 = arith.constant 0 : i32
      %dma_wait3A_111 = tpu.memref_slice %arg11[%add3A_5, %dma_wait3A_110] : memref<5376x128xf32, #tpu.memory_space<vmem_shared>> -> memref<64x128xf32, #tpu.memory_space<vmem_shared>>
      tpu.wait_dma2 semaphore(%run_scoped3A : memref<!tpu.dma_semaphore, #tpu.memory_space<semaphore_mem>>) src(%arg9 : memref<64x128xf32, #tpu.memory_space<vmem>>) dst(%dma_wait3A_111 : memref<64x128xf32, #tpu.memory_space<vmem_shared>>)
      tpu.yield
    }) : () -> ()
    %add3A_6 = arith.constant 192 : i32
    %add3A_7 = arith.addi %mul3A_0, %add3A_6 : i32
    "tpu.region"() ({
      %run_scoped3A = tpu.sem_alloc : memref<!tpu.dma_semaphore, #tpu.memory_space<semaphore_mem>>
      %dma_start3A = arith.constant 0 : i32
      %dma_start3A_106 = tpu.memref_slice %arg11[%add3A_7, %dma_start3A] : memref<5376x128xf32, #tpu.memory_space<vmem_shared>> -> memref<64x128xf32, #tpu.memory_space<vmem_shared>>
      %dma_start3A_107 = arith.constant 0 : i32
      %dma_start3A_108 = tpu.memref_slice %arg11[%add3A_7, %dma_start3A_107] : memref<5376x128xf32, #tpu.memory_space<vmem_shared>> -> memref<64x128xf32, #tpu.memory_space<vmem_shared>>
      tpu.enqueue_dma source(%arg9 : memref<64x128xf32, #tpu.memory_space<vmem>>) target(%dma_start3A_108 : memref<64x128xf32, #tpu.memory_space<vmem_shared>>) target_semaphore(%run_scoped3A : memref<!tpu.dma_semaphore, #tpu.memory_space<semaphore_mem>>)
      %dma_wait3A = arith.constant 0 : i32
      %dma_wait3A_109 = tpu.memref_slice %arg11[%add3A_7, %dma_wait3A] : memref<5376x128xf32, #tpu.memory_space<vmem_shared>> -> memref<64x128xf32, #tpu.memory_space<vmem_shared>>
      %dma_wait3A_110 = arith.constant 0 : i32
      %dma_wait3A_111 = tpu.memref_slice %arg11[%add3A_7, %dma_wait3A_110] : memref<5376x128xf32, #tpu.memory_space<vmem_shared>> -> memref<64x128xf32, #tpu.memory_space<vmem_shared>>
      tpu.wait_dma2 semaphore(%run_scoped3A : memref<!tpu.dma_semaphore, #tpu.memory_space<semaphore_mem>>) src(%arg9 : memref<64x128xf32, #tpu.memory_space<vmem>>) dst(%dma_wait3A_111 : memref<64x128xf32, #tpu.memory_space<vmem_shared>>)
      tpu.yield
    }) : () -> ()
    %add3A_8 = arith.constant 256 : i32
    %add3A_9 = arith.addi %mul3A_0, %add3A_8 : i32
    "tpu.region"() ({
      %run_scoped3A = tpu.sem_alloc : memref<!tpu.dma_semaphore, #tpu.memory_space<semaphore_mem>>
      %dma_start3A = arith.constant 0 : i32
      %dma_start3A_106 = tpu.memref_slice %arg11[%add3A_9, %dma_start3A] : memref<5376x128xf32, #tpu.memory_space<vmem_shared>> -> memref<64x128xf32, #tpu.memory_space<vmem_shared>>
      %dma_start3A_107 = arith.constant 0 : i32
      %dma_start3A_108 = tpu.memref_slice %arg11[%add3A_9, %dma_start3A_107] : memref<5376x128xf32, #tpu.memory_space<vmem_shared>> -> memref<64x128xf32, #tpu.memory_space<vmem_shared>>
      tpu.enqueue_dma source(%arg9 : memref<64x128xf32, #tpu.memory_space<vmem>>) target(%dma_start3A_108 : memref<64x128xf32, #tpu.memory_space<vmem_shared>>) target_semaphore(%run_scoped3A : memref<!tpu.dma_semaphore, #tpu.memory_space<semaphore_mem>>)
      %dma_wait3A = arith.constant 0 : i32
      %dma_wait3A_109 = tpu.memref_slice %arg11[%add3A_9, %dma_wait3A] : memref<5376x128xf32, #tpu.memory_space<vmem_shared>> -> memref<64x128xf32, #tpu.memory_space<vmem_shared>>
      %dma_wait3A_110 = arith.constant 0 : i32
      %dma_wait3A_111 = tpu.memref_slice %arg11[%add3A_9, %dma_wait3A_110] : memref<5376x128xf32, #tpu.memory_space<vmem_shared>> -> memref<64x128xf32, #tpu.memory_space<vmem_shared>>
      tpu.wait_dma2 semaphore(%run_scoped3A : memref<!tpu.dma_semaphore, #tpu.memory_space<semaphore_mem>>) src(%arg9 : memref<64x128xf32, #tpu.memory_space<vmem>>) dst(%dma_wait3A_111 : memref<64x128xf32, #tpu.memory_space<vmem_shared>>)
      tpu.yield
    }) : () -> ()
    %add3A_10 = arith.constant 320 : i32
    %add3A_11 = arith.addi %mul3A_0, %add3A_10 : i32
    "tpu.region"() ({
      %run_scoped3A = tpu.sem_alloc : memref<!tpu.dma_semaphore, #tpu.memory_space<semaphore_mem>>
      %dma_start3A = arith.constant 0 : i32
      %dma_start3A_106 = arith.constant 0 : i32
      %dma_start3A_107 = tpu.memref_slice %arg9[%dma_start3A, %dma_start3A_106] : memref<64x128xf32, #tpu.memory_space<vmem>> -> memref<16x128xf32, #tpu.memory_space<vmem>>
      %dma_start3A_108 = arith.constant 0 : i32
      %dma_start3A_109 = tpu.memref_slice %arg11[%add3A_11, %dma_start3A_108] : memref<5376x128xf32, #tpu.memory_space<vmem_shared>> -> memref<16x128xf32, #tpu.memory_space<vmem_shared>>
      %dma_start3A_110 = arith.constant 0 : i32
      %dma_start3A_111 = tpu.memref_slice %arg11[%add3A_11, %dma_start3A_110] : memref<5376x128xf32, #tpu.memory_space<vmem_shared>> -> memref<16x128xf32, #tpu.memory_space<vmem_shared>>
      %dma_start3A_112 = arith.constant 0 : i32
      %dma_start3A_113 = arith.constant 0 : i32
      %dma_start3A_114 = tpu.memref_slice %arg9[%dma_start3A_112, %dma_start3A_113] : memref<64x128xf32, #tpu.memory_space<vmem>> -> memref<16x128xf32, #tpu.memory_space<vmem>>
      tpu.enqueue_dma source(%dma_start3A_114 : memref<16x128xf32, #tpu.memory_space<vmem>>) target(%dma_start3A_111 : memref<16x128xf32, #tpu.memory_space<vmem_shared>>) target_semaphore(%run_scoped3A : memref<!tpu.dma_semaphore, #tpu.memory_space<semaphore_mem>>)
      %dma_wait3A = arith.constant 0 : i32
      %dma_wait3A_115 = arith.constant 0 : i32
      %dma_wait3A_116 = tpu.memref_slice %arg9[%dma_wait3A, %dma_wait3A_115] : memref<64x128xf32, #tpu.memory_space<vmem>> -> memref<16x128xf32, #tpu.memory_space<vmem>>
      %dma_wait3A_117 = arith.constant 0 : i32
      %dma_wait3A_118 = tpu.memref_slice %arg11[%add3A_11, %dma_wait3A_117] : memref<5376x128xf32, #tpu.memory_space<vmem_shared>> -> memref<16x128xf32, #tpu.memory_space<vmem_shared>>
      %dma_wait3A_119 = arith.constant 0 : i32
      %dma_wait3A_120 = tpu.memref_slice %arg11[%add3A_11, %dma_wait3A_119] : memref<5376x128xf32, #tpu.memory_space<vmem_shared>> -> memref<16x128xf32, #tpu.memory_space<vmem_shared>>
      %dma_wait3A_121 = arith.constant 0 : i32
      %dma_wait3A_122 = arith.constant 0 : i32
      %dma_wait3A_123 = tpu.memref_slice %arg9[%dma_wait3A_121, %dma_wait3A_122] : memref<64x128xf32, #tpu.memory_space<vmem>> -> memref<16x128xf32, #tpu.memory_space<vmem>>
      tpu.wait_dma2 semaphore(%run_scoped3A : memref<!tpu.dma_semaphore, #tpu.memory_space<semaphore_mem>>) src(%dma_wait3A_123 : memref<16x128xf32, #tpu.memory_space<vmem>>) dst(%dma_wait3A_120 : memref<16x128xf32, #tpu.memory_space<vmem_shared>>)
      tpu.yield
    }) : () -> ()
    %barrier3A = arith.constant 0 : index
    tpu.barrier barrier_id(%barrier3A)
    %scan3A = arith.constant 0 : i32
    %scan3A_12 = arith.constant 0 : i32
    %scan3A_13 = arith.constant 5 : i32
    %scan3A_14 = arith.addi %scan3A_12, %scan3A_13 : i32
    %scan3A_15 = arith.constant 1 : i32
    %scan3A_16 = scf.for %scan3A_106 = %scan3A_12 to %scan3A_14 step %scan3A_15 iter_args(%scan3A_107 = %scan3A) -> (i32)  : i32 {
      %mul3A_108 = arith.constant 5 : i32
      %mul3A_109 = arith.muli %arg1, %mul3A_108 : i32
      %add3A_110 = arith.addi %mul3A_109, %scan3A_106 : i32
      "tpu.region"() ({
        %run_scoped3A_176 = tpu.sem_alloc : memref<!tpu.dma_semaphore, #tpu.memory_space<semaphore_mem>>
        %dma_start3A_177 = arith.constant 0 : i32
        %dma_start3A_178 = arith.constant 0 : i32
        %dma_start3A_179 = tpu.memref_slice %arg3[%arg0, %add3A_110, %dma_start3A_177, %dma_start3A_178] : memref<2x80x64x64xi32, #tpu.memory_space<hbm>> -> memref<1x1x64x64xi32, #tpu.memory_space<hbm>>
        %dma_start3A_180 = tpu.memref_squeeze %dma_start3A_179 : memref<1x1x64x64xi32, #tpu.memory_space<hbm>> -> memref<64x64xi32, #tpu.memory_space<hbm>>
        %dma_start3A_181 = arith.constant 0 : i32
        %dma_start3A_182 = arith.constant 0 : i32
        %dma_start3A_183 = tpu.memref_slice %arg3[%arg0, %add3A_110, %dma_start3A_181, %dma_start3A_182] : memref<2x80x64x64xi32, #tpu.memory_space<hbm>> -> memref<1x1x64x64xi32, #tpu.memory_space<hbm>>
        %dma_start3A_184 = tpu.memref_squeeze %dma_start3A_183 : memref<1x1x64x64xi32, #tpu.memory_space<hbm>> -> memref<64x64xi32, #tpu.memory_space<hbm>>
        tpu.enqueue_dma source(%dma_start3A_184 : memref<64x64xi32, #tpu.memory_space<hbm>>) target(%arg7 : memref<64x64xi32, #tpu.memory_space<vmem>>) target_semaphore(%run_scoped3A_176 : memref<!tpu.dma_semaphore, #tpu.memory_space<semaphore_mem>>)
        %dma_wait3A_185 = arith.constant 0 : i32
        %dma_wait3A_186 = arith.constant 0 : i32
        %dma_wait3A_187 = tpu.memref_slice %arg3[%arg0, %add3A_110, %dma_wait3A_185, %dma_wait3A_186] : memref<2x80x64x64xi32, #tpu.memory_space<hbm>> -> memref<1x1x64x64xi32, #tpu.memory_space<hbm>>
        %dma_wait3A_188 = tpu.memref_squeeze %dma_wait3A_187 : memref<1x1x64x64xi32, #tpu.memory_space<hbm>> -> memref<64x64xi32, #tpu.memory_space<hbm>>
        %dma_wait3A_189 = arith.constant 0 : i32
        %dma_wait3A_190 = arith.constant 0 : i32
        %dma_wait3A_191 = tpu.memref_slice %arg3[%arg0, %add3A_110, %dma_wait3A_189, %dma_wait3A_190] : memref<2x80x64x64xi32, #tpu.memory_space<hbm>> -> memref<1x1x64x64xi32, #tpu.memory_space<hbm>>
        %dma_wait3A_192 = tpu.memref_squeeze %dma_wait3A_191 : memref<1x1x64x64xi32, #tpu.memory_space<hbm>> -> memref<64x64xi32, #tpu.memory_space<hbm>>
        tpu.wait_dma2 semaphore(%run_scoped3A_176 : memref<!tpu.dma_semaphore, #tpu.memory_space<semaphore_mem>>) src(%dma_wait3A_192 : memref<64x64xi32, #tpu.memory_space<hbm>>) dst(%arg7 : memref<64x64xi32, #tpu.memory_space<vmem>>)
        tpu.yield
      }) : () -> ()
      %mul3A_111 = arith.constant 5 : i32
      %mul3A_112 = arith.muli %arg1, %mul3A_111 : i32
      %add3A_113 = arith.addi %mul3A_112, %scan3A_106 : i32
      %run_scoped3A = arith.constant 0 : i32
      "tpu.region"() ({
        %run_scoped3A_176 = tpu.sem_alloc : memref<!tpu.dma_semaphore, #tpu.memory_space<semaphore_mem>>
        %dma_start3A_177 = arith.constant 0 : i32
        %dma_start3A_178 = arith.constant 0 : i32
        %dma_start3A_179 = tpu.memref_slice %arg4[%run_scoped3A, %add3A_113, %dma_start3A_177, %dma_start3A_178] : memref<2x80x64x64xi32, #tpu.memory_space<hbm>> -> memref<1x1x64x64xi32, #tpu.memory_space<hbm>>
        %dma_start3A_180 = tpu.memref_squeeze %dma_start3A_179 : memref<1x1x64x64xi32, #tpu.memory_space<hbm>> -> memref<64x64xi32, #tpu.memory_space<hbm>>
        %dma_start3A_181 = arith.constant 0 : i32
        %dma_start3A_182 = arith.constant 0 : i32
        %dma_start3A_183 = tpu.memref_slice %arg4[%run_scoped3A, %add3A_113, %dma_start3A_181, %dma_start3A_182] : memref<2x80x64x64xi32, #tpu.memory_space<hbm>> -> memref<1x1x64x64xi32, #tpu.memory_space<hbm>>
        %dma_start3A_184 = tpu.memref_squeeze %dma_start3A_183 : memref<1x1x64x64xi32, #tpu.memory_space<hbm>> -> memref<64x64xi32, #tpu.memory_space<hbm>>
        tpu.enqueue_dma source(%dma_start3A_184 : memref<64x64xi32, #tpu.memory_space<hbm>>) target(%arg8 : memref<64x64xi32, #tpu.memory_space<vmem>>) target_semaphore(%run_scoped3A_176 : memref<!tpu.dma_semaphore, #tpu.memory_space<semaphore_mem>>)
        %dma_wait3A_185 = arith.constant 0 : i32
        %dma_wait3A_186 = arith.constant 0 : i32
        %dma_wait3A_187 = tpu.memref_slice %arg4[%run_scoped3A, %add3A_113, %dma_wait3A_185, %dma_wait3A_186] : memref<2x80x64x64xi32, #tpu.memory_space<hbm>> -> memref<1x1x64x64xi32, #tpu.memory_space<hbm>>
        %dma_wait3A_188 = tpu.memref_squeeze %dma_wait3A_187 : memref<1x1x64x64xi32, #tpu.memory_space<hbm>> -> memref<64x64xi32, #tpu.memory_space<hbm>>
        %dma_wait3A_189 = arith.constant 0 : i32
        %dma_wait3A_190 = arith.constant 0 : i32
        %dma_wait3A_191 = tpu.memref_slice %arg4[%run_scoped3A, %add3A_113, %dma_wait3A_189, %dma_wait3A_190] : memref<2x80x64x64xi32, #tpu.memory_space<hbm>> -> memref<1x1x64x64xi32, #tpu.memory_space<hbm>>
        %dma_wait3A_192 = tpu.memref_squeeze %dma_wait3A_191 : memref<1x1x64x64xi32, #tpu.memory_space<hbm>> -> memref<64x64xi32, #tpu.memory_space<hbm>>
        tpu.wait_dma2 semaphore(%run_scoped3A_176 : memref<!tpu.dma_semaphore, #tpu.memory_space<semaphore_mem>>) src(%dma_wait3A_192 : memref<64x64xi32, #tpu.memory_space<hbm>>) dst(%arg8 : memref<64x64xi32, #tpu.memory_space<vmem>>)
        tpu.yield
      }) : () -> ()
      %dma_start3A = arith.constant 0 : i32
      %dma_start3A_114 = arith.constant 0 : i32
      %dma_start3A_115 = tpu.memref_slice %arg7[%dma_start3A, %dma_start3A_114] : memref<64x64xi32, #tpu.memory_space<vmem>> -> memref<1x64xi32, #tpu.memory_space<vmem>>
      %dma_start3A_116 = tpu.memref_squeeze %dma_start3A_115 : memref<1x64xi32, #tpu.memory_space<vmem>> -> memref<64xi32, #tpu.memory_space<vmem>>
      %dma_start3A_117 = arith.constant 0 : i32
      %dma_start3A_118 = arith.constant 0 : i32
      %dma_start3A_119 = tpu.memref_slice %arg2[%dma_start3A_117, %dma_start3A_118] : memref<20480x128xf32, #tpu.memory_space<hbm>> -> memref<20480x128xf32, #tpu.memory_space<hbm>>
      tpu.enqueue_indirect_dma source(%dma_start3A_119 : memref<20480x128xf32, #tpu.memory_space<hbm>>) target(%arg9 : memref<64x128xf32, #tpu.memory_space<vmem>>) offsets(%dma_start3A_116 : memref<64xi32, #tpu.memory_space<vmem>>) semaphore(%arg12 : memref<!tpu.dma_semaphore, #tpu.memory_space<semaphore_mem>>)
      %dma_start3A_120 = arith.constant 1 : i32
      %dma_start3A_121 = arith.constant 0 : i32
      %dma_start3A_122 = tpu.memref_slice %arg7[%dma_start3A_120, %dma_start3A_121] : memref<64x64xi32, #tpu.memory_space<vmem>> -> memref<1x64xi32, #tpu.memory_space<vmem>>
      %dma_start3A_123 = tpu.memref_squeeze %dma_start3A_122 : memref<1x64xi32, #tpu.memory_space<vmem>> -> memref<64xi32, #tpu.memory_space<vmem>>
      %dma_start3A_124 = arith.constant 0 : i32
      %dma_start3A_125 = arith.constant 0 : i32
      %dma_start3A_126 = tpu.memref_slice %arg2[%dma_start3A_124, %dma_start3A_125] : memref<20480x128xf32, #tpu.memory_space<hbm>> -> memref<20480x128xf32, #tpu.memory_space<hbm>>
      tpu.enqueue_indirect_dma source(%dma_start3A_126 : memref<20480x128xf32, #tpu.memory_space<hbm>>) target(%arg10 : memref<64x128xf32, #tpu.memory_space<vmem>>) offsets(%dma_start3A_123 : memref<64xi32, #tpu.memory_space<vmem>>) semaphore(%arg13 : memref<!tpu.dma_semaphore, #tpu.memory_space<semaphore_mem>>)
      %scan3A_127 = arith.constant 0 : i32
      %scan3A_128 = arith.constant 0 : i32
      %scan3A_129 = arith.constant 31 : i32
      %scan3A_130 = arith.addi %scan3A_128, %scan3A_129 : i32
      %scan3A_131 = arith.constant 1 : i32
      %scan3A_132 = scf.for %scan3A_176 = %scan3A_128 to %scan3A_130 step %scan3A_131 iter_args(%scan3A_177 = %scan3A_127) -> (i32)  : i32 {
        %mul3A_178 = arith.constant 2 : i32
        %mul3A_179 = arith.muli %mul3A_178, %scan3A_176 : i32
        %dma_wait3A_180 = arith.constant 0 : i32
        %dma_wait3A_181 = tpu.memref_slice %arg7[%mul3A_179, %dma_wait3A_180] : memref<64x64xi32, #tpu.memory_space<vmem>> -> memref<1x64xi32, #tpu.memory_space<vmem>>
        %dma_wait3A_182 = tpu.memref_squeeze %dma_wait3A_181 : memref<1x64xi32, #tpu.memory_space<vmem>> -> memref<64xi32, #tpu.memory_space<vmem>>
        %dma_wait3A_183 = arith.constant 0 : i32
        %dma_wait3A_184 = arith.constant 0 : i32
        %dma_wait3A_185 = tpu.memref_slice %arg2[%dma_wait3A_183, %dma_wait3A_184] : memref<20480x128xf32, #tpu.memory_space<hbm>> -> memref<20480x128xf32, #tpu.memory_space<hbm>>
        tpu.wait_indirect_dma semaphore(%arg12 : memref<!tpu.dma_semaphore, #tpu.memory_space<semaphore_mem>>) src(%dma_wait3A_185 : memref<20480x128xf32, #tpu.memory_space<hbm>>) dst(%arg9 : memref<64x128xf32, #tpu.memory_space<vmem>>)
        %dma_start3A_186 = arith.constant 0 : i32
        %dma_start3A_187 = tpu.memref_slice %arg8[%mul3A_179, %dma_start3A_186] : memref<64x64xi32, #tpu.memory_space<vmem>> -> memref<1x64xi32, #tpu.memory_space<vmem>>
        %dma_start3A_188 = tpu.memref_squeeze %dma_start3A_187 : memref<1x64xi32, #tpu.memory_space<vmem>> -> memref<64xi32, #tpu.memory_space<vmem>>
        %dma_start3A_189 = arith.constant 0 : i32
        %dma_start3A_190 = arith.constant 0 : i32
        %dma_start3A_191 = tpu.memref_slice %arg11[%dma_start3A_189, %dma_start3A_190] : memref<5376x128xf32, #tpu.memory_space<vmem_shared>> -> memref<5376x128xf32, #tpu.memory_space<vmem_shared>>
        tpu.enqueue_indirect_dma source(%arg9 : memref<64x128xf32, #tpu.memory_space<vmem>>) target(%dma_start3A_191 : memref<5376x128xf32, #tpu.memory_space<vmem_shared>>) offsets(%dma_start3A_188 : memref<64xi32, #tpu.memory_space<vmem>>) semaphore(%arg14 : memref<!tpu.dma_semaphore, #tpu.memory_space<semaphore_mem>>) {add = true}
        %add3A_192 = arith.constant 1 : i32
        %add3A_193 = arith.addi %mul3A_179, %add3A_192 : i32
        %dma_wait3A_194 = arith.constant 0 : i32
        %dma_wait3A_195 = tpu.memref_slice %arg7[%add3A_193, %dma_wait3A_194] : memref<64x64xi32, #tpu.memory_space<vmem>> -> memref<1x64xi32, #tpu.memory_space<vmem>>
        %dma_wait3A_196 = tpu.memref_squeeze %dma_wait3A_195 : memref<1x64xi32, #tpu.memory_space<vmem>> -> memref<64xi32, #tpu.memory_space<vmem>>
        %dma_wait3A_197 = arith.constant 0 : i32
        %dma_wait3A_198 = arith.constant 0 : i32
        %dma_wait3A_199 = tpu.memref_slice %arg2[%dma_wait3A_197, %dma_wait3A_198] : memref<20480x128xf32, #tpu.memory_space<hbm>> -> memref<20480x128xf32, #tpu.memory_space<hbm>>
        tpu.wait_indirect_dma semaphore(%arg13 : memref<!tpu.dma_semaphore, #tpu.memory_space<semaphore_mem>>) src(%dma_wait3A_199 : memref<20480x128xf32, #tpu.memory_space<hbm>>) dst(%arg10 : memref<64x128xf32, #tpu.memory_space<vmem>>)
        %add3A_200 = arith.constant 1 : i32
        %add3A_201 = arith.addi %mul3A_179, %add3A_200 : i32
        %dma_start3A_202 = arith.constant 0 : i32
        %dma_start3A_203 = tpu.memref_slice %arg8[%add3A_201, %dma_start3A_202] : memref<64x64xi32, #tpu.memory_space<vmem>> -> memref<1x64xi32, #tpu.memory_space<vmem>>
        %dma_start3A_204 = tpu.memref_squeeze %dma_start3A_203 : memref<1x64xi32, #tpu.memory_space<vmem>> -> memref<64xi32, #tpu.memory_space<vmem>>
        %dma_start3A_205 = arith.constant 0 : i32
        %dma_start3A_206 = arith.constant 0 : i32
        %dma_start3A_207 = tpu.memref_slice %arg11[%dma_start3A_205, %dma_start3A_206] : memref<5376x128xf32, #tpu.memory_space<vmem_shared>> -> memref<5376x128xf32, #tpu.memory_space<vmem_shared>>
        tpu.enqueue_indirect_dma source(%arg10 : memref<64x128xf32, #tpu.memory_space<vmem>>) target(%dma_start3A_207 : memref<5376x128xf32, #tpu.memory_space<vmem_shared>>) offsets(%dma_start3A_204 : memref<64xi32, #tpu.memory_space<vmem>>) semaphore(%arg15 : memref<!tpu.dma_semaphore, #tpu.memory_space<semaphore_mem>>) {add = true}
        %dma_wait3A_208 = arith.constant 0 : i32
        %dma_wait3A_209 = tpu.memref_slice %arg8[%mul3A_179, %dma_wait3A_208] : memref<64x64xi32, #tpu.memory_space<vmem>> -> memref<1x64xi32, #tpu.memory_space<vmem>>
        %dma_wait3A_210 = tpu.memref_squeeze %dma_wait3A_209 : memref<1x64xi32, #tpu.memory_space<vmem>> -> memref<64xi32, #tpu.memory_space<vmem>>
        %dma_wait3A_211 = arith.constant 0 : i32
        %dma_wait3A_212 = arith.constant 0 : i32
        %dma_wait3A_213 = tpu.memref_slice %arg11[%dma_wait3A_211, %dma_wait3A_212] : memref<5376x128xf32, #tpu.memory_space<vmem_shared>> -> memref<5376x128xf32, #tpu.memory_space<vmem_shared>>
        tpu.wait_indirect_dma semaphore(%arg14 : memref<!tpu.dma_semaphore, #tpu.memory_space<semaphore_mem>>) src(%arg9 : memref<64x128xf32, #tpu.memory_space<vmem>>) dst(%dma_wait3A_213 : memref<5376x128xf32, #tpu.memory_space<vmem_shared>>)
        %add3A_214 = arith.constant 2 : i32
        %add3A_215 = arith.addi %mul3A_179, %add3A_214 : i32
        %dma_start3A_216 = arith.constant 0 : i32
        %dma_start3A_217 = tpu.memref_slice %arg7[%add3A_215, %dma_start3A_216] : memref<64x64xi32, #tpu.memory_space<vmem>> -> memref<1x64xi32, #tpu.memory_space<vmem>>
        %dma_start3A_218 = tpu.memref_squeeze %dma_start3A_217 : memref<1x64xi32, #tpu.memory_space<vmem>> -> memref<64xi32, #tpu.memory_space<vmem>>
        %dma_start3A_219 = arith.constant 0 : i32
        %dma_start3A_220 = arith.constant 0 : i32
        %dma_start3A_221 = tpu.memref_slice %arg2[%dma_start3A_219, %dma_start3A_220] : memref<20480x128xf32, #tpu.memory_space<hbm>> -> memref<20480x128xf32, #tpu.memory_space<hbm>>
        tpu.enqueue_indirect_dma source(%dma_start3A_221 : memref<20480x128xf32, #tpu.memory_space<hbm>>) target(%arg9 : memref<64x128xf32, #tpu.memory_space<vmem>>) offsets(%dma_start3A_218 : memref<64xi32, #tpu.memory_space<vmem>>) semaphore(%arg12 : memref<!tpu.dma_semaphore, #tpu.memory_space<semaphore_mem>>)
        %add3A_222 = arith.constant 1 : i32
        %add3A_223 = arith.addi %mul3A_179, %add3A_222 : i32
        %dma_wait3A_224 = arith.constant 0 : i32
        %dma_wait3A_225 = tpu.memref_slice %arg8[%add3A_223, %dma_wait3A_224] : memref<64x64xi32, #tpu.memory_space<vmem>> -> memref<1x64xi32, #tpu.memory_space<vmem>>
        %dma_wait3A_226 = tpu.memref_squeeze %dma_wait3A_225 : memref<1x64xi32, #tpu.memory_space<vmem>> -> memref<64xi32, #tpu.memory_space<vmem>>
        %dma_wait3A_227 = arith.constant 0 : i32
        %dma_wait3A_228 = arith.constant 0 : i32
        %dma_wait3A_229 = tpu.memref_slice %arg11[%dma_wait3A_227, %dma_wait3A_228] : memref<5376x128xf32, #tpu.memory_space<vmem_shared>> -> memref<5376x128xf32, #tpu.memory_space<vmem_shared>>
        tpu.wait_indirect_dma semaphore(%arg15 : memref<!tpu.dma_semaphore, #tpu.memory_space<semaphore_mem>>) src(%arg10 : memref<64x128xf32, #tpu.memory_space<vmem>>) dst(%dma_wait3A_229 : memref<5376x128xf32, #tpu.memory_space<vmem_shared>>)
        %add3A_230 = arith.constant 3 : i32
        %add3A_231 = arith.addi %mul3A_179, %add3A_230 : i32
        %dma_start3A_232 = arith.constant 0 : i32
        %dma_start3A_233 = tpu.memref_slice %arg7[%add3A_231, %dma_start3A_232] : memref<64x64xi32, #tpu.memory_space<vmem>> -> memref<1x64xi32, #tpu.memory_space<vmem>>
        %dma_start3A_234 = tpu.memref_squeeze %dma_start3A_233 : memref<1x64xi32, #tpu.memory_space<vmem>> -> memref<64xi32, #tpu.memory_space<vmem>>
        %dma_start3A_235 = arith.constant 0 : i32
        %dma_start3A_236 = arith.constant 0 : i32
        %dma_start3A_237 = tpu.memref_slice %arg2[%dma_start3A_235, %dma_start3A_236] : memref<20480x128xf32, #tpu.memory_space<hbm>> -> memref<20480x128xf32, #tpu.memory_space<hbm>>
        tpu.enqueue_indirect_dma source(%dma_start3A_237 : memref<20480x128xf32, #tpu.memory_space<hbm>>) target(%arg10 : memref<64x128xf32, #tpu.memory_space<vmem>>) offsets(%dma_start3A_234 : memref<64xi32, #tpu.memory_space<vmem>>) semaphore(%arg13 : memref<!tpu.dma_semaphore, #tpu.memory_space<semaphore_mem>>)
        %scan3A_238 = arith.constant 0 : i32
        scf.yield %scan3A_238 : i32
      }
      %scan3A_133 = arith.constant 31 : i32
      %dma_wait3A = arith.constant 62 : i32
      %dma_wait3A_134 = arith.constant 0 : i32
      %dma_wait3A_135 = tpu.memref_slice %arg7[%dma_wait3A, %dma_wait3A_134] : memref<64x64xi32, #tpu.memory_space<vmem>> -> memref<1x64xi32, #tpu.memory_space<vmem>>
      %dma_wait3A_136 = tpu.memref_squeeze %dma_wait3A_135 : memref<1x64xi32, #tpu.memory_space<vmem>> -> memref<64xi32, #tpu.memory_space<vmem>>
      %dma_wait3A_137 = arith.constant 0 : i32
      %dma_wait3A_138 = arith.constant 0 : i32
      %dma_wait3A_139 = tpu.memref_slice %arg2[%dma_wait3A_137, %dma_wait3A_138] : memref<20480x128xf32, #tpu.memory_space<hbm>> -> memref<20480x128xf32, #tpu.memory_space<hbm>>
      tpu.wait_indirect_dma semaphore(%arg12 : memref<!tpu.dma_semaphore, #tpu.memory_space<semaphore_mem>>) src(%dma_wait3A_139 : memref<20480x128xf32, #tpu.memory_space<hbm>>) dst(%arg9 : memref<64x128xf32, #tpu.memory_space<vmem>>)
      %dma_start3A_140 = arith.constant 62 : i32
      %dma_start3A_141 = arith.constant 0 : i32
      %dma_start3A_142 = tpu.memref_slice %arg8[%dma_start3A_140, %dma_start3A_141] : memref<64x64xi32, #tpu.memory_space<vmem>> -> memref<1x64xi32, #tpu.memory_space<vmem>>
      %dma_start3A_143 = tpu.memref_squeeze %dma_start3A_142 : memref<1x64xi32, #tpu.memory_space<vmem>> -> memref<64xi32, #tpu.memory_space<vmem>>
      %dma_start3A_144 = arith.constant 0 : i32
      %dma_start3A_145 = arith.constant 0 : i32
      %dma_start3A_146 = tpu.memref_slice %arg11[%dma_start3A_144, %dma_start3A_145] : memref<5376x128xf32, #tpu.memory_space<vmem_shared>> -> memref<5376x128xf32, #tpu.memory_space<vmem_shared>>
      tpu.enqueue_indirect_dma source(%arg9 : memref<64x128xf32, #tpu.memory_space<vmem>>) target(%dma_start3A_146 : memref<5376x128xf32, #tpu.memory_space<vmem_shared>>) offsets(%dma_start3A_143 : memref<64xi32, #tpu.memory_space<vmem>>) semaphore(%arg14 : memref<!tpu.dma_semaphore, #tpu.memory_space<semaphore_mem>>) {add = true}
      %dma_wait3A_147 = arith.constant 63 : i32
      %dma_wait3A_148 = arith.constant 0 : i32
      %dma_wait3A_149 = tpu.memref_slice %arg7[%dma_wait3A_147, %dma_wait3A_148] : memref<64x64xi32, #tpu.memory_space<vmem>> -> memref<1x64xi32, #tpu.memory_space<vmem>>
      %dma_wait3A_150 = tpu.memref_squeeze %dma_wait3A_149 : memref<1x64xi32, #tpu.memory_space<vmem>> -> memref<64xi32, #tpu.memory_space<vmem>>
      %dma_wait3A_151 = arith.constant 0 : i32
      %dma_wait3A_152 = arith.constant 0 : i32
      %dma_wait3A_153 = tpu.memref_slice %arg2[%dma_wait3A_151, %dma_wait3A_152] : memref<20480x128xf32, #tpu.memory_space<hbm>> -> memref<20480x128xf32, #tpu.memory_space<hbm>>
      tpu.wait_indirect_dma semaphore(%arg13 : memref<!tpu.dma_semaphore, #tpu.memory_space<semaphore_mem>>) src(%dma_wait3A_153 : memref<20480x128xf32, #tpu.memory_space<hbm>>) dst(%arg10 : memref<64x128xf32, #tpu.memory_space<vmem>>)
      %dma_start3A_154 = arith.constant 63 : i32
      %dma_start3A_155 = arith.constant 0 : i32
      %dma_start3A_156 = tpu.memref_slice %arg8[%dma_start3A_154, %dma_start3A_155] : memref<64x64xi32, #tpu.memory_space<vmem>> -> memref<1x64xi32, #tpu.memory_space<vmem>>
      %dma_start3A_157 = tpu.memref_squeeze %dma_start3A_156 : memref<1x64xi32, #tpu.memory_space<vmem>> -> memref<64xi32, #tpu.memory_space<vmem>>
      %dma_start3A_158 = arith.constant 0 : i32
      %dma_start3A_159 = arith.constant 0 : i32
      %dma_start3A_160 = tpu.memref_slice %arg11[%dma_start3A_158, %dma_start3A_159] : memref<5376x128xf32, #tpu.memory_space<vmem_shared>> -> memref<5376x128xf32, #tpu.memory_space<vmem_shared>>
      tpu.enqueue_indirect_dma source(%arg10 : memref<64x128xf32, #tpu.memory_space<vmem>>) target(%dma_start3A_160 : memref<5376x128xf32, #tpu.memory_space<vmem_shared>>) offsets(%dma_start3A_157 : memref<64xi32, #tpu.memory_space<vmem>>) semaphore(%arg15 : memref<!tpu.dma_semaphore, #tpu.memory_space<semaphore_mem>>) {add = true}
      %dma_wait3A_161 = arith.constant 62 : i32
      %dma_wait3A_162 = arith.constant 0 : i32
      %dma_wait3A_163 = tpu.memref_slice %arg8[%dma_wait3A_161, %dma_wait3A_162] : memref<64x64xi32, #tpu.memory_space<vmem>> -> memref<1x64xi32, #tpu.memory_space<vmem>>
      %dma_wait3A_164 = tpu.memref_squeeze %dma_wait3A_163 : memref<1x64xi32, #tpu.memory_space<vmem>> -> memref<64xi32, #tpu.memory_space<vmem>>
      %dma_wait3A_165 = arith.constant 0 : i32
      %dma_wait3A_166 = arith.constant 0 : i32
      %dma_wait3A_167 = tpu.memref_slice %arg11[%dma_wait3A_165, %dma_wait3A_166] : memref<5376x128xf32, #tpu.memory_space<vmem_shared>> -> memref<5376x128xf32, #tpu.memory_space<vmem_shared>>
      tpu.wait_indirect_dma semaphore(%arg14 : memref<!tpu.dma_semaphore, #tpu.memory_space<semaphore_mem>>) src(%arg9 : memref<64x128xf32, #tpu.memory_space<vmem>>) dst(%dma_wait3A_167 : memref<5376x128xf32, #tpu.memory_space<vmem_shared>>)
      %dma_wait3A_168 = arith.constant 63 : i32
      %dma_wait3A_169 = arith.constant 0 : i32
      %dma_wait3A_170 = tpu.memref_slice %arg8[%dma_wait3A_168, %dma_wait3A_169] : memref<64x64xi32, #tpu.memory_space<vmem>> -> memref<1x64xi32, #tpu.memory_space<vmem>>
      %dma_wait3A_171 = tpu.memref_squeeze %dma_wait3A_170 : memref<1x64xi32, #tpu.memory_space<vmem>> -> memref<64xi32, #tpu.memory_space<vmem>>
      %dma_wait3A_172 = arith.constant 0 : i32
      %dma_wait3A_173 = arith.constant 0 : i32
      %dma_wait3A_174 = tpu.memref_slice %arg11[%dma_wait3A_172, %dma_wait3A_173] : memref<5376x128xf32, #tpu.memory_space<vmem_shared>> -> memref<5376x128xf32, #tpu.memory_space<vmem_shared>>
      tpu.wait_indirect_dma semaphore(%arg15 : memref<!tpu.dma_semaphore, #tpu.memory_space<semaphore_mem>>) src(%arg10 : memref<64x128xf32, #tpu.memory_space<vmem>>) dst(%dma_wait3A_174 : memref<5376x128xf32, #tpu.memory_space<vmem_shared>>)
      %scan3A_175 = arith.constant 0 : i32
      scf.yield %scan3A_175 : i32
    }
    %scan3A_17 = arith.constant 5 : i32
    %barrier3A_18 = arith.constant 0 : index
    tpu.barrier barrier_id(%barrier3A_18)
    %mul3A_19 = arith.constant 320 : i32
    %mul3A_20 = arith.muli %arg1, %mul3A_19 : i32
    %add3A_21 = arith.constant 0 : i32
    %add3A_22 = arith.addi %mul3A_20, %add3A_21 : i32
    "tpu.region"() ({
      %run_scoped3A = tpu.sem_alloc : memref<!tpu.dma_semaphore, #tpu.memory_space<semaphore_mem>>
      %dma_start3A = arith.constant 0 : i32
      %dma_start3A_106 = tpu.memref_slice %arg11[%add3A_22, %dma_start3A] : memref<5376x128xf32, #tpu.memory_space<vmem_shared>> -> memref<64x128xf32, #tpu.memory_space<vmem_shared>>
      %dma_start3A_107 = arith.constant 0 : i32
      %dma_start3A_108 = tpu.memref_slice %arg11[%add3A_22, %dma_start3A_107] : memref<5376x128xf32, #tpu.memory_space<vmem_shared>> -> memref<64x128xf32, #tpu.memory_space<vmem_shared>>
      tpu.enqueue_dma source(%dma_start3A_108 : memref<64x128xf32, #tpu.memory_space<vmem_shared>>) target(%arg9 : memref<64x128xf32, #tpu.memory_space<vmem>>) target_semaphore(%run_scoped3A : memref<!tpu.dma_semaphore, #tpu.memory_space<semaphore_mem>>)
      %dma_wait3A = arith.constant 0 : i32
      %dma_wait3A_109 = tpu.memref_slice %arg11[%add3A_22, %dma_wait3A] : memref<5376x128xf32, #tpu.memory_space<vmem_shared>> -> memref<64x128xf32, #tpu.memory_space<vmem_shared>>
      %dma_wait3A_110 = arith.constant 0 : i32
      %dma_wait3A_111 = tpu.memref_slice %arg11[%add3A_22, %dma_wait3A_110] : memref<5376x128xf32, #tpu.memory_space<vmem_shared>> -> memref<64x128xf32, #tpu.memory_space<vmem_shared>>
      tpu.wait_dma2 semaphore(%run_scoped3A : memref<!tpu.dma_semaphore, #tpu.memory_space<semaphore_mem>>) src(%dma_wait3A_111 : memref<64x128xf32, #tpu.memory_space<vmem_shared>>) dst(%arg9 : memref<64x128xf32, #tpu.memory_space<vmem>>)
      tpu.yield
    }) : () -> ()
    %add3A_23 = arith.constant 0 : i32
    %add3A_24 = arith.addi %add3A_23, %mul3A_20 : i32
    %add3A_25 = arith.constant 0 : i32
    %add3A_26 = arith.addi %add3A_24, %add3A_25 : i32
    "tpu.region"() ({
      %run_scoped3A = tpu.sem_alloc : memref<!tpu.dma_semaphore, #tpu.memory_space<semaphore_mem>>
      %dma_start3A = arith.constant 0 : i32
      %dma_start3A_106 = tpu.memref_slice %arg6[%arg0, %add3A_26, %dma_start3A] : memref<2x10240x128xf32, #tpu.memory_space<hbm>> -> memref<1x64x128xf32, #tpu.memory_space<hbm>>
      %dma_start3A_107 = tpu.memref_squeeze %dma_start3A_106 : memref<1x64x128xf32, #tpu.memory_space<hbm>> -> memref<64x128xf32, #tpu.memory_space<hbm>>
      %dma_start3A_108 = arith.constant 0 : i32
      %dma_start3A_109 = tpu.memref_slice %arg6[%arg0, %add3A_26, %dma_start3A_108] : memref<2x10240x128xf32, #tpu.memory_space<hbm>> -> memref<1x64x128xf32, #tpu.memory_space<hbm>>
      %dma_start3A_110 = tpu.memref_squeeze %dma_start3A_109 : memref<1x64x128xf32, #tpu.memory_space<hbm>> -> memref<64x128xf32, #tpu.memory_space<hbm>>
      tpu.enqueue_dma source(%arg9 : memref<64x128xf32, #tpu.memory_space<vmem>>) target(%dma_start3A_110 : memref<64x128xf32, #tpu.memory_space<hbm>>) target_semaphore(%run_scoped3A : memref<!tpu.dma_semaphore, #tpu.memory_space<semaphore_mem>>)
      %dma_wait3A = arith.constant 0 : i32
      %dma_wait3A_111 = tpu.memref_slice %arg6[%arg0, %add3A_26, %dma_wait3A] : memref<2x10240x128xf32, #tpu.memory_space<hbm>> -> memref<1x64x128xf32, #tpu.memory_space<hbm>>
      %dma_wait3A_112 = tpu.memref_squeeze %dma_wait3A_111 : memref<1x64x128xf32, #tpu.memory_space<hbm>> -> memref<64x128xf32, #tpu.memory_space<hbm>>
      %dma_wait3A_113 = arith.constant 0 : i32
      %dma_wait3A_114 = tpu.memref_slice %arg6[%arg0, %add3A_26, %dma_wait3A_113] : memref<2x10240x128xf32, #tpu.memory_space<hbm>> -> memref<1x64x128xf32, #tpu.memory_space<hbm>>
      %dma_wait3A_115 = tpu.memref_squeeze %dma_wait3A_114 : memref<1x64x128xf32, #tpu.memory_space<hbm>> -> memref<64x128xf32, #tpu.memory_space<hbm>>
      tpu.wait_dma2 semaphore(%run_scoped3A : memref<!tpu.dma_semaphore, #tpu.memory_space<semaphore_mem>>) src(%arg9 : memref<64x128xf32, #tpu.memory_space<vmem>>) dst(%dma_wait3A_115 : memref<64x128xf32, #tpu.memory_space<hbm>>)
      tpu.yield
    }) : () -> ()
    %add3A_27 = arith.constant 64 : i32
    %add3A_28 = arith.addi %mul3A_20, %add3A_27 : i32
    "tpu.region"() ({
      %run_scoped3A = tpu.sem_alloc : memref<!tpu.dma_semaphore, #tpu.memory_space<semaphore_mem>>
      %dma_start3A = arith.constant 0 : i32
      %dma_start3A_106 = tpu.memref_slice %arg11[%add3A_28, %dma_start3A] : memref<5376x128xf32, #tpu.memory_space<vmem_shared>> -> memref<64x128xf32, #tpu.memory_space<vmem_shared>>
      %dma_start3A_107 = arith.constant 0 : i32
      %dma_start3A_108 = tpu.memref_slice %arg11[%add3A_28, %dma_start3A_107] : memref<5376x128xf32, #tpu.memory_space<vmem_shared>> -> memref<64x128xf32, #tpu.memory_space<vmem_shared>>
      tpu.enqueue_dma source(%dma_start3A_108 : memref<64x128xf32, #tpu.memory_space<vmem_shared>>) target(%arg9 : memref<64x128xf32, #tpu.memory_space<vmem>>) target_semaphore(%run_scoped3A : memref<!tpu.dma_semaphore, #tpu.memory_space<semaphore_mem>>)
      %dma_wait3A = arith.constant 0 : i32
      %dma_wait3A_109 = tpu.memref_slice %arg11[%add3A_28, %dma_wait3A] : memref<5376x128xf32, #tpu.memory_space<vmem_shared>> -> memref<64x128xf32, #tpu.memory_space<vmem_shared>>
      %dma_wait3A_110 = arith.constant 0 : i32
      %dma_wait3A_111 = tpu.memref_slice %arg11[%add3A_28, %dma_wait3A_110] : memref<5376x128xf32, #tpu.memory_space<vmem_shared>> -> memref<64x128xf32, #tpu.memory_space<vmem_shared>>
      tpu.wait_dma2 semaphore(%run_scoped3A : memref<!tpu.dma_semaphore, #tpu.memory_space<semaphore_mem>>) src(%dma_wait3A_111 : memref<64x128xf32, #tpu.memory_space<vmem_shared>>) dst(%arg9 : memref<64x128xf32, #tpu.memory_space<vmem>>)
      tpu.yield
    }) : () -> ()
    %add3A_29 = arith.constant 0 : i32
    %add3A_30 = arith.addi %add3A_29, %mul3A_20 : i32
    %add3A_31 = arith.constant 64 : i32
    %add3A_32 = arith.addi %add3A_30, %add3A_31 : i32
    "tpu.region"() ({
      %run_scoped3A = tpu.sem_alloc : memref<!tpu.dma_semaphore, #tpu.memory_space<semaphore_mem>>
      %dma_start3A = arith.constant 0 : i32
      %dma_start3A_106 = tpu.memref_slice %arg6[%arg0, %add3A_32, %dma_start3A] : memref<2x10240x128xf32, #tpu.memory_space<hbm>> -> memref<1x64x128xf32, #tpu.memory_space<hbm>>
      %dma_start3A_107 = tpu.memref_squeeze %dma_start3A_106 : memref<1x64x128xf32, #tpu.memory_space<hbm>> -> memref<64x128xf32, #tpu.memory_space<hbm>>
      %dma_start3A_108 = arith.constant 0 : i32
      %dma_start3A_109 = tpu.memref_slice %arg6[%arg0, %add3A_32, %dma_start3A_108] : memref<2x10240x128xf32, #tpu.memory_space<hbm>> -> memref<1x64x128xf32, #tpu.memory_space<hbm>>
      %dma_start3A_110 = tpu.memref_squeeze %dma_start3A_109 : memref<1x64x128xf32, #tpu.memory_space<hbm>> -> memref<64x128xf32, #tpu.memory_space<hbm>>
      tpu.enqueue_dma source(%arg9 : memref<64x128xf32, #tpu.memory_space<vmem>>) target(%dma_start3A_110 : memref<64x128xf32, #tpu.memory_space<hbm>>) target_semaphore(%run_scoped3A : memref<!tpu.dma_semaphore, #tpu.memory_space<semaphore_mem>>)
      %dma_wait3A = arith.constant 0 : i32
      %dma_wait3A_111 = tpu.memref_slice %arg6[%arg0, %add3A_32, %dma_wait3A] : memref<2x10240x128xf32, #tpu.memory_space<hbm>> -> memref<1x64x128xf32, #tpu.memory_space<hbm>>
      %dma_wait3A_112 = tpu.memref_squeeze %dma_wait3A_111 : memref<1x64x128xf32, #tpu.memory_space<hbm>> -> memref<64x128xf32, #tpu.memory_space<hbm>>
      %dma_wait3A_113 = arith.constant 0 : i32
      %dma_wait3A_114 = tpu.memref_slice %arg6[%arg0, %add3A_32, %dma_wait3A_113] : memref<2x10240x128xf32, #tpu.memory_space<hbm>> -> memref<1x64x128xf32, #tpu.memory_space<hbm>>
      %dma_wait3A_115 = tpu.memref_squeeze %dma_wait3A_114 : memref<1x64x128xf32, #tpu.memory_space<hbm>> -> memref<64x128xf32, #tpu.memory_space<hbm>>
      tpu.wait_dma2 semaphore(%run_scoped3A : memref<!tpu.dma_semaphore, #tpu.memory_space<semaphore_mem>>) src(%arg9 : memref<64x128xf32, #tpu.memory_space<vmem>>) dst(%dma_wait3A_115 : memref<64x128xf32, #tpu.memory_space<hbm>>)
      tpu.yield
    }) : () -> ()
    %add3A_33 = arith.constant 128 : i32
    %add3A_34 = arith.addi %mul3A_20, %add3A_33 : i32
    "tpu.region"() ({
      %run_scoped3A = tpu.sem_alloc : memref<!tpu.dma_semaphore, #tpu.memory_space<semaphore_mem>>
      %dma_start3A = arith.constant 0 : i32
      %dma_start3A_106 = tpu.memref_slice %arg11[%add3A_34, %dma_start3A] : memref<5376x128xf32, #tpu.memory_space<vmem_shared>> -> memref<64x128xf32, #tpu.memory_space<vmem_shared>>
      %dma_start3A_107 = arith.constant 0 : i32
      %dma_start3A_108 = tpu.memref_slice %arg11[%add3A_34, %dma_start3A_107] : memref<5376x128xf32, #tpu.memory_space<vmem_shared>> -> memref<64x128xf32, #tpu.memory_space<vmem_shared>>
      tpu.enqueue_dma source(%dma_start3A_108 : memref<64x128xf32, #tpu.memory_space<vmem_shared>>) target(%arg9 : memref<64x128xf32, #tpu.memory_space<vmem>>) target_semaphore(%run_scoped3A : memref<!tpu.dma_semaphore, #tpu.memory_space<semaphore_mem>>)
      %dma_wait3A = arith.constant 0 : i32
      %dma_wait3A_109 = tpu.memref_slice %arg11[%add3A_34, %dma_wait3A] : memref<5376x128xf32, #tpu.memory_space<vmem_shared>> -> memref<64x128xf32, #tpu.memory_space<vmem_shared>>
      %dma_wait3A_110 = arith.constant 0 : i32
      %dma_wait3A_111 = tpu.memref_slice %arg11[%add3A_34, %dma_wait3A_110] : memref<5376x128xf32, #tpu.memory_space<vmem_shared>> -> memref<64x128xf32, #tpu.memory_space<vmem_shared>>
      tpu.wait_dma2 semaphore(%run_scoped3A : memref<!tpu.dma_semaphore, #tpu.memory_space<semaphore_mem>>) src(%dma_wait3A_111 : memref<64x128xf32, #tpu.memory_space<vmem_shared>>) dst(%arg9 : memref<64x128xf32, #tpu.memory_space<vmem>>)
      tpu.yield
    }) : () -> ()
    %add3A_35 = arith.constant 0 : i32
    %add3A_36 = arith.addi %add3A_35, %mul3A_20 : i32
    %add3A_37 = arith.constant 128 : i32
    %add3A_38 = arith.addi %add3A_36, %add3A_37 : i32
    "tpu.region"() ({
      %run_scoped3A = tpu.sem_alloc : memref<!tpu.dma_semaphore, #tpu.memory_space<semaphore_mem>>
      %dma_start3A = arith.constant 0 : i32
      %dma_start3A_106 = tpu.memref_slice %arg6[%arg0, %add3A_38, %dma_start3A] : memref<2x10240x128xf32, #tpu.memory_space<hbm>> -> memref<1x64x128xf32, #tpu.memory_space<hbm>>
      %dma_start3A_107 = tpu.memref_squeeze %dma_start3A_106 : memref<1x64x128xf32, #tpu.memory_space<hbm>> -> memref<64x128xf32, #tpu.memory_space<hbm>>
      %dma_start3A_108 = arith.constant 0 : i32
      %dma_start3A_109 = tpu.memref_slice %arg6[%arg0, %add3A_38, %dma_start3A_108] : memref<2x10240x128xf32, #tpu.memory_space<hbm>> -> memref<1x64x128xf32, #tpu.memory_space<hbm>>
      %dma_start3A_110 = tpu.memref_squeeze %dma_start3A_109 : memref<1x64x128xf32, #tpu.memory_space<hbm>> -> memref<64x128xf32, #tpu.memory_space<hbm>>
      tpu.enqueue_dma source(%arg9 : memref<64x128xf32, #tpu.memory_space<vmem>>) target(%dma_start3A_110 : memref<64x128xf32, #tpu.memory_space<hbm>>) target_semaphore(%run_scoped3A : memref<!tpu.dma_semaphore, #tpu.memory_space<semaphore_mem>>)
      %dma_wait3A = arith.constant 0 : i32
      %dma_wait3A_111 = tpu.memref_slice %arg6[%arg0, %add3A_38, %dma_wait3A] : memref<2x10240x128xf32, #tpu.memory_space<hbm>> -> memref<1x64x128xf32, #tpu.memory_space<hbm>>
      %dma_wait3A_112 = tpu.memref_squeeze %dma_wait3A_111 : memref<1x64x128xf32, #tpu.memory_space<hbm>> -> memref<64x128xf32, #tpu.memory_space<hbm>>
      %dma_wait3A_113 = arith.constant 0 : i32
      %dma_wait3A_114 = tpu.memref_slice %arg6[%arg0, %add3A_38, %dma_wait3A_113] : memref<2x10240x128xf32, #tpu.memory_space<hbm>> -> memref<1x64x128xf32, #tpu.memory_space<hbm>>
      %dma_wait3A_115 = tpu.memref_squeeze %dma_wait3A_114 : memref<1x64x128xf32, #tpu.memory_space<hbm>> -> memref<64x128xf32, #tpu.memory_space<hbm>>
      tpu.wait_dma2 semaphore(%run_scoped3A : memref<!tpu.dma_semaphore, #tpu.memory_space<semaphore_mem>>) src(%arg9 : memref<64x128xf32, #tpu.memory_space<vmem>>) dst(%dma_wait3A_115 : memref<64x128xf32, #tpu.memory_space<hbm>>)
      tpu.yield
    }) : () -> ()
    %add3A_39 = arith.constant 192 : i32
    %add3A_40 = arith.addi %mul3A_20, %add3A_39 : i32
    "tpu.region"() ({
      %run_scoped3A = tpu.sem_alloc : memref<!tpu.dma_semaphore, #tpu.memory_space<semaphore_mem>>
      %dma_start3A = arith.constant 0 : i32
      %dma_start3A_106 = tpu.memref_slice %arg11[%add3A_40, %dma_start3A] : memref<5376x128xf32, #tpu.memory_space<vmem_shared>> -> memref<64x128xf32, #tpu.memory_space<vmem_shared>>
      %dma_start3A_107 = arith.constant 0 : i32
      %dma_start3A_108 = tpu.memref_slice %arg11[%add3A_40, %dma_start3A_107] : memref<5376x128xf32, #tpu.memory_space<vmem_shared>> -> memref<64x128xf32, #tpu.memory_space<vmem_shared>>
      tpu.enqueue_dma source(%dma_start3A_108 : memref<64x128xf32, #tpu.memory_space<vmem_shared>>) target(%arg9 : memref<64x128xf32, #tpu.memory_space<vmem>>) target_semaphore(%run_scoped3A : memref<!tpu.dma_semaphore, #tpu.memory_space<semaphore_mem>>)
      %dma_wait3A = arith.constant 0 : i32
      %dma_wait3A_109 = tpu.memref_slice %arg11[%add3A_40, %dma_wait3A] : memref<5376x128xf32, #tpu.memory_space<vmem_shared>> -> memref<64x128xf32, #tpu.memory_space<vmem_shared>>
      %dma_wait3A_110 = arith.constant 0 : i32
      %dma_wait3A_111 = tpu.memref_slice %arg11[%add3A_40, %dma_wait3A_110] : memref<5376x128xf32, #tpu.memory_space<vmem_shared>> -> memref<64x128xf32, #tpu.memory_space<vmem_shared>>
      tpu.wait_dma2 semaphore(%run_scoped3A : memref<!tpu.dma_semaphore, #tpu.memory_space<semaphore_mem>>) src(%dma_wait3A_111 : memref<64x128xf32, #tpu.memory_space<vmem_shared>>) dst(%arg9 : memref<64x128xf32, #tpu.memory_space<vmem>>)
      tpu.yield
    }) : () -> ()
    %add3A_41 = arith.constant 0 : i32
    %add3A_42 = arith.addi %add3A_41, %mul3A_20 : i32
    %add3A_43 = arith.constant 192 : i32
    %add3A_44 = arith.addi %add3A_42, %add3A_43 : i32
    "tpu.region"() ({
      %run_scoped3A = tpu.sem_alloc : memref<!tpu.dma_semaphore, #tpu.memory_space<semaphore_mem>>
      %dma_start3A = arith.constant 0 : i32
      %dma_start3A_106 = tpu.memref_slice %arg6[%arg0, %add3A_44, %dma_start3A] : memref<2x10240x128xf32, #tpu.memory_space<hbm>> -> memref<1x64x128xf32, #tpu.memory_space<hbm>>
      %dma_start3A_107 = tpu.memref_squeeze %dma_start3A_106 : memref<1x64x128xf32, #tpu.memory_space<hbm>> -> memref<64x128xf32, #tpu.memory_space<hbm>>
      %dma_start3A_108 = arith.constant 0 : i32
      %dma_start3A_109 = tpu.memref_slice %arg6[%arg0, %add3A_44, %dma_start3A_108] : memref<2x10240x128xf32, #tpu.memory_space<hbm>> -> memref<1x64x128xf32, #tpu.memory_space<hbm>>
      %dma_start3A_110 = tpu.memref_squeeze %dma_start3A_109 : memref<1x64x128xf32, #tpu.memory_space<hbm>> -> memref<64x128xf32, #tpu.memory_space<hbm>>
      tpu.enqueue_dma source(%arg9 : memref<64x128xf32, #tpu.memory_space<vmem>>) target(%dma_start3A_110 : memref<64x128xf32, #tpu.memory_space<hbm>>) target_semaphore(%run_scoped3A : memref<!tpu.dma_semaphore, #tpu.memory_space<semaphore_mem>>)
      %dma_wait3A = arith.constant 0 : i32
      %dma_wait3A_111 = tpu.memref_slice %arg6[%arg0, %add3A_44, %dma_wait3A] : memref<2x10240x128xf32, #tpu.memory_space<hbm>> -> memref<1x64x128xf32, #tpu.memory_space<hbm>>
      %dma_wait3A_112 = tpu.memref_squeeze %dma_wait3A_111 : memref<1x64x128xf32, #tpu.memory_space<hbm>> -> memref<64x128xf32, #tpu.memory_space<hbm>>
      %dma_wait3A_113 = arith.constant 0 : i32
      %dma_wait3A_114 = tpu.memref_slice %arg6[%arg0, %add3A_44, %dma_wait3A_113] : memref<2x10240x128xf32, #tpu.memory_space<hbm>> -> memref<1x64x128xf32, #tpu.memory_space<hbm>>
      %dma_wait3A_115 = tpu.memref_squeeze %dma_wait3A_114 : memref<1x64x128xf32, #tpu.memory_space<hbm>> -> memref<64x128xf32, #tpu.memory_space<hbm>>
      tpu.wait_dma2 semaphore(%run_scoped3A : memref<!tpu.dma_semaphore, #tpu.memory_space<semaphore_mem>>) src(%arg9 : memref<64x128xf32, #tpu.memory_space<vmem>>) dst(%dma_wait3A_115 : memref<64x128xf32, #tpu.memory_space<hbm>>)
      tpu.yield
    }) : () -> ()
    %add3A_45 = arith.constant 256 : i32
    %add3A_46 = arith.addi %mul3A_20, %add3A_45 : i32
    "tpu.region"() ({
      %run_scoped3A = tpu.sem_alloc : memref<!tpu.dma_semaphore, #tpu.memory_space<semaphore_mem>>
      %dma_start3A = arith.constant 0 : i32
      %dma_start3A_106 = tpu.memref_slice %arg11[%add3A_46, %dma_start3A] : memref<5376x128xf32, #tpu.memory_space<vmem_shared>> -> memref<64x128xf32, #tpu.memory_space<vmem_shared>>
      %dma_start3A_107 = arith.constant 0 : i32
      %dma_start3A_108 = tpu.memref_slice %arg11[%add3A_46, %dma_start3A_107] : memref<5376x128xf32, #tpu.memory_space<vmem_shared>> -> memref<64x128xf32, #tpu.memory_space<vmem_shared>>
      tpu.enqueue_dma source(%dma_start3A_108 : memref<64x128xf32, #tpu.memory_space<vmem_shared>>) target(%arg9 : memref<64x128xf32, #tpu.memory_space<vmem>>) target_semaphore(%run_scoped3A : memref<!tpu.dma_semaphore, #tpu.memory_space<semaphore_mem>>)
      %dma_wait3A = arith.constant 0 : i32
      %dma_wait3A_109 = tpu.memref_slice %arg11[%add3A_46, %dma_wait3A] : memref<5376x128xf32, #tpu.memory_space<vmem_shared>> -> memref<64x128xf32, #tpu.memory_space<vmem_shared>>
      %dma_wait3A_110 = arith.constant 0 : i32
      %dma_wait3A_111 = tpu.memref_slice %arg11[%add3A_46, %dma_wait3A_110] : memref<5376x128xf32, #tpu.memory_space<vmem_shared>> -> memref<64x128xf32, #tpu.memory_space<vmem_shared>>
      tpu.wait_dma2 semaphore(%run_scoped3A : memref<!tpu.dma_semaphore, #tpu.memory_space<semaphore_mem>>) src(%dma_wait3A_111 : memref<64x128xf32, #tpu.memory_space<vmem_shared>>) dst(%arg9 : memref<64x128xf32, #tpu.memory_space<vmem>>)
      tpu.yield
    }) : () -> ()
    %add3A_47 = arith.constant 0 : i32
    %add3A_48 = arith.addi %add3A_47, %mul3A_20 : i32
    %add3A_49 = arith.constant 256 : i32
    %add3A_50 = arith.addi %add3A_48, %add3A_49 : i32
    "tpu.region"() ({
      %run_scoped3A = tpu.sem_alloc : memref<!tpu.dma_semaphore, #tpu.memory_space<semaphore_mem>>
      %dma_start3A = arith.constant 0 : i32
      %dma_start3A_106 = tpu.memref_slice %arg6[%arg0, %add3A_50, %dma_start3A] : memref<2x10240x128xf32, #tpu.memory_space<hbm>> -> memref<1x64x128xf32, #tpu.memory_space<hbm>>
      %dma_start3A_107 = tpu.memref_squeeze %dma_start3A_106 : memref<1x64x128xf32, #tpu.memory_space<hbm>> -> memref<64x128xf32, #tpu.memory_space<hbm>>
      %dma_start3A_108 = arith.constant 0 : i32
      %dma_start3A_109 = tpu.memref_slice %arg6[%arg0, %add3A_50, %dma_start3A_108] : memref<2x10240x128xf32, #tpu.memory_space<hbm>> -> memref<1x64x128xf32, #tpu.memory_space<hbm>>
      %dma_start3A_110 = tpu.memref_squeeze %dma_start3A_109 : memref<1x64x128xf32, #tpu.memory_space<hbm>> -> memref<64x128xf32, #tpu.memory_space<hbm>>
      tpu.enqueue_dma source(%arg9 : memref<64x128xf32, #tpu.memory_space<vmem>>) target(%dma_start3A_110 : memref<64x128xf32, #tpu.memory_space<hbm>>) target_semaphore(%run_scoped3A : memref<!tpu.dma_semaphore, #tpu.memory_space<semaphore_mem>>)
      %dma_wait3A = arith.constant 0 : i32
      %dma_wait3A_111 = tpu.memref_slice %arg6[%arg0, %add3A_50, %dma_wait3A] : memref<2x10240x128xf32, #tpu.memory_space<hbm>> -> memref<1x64x128xf32, #tpu.memory_space<hbm>>
      %dma_wait3A_112 = tpu.memref_squeeze %dma_wait3A_111 : memref<1x64x128xf32, #tpu.memory_space<hbm>> -> memref<64x128xf32, #tpu.memory_space<hbm>>
      %dma_wait3A_113 = arith.constant 0 : i32
      %dma_wait3A_114 = tpu.memref_slice %arg6[%arg0, %add3A_50, %dma_wait3A_113] : memref<2x10240x128xf32, #tpu.memory_space<hbm>> -> memref<1x64x128xf32, #tpu.memory_space<hbm>>
      %dma_wait3A_115 = tpu.memref_squeeze %dma_wait3A_114 : memref<1x64x128xf32, #tpu.memory_space<hbm>> -> memref<64x128xf32, #tpu.memory_space<hbm>>
      tpu.wait_dma2 semaphore(%run_scoped3A : memref<!tpu.dma_semaphore, #tpu.memory_space<semaphore_mem>>) src(%arg9 : memref<64x128xf32, #tpu.memory_space<vmem>>) dst(%dma_wait3A_115 : memref<64x128xf32, #tpu.memory_space<hbm>>)
      tpu.yield
    }) : () -> ()
    %mul3A_51 = arith.constant 336 : i32
    %mul3A_52 = arith.muli %arg1, %mul3A_51 : i32
    "tpu.region"() ({
      %run_scoped3A = tpu.sem_alloc : memref<!tpu.dma_semaphore, #tpu.memory_space<semaphore_mem>>
      tpu.enqueue_dma source(%arg5 : memref<64x128xf32, #tpu.memory_space<hbm>>) target(%arg9 : memref<64x128xf32, #tpu.memory_space<vmem>>) target_semaphore(%run_scoped3A : memref<!tpu.dma_semaphore, #tpu.memory_space<semaphore_mem>>)
      tpu.wait_dma2 semaphore(%run_scoped3A : memref<!tpu.dma_semaphore, #tpu.memory_space<semaphore_mem>>) src(%arg5 : memref<64x128xf32, #tpu.memory_space<hbm>>) dst(%arg9 : memref<64x128xf32, #tpu.memory_space<vmem>>)
      tpu.yield
    }) : () -> ()
    %add3A_53 = arith.constant 0 : i32
    %add3A_54 = arith.addi %mul3A_52, %add3A_53 : i32
    "tpu.region"() ({
      %run_scoped3A = tpu.sem_alloc : memref<!tpu.dma_semaphore, #tpu.memory_space<semaphore_mem>>
      %dma_start3A = arith.constant 0 : i32
      %dma_start3A_106 = tpu.memref_slice %arg11[%add3A_54, %dma_start3A] : memref<5376x128xf32, #tpu.memory_space<vmem_shared>> -> memref<64x128xf32, #tpu.memory_space<vmem_shared>>
      %dma_start3A_107 = arith.constant 0 : i32
      %dma_start3A_108 = tpu.memref_slice %arg11[%add3A_54, %dma_start3A_107] : memref<5376x128xf32, #tpu.memory_space<vmem_shared>> -> memref<64x128xf32, #tpu.memory_space<vmem_shared>>
      tpu.enqueue_dma source(%arg9 : memref<64x128xf32, #tpu.memory_space<vmem>>) target(%dma_start3A_108 : memref<64x128xf32, #tpu.memory_space<vmem_shared>>) target_semaphore(%run_scoped3A : memref<!tpu.dma_semaphore, #tpu.memory_space<semaphore_mem>>)
      %dma_wait3A = arith.constant 0 : i32
      %dma_wait3A_109 = tpu.memref_slice %arg11[%add3A_54, %dma_wait3A] : memref<5376x128xf32, #tpu.memory_space<vmem_shared>> -> memref<64x128xf32, #tpu.memory_space<vmem_shared>>
      %dma_wait3A_110 = arith.constant 0 : i32
      %dma_wait3A_111 = tpu.memref_slice %arg11[%add3A_54, %dma_wait3A_110] : memref<5376x128xf32, #tpu.memory_space<vmem_shared>> -> memref<64x128xf32, #tpu.memory_space<vmem_shared>>
      tpu.wait_dma2 semaphore(%run_scoped3A : memref<!tpu.dma_semaphore, #tpu.memory_space<semaphore_mem>>) src(%arg9 : memref<64x128xf32, #tpu.memory_space<vmem>>) dst(%dma_wait3A_111 : memref<64x128xf32, #tpu.memory_space<vmem_shared>>)
      tpu.yield
    }) : () -> ()
    %add3A_55 = arith.constant 64 : i32
    %add3A_56 = arith.addi %mul3A_52, %add3A_55 : i32
    "tpu.region"() ({
      %run_scoped3A = tpu.sem_alloc : memref<!tpu.dma_semaphore, #tpu.memory_space<semaphore_mem>>
      %dma_start3A = arith.constant 0 : i32
      %dma_start3A_106 = tpu.memref_slice %arg11[%add3A_56, %dma_start3A] : memref<5376x128xf32, #tpu.memory_space<vmem_shared>> -> memref<64x128xf32, #tpu.memory_space<vmem_shared>>
      %dma_start3A_107 = arith.constant 0 : i32
      %dma_start3A_108 = tpu.memref_slice %arg11[%add3A_56, %dma_start3A_107] : memref<5376x128xf32, #tpu.memory_space<vmem_shared>> -> memref<64x128xf32, #tpu.memory_space<vmem_shared>>
      tpu.enqueue_dma source(%arg9 : memref<64x128xf32, #tpu.memory_space<vmem>>) target(%dma_start3A_108 : memref<64x128xf32, #tpu.memory_space<vmem_shared>>) target_semaphore(%run_scoped3A : memref<!tpu.dma_semaphore, #tpu.memory_space<semaphore_mem>>)
      %dma_wait3A = arith.constant 0 : i32
      %dma_wait3A_109 = tpu.memref_slice %arg11[%add3A_56, %dma_wait3A] : memref<5376x128xf32, #tpu.memory_space<vmem_shared>> -> memref<64x128xf32, #tpu.memory_space<vmem_shared>>
      %dma_wait3A_110 = arith.constant 0 : i32
      %dma_wait3A_111 = tpu.memref_slice %arg11[%add3A_56, %dma_wait3A_110] : memref<5376x128xf32, #tpu.memory_space<vmem_shared>> -> memref<64x128xf32, #tpu.memory_space<vmem_shared>>
      tpu.wait_dma2 semaphore(%run_scoped3A : memref<!tpu.dma_semaphore, #tpu.memory_space<semaphore_mem>>) src(%arg9 : memref<64x128xf32, #tpu.memory_space<vmem>>) dst(%dma_wait3A_111 : memref<64x128xf32, #tpu.memory_space<vmem_shared>>)
      tpu.yield
    }) : () -> ()
    %add3A_57 = arith.constant 128 : i32
    %add3A_58 = arith.addi %mul3A_52, %add3A_57 : i32
    "tpu.region"() ({
      %run_scoped3A = tpu.sem_alloc : memref<!tpu.dma_semaphore, #tpu.memory_space<semaphore_mem>>
      %dma_start3A = arith.constant 0 : i32
      %dma_start3A_106 = tpu.memref_slice %arg11[%add3A_58, %dma_start3A] : memref<5376x128xf32, #tpu.memory_space<vmem_shared>> -> memref<64x128xf32, #tpu.memory_space<vmem_shared>>
      %dma_start3A_107 = arith.constant 0 : i32
      %dma_start3A_108 = tpu.memref_slice %arg11[%add3A_58, %dma_start3A_107] : memref<5376x128xf32, #tpu.memory_space<vmem_shared>> -> memref<64x128xf32, #tpu.memory_space<vmem_shared>>
      tpu.enqueue_dma source(%arg9 : memref<64x128xf32, #tpu.memory_space<vmem>>) target(%dma_start3A_108 : memref<64x128xf32, #tpu.memory_space<vmem_shared>>) target_semaphore(%run_scoped3A : memref<!tpu.dma_semaphore, #tpu.memory_space<semaphore_mem>>)
      %dma_wait3A = arith.constant 0 : i32
      %dma_wait3A_109 = tpu.memref_slice %arg11[%add3A_58, %dma_wait3A] : memref<5376x128xf32, #tpu.memory_space<vmem_shared>> -> memref<64x128xf32, #tpu.memory_space<vmem_shared>>
      %dma_wait3A_110 = arith.constant 0 : i32
      %dma_wait3A_111 = tpu.memref_slice %arg11[%add3A_58, %dma_wait3A_110] : memref<5376x128xf32, #tpu.memory_space<vmem_shared>> -> memref<64x128xf32, #tpu.memory_space<vmem_shared>>
      tpu.wait_dma2 semaphore(%run_scoped3A : memref<!tpu.dma_semaphore, #tpu.memory_space<semaphore_mem>>) src(%arg9 : memref<64x128xf32, #tpu.memory_space<vmem>>) dst(%dma_wait3A_111 : memref<64x128xf32, #tpu.memory_space<vmem_shared>>)
      tpu.yield
    }) : () -> ()
    %add3A_59 = arith.constant 192 : i32
    %add3A_60 = arith.addi %mul3A_52, %add3A_59 : i32
    "tpu.region"() ({
      %run_scoped3A = tpu.sem_alloc : memref<!tpu.dma_semaphore, #tpu.memory_space<semaphore_mem>>
      %dma_start3A = arith.constant 0 : i32
      %dma_start3A_106 = tpu.memref_slice %arg11[%add3A_60, %dma_start3A] : memref<5376x128xf32, #tpu.memory_space<vmem_shared>> -> memref<64x128xf32, #tpu.memory_space<vmem_shared>>
      %dma_start3A_107 = arith.constant 0 : i32
      %dma_start3A_108 = tpu.memref_slice %arg11[%add3A_60, %dma_start3A_107] : memref<5376x128xf32, #tpu.memory_space<vmem_shared>> -> memref<64x128xf32, #tpu.memory_space<vmem_shared>>
      tpu.enqueue_dma source(%arg9 : memref<64x128xf32, #tpu.memory_space<vmem>>) target(%dma_start3A_108 : memref<64x128xf32, #tpu.memory_space<vmem_shared>>) target_semaphore(%run_scoped3A : memref<!tpu.dma_semaphore, #tpu.memory_space<semaphore_mem>>)
      %dma_wait3A = arith.constant 0 : i32
      %dma_wait3A_109 = tpu.memref_slice %arg11[%add3A_60, %dma_wait3A] : memref<5376x128xf32, #tpu.memory_space<vmem_shared>> -> memref<64x128xf32, #tpu.memory_space<vmem_shared>>
      %dma_wait3A_110 = arith.constant 0 : i32
      %dma_wait3A_111 = tpu.memref_slice %arg11[%add3A_60, %dma_wait3A_110] : memref<5376x128xf32, #tpu.memory_space<vmem_shared>> -> memref<64x128xf32, #tpu.memory_space<vmem_shared>>
      tpu.wait_dma2 semaphore(%run_scoped3A : memref<!tpu.dma_semaphore, #tpu.memory_space<semaphore_mem>>) src(%arg9 : memref<64x128xf32, #tpu.memory_space<vmem>>) dst(%dma_wait3A_111 : memref<64x128xf32, #tpu.memory_space<vmem_shared>>)
      tpu.yield
    }) : () -> ()
    %add3A_61 = arith.constant 256 : i32
    %add3A_62 = arith.addi %mul3A_52, %add3A_61 : i32
    "tpu.region"() ({
      %run_scoped3A = tpu.sem_alloc : memref<!tpu.dma_semaphore, #tpu.memory_space<semaphore_mem>>
      %dma_start3A = arith.constant 0 : i32
      %dma_start3A_106 = tpu.memref_slice %arg11[%add3A_62, %dma_start3A] : memref<5376x128xf32, #tpu.memory_space<vmem_shared>> -> memref<64x128xf32, #tpu.memory_space<vmem_shared>>
      %dma_start3A_107 = arith.constant 0 : i32
      %dma_start3A_108 = tpu.memref_slice %arg11[%add3A_62, %dma_start3A_107] : memref<5376x128xf32, #tpu.memory_space<vmem_shared>> -> memref<64x128xf32, #tpu.memory_space<vmem_shared>>
      tpu.enqueue_dma source(%arg9 : memref<64x128xf32, #tpu.memory_space<vmem>>) target(%dma_start3A_108 : memref<64x128xf32, #tpu.memory_space<vmem_shared>>) target_semaphore(%run_scoped3A : memref<!tpu.dma_semaphore, #tpu.memory_space<semaphore_mem>>)
      %dma_wait3A = arith.constant 0 : i32
      %dma_wait3A_109 = tpu.memref_slice %arg11[%add3A_62, %dma_wait3A] : memref<5376x128xf32, #tpu.memory_space<vmem_shared>> -> memref<64x128xf32, #tpu.memory_space<vmem_shared>>
      %dma_wait3A_110 = arith.constant 0 : i32
      %dma_wait3A_111 = tpu.memref_slice %arg11[%add3A_62, %dma_wait3A_110] : memref<5376x128xf32, #tpu.memory_space<vmem_shared>> -> memref<64x128xf32, #tpu.memory_space<vmem_shared>>
      tpu.wait_dma2 semaphore(%run_scoped3A : memref<!tpu.dma_semaphore, #tpu.memory_space<semaphore_mem>>) src(%arg9 : memref<64x128xf32, #tpu.memory_space<vmem>>) dst(%dma_wait3A_111 : memref<64x128xf32, #tpu.memory_space<vmem_shared>>)
      tpu.yield
    }) : () -> ()
    %add3A_63 = arith.constant 320 : i32
    %add3A_64 = arith.addi %mul3A_52, %add3A_63 : i32
    "tpu.region"() ({
      %run_scoped3A = tpu.sem_alloc : memref<!tpu.dma_semaphore, #tpu.memory_space<semaphore_mem>>
      %dma_start3A = arith.constant 0 : i32
      %dma_start3A_106 = arith.constant 0 : i32
      %dma_start3A_107 = tpu.memref_slice %arg9[%dma_start3A, %dma_start3A_106] : memref<64x128xf32, #tpu.memory_space<vmem>> -> memref<16x128xf32, #tpu.memory_space<vmem>>
      %dma_start3A_108 = arith.constant 0 : i32
      %dma_start3A_109 = tpu.memref_slice %arg11[%add3A_64, %dma_start3A_108] : memref<5376x128xf32, #tpu.memory_space<vmem_shared>> -> memref<16x128xf32, #tpu.memory_space<vmem_shared>>
      %dma_start3A_110 = arith.constant 0 : i32
      %dma_start3A_111 = tpu.memref_slice %arg11[%add3A_64, %dma_start3A_110] : memref<5376x128xf32, #tpu.memory_space<vmem_shared>> -> memref<16x128xf32, #tpu.memory_space<vmem_shared>>
      %dma_start3A_112 = arith.constant 0 : i32
      %dma_start3A_113 = arith.constant 0 : i32
      %dma_start3A_114 = tpu.memref_slice %arg9[%dma_start3A_112, %dma_start3A_113] : memref<64x128xf32, #tpu.memory_space<vmem>> -> memref<16x128xf32, #tpu.memory_space<vmem>>
      tpu.enqueue_dma source(%dma_start3A_114 : memref<16x128xf32, #tpu.memory_space<vmem>>) target(%dma_start3A_111 : memref<16x128xf32, #tpu.memory_space<vmem_shared>>) target_semaphore(%run_scoped3A : memref<!tpu.dma_semaphore, #tpu.memory_space<semaphore_mem>>)
      %dma_wait3A = arith.constant 0 : i32
      %dma_wait3A_115 = arith.constant 0 : i32
      %dma_wait3A_116 = tpu.memref_slice %arg9[%dma_wait3A, %dma_wait3A_115] : memref<64x128xf32, #tpu.memory_space<vmem>> -> memref<16x128xf32, #tpu.memory_space<vmem>>
      %dma_wait3A_117 = arith.constant 0 : i32
      %dma_wait3A_118 = tpu.memref_slice %arg11[%add3A_64, %dma_wait3A_117] : memref<5376x128xf32, #tpu.memory_space<vmem_shared>> -> memref<16x128xf32, #tpu.memory_space<vmem_shared>>
      %dma_wait3A_119 = arith.constant 0 : i32
      %dma_wait3A_120 = tpu.memref_slice %arg11[%add3A_64, %dma_wait3A_119] : memref<5376x128xf32, #tpu.memory_space<vmem_shared>> -> memref<16x128xf32, #tpu.memory_space<vmem_shared>>
      %dma_wait3A_121 = arith.constant 0 : i32
      %dma_wait3A_122 = arith.constant 0 : i32
      %dma_wait3A_123 = tpu.memref_slice %arg9[%dma_wait3A_121, %dma_wait3A_122] : memref<64x128xf32, #tpu.memory_space<vmem>> -> memref<16x128xf32, #tpu.memory_space<vmem>>
      tpu.wait_dma2 semaphore(%run_scoped3A : memref<!tpu.dma_semaphore, #tpu.memory_space<semaphore_mem>>) src(%dma_wait3A_123 : memref<16x128xf32, #tpu.memory_space<vmem>>) dst(%dma_wait3A_120 : memref<16x128xf32, #tpu.memory_space<vmem_shared>>)
      tpu.yield
    }) : () -> ()
    %barrier3A_65 = arith.constant 0 : index
    tpu.barrier barrier_id(%barrier3A_65)
    %scan3A_66 = arith.constant 0 : i32
    %scan3A_67 = arith.constant 0 : i32
    %scan3A_68 = arith.constant 5 : i32
    %scan3A_69 = arith.addi %scan3A_67, %scan3A_68 : i32
    %scan3A_70 = arith.constant 1 : i32
    %scan3A_71 = scf.for %scan3A_106 = %scan3A_67 to %scan3A_69 step %scan3A_70 iter_args(%scan3A_107 = %scan3A_66) -> (i32)  : i32 {
      %mul3A_108 = arith.constant 5 : i32
      %mul3A_109 = arith.muli %arg1, %mul3A_108 : i32
      %add3A_110 = arith.addi %mul3A_109, %scan3A_106 : i32
      "tpu.region"() ({
        %run_scoped3A_176 = tpu.sem_alloc : memref<!tpu.dma_semaphore, #tpu.memory_space<semaphore_mem>>
        %dma_start3A_177 = arith.constant 0 : i32
        %dma_start3A_178 = arith.constant 0 : i32
        %dma_start3A_179 = tpu.memref_slice %arg3[%arg0, %add3A_110, %dma_start3A_177, %dma_start3A_178] : memref<2x80x64x64xi32, #tpu.memory_space<hbm>> -> memref<1x1x64x64xi32, #tpu.memory_space<hbm>>
        %dma_start3A_180 = tpu.memref_squeeze %dma_start3A_179 : memref<1x1x64x64xi32, #tpu.memory_space<hbm>> -> memref<64x64xi32, #tpu.memory_space<hbm>>
        %dma_start3A_181 = arith.constant 0 : i32
        %dma_start3A_182 = arith.constant 0 : i32
        %dma_start3A_183 = tpu.memref_slice %arg3[%arg0, %add3A_110, %dma_start3A_181, %dma_start3A_182] : memref<2x80x64x64xi32, #tpu.memory_space<hbm>> -> memref<1x1x64x64xi32, #tpu.memory_space<hbm>>
        %dma_start3A_184 = tpu.memref_squeeze %dma_start3A_183 : memref<1x1x64x64xi32, #tpu.memory_space<hbm>> -> memref<64x64xi32, #tpu.memory_space<hbm>>
        tpu.enqueue_dma source(%dma_start3A_184 : memref<64x64xi32, #tpu.memory_space<hbm>>) target(%arg7 : memref<64x64xi32, #tpu.memory_space<vmem>>) target_semaphore(%run_scoped3A_176 : memref<!tpu.dma_semaphore, #tpu.memory_space<semaphore_mem>>)
        %dma_wait3A_185 = arith.constant 0 : i32
        %dma_wait3A_186 = arith.constant 0 : i32
        %dma_wait3A_187 = tpu.memref_slice %arg3[%arg0, %add3A_110, %dma_wait3A_185, %dma_wait3A_186] : memref<2x80x64x64xi32, #tpu.memory_space<hbm>> -> memref<1x1x64x64xi32, #tpu.memory_space<hbm>>
        %dma_wait3A_188 = tpu.memref_squeeze %dma_wait3A_187 : memref<1x1x64x64xi32, #tpu.memory_space<hbm>> -> memref<64x64xi32, #tpu.memory_space<hbm>>
        %dma_wait3A_189 = arith.constant 0 : i32
        %dma_wait3A_190 = arith.constant 0 : i32
        %dma_wait3A_191 = tpu.memref_slice %arg3[%arg0, %add3A_110, %dma_wait3A_189, %dma_wait3A_190] : memref<2x80x64x64xi32, #tpu.memory_space<hbm>> -> memref<1x1x64x64xi32, #tpu.memory_space<hbm>>
        %dma_wait3A_192 = tpu.memref_squeeze %dma_wait3A_191 : memref<1x1x64x64xi32, #tpu.memory_space<hbm>> -> memref<64x64xi32, #tpu.memory_space<hbm>>
        tpu.wait_dma2 semaphore(%run_scoped3A_176 : memref<!tpu.dma_semaphore, #tpu.memory_space<semaphore_mem>>) src(%dma_wait3A_192 : memref<64x64xi32, #tpu.memory_space<hbm>>) dst(%arg7 : memref<64x64xi32, #tpu.memory_space<vmem>>)
        tpu.yield
      }) : () -> ()
      %mul3A_111 = arith.constant 5 : i32
      %mul3A_112 = arith.muli %arg1, %mul3A_111 : i32
      %add3A_113 = arith.addi %mul3A_112, %scan3A_106 : i32
      %run_scoped3A = arith.constant 1 : i32
      "tpu.region"() ({
        %run_scoped3A_176 = tpu.sem_alloc : memref<!tpu.dma_semaphore, #tpu.memory_space<semaphore_mem>>
        %dma_start3A_177 = arith.constant 0 : i32
        %dma_start3A_178 = arith.constant 0 : i32
        %dma_start3A_179 = tpu.memref_slice %arg4[%run_scoped3A, %add3A_113, %dma_start3A_177, %dma_start3A_178] : memref<2x80x64x64xi32, #tpu.memory_space<hbm>> -> memref<1x1x64x64xi32, #tpu.memory_space<hbm>>
        %dma_start3A_180 = tpu.memref_squeeze %dma_start3A_179 : memref<1x1x64x64xi32, #tpu.memory_space<hbm>> -> memref<64x64xi32, #tpu.memory_space<hbm>>
        %dma_start3A_181 = arith.constant 0 : i32
        %dma_start3A_182 = arith.constant 0 : i32
        %dma_start3A_183 = tpu.memref_slice %arg4[%run_scoped3A, %add3A_113, %dma_start3A_181, %dma_start3A_182] : memref<2x80x64x64xi32, #tpu.memory_space<hbm>> -> memref<1x1x64x64xi32, #tpu.memory_space<hbm>>
        %dma_start3A_184 = tpu.memref_squeeze %dma_start3A_183 : memref<1x1x64x64xi32, #tpu.memory_space<hbm>> -> memref<64x64xi32, #tpu.memory_space<hbm>>
        tpu.enqueue_dma source(%dma_start3A_184 : memref<64x64xi32, #tpu.memory_space<hbm>>) target(%arg8 : memref<64x64xi32, #tpu.memory_space<vmem>>) target_semaphore(%run_scoped3A_176 : memref<!tpu.dma_semaphore, #tpu.memory_space<semaphore_mem>>)
        %dma_wait3A_185 = arith.constant 0 : i32
        %dma_wait3A_186 = arith.constant 0 : i32
        %dma_wait3A_187 = tpu.memref_slice %arg4[%run_scoped3A, %add3A_113, %dma_wait3A_185, %dma_wait3A_186] : memref<2x80x64x64xi32, #tpu.memory_space<hbm>> -> memref<1x1x64x64xi32, #tpu.memory_space<hbm>>
        %dma_wait3A_188 = tpu.memref_squeeze %dma_wait3A_187 : memref<1x1x64x64xi32, #tpu.memory_space<hbm>> -> memref<64x64xi32, #tpu.memory_space<hbm>>
        %dma_wait3A_189 = arith.constant 0 : i32
        %dma_wait3A_190 = arith.constant 0 : i32
        %dma_wait3A_191 = tpu.memref_slice %arg4[%run_scoped3A, %add3A_113, %dma_wait3A_189, %dma_wait3A_190] : memref<2x80x64x64xi32, #tpu.memory_space<hbm>> -> memref<1x1x64x64xi32, #tpu.memory_space<hbm>>
        %dma_wait3A_192 = tpu.memref_squeeze %dma_wait3A_191 : memref<1x1x64x64xi32, #tpu.memory_space<hbm>> -> memref<64x64xi32, #tpu.memory_space<hbm>>
        tpu.wait_dma2 semaphore(%run_scoped3A_176 : memref<!tpu.dma_semaphore, #tpu.memory_space<semaphore_mem>>) src(%dma_wait3A_192 : memref<64x64xi32, #tpu.memory_space<hbm>>) dst(%arg8 : memref<64x64xi32, #tpu.memory_space<vmem>>)
        tpu.yield
      }) : () -> ()
      %dma_start3A = arith.constant 0 : i32
      %dma_start3A_114 = arith.constant 0 : i32
      %dma_start3A_115 = tpu.memref_slice %arg7[%dma_start3A, %dma_start3A_114] : memref<64x64xi32, #tpu.memory_space<vmem>> -> memref<1x64xi32, #tpu.memory_space<vmem>>
      %dma_start3A_116 = tpu.memref_squeeze %dma_start3A_115 : memref<1x64xi32, #tpu.memory_space<vmem>> -> memref<64xi32, #tpu.memory_space<vmem>>
      %dma_start3A_117 = arith.constant 0 : i32
      %dma_start3A_118 = arith.constant 0 : i32
      %dma_start3A_119 = tpu.memref_slice %arg2[%dma_start3A_117, %dma_start3A_118] : memref<20480x128xf32, #tpu.memory_space<hbm>> -> memref<20480x128xf32, #tpu.memory_space<hbm>>
      tpu.enqueue_indirect_dma source(%dma_start3A_119 : memref<20480x128xf32, #tpu.memory_space<hbm>>) target(%arg9 : memref<64x128xf32, #tpu.memory_space<vmem>>) offsets(%dma_start3A_116 : memref<64xi32, #tpu.memory_space<vmem>>) semaphore(%arg12 : memref<!tpu.dma_semaphore, #tpu.memory_space<semaphore_mem>>)
      %dma_start3A_120 = arith.constant 1 : i32
      %dma_start3A_121 = arith.constant 0 : i32
      %dma_start3A_122 = tpu.memref_slice %arg7[%dma_start3A_120, %dma_start3A_121] : memref<64x64xi32, #tpu.memory_space<vmem>> -> memref<1x64xi32, #tpu.memory_space<vmem>>
      %dma_start3A_123 = tpu.memref_squeeze %dma_start3A_122 : memref<1x64xi32, #tpu.memory_space<vmem>> -> memref<64xi32, #tpu.memory_space<vmem>>
      %dma_start3A_124 = arith.constant 0 : i32
      %dma_start3A_125 = arith.constant 0 : i32
      %dma_start3A_126 = tpu.memref_slice %arg2[%dma_start3A_124, %dma_start3A_125] : memref<20480x128xf32, #tpu.memory_space<hbm>> -> memref<20480x128xf32, #tpu.memory_space<hbm>>
      tpu.enqueue_indirect_dma source(%dma_start3A_126 : memref<20480x128xf32, #tpu.memory_space<hbm>>) target(%arg10 : memref<64x128xf32, #tpu.memory_space<vmem>>) offsets(%dma_start3A_123 : memref<64xi32, #tpu.memory_space<vmem>>) semaphore(%arg13 : memref<!tpu.dma_semaphore, #tpu.memory_space<semaphore_mem>>)
      %scan3A_127 = arith.constant 0 : i32
      %scan3A_128 = arith.constant 0 : i32
      %scan3A_129 = arith.constant 31 : i32
      %scan3A_130 = arith.addi %scan3A_128, %scan3A_129 : i32
      %scan3A_131 = arith.constant 1 : i32
      %scan3A_132 = scf.for %scan3A_176 = %scan3A_128 to %scan3A_130 step %scan3A_131 iter_args(%scan3A_177 = %scan3A_127) -> (i32)  : i32 {
        %mul3A_178 = arith.constant 2 : i32
        %mul3A_179 = arith.muli %mul3A_178, %scan3A_176 : i32
        %dma_wait3A_180 = arith.constant 0 : i32
        %dma_wait3A_181 = tpu.memref_slice %arg7[%mul3A_179, %dma_wait3A_180] : memref<64x64xi32, #tpu.memory_space<vmem>> -> memref<1x64xi32, #tpu.memory_space<vmem>>
        %dma_wait3A_182 = tpu.memref_squeeze %dma_wait3A_181 : memref<1x64xi32, #tpu.memory_space<vmem>> -> memref<64xi32, #tpu.memory_space<vmem>>
        %dma_wait3A_183 = arith.constant 0 : i32
        %dma_wait3A_184 = arith.constant 0 : i32
        %dma_wait3A_185 = tpu.memref_slice %arg2[%dma_wait3A_183, %dma_wait3A_184] : memref<20480x128xf32, #tpu.memory_space<hbm>> -> memref<20480x128xf32, #tpu.memory_space<hbm>>
        tpu.wait_indirect_dma semaphore(%arg12 : memref<!tpu.dma_semaphore, #tpu.memory_space<semaphore_mem>>) src(%dma_wait3A_185 : memref<20480x128xf32, #tpu.memory_space<hbm>>) dst(%arg9 : memref<64x128xf32, #tpu.memory_space<vmem>>)
        %dma_start3A_186 = arith.constant 0 : i32
        %dma_start3A_187 = tpu.memref_slice %arg8[%mul3A_179, %dma_start3A_186] : memref<64x64xi32, #tpu.memory_space<vmem>> -> memref<1x64xi32, #tpu.memory_space<vmem>>
        %dma_start3A_188 = tpu.memref_squeeze %dma_start3A_187 : memref<1x64xi32, #tpu.memory_space<vmem>> -> memref<64xi32, #tpu.memory_space<vmem>>
        %dma_start3A_189 = arith.constant 0 : i32
        %dma_start3A_190 = arith.constant 0 : i32
        %dma_start3A_191 = tpu.memref_slice %arg11[%dma_start3A_189, %dma_start3A_190] : memref<5376x128xf32, #tpu.memory_space<vmem_shared>> -> memref<5376x128xf32, #tpu.memory_space<vmem_shared>>
        tpu.enqueue_indirect_dma source(%arg9 : memref<64x128xf32, #tpu.memory_space<vmem>>) target(%dma_start3A_191 : memref<5376x128xf32, #tpu.memory_space<vmem_shared>>) offsets(%dma_start3A_188 : memref<64xi32, #tpu.memory_space<vmem>>) semaphore(%arg14 : memref<!tpu.dma_semaphore, #tpu.memory_space<semaphore_mem>>) {add = true}
        %add3A_192 = arith.constant 1 : i32
        %add3A_193 = arith.addi %mul3A_179, %add3A_192 : i32
        %dma_wait3A_194 = arith.constant 0 : i32
        %dma_wait3A_195 = tpu.memref_slice %arg7[%add3A_193, %dma_wait3A_194] : memref<64x64xi32, #tpu.memory_space<vmem>> -> memref<1x64xi32, #tpu.memory_space<vmem>>
        %dma_wait3A_196 = tpu.memref_squeeze %dma_wait3A_195 : memref<1x64xi32, #tpu.memory_space<vmem>> -> memref<64xi32, #tpu.memory_space<vmem>>
        %dma_wait3A_197 = arith.constant 0 : i32
        %dma_wait3A_198 = arith.constant 0 : i32
        %dma_wait3A_199 = tpu.memref_slice %arg2[%dma_wait3A_197, %dma_wait3A_198] : memref<20480x128xf32, #tpu.memory_space<hbm>> -> memref<20480x128xf32, #tpu.memory_space<hbm>>
        tpu.wait_indirect_dma semaphore(%arg13 : memref<!tpu.dma_semaphore, #tpu.memory_space<semaphore_mem>>) src(%dma_wait3A_199 : memref<20480x128xf32, #tpu.memory_space<hbm>>) dst(%arg10 : memref<64x128xf32, #tpu.memory_space<vmem>>)
        %add3A_200 = arith.constant 1 : i32
        %add3A_201 = arith.addi %mul3A_179, %add3A_200 : i32
        %dma_start3A_202 = arith.constant 0 : i32
        %dma_start3A_203 = tpu.memref_slice %arg8[%add3A_201, %dma_start3A_202] : memref<64x64xi32, #tpu.memory_space<vmem>> -> memref<1x64xi32, #tpu.memory_space<vmem>>
        %dma_start3A_204 = tpu.memref_squeeze %dma_start3A_203 : memref<1x64xi32, #tpu.memory_space<vmem>> -> memref<64xi32, #tpu.memory_space<vmem>>
        %dma_start3A_205 = arith.constant 0 : i32
        %dma_start3A_206 = arith.constant 0 : i32
        %dma_start3A_207 = tpu.memref_slice %arg11[%dma_start3A_205, %dma_start3A_206] : memref<5376x128xf32, #tpu.memory_space<vmem_shared>> -> memref<5376x128xf32, #tpu.memory_space<vmem_shared>>
        tpu.enqueue_indirect_dma source(%arg10 : memref<64x128xf32, #tpu.memory_space<vmem>>) target(%dma_start3A_207 : memref<5376x128xf32, #tpu.memory_space<vmem_shared>>) offsets(%dma_start3A_204 : memref<64xi32, #tpu.memory_space<vmem>>) semaphore(%arg15 : memref<!tpu.dma_semaphore, #tpu.memory_space<semaphore_mem>>) {add = true}
        %dma_wait3A_208 = arith.constant 0 : i32
        %dma_wait3A_209 = tpu.memref_slice %arg8[%mul3A_179, %dma_wait3A_208] : memref<64x64xi32, #tpu.memory_space<vmem>> -> memref<1x64xi32, #tpu.memory_space<vmem>>
        %dma_wait3A_210 = tpu.memref_squeeze %dma_wait3A_209 : memref<1x64xi32, #tpu.memory_space<vmem>> -> memref<64xi32, #tpu.memory_space<vmem>>
        %dma_wait3A_211 = arith.constant 0 : i32
        %dma_wait3A_212 = arith.constant 0 : i32
        %dma_wait3A_213 = tpu.memref_slice %arg11[%dma_wait3A_211, %dma_wait3A_212] : memref<5376x128xf32, #tpu.memory_space<vmem_shared>> -> memref<5376x128xf32, #tpu.memory_space<vmem_shared>>
        tpu.wait_indirect_dma semaphore(%arg14 : memref<!tpu.dma_semaphore, #tpu.memory_space<semaphore_mem>>) src(%arg9 : memref<64x128xf32, #tpu.memory_space<vmem>>) dst(%dma_wait3A_213 : memref<5376x128xf32, #tpu.memory_space<vmem_shared>>)
        %add3A_214 = arith.constant 2 : i32
        %add3A_215 = arith.addi %mul3A_179, %add3A_214 : i32
        %dma_start3A_216 = arith.constant 0 : i32
        %dma_start3A_217 = tpu.memref_slice %arg7[%add3A_215, %dma_start3A_216] : memref<64x64xi32, #tpu.memory_space<vmem>> -> memref<1x64xi32, #tpu.memory_space<vmem>>
        %dma_start3A_218 = tpu.memref_squeeze %dma_start3A_217 : memref<1x64xi32, #tpu.memory_space<vmem>> -> memref<64xi32, #tpu.memory_space<vmem>>
        %dma_start3A_219 = arith.constant 0 : i32
        %dma_start3A_220 = arith.constant 0 : i32
        %dma_start3A_221 = tpu.memref_slice %arg2[%dma_start3A_219, %dma_start3A_220] : memref<20480x128xf32, #tpu.memory_space<hbm>> -> memref<20480x128xf32, #tpu.memory_space<hbm>>
        tpu.enqueue_indirect_dma source(%dma_start3A_221 : memref<20480x128xf32, #tpu.memory_space<hbm>>) target(%arg9 : memref<64x128xf32, #tpu.memory_space<vmem>>) offsets(%dma_start3A_218 : memref<64xi32, #tpu.memory_space<vmem>>) semaphore(%arg12 : memref<!tpu.dma_semaphore, #tpu.memory_space<semaphore_mem>>)
        %add3A_222 = arith.constant 1 : i32
        %add3A_223 = arith.addi %mul3A_179, %add3A_222 : i32
        %dma_wait3A_224 = arith.constant 0 : i32
        %dma_wait3A_225 = tpu.memref_slice %arg8[%add3A_223, %dma_wait3A_224] : memref<64x64xi32, #tpu.memory_space<vmem>> -> memref<1x64xi32, #tpu.memory_space<vmem>>
        %dma_wait3A_226 = tpu.memref_squeeze %dma_wait3A_225 : memref<1x64xi32, #tpu.memory_space<vmem>> -> memref<64xi32, #tpu.memory_space<vmem>>
        %dma_wait3A_227 = arith.constant 0 : i32
        %dma_wait3A_228 = arith.constant 0 : i32
        %dma_wait3A_229 = tpu.memref_slice %arg11[%dma_wait3A_227, %dma_wait3A_228] : memref<5376x128xf32, #tpu.memory_space<vmem_shared>> -> memref<5376x128xf32, #tpu.memory_space<vmem_shared>>
        tpu.wait_indirect_dma semaphore(%arg15 : memref<!tpu.dma_semaphore, #tpu.memory_space<semaphore_mem>>) src(%arg10 : memref<64x128xf32, #tpu.memory_space<vmem>>) dst(%dma_wait3A_229 : memref<5376x128xf32, #tpu.memory_space<vmem_shared>>)
        %add3A_230 = arith.constant 3 : i32
        %add3A_231 = arith.addi %mul3A_179, %add3A_230 : i32
        %dma_start3A_232 = arith.constant 0 : i32
        %dma_start3A_233 = tpu.memref_slice %arg7[%add3A_231, %dma_start3A_232] : memref<64x64xi32, #tpu.memory_space<vmem>> -> memref<1x64xi32, #tpu.memory_space<vmem>>
        %dma_start3A_234 = tpu.memref_squeeze %dma_start3A_233 : memref<1x64xi32, #tpu.memory_space<vmem>> -> memref<64xi32, #tpu.memory_space<vmem>>
        %dma_start3A_235 = arith.constant 0 : i32
        %dma_start3A_236 = arith.constant 0 : i32
        %dma_start3A_237 = tpu.memref_slice %arg2[%dma_start3A_235, %dma_start3A_236] : memref<20480x128xf32, #tpu.memory_space<hbm>> -> memref<20480x128xf32, #tpu.memory_space<hbm>>
        tpu.enqueue_indirect_dma source(%dma_start3A_237 : memref<20480x128xf32, #tpu.memory_space<hbm>>) target(%arg10 : memref<64x128xf32, #tpu.memory_space<vmem>>) offsets(%dma_start3A_234 : memref<64xi32, #tpu.memory_space<vmem>>) semaphore(%arg13 : memref<!tpu.dma_semaphore, #tpu.memory_space<semaphore_mem>>)
        %scan3A_238 = arith.constant 0 : i32
        scf.yield %scan3A_238 : i32
      }
      %scan3A_133 = arith.constant 31 : i32
      %dma_wait3A = arith.constant 62 : i32
      %dma_wait3A_134 = arith.constant 0 : i32
      %dma_wait3A_135 = tpu.memref_slice %arg7[%dma_wait3A, %dma_wait3A_134] : memref<64x64xi32, #tpu.memory_space<vmem>> -> memref<1x64xi32, #tpu.memory_space<vmem>>
      %dma_wait3A_136 = tpu.memref_squeeze %dma_wait3A_135 : memref<1x64xi32, #tpu.memory_space<vmem>> -> memref<64xi32, #tpu.memory_space<vmem>>
      %dma_wait3A_137 = arith.constant 0 : i32
      %dma_wait3A_138 = arith.constant 0 : i32
      %dma_wait3A_139 = tpu.memref_slice %arg2[%dma_wait3A_137, %dma_wait3A_138] : memref<20480x128xf32, #tpu.memory_space<hbm>> -> memref<20480x128xf32, #tpu.memory_space<hbm>>
      tpu.wait_indirect_dma semaphore(%arg12 : memref<!tpu.dma_semaphore, #tpu.memory_space<semaphore_mem>>) src(%dma_wait3A_139 : memref<20480x128xf32, #tpu.memory_space<hbm>>) dst(%arg9 : memref<64x128xf32, #tpu.memory_space<vmem>>)
      %dma_start3A_140 = arith.constant 62 : i32
      %dma_start3A_141 = arith.constant 0 : i32
      %dma_start3A_142 = tpu.memref_slice %arg8[%dma_start3A_140, %dma_start3A_141] : memref<64x64xi32, #tpu.memory_space<vmem>> -> memref<1x64xi32, #tpu.memory_space<vmem>>
      %dma_start3A_143 = tpu.memref_squeeze %dma_start3A_142 : memref<1x64xi32, #tpu.memory_space<vmem>> -> memref<64xi32, #tpu.memory_space<vmem>>
      %dma_start3A_144 = arith.constant 0 : i32
      %dma_start3A_145 = arith.constant 0 : i32
      %dma_start3A_146 = tpu.memref_slice %arg11[%dma_start3A_144, %dma_start3A_145] : memref<5376x128xf32, #tpu.memory_space<vmem_shared>> -> memref<5376x128xf32, #tpu.memory_space<vmem_shared>>
      tpu.enqueue_indirect_dma source(%arg9 : memref<64x128xf32, #tpu.memory_space<vmem>>) target(%dma_start3A_146 : memref<5376x128xf32, #tpu.memory_space<vmem_shared>>) offsets(%dma_start3A_143 : memref<64xi32, #tpu.memory_space<vmem>>) semaphore(%arg14 : memref<!tpu.dma_semaphore, #tpu.memory_space<semaphore_mem>>) {add = true}
      %dma_wait3A_147 = arith.constant 63 : i32
      %dma_wait3A_148 = arith.constant 0 : i32
      %dma_wait3A_149 = tpu.memref_slice %arg7[%dma_wait3A_147, %dma_wait3A_148] : memref<64x64xi32, #tpu.memory_space<vmem>> -> memref<1x64xi32, #tpu.memory_space<vmem>>
      %dma_wait3A_150 = tpu.memref_squeeze %dma_wait3A_149 : memref<1x64xi32, #tpu.memory_space<vmem>> -> memref<64xi32, #tpu.memory_space<vmem>>
      %dma_wait3A_151 = arith.constant 0 : i32
      %dma_wait3A_152 = arith.constant 0 : i32
      %dma_wait3A_153 = tpu.memref_slice %arg2[%dma_wait3A_151, %dma_wait3A_152] : memref<20480x128xf32, #tpu.memory_space<hbm>> -> memref<20480x128xf32, #tpu.memory_space<hbm>>
      tpu.wait_indirect_dma semaphore(%arg13 : memref<!tpu.dma_semaphore, #tpu.memory_space<semaphore_mem>>) src(%dma_wait3A_153 : memref<20480x128xf32, #tpu.memory_space<hbm>>) dst(%arg10 : memref<64x128xf32, #tpu.memory_space<vmem>>)
      %dma_start3A_154 = arith.constant 63 : i32
      %dma_start3A_155 = arith.constant 0 : i32
      %dma_start3A_156 = tpu.memref_slice %arg8[%dma_start3A_154, %dma_start3A_155] : memref<64x64xi32, #tpu.memory_space<vmem>> -> memref<1x64xi32, #tpu.memory_space<vmem>>
      %dma_start3A_157 = tpu.memref_squeeze %dma_start3A_156 : memref<1x64xi32, #tpu.memory_space<vmem>> -> memref<64xi32, #tpu.memory_space<vmem>>
      %dma_start3A_158 = arith.constant 0 : i32
      %dma_start3A_159 = arith.constant 0 : i32
      %dma_start3A_160 = tpu.memref_slice %arg11[%dma_start3A_158, %dma_start3A_159] : memref<5376x128xf32, #tpu.memory_space<vmem_shared>> -> memref<5376x128xf32, #tpu.memory_space<vmem_shared>>
      tpu.enqueue_indirect_dma source(%arg10 : memref<64x128xf32, #tpu.memory_space<vmem>>) target(%dma_start3A_160 : memref<5376x128xf32, #tpu.memory_space<vmem_shared>>) offsets(%dma_start3A_157 : memref<64xi32, #tpu.memory_space<vmem>>) semaphore(%arg15 : memref<!tpu.dma_semaphore, #tpu.memory_space<semaphore_mem>>) {add = true}
      %dma_wait3A_161 = arith.constant 62 : i32
      %dma_wait3A_162 = arith.constant 0 : i32
      %dma_wait3A_163 = tpu.memref_slice %arg8[%dma_wait3A_161, %dma_wait3A_162] : memref<64x64xi32, #tpu.memory_space<vmem>> -> memref<1x64xi32, #tpu.memory_space<vmem>>
      %dma_wait3A_164 = tpu.memref_squeeze %dma_wait3A_163 : memref<1x64xi32, #tpu.memory_space<vmem>> -> memref<64xi32, #tpu.memory_space<vmem>>
      %dma_wait3A_165 = arith.constant 0 : i32
      %dma_wait3A_166 = arith.constant 0 : i32
      %dma_wait3A_167 = tpu.memref_slice %arg11[%dma_wait3A_165, %dma_wait3A_166] : memref<5376x128xf32, #tpu.memory_space<vmem_shared>> -> memref<5376x128xf32, #tpu.memory_space<vmem_shared>>
      tpu.wait_indirect_dma semaphore(%arg14 : memref<!tpu.dma_semaphore, #tpu.memory_space<semaphore_mem>>) src(%arg9 : memref<64x128xf32, #tpu.memory_space<vmem>>) dst(%dma_wait3A_167 : memref<5376x128xf32, #tpu.memory_space<vmem_shared>>)
      %dma_wait3A_168 = arith.constant 63 : i32
      %dma_wait3A_169 = arith.constant 0 : i32
      %dma_wait3A_170 = tpu.memref_slice %arg8[%dma_wait3A_168, %dma_wait3A_169] : memref<64x64xi32, #tpu.memory_space<vmem>> -> memref<1x64xi32, #tpu.memory_space<vmem>>
      %dma_wait3A_171 = tpu.memref_squeeze %dma_wait3A_170 : memref<1x64xi32, #tpu.memory_space<vmem>> -> memref<64xi32, #tpu.memory_space<vmem>>
      %dma_wait3A_172 = arith.constant 0 : i32
      %dma_wait3A_173 = arith.constant 0 : i32
      %dma_wait3A_174 = tpu.memref_slice %arg11[%dma_wait3A_172, %dma_wait3A_173] : memref<5376x128xf32, #tpu.memory_space<vmem_shared>> -> memref<5376x128xf32, #tpu.memory_space<vmem_shared>>
      tpu.wait_indirect_dma semaphore(%arg15 : memref<!tpu.dma_semaphore, #tpu.memory_space<semaphore_mem>>) src(%arg10 : memref<64x128xf32, #tpu.memory_space<vmem>>) dst(%dma_wait3A_174 : memref<5376x128xf32, #tpu.memory_space<vmem_shared>>)
      %scan3A_175 = arith.constant 0 : i32
      scf.yield %scan3A_175 : i32
    }
    %scan3A_72 = arith.constant 5 : i32
    %barrier3A_73 = arith.constant 0 : index
    tpu.barrier barrier_id(%barrier3A_73)
    %mul3A_74 = arith.constant 320 : i32
    %mul3A_75 = arith.muli %arg1, %mul3A_74 : i32
    %add3A_76 = arith.constant 0 : i32
    %add3A_77 = arith.addi %mul3A_75, %add3A_76 : i32
    "tpu.region"() ({
      %run_scoped3A = tpu.sem_alloc : memref<!tpu.dma_semaphore, #tpu.memory_space<semaphore_mem>>
      %dma_start3A = arith.constant 0 : i32
      %dma_start3A_106 = tpu.memref_slice %arg11[%add3A_77, %dma_start3A] : memref<5376x128xf32, #tpu.memory_space<vmem_shared>> -> memref<64x128xf32, #tpu.memory_space<vmem_shared>>
      %dma_start3A_107 = arith.constant 0 : i32
      %dma_start3A_108 = tpu.memref_slice %arg11[%add3A_77, %dma_start3A_107] : memref<5376x128xf32, #tpu.memory_space<vmem_shared>> -> memref<64x128xf32, #tpu.memory_space<vmem_shared>>
      tpu.enqueue_dma source(%dma_start3A_108 : memref<64x128xf32, #tpu.memory_space<vmem_shared>>) target(%arg9 : memref<64x128xf32, #tpu.memory_space<vmem>>) target_semaphore(%run_scoped3A : memref<!tpu.dma_semaphore, #tpu.memory_space<semaphore_mem>>)
      %dma_wait3A = arith.constant 0 : i32
      %dma_wait3A_109 = tpu.memref_slice %arg11[%add3A_77, %dma_wait3A] : memref<5376x128xf32, #tpu.memory_space<vmem_shared>> -> memref<64x128xf32, #tpu.memory_space<vmem_shared>>
      %dma_wait3A_110 = arith.constant 0 : i32
      %dma_wait3A_111 = tpu.memref_slice %arg11[%add3A_77, %dma_wait3A_110] : memref<5376x128xf32, #tpu.memory_space<vmem_shared>> -> memref<64x128xf32, #tpu.memory_space<vmem_shared>>
      tpu.wait_dma2 semaphore(%run_scoped3A : memref<!tpu.dma_semaphore, #tpu.memory_space<semaphore_mem>>) src(%dma_wait3A_111 : memref<64x128xf32, #tpu.memory_space<vmem_shared>>) dst(%arg9 : memref<64x128xf32, #tpu.memory_space<vmem>>)
      tpu.yield
    }) : () -> ()
    %add3A_78 = arith.constant 5120 : i32
    %add3A_79 = arith.addi %add3A_78, %mul3A_75 : i32
    %add3A_80 = arith.constant 0 : i32
    %add3A_81 = arith.addi %add3A_79, %add3A_80 : i32
    "tpu.region"() ({
      %run_scoped3A = tpu.sem_alloc : memref<!tpu.dma_semaphore, #tpu.memory_space<semaphore_mem>>
      %dma_start3A = arith.constant 0 : i32
      %dma_start3A_106 = tpu.memref_slice %arg6[%arg0, %add3A_81, %dma_start3A] : memref<2x10240x128xf32, #tpu.memory_space<hbm>> -> memref<1x64x128xf32, #tpu.memory_space<hbm>>
      %dma_start3A_107 = tpu.memref_squeeze %dma_start3A_106 : memref<1x64x128xf32, #tpu.memory_space<hbm>> -> memref<64x128xf32, #tpu.memory_space<hbm>>
      %dma_start3A_108 = arith.constant 0 : i32
      %dma_start3A_109 = tpu.memref_slice %arg6[%arg0, %add3A_81, %dma_start3A_108] : memref<2x10240x128xf32, #tpu.memory_space<hbm>> -> memref<1x64x128xf32, #tpu.memory_space<hbm>>
      %dma_start3A_110 = tpu.memref_squeeze %dma_start3A_109 : memref<1x64x128xf32, #tpu.memory_space<hbm>> -> memref<64x128xf32, #tpu.memory_space<hbm>>
      tpu.enqueue_dma source(%arg9 : memref<64x128xf32, #tpu.memory_space<vmem>>) target(%dma_start3A_110 : memref<64x128xf32, #tpu.memory_space<hbm>>) target_semaphore(%run_scoped3A : memref<!tpu.dma_semaphore, #tpu.memory_space<semaphore_mem>>)
      %dma_wait3A = arith.constant 0 : i32
      %dma_wait3A_111 = tpu.memref_slice %arg6[%arg0, %add3A_81, %dma_wait3A] : memref<2x10240x128xf32, #tpu.memory_space<hbm>> -> memref<1x64x128xf32, #tpu.memory_space<hbm>>
      %dma_wait3A_112 = tpu.memref_squeeze %dma_wait3A_111 : memref<1x64x128xf32, #tpu.memory_space<hbm>> -> memref<64x128xf32, #tpu.memory_space<hbm>>
      %dma_wait3A_113 = arith.constant 0 : i32
      %dma_wait3A_114 = tpu.memref_slice %arg6[%arg0, %add3A_81, %dma_wait3A_113] : memref<2x10240x128xf32, #tpu.memory_space<hbm>> -> memref<1x64x128xf32, #tpu.memory_space<hbm>>
      %dma_wait3A_115 = tpu.memref_squeeze %dma_wait3A_114 : memref<1x64x128xf32, #tpu.memory_space<hbm>> -> memref<64x128xf32, #tpu.memory_space<hbm>>
      tpu.wait_dma2 semaphore(%run_scoped3A : memref<!tpu.dma_semaphore, #tpu.memory_space<semaphore_mem>>) src(%arg9 : memref<64x128xf32, #tpu.memory_space<vmem>>) dst(%dma_wait3A_115 : memref<64x128xf32, #tpu.memory_space<hbm>>)
      tpu.yield
    }) : () -> ()
    %add3A_82 = arith.constant 64 : i32
    %add3A_83 = arith.addi %mul3A_75, %add3A_82 : i32
    "tpu.region"() ({
      %run_scoped3A = tpu.sem_alloc : memref<!tpu.dma_semaphore, #tpu.memory_space<semaphore_mem>>
      %dma_start3A = arith.constant 0 : i32
      %dma_start3A_106 = tpu.memref_slice %arg11[%add3A_83, %dma_start3A] : memref<5376x128xf32, #tpu.memory_space<vmem_shared>> -> memref<64x128xf32, #tpu.memory_space<vmem_shared>>
      %dma_start3A_107 = arith.constant 0 : i32
      %dma_start3A_108 = tpu.memref_slice %arg11[%add3A_83, %dma_start3A_107] : memref<5376x128xf32, #tpu.memory_space<vmem_shared>> -> memref<64x128xf32, #tpu.memory_space<vmem_shared>>
      tpu.enqueue_dma source(%dma_start3A_108 : memref<64x128xf32, #tpu.memory_space<vmem_shared>>) target(%arg9 : memref<64x128xf32, #tpu.memory_space<vmem>>) target_semaphore(%run_scoped3A : memref<!tpu.dma_semaphore, #tpu.memory_space<semaphore_mem>>)
      %dma_wait3A = arith.constant 0 : i32
      %dma_wait3A_109 = tpu.memref_slice %arg11[%add3A_83, %dma_wait3A] : memref<5376x128xf32, #tpu.memory_space<vmem_shared>> -> memref<64x128xf32, #tpu.memory_space<vmem_shared>>
      %dma_wait3A_110 = arith.constant 0 : i32
      %dma_wait3A_111 = tpu.memref_slice %arg11[%add3A_83, %dma_wait3A_110] : memref<5376x128xf32, #tpu.memory_space<vmem_shared>> -> memref<64x128xf32, #tpu.memory_space<vmem_shared>>
      tpu.wait_dma2 semaphore(%run_scoped3A : memref<!tpu.dma_semaphore, #tpu.memory_space<semaphore_mem>>) src(%dma_wait3A_111 : memref<64x128xf32, #tpu.memory_space<vmem_shared>>) dst(%arg9 : memref<64x128xf32, #tpu.memory_space<vmem>>)
      tpu.yield
    }) : () -> ()
    %add3A_84 = arith.constant 5120 : i32
    %add3A_85 = arith.addi %add3A_84, %mul3A_75 : i32
    %add3A_86 = arith.constant 64 : i32
    %add3A_87 = arith.addi %add3A_85, %add3A_86 : i32
    "tpu.region"() ({
      %run_scoped3A = tpu.sem_alloc : memref<!tpu.dma_semaphore, #tpu.memory_space<semaphore_mem>>
      %dma_start3A = arith.constant 0 : i32
      %dma_start3A_106 = tpu.memref_slice %arg6[%arg0, %add3A_87, %dma_start3A] : memref<2x10240x128xf32, #tpu.memory_space<hbm>> -> memref<1x64x128xf32, #tpu.memory_space<hbm>>
      %dma_start3A_107 = tpu.memref_squeeze %dma_start3A_106 : memref<1x64x128xf32, #tpu.memory_space<hbm>> -> memref<64x128xf32, #tpu.memory_space<hbm>>
      %dma_start3A_108 = arith.constant 0 : i32
      %dma_start3A_109 = tpu.memref_slice %arg6[%arg0, %add3A_87, %dma_start3A_108] : memref<2x10240x128xf32, #tpu.memory_space<hbm>> -> memref<1x64x128xf32, #tpu.memory_space<hbm>>
      %dma_start3A_110 = tpu.memref_squeeze %dma_start3A_109 : memref<1x64x128xf32, #tpu.memory_space<hbm>> -> memref<64x128xf32, #tpu.memory_space<hbm>>
      tpu.enqueue_dma source(%arg9 : memref<64x128xf32, #tpu.memory_space<vmem>>) target(%dma_start3A_110 : memref<64x128xf32, #tpu.memory_space<hbm>>) target_semaphore(%run_scoped3A : memref<!tpu.dma_semaphore, #tpu.memory_space<semaphore_mem>>)
      %dma_wait3A = arith.constant 0 : i32
      %dma_wait3A_111 = tpu.memref_slice %arg6[%arg0, %add3A_87, %dma_wait3A] : memref<2x10240x128xf32, #tpu.memory_space<hbm>> -> memref<1x64x128xf32, #tpu.memory_space<hbm>>
      %dma_wait3A_112 = tpu.memref_squeeze %dma_wait3A_111 : memref<1x64x128xf32, #tpu.memory_space<hbm>> -> memref<64x128xf32, #tpu.memory_space<hbm>>
      %dma_wait3A_113 = arith.constant 0 : i32
      %dma_wait3A_114 = tpu.memref_slice %arg6[%arg0, %add3A_87, %dma_wait3A_113] : memref<2x10240x128xf32, #tpu.memory_space<hbm>> -> memref<1x64x128xf32, #tpu.memory_space<hbm>>
      %dma_wait3A_115 = tpu.memref_squeeze %dma_wait3A_114 : memref<1x64x128xf32, #tpu.memory_space<hbm>> -> memref<64x128xf32, #tpu.memory_space<hbm>>
      tpu.wait_dma2 semaphore(%run_scoped3A : memref<!tpu.dma_semaphore, #tpu.memory_space<semaphore_mem>>) src(%arg9 : memref<64x128xf32, #tpu.memory_space<vmem>>) dst(%dma_wait3A_115 : memref<64x128xf32, #tpu.memory_space<hbm>>)
      tpu.yield
    }) : () -> ()
    %add3A_88 = arith.constant 128 : i32
    %add3A_89 = arith.addi %mul3A_75, %add3A_88 : i32
    "tpu.region"() ({
      %run_scoped3A = tpu.sem_alloc : memref<!tpu.dma_semaphore, #tpu.memory_space<semaphore_mem>>
      %dma_start3A = arith.constant 0 : i32
      %dma_start3A_106 = tpu.memref_slice %arg11[%add3A_89, %dma_start3A] : memref<5376x128xf32, #tpu.memory_space<vmem_shared>> -> memref<64x128xf32, #tpu.memory_space<vmem_shared>>
      %dma_start3A_107 = arith.constant 0 : i32
      %dma_start3A_108 = tpu.memref_slice %arg11[%add3A_89, %dma_start3A_107] : memref<5376x128xf32, #tpu.memory_space<vmem_shared>> -> memref<64x128xf32, #tpu.memory_space<vmem_shared>>
      tpu.enqueue_dma source(%dma_start3A_108 : memref<64x128xf32, #tpu.memory_space<vmem_shared>>) target(%arg9 : memref<64x128xf32, #tpu.memory_space<vmem>>) target_semaphore(%run_scoped3A : memref<!tpu.dma_semaphore, #tpu.memory_space<semaphore_mem>>)
      %dma_wait3A = arith.constant 0 : i32
      %dma_wait3A_109 = tpu.memref_slice %arg11[%add3A_89, %dma_wait3A] : memref<5376x128xf32, #tpu.memory_space<vmem_shared>> -> memref<64x128xf32, #tpu.memory_space<vmem_shared>>
      %dma_wait3A_110 = arith.constant 0 : i32
      %dma_wait3A_111 = tpu.memref_slice %arg11[%add3A_89, %dma_wait3A_110] : memref<5376x128xf32, #tpu.memory_space<vmem_shared>> -> memref<64x128xf32, #tpu.memory_space<vmem_shared>>
      tpu.wait_dma2 semaphore(%run_scoped3A : memref<!tpu.dma_semaphore, #tpu.memory_space<semaphore_mem>>) src(%dma_wait3A_111 : memref<64x128xf32, #tpu.memory_space<vmem_shared>>) dst(%arg9 : memref<64x128xf32, #tpu.memory_space<vmem>>)
      tpu.yield
    }) : () -> ()
    %add3A_90 = arith.constant 5120 : i32
    %add3A_91 = arith.addi %add3A_90, %mul3A_75 : i32
    %add3A_92 = arith.constant 128 : i32
    %add3A_93 = arith.addi %add3A_91, %add3A_92 : i32
    "tpu.region"() ({
      %run_scoped3A = tpu.sem_alloc : memref<!tpu.dma_semaphore, #tpu.memory_space<semaphore_mem>>
      %dma_start3A = arith.constant 0 : i32
      %dma_start3A_106 = tpu.memref_slice %arg6[%arg0, %add3A_93, %dma_start3A] : memref<2x10240x128xf32, #tpu.memory_space<hbm>> -> memref<1x64x128xf32, #tpu.memory_space<hbm>>
      %dma_start3A_107 = tpu.memref_squeeze %dma_start3A_106 : memref<1x64x128xf32, #tpu.memory_space<hbm>> -> memref<64x128xf32, #tpu.memory_space<hbm>>
      %dma_start3A_108 = arith.constant 0 : i32
      %dma_start3A_109 = tpu.memref_slice %arg6[%arg0, %add3A_93, %dma_start3A_108] : memref<2x10240x128xf32, #tpu.memory_space<hbm>> -> memref<1x64x128xf32, #tpu.memory_space<hbm>>
      %dma_start3A_110 = tpu.memref_squeeze %dma_start3A_109 : memref<1x64x128xf32, #tpu.memory_space<hbm>> -> memref<64x128xf32, #tpu.memory_space<hbm>>
      tpu.enqueue_dma source(%arg9 : memref<64x128xf32, #tpu.memory_space<vmem>>) target(%dma_start3A_110 : memref<64x128xf32, #tpu.memory_space<hbm>>) target_semaphore(%run_scoped3A : memref<!tpu.dma_semaphore, #tpu.memory_space<semaphore_mem>>)
      %dma_wait3A = arith.constant 0 : i32
      %dma_wait3A_111 = tpu.memref_slice %arg6[%arg0, %add3A_93, %dma_wait3A] : memref<2x10240x128xf32, #tpu.memory_space<hbm>> -> memref<1x64x128xf32, #tpu.memory_space<hbm>>
      %dma_wait3A_112 = tpu.memref_squeeze %dma_wait3A_111 : memref<1x64x128xf32, #tpu.memory_space<hbm>> -> memref<64x128xf32, #tpu.memory_space<hbm>>
      %dma_wait3A_113 = arith.constant 0 : i32
      %dma_wait3A_114 = tpu.memref_slice %arg6[%arg0, %add3A_93, %dma_wait3A_113] : memref<2x10240x128xf32, #tpu.memory_space<hbm>> -> memref<1x64x128xf32, #tpu.memory_space<hbm>>
      %dma_wait3A_115 = tpu.memref_squeeze %dma_wait3A_114 : memref<1x64x128xf32, #tpu.memory_space<hbm>> -> memref<64x128xf32, #tpu.memory_space<hbm>>
      tpu.wait_dma2 semaphore(%run_scoped3A : memref<!tpu.dma_semaphore, #tpu.memory_space<semaphore_mem>>) src(%arg9 : memref<64x128xf32, #tpu.memory_space<vmem>>) dst(%dma_wait3A_115 : memref<64x128xf32, #tpu.memory_space<hbm>>)
      tpu.yield
    }) : () -> ()
    %add3A_94 = arith.constant 192 : i32
    %add3A_95 = arith.addi %mul3A_75, %add3A_94 : i32
    "tpu.region"() ({
      %run_scoped3A = tpu.sem_alloc : memref<!tpu.dma_semaphore, #tpu.memory_space<semaphore_mem>>
      %dma_start3A = arith.constant 0 : i32
      %dma_start3A_106 = tpu.memref_slice %arg11[%add3A_95, %dma_start3A] : memref<5376x128xf32, #tpu.memory_space<vmem_shared>> -> memref<64x128xf32, #tpu.memory_space<vmem_shared>>
      %dma_start3A_107 = arith.constant 0 : i32
      %dma_start3A_108 = tpu.memref_slice %arg11[%add3A_95, %dma_start3A_107] : memref<5376x128xf32, #tpu.memory_space<vmem_shared>> -> memref<64x128xf32, #tpu.memory_space<vmem_shared>>
      tpu.enqueue_dma source(%dma_start3A_108 : memref<64x128xf32, #tpu.memory_space<vmem_shared>>) target(%arg9 : memref<64x128xf32, #tpu.memory_space<vmem>>) target_semaphore(%run_scoped3A : memref<!tpu.dma_semaphore, #tpu.memory_space<semaphore_mem>>)
      %dma_wait3A = arith.constant 0 : i32
      %dma_wait3A_109 = tpu.memref_slice %arg11[%add3A_95, %dma_wait3A] : memref<5376x128xf32, #tpu.memory_space<vmem_shared>> -> memref<64x128xf32, #tpu.memory_space<vmem_shared>>
      %dma_wait3A_110 = arith.constant 0 : i32
      %dma_wait3A_111 = tpu.memref_slice %arg11[%add3A_95, %dma_wait3A_110] : memref<5376x128xf32, #tpu.memory_space<vmem_shared>> -> memref<64x128xf32, #tpu.memory_space<vmem_shared>>
      tpu.wait_dma2 semaphore(%run_scoped3A : memref<!tpu.dma_semaphore, #tpu.memory_space<semaphore_mem>>) src(%dma_wait3A_111 : memref<64x128xf32, #tpu.memory_space<vmem_shared>>) dst(%arg9 : memref<64x128xf32, #tpu.memory_space<vmem>>)
      tpu.yield
    }) : () -> ()
    %add3A_96 = arith.constant 5120 : i32
    %add3A_97 = arith.addi %add3A_96, %mul3A_75 : i32
    %add3A_98 = arith.constant 192 : i32
    %add3A_99 = arith.addi %add3A_97, %add3A_98 : i32
    "tpu.region"() ({
      %run_scoped3A = tpu.sem_alloc : memref<!tpu.dma_semaphore, #tpu.memory_space<semaphore_mem>>
      %dma_start3A = arith.constant 0 : i32
      %dma_start3A_106 = tpu.memref_slice %arg6[%arg0, %add3A_99, %dma_start3A] : memref<2x10240x128xf32, #tpu.memory_space<hbm>> -> memref<1x64x128xf32, #tpu.memory_space<hbm>>
      %dma_start3A_107 = tpu.memref_squeeze %dma_start3A_106 : memref<1x64x128xf32, #tpu.memory_space<hbm>> -> memref<64x128xf32, #tpu.memory_space<hbm>>
      %dma_start3A_108 = arith.constant 0 : i32
      %dma_start3A_109 = tpu.memref_slice %arg6[%arg0, %add3A_99, %dma_start3A_108] : memref<2x10240x128xf32, #tpu.memory_space<hbm>> -> memref<1x64x128xf32, #tpu.memory_space<hbm>>
      %dma_start3A_110 = tpu.memref_squeeze %dma_start3A_109 : memref<1x64x128xf32, #tpu.memory_space<hbm>> -> memref<64x128xf32, #tpu.memory_space<hbm>>
      tpu.enqueue_dma source(%arg9 : memref<64x128xf32, #tpu.memory_space<vmem>>) target(%dma_start3A_110 : memref<64x128xf32, #tpu.memory_space<hbm>>) target_semaphore(%run_scoped3A : memref<!tpu.dma_semaphore, #tpu.memory_space<semaphore_mem>>)
      %dma_wait3A = arith.constant 0 : i32
      %dma_wait3A_111 = tpu.memref_slice %arg6[%arg0, %add3A_99, %dma_wait3A] : memref<2x10240x128xf32, #tpu.memory_space<hbm>> -> memref<1x64x128xf32, #tpu.memory_space<hbm>>
      %dma_wait3A_112 = tpu.memref_squeeze %dma_wait3A_111 : memref<1x64x128xf32, #tpu.memory_space<hbm>> -> memref<64x128xf32, #tpu.memory_space<hbm>>
      %dma_wait3A_113 = arith.constant 0 : i32
      %dma_wait3A_114 = tpu.memref_slice %arg6[%arg0, %add3A_99, %dma_wait3A_113] : memref<2x10240x128xf32, #tpu.memory_space<hbm>> -> memref<1x64x128xf32, #tpu.memory_space<hbm>>
      %dma_wait3A_115 = tpu.memref_squeeze %dma_wait3A_114 : memref<1x64x128xf32, #tpu.memory_space<hbm>> -> memref<64x128xf32, #tpu.memory_space<hbm>>
      tpu.wait_dma2 semaphore(%run_scoped3A : memref<!tpu.dma_semaphore, #tpu.memory_space<semaphore_mem>>) src(%arg9 : memref<64x128xf32, #tpu.memory_space<vmem>>) dst(%dma_wait3A_115 : memref<64x128xf32, #tpu.memory_space<hbm>>)
      tpu.yield
    }) : () -> ()
    %add3A_100 = arith.constant 256 : i32
    %add3A_101 = arith.addi %mul3A_75, %add3A_100 : i32
    "tpu.region"() ({
      %run_scoped3A = tpu.sem_alloc : memref<!tpu.dma_semaphore, #tpu.memory_space<semaphore_mem>>
      %dma_start3A = arith.constant 0 : i32
      %dma_start3A_106 = tpu.memref_slice %arg11[%add3A_101, %dma_start3A] : memref<5376x128xf32, #tpu.memory_space<vmem_shared>> -> memref<64x128xf32, #tpu.memory_space<vmem_shared>>
      %dma_start3A_107 = arith.constant 0 : i32
      %dma_start3A_108 = tpu.memref_slice %arg11[%add3A_101, %dma_start3A_107] : memref<5376x128xf32, #tpu.memory_space<vmem_shared>> -> memref<64x128xf32, #tpu.memory_space<vmem_shared>>
      tpu.enqueue_dma source(%dma_start3A_108 : memref<64x128xf32, #tpu.memory_space<vmem_shared>>) target(%arg9 : memref<64x128xf32, #tpu.memory_space<vmem>>) target_semaphore(%run_scoped3A : memref<!tpu.dma_semaphore, #tpu.memory_space<semaphore_mem>>)
      %dma_wait3A = arith.constant 0 : i32
      %dma_wait3A_109 = tpu.memref_slice %arg11[%add3A_101, %dma_wait3A] : memref<5376x128xf32, #tpu.memory_space<vmem_shared>> -> memref<64x128xf32, #tpu.memory_space<vmem_shared>>
      %dma_wait3A_110 = arith.constant 0 : i32
      %dma_wait3A_111 = tpu.memref_slice %arg11[%add3A_101, %dma_wait3A_110] : memref<5376x128xf32, #tpu.memory_space<vmem_shared>> -> memref<64x128xf32, #tpu.memory_space<vmem_shared>>
      tpu.wait_dma2 semaphore(%run_scoped3A : memref<!tpu.dma_semaphore, #tpu.memory_space<semaphore_mem>>) src(%dma_wait3A_111 : memref<64x128xf32, #tpu.memory_space<vmem_shared>>) dst(%arg9 : memref<64x128xf32, #tpu.memory_space<vmem>>)
      tpu.yield
    }) : () -> ()
    %add3A_102 = arith.constant 5120 : i32
    %add3A_103 = arith.addi %add3A_102, %mul3A_75 : i32
    %add3A_104 = arith.constant 256 : i32
    %add3A_105 = arith.addi %add3A_103, %add3A_104 : i32
    "tpu.region"() ({
      %run_scoped3A = tpu.sem_alloc : memref<!tpu.dma_semaphore, #tpu.memory_space<semaphore_mem>>
      %dma_start3A = arith.constant 0 : i32
      %dma_start3A_106 = tpu.memref_slice %arg6[%arg0, %add3A_105, %dma_start3A] : memref<2x10240x128xf32, #tpu.memory_space<hbm>> -> memref<1x64x128xf32, #tpu.memory_space<hbm>>
      %dma_start3A_107 = tpu.memref_squeeze %dma_start3A_106 : memref<1x64x128xf32, #tpu.memory_space<hbm>> -> memref<64x128xf32, #tpu.memory_space<hbm>>
      %dma_start3A_108 = arith.constant 0 : i32
      %dma_start3A_109 = tpu.memref_slice %arg6[%arg0, %add3A_105, %dma_start3A_108] : memref<2x10240x128xf32, #tpu.memory_space<hbm>> -> memref<1x64x128xf32, #tpu.memory_space<hbm>>
      %dma_start3A_110 = tpu.memref_squeeze %dma_start3A_109 : memref<1x64x128xf32, #tpu.memory_space<hbm>> -> memref<64x128xf32, #tpu.memory_space<hbm>>
      tpu.enqueue_dma source(%arg9 : memref<64x128xf32, #tpu.memory_space<vmem>>) target(%dma_start3A_110 : memref<64x128xf32, #tpu.memory_space<hbm>>) target_semaphore(%run_scoped3A : memref<!tpu.dma_semaphore, #tpu.memory_space<semaphore_mem>>)
      %dma_wait3A = arith.constant 0 : i32
      %dma_wait3A_111 = tpu.memref_slice %arg6[%arg0, %add3A_105, %dma_wait3A] : memref<2x10240x128xf32, #tpu.memory_space<hbm>> -> memref<1x64x128xf32, #tpu.memory_space<hbm>>
      %dma_wait3A_112 = tpu.memref_squeeze %dma_wait3A_111 : memref<1x64x128xf32, #tpu.memory_space<hbm>> -> memref<64x128xf32, #tpu.memory_space<hbm>>
      %dma_wait3A_113 = arith.constant 0 : i32
      %dma_wait3A_114 = tpu.memref_slice %arg6[%arg0, %add3A_105, %dma_wait3A_113] : memref<2x10240x128xf32, #tpu.memory_space<hbm>> -> memref<1x64x128xf32, #tpu.memory_space<hbm>>
      %dma_wait3A_115 = tpu.memref_squeeze %dma_wait3A_114 : memref<1x64x128xf32, #tpu.memory_space<hbm>> -> memref<64x128xf32, #tpu.memory_space<hbm>>
      tpu.wait_dma2 semaphore(%run_scoped3A : memref<!tpu.dma_semaphore, #tpu.memory_space<semaphore_mem>>) src(%arg9 : memref<64x128xf32, #tpu.memory_space<vmem>>) dst(%dma_wait3A_115 : memref<64x128xf32, #tpu.memory_space<hbm>>)
      tpu.yield
    }) : () -> ()
    return
  }
}

#map = affine_map<(d0, d1) -> (0, 0)>
#map1 = affine_map<(d0, d1) -> (0, 0, 0, 0)>
#map2 = affine_map<(d0, d1) -> (0, 0, 0)>
module attributes {stable_mosaic.version = 14 : i64} {
  func.func @body(%arg0: i32, %arg1: i32, %arg2: memref<20480x128xf32, #tpu.memory_space<hbm>>, %arg3: memref<2x80x64x64xi32, #tpu.memory_space<hbm>>, %arg4: memref<2x80x64x64xi32, #tpu.memory_space<hbm>>, %arg5: memref<64x128xf32, #tpu.memory_space<hbm>>, %arg6: memref<2x10240x128xf32, #tpu.memory_space<hbm>>, %arg7: memref<64x64xi32, #tpu.memory_space<vmem>>, %arg8: memref<64x64xi32, #tpu.memory_space<vmem>>, %arg9: memref<64x128xf32, #tpu.memory_space<vmem>>, %arg10: memref<64x128xf32, #tpu.memory_space<vmem>>, %arg11: memref<5376x128xf32, #tpu.memory_space<vmem_shared>>, %arg12: memref<!tpu.dma_semaphore, #tpu.memory_space<semaphore_mem>>, %arg13: memref<!tpu.dma_semaphore, #tpu.memory_space<semaphore_mem>>, %arg14: memref<!tpu.dma_semaphore, #tpu.memory_space<semaphore_mem>>, %arg15: memref<!tpu.dma_semaphore, #tpu.memory_space<semaphore_mem>>) attributes {dimension_semantics = [#tpu.dimension_semantics<core_parallel>, #tpu.dimension_semantics<subcore_parallel>], iteration_bounds = array<i64: 2, 16>, scalar_prefetch = 0 : i64, scratch_operands = 9 : i64, tpu.core_type = #tpu.core_type<sc_vector_subcore>, window_params = [{transform_indices = #map}, {transform_indices = #map1}, {transform_indices = #map1}, {transform_indices = #map}, {transform_indices = #map2}]} {
    %mul3A = arith.constant 336 : i32
    %mul3A_0 = arith.muli %arg1, %mul3A : i32
    "tpu.region"() ({
      %run_scoped3A = tpu.sem_alloc : memref<!tpu.dma_semaphore, #tpu.memory_space<semaphore_mem>>
      tpu.enqueue_dma source(%arg5 : memref<64x128xf32, #tpu.memory_space<hbm>>) target(%arg9 : memref<64x128xf32, #tpu.memory_space<vmem>>) target_semaphore(%run_scoped3A : memref<!tpu.dma_semaphore, #tpu.memory_space<semaphore_mem>>)
      tpu.wait_dma2 semaphore(%run_scoped3A : memref<!tpu.dma_semaphore, #tpu.memory_space<semaphore_mem>>) src(%arg5 : memref<64x128xf32, #tpu.memory_space<hbm>>) dst(%arg9 : memref<64x128xf32, #tpu.memory_space<vmem>>)
      tpu.yield
    }) : () -> ()
    %add3A = arith.constant 0 : i32
    %add3A_1 = arith.addi %mul3A_0, %add3A : i32
    "tpu.region"() ({
      %run_scoped3A = tpu.sem_alloc : memref<!tpu.dma_semaphore, #tpu.memory_space<semaphore_mem>>
      %dma_start3A = arith.constant 0 : i32
      %dma_start3A_106 = tpu.memref_slice %arg11[%add3A_1, %dma_start3A] : memref<5376x128xf32, #tpu.memory_space<vmem_shared>> -> memref<64x128xf32, #tpu.memory_space<vmem_shared>>
      %dma_start3A_107 = arith.constant 0 : i32
      %dma_start3A_108 = tpu.memref_slice %arg11[%add3A_1, %dma_start3A_107] : memref<5376x128xf32, #tpu.memory_space<vmem_shared>> -> memref<64x128xf32, #tpu.memory_space<vmem_shared>>
      tpu.enqueue_dma source(%arg9 : memref<64x128xf32, #tpu.memory_space<vmem>>) target(%dma_start3A_108 : memref<64x128xf32, #tpu.memory_space<vmem_shared>>) target_semaphore(%run_scoped3A : memref<!tpu.dma_semaphore, #tpu.memory_space<semaphore_mem>>)
      %dma_wait3A = arith.constant 0 : i32
      %dma_wait3A_109 = tpu.memref_slice %arg11[%add3A_1, %dma_wait3A] : memref<5376x128xf32, #tpu.memory_space<vmem_shared>> -> memref<64x128xf32, #tpu.memory_space<vmem_shared>>
      %dma_wait3A_110 = arith.constant 0 : i32
      %dma_wait3A_111 = tpu.memref_slice %arg11[%add3A_1, %dma_wait3A_110] : memref<5376x128xf32, #tpu.memory_space<vmem_shared>> -> memref<64x128xf32, #tpu.memory_space<vmem_shared>>
      tpu.wait_dma2 semaphore(%run_scoped3A : memref<!tpu.dma_semaphore, #tpu.memory_space<semaphore_mem>>) src(%arg9 : memref<64x128xf32, #tpu.memory_space<vmem>>) dst(%dma_wait3A_111 : memref<64x128xf32, #tpu.memory_space<vmem_shared>>)
      tpu.yield
    }) : () -> ()
    %add3A_2 = arith.constant 64 : i32
    %add3A_3 = arith.addi %mul3A_0, %add3A_2 : i32
    "tpu.region"() ({
      %run_scoped3A = tpu.sem_alloc : memref<!tpu.dma_semaphore, #tpu.memory_space<semaphore_mem>>
      %dma_start3A = arith.constant 0 : i32
      %dma_start3A_106 = tpu.memref_slice %arg11[%add3A_3, %dma_start3A] : memref<5376x128xf32, #tpu.memory_space<vmem_shared>> -> memref<64x128xf32, #tpu.memory_space<vmem_shared>>
      %dma_start3A_107 = arith.constant 0 : i32
      %dma_start3A_108 = tpu.memref_slice %arg11[%add3A_3, %dma_start3A_107] : memref<5376x128xf32, #tpu.memory_space<vmem_shared>> -> memref<64x128xf32, #tpu.memory_space<vmem_shared>>
      tpu.enqueue_dma source(%arg9 : memref<64x128xf32, #tpu.memory_space<vmem>>) target(%dma_start3A_108 : memref<64x128xf32, #tpu.memory_space<vmem_shared>>) target_semaphore(%run_scoped3A : memref<!tpu.dma_semaphore, #tpu.memory_space<semaphore_mem>>)
      %dma_wait3A = arith.constant 0 : i32
      %dma_wait3A_109 = tpu.memref_slice %arg11[%add3A_3, %dma_wait3A] : memref<5376x128xf32, #tpu.memory_space<vmem_shared>> -> memref<64x128xf32, #tpu.memory_space<vmem_shared>>
      %dma_wait3A_110 = arith.constant 0 : i32
      %dma_wait3A_111 = tpu.memref_slice %arg11[%add3A_3, %dma_wait3A_110] : memref<5376x128xf32, #tpu.memory_space<vmem_shared>> -> memref<64x128xf32, #tpu.memory_space<vmem_shared>>
      tpu.wait_dma2 semaphore(%run_scoped3A : memref<!tpu.dma_semaphore, #tpu.memory_space<semaphore_mem>>) src(%arg9 : memref<64x128xf32, #tpu.memory_space<vmem>>) dst(%dma_wait3A_111 : memref<64x128xf32, #tpu.memory_space<vmem_shared>>)
      tpu.yield
    }) : () -> ()
    %add3A_4 = arith.constant 128 : i32
    %add3A_5 = arith.addi %mul3A_0, %add3A_4 : i32
    "tpu.region"() ({
      %run_scoped3A = tpu.sem_alloc : memref<!tpu.dma_semaphore, #tpu.memory_space<semaphore_mem>>
      %dma_start3A = arith.constant 0 : i32
      %dma_start3A_106 = tpu.memref_slice %arg11[%add3A_5, %dma_start3A] : memref<5376x128xf32, #tpu.memory_space<vmem_shared>> -> memref<64x128xf32, #tpu.memory_space<vmem_shared>>
      %dma_start3A_107 = arith.constant 0 : i32
      %dma_start3A_108 = tpu.memref_slice %arg11[%add3A_5, %dma_start3A_107] : memref<5376x128xf32, #tpu.memory_space<vmem_shared>> -> memref<64x128xf32, #tpu.memory_space<vmem_shared>>
      tpu.enqueue_dma source(%arg9 : memref<64x128xf32, #tpu.memory_space<vmem>>) target(%dma_start3A_108 : memref<64x128xf32, #tpu.memory_space<vmem_shared>>) target_semaphore(%run_scoped3A : memref<!tpu.dma_semaphore, #tpu.memory_space<semaphore_mem>>)
      %dma_wait3A = arith.constant 0 : i32
      %dma_wait3A_109 = tpu.memref_slice %arg11[%add3A_5, %dma_wait3A] : memref<5376x128xf32, #tpu.memory_space<vmem_shared>> -> memref<64x128xf32, #tpu.memory_space<vmem_shared>>
      %dma_wait3A_110 = arith.constant 0 : i32
      %dma_wait3A_111 = tpu.memref_slice %arg11[%add3A_5, %dma_wait3A_110] : memref<5376x128xf32, #tpu.memory_space<vmem_shared>> -> memref<64x128xf32, #tpu.memory_space<vmem_shared>>
      tpu.wait_dma2 semaphore(%run_scoped3A : memref<!tpu.dma_semaphore, #tpu.memory_space<semaphore_mem>>) src(%arg9 : memref<64x128xf32, #tpu.memory_space<vmem>>) dst(%dma_wait3A_111 : memref<64x128xf32, #tpu.memory_space<vmem_shared>>)
      tpu.yield
    }) : () -> ()
    %add3A_6 = arith.constant 192 : i32
    %add3A_7 = arith.addi %mul3A_0, %add3A_6 : i32
    "tpu.region"() ({
      %run_scoped3A = tpu.sem_alloc : memref<!tpu.dma_semaphore, #tpu.memory_space<semaphore_mem>>
      %dma_start3A = arith.constant 0 : i32
      %dma_start3A_106 = tpu.memref_slice %arg11[%add3A_7, %dma_start3A] : memref<5376x128xf32, #tpu.memory_space<vmem_shared>> -> memref<64x128xf32, #tpu.memory_space<vmem_shared>>
      %dma_start3A_107 = arith.constant 0 : i32
      %dma_start3A_108 = tpu.memref_slice %arg11[%add3A_7, %dma_start3A_107] : memref<5376x128xf32, #tpu.memory_space<vmem_shared>> -> memref<64x128xf32, #tpu.memory_space<vmem_shared>>
      tpu.enqueue_dma source(%arg9 : memref<64x128xf32, #tpu.memory_space<vmem>>) target(%dma_start3A_108 : memref<64x128xf32, #tpu.memory_space<vmem_shared>>) target_semaphore(%run_scoped3A : memref<!tpu.dma_semaphore, #tpu.memory_space<semaphore_mem>>)
      %dma_wait3A = arith.constant 0 : i32
      %dma_wait3A_109 = tpu.memref_slice %arg11[%add3A_7, %dma_wait3A] : memref<5376x128xf32, #tpu.memory_space<vmem_shared>> -> memref<64x128xf32, #tpu.memory_space<vmem_shared>>
      %dma_wait3A_110 = arith.constant 0 : i32
      %dma_wait3A_111 = tpu.memref_slice %arg11[%add3A_7, %dma_wait3A_110] : memref<5376x128xf32, #tpu.memory_space<vmem_shared>> -> memref<64x128xf32, #tpu.memory_space<vmem_shared>>
      tpu.wait_dma2 semaphore(%run_scoped3A : memref<!tpu.dma_semaphore, #tpu.memory_space<semaphore_mem>>) src(%arg9 : memref<64x128xf32, #tpu.memory_space<vmem>>) dst(%dma_wait3A_111 : memref<64x128xf32, #tpu.memory_space<vmem_shared>>)
      tpu.yield
    }) : () -> ()
    %add3A_8 = arith.constant 256 : i32
    %add3A_9 = arith.addi %mul3A_0, %add3A_8 : i32
    "tpu.region"() ({
      %run_scoped3A = tpu.sem_alloc : memref<!tpu.dma_semaphore, #tpu.memory_space<semaphore_mem>>
      %dma_start3A = arith.constant 0 : i32
      %dma_start3A_106 = tpu.memref_slice %arg11[%add3A_9, %dma_start3A] : memref<5376x128xf32, #tpu.memory_space<vmem_shared>> -> memref<64x128xf32, #tpu.memory_space<vmem_shared>>
      %dma_start3A_107 = arith.constant 0 : i32
      %dma_start3A_108 = tpu.memref_slice %arg11[%add3A_9, %dma_start3A_107] : memref<5376x128xf32, #tpu.memory_space<vmem_shared>> -> memref<64x128xf32, #tpu.memory_space<vmem_shared>>
      tpu.enqueue_dma source(%arg9 : memref<64x128xf32, #tpu.memory_space<vmem>>) target(%dma_start3A_108 : memref<64x128xf32, #tpu.memory_space<vmem_shared>>) target_semaphore(%run_scoped3A : memref<!tpu.dma_semaphore, #tpu.memory_space<semaphore_mem>>)
      %dma_wait3A = arith.constant 0 : i32
      %dma_wait3A_109 = tpu.memref_slice %arg11[%add3A_9, %dma_wait3A] : memref<5376x128xf32, #tpu.memory_space<vmem_shared>> -> memref<64x128xf32, #tpu.memory_space<vmem_shared>>
      %dma_wait3A_110 = arith.constant 0 : i32
      %dma_wait3A_111 = tpu.memref_slice %arg11[%add3A_9, %dma_wait3A_110] : memref<5376x128xf32, #tpu.memory_space<vmem_shared>> -> memref<64x128xf32, #tpu.memory_space<vmem_shared>>
      tpu.wait_dma2 semaphore(%run_scoped3A : memref<!tpu.dma_semaphore, #tpu.memory_space<semaphore_mem>>) src(%arg9 : memref<64x128xf32, #tpu.memory_space<vmem>>) dst(%dma_wait3A_111 : memref<64x128xf32, #tpu.memory_space<vmem_shared>>)
      tpu.yield
    }) : () -> ()
    %add3A_10 = arith.constant 320 : i32
    %add3A_11 = arith.addi %mul3A_0, %add3A_10 : i32
    "tpu.region"() ({
      %run_scoped3A = tpu.sem_alloc : memref<!tpu.dma_semaphore, #tpu.memory_space<semaphore_mem>>
      %dma_start3A = arith.constant 0 : i32
      %dma_start3A_106 = arith.constant 0 : i32
      %dma_start3A_107 = tpu.memref_slice %arg9[%dma_start3A, %dma_start3A_106] : memref<64x128xf32, #tpu.memory_space<vmem>> -> memref<16x128xf32, #tpu.memory_space<vmem>>
      %dma_start3A_108 = arith.constant 0 : i32
      %dma_start3A_109 = tpu.memref_slice %arg11[%add3A_11, %dma_start3A_108] : memref<5376x128xf32, #tpu.memory_space<vmem_shared>> -> memref<16x128xf32, #tpu.memory_space<vmem_shared>>
      %dma_start3A_110 = arith.constant 0 : i32
      %dma_start3A_111 = tpu.memref_slice %arg11[%add3A_11, %dma_start3A_110] : memref<5376x128xf32, #tpu.memory_space<vmem_shared>> -> memref<16x128xf32, #tpu.memory_space<vmem_shared>>
      %dma_start3A_112 = arith.constant 0 : i32
      %dma_start3A_113 = arith.constant 0 : i32
      %dma_start3A_114 = tpu.memref_slice %arg9[%dma_start3A_112, %dma_start3A_113] : memref<64x128xf32, #tpu.memory_space<vmem>> -> memref<16x128xf32, #tpu.memory_space<vmem>>
      tpu.enqueue_dma source(%dma_start3A_114 : memref<16x128xf32, #tpu.memory_space<vmem>>) target(%dma_start3A_111 : memref<16x128xf32, #tpu.memory_space<vmem_shared>>) target_semaphore(%run_scoped3A : memref<!tpu.dma_semaphore, #tpu.memory_space<semaphore_mem>>)
      %dma_wait3A = arith.constant 0 : i32
      %dma_wait3A_115 = arith.constant 0 : i32
      %dma_wait3A_116 = tpu.memref_slice %arg9[%dma_wait3A, %dma_wait3A_115] : memref<64x128xf32, #tpu.memory_space<vmem>> -> memref<16x128xf32, #tpu.memory_space<vmem>>
      %dma_wait3A_117 = arith.constant 0 : i32
      %dma_wait3A_118 = tpu.memref_slice %arg11[%add3A_11, %dma_wait3A_117] : memref<5376x128xf32, #tpu.memory_space<vmem_shared>> -> memref<16x128xf32, #tpu.memory_space<vmem_shared>>
      %dma_wait3A_119 = arith.constant 0 : i32
      %dma_wait3A_120 = tpu.memref_slice %arg11[%add3A_11, %dma_wait3A_119] : memref<5376x128xf32, #tpu.memory_space<vmem_shared>> -> memref<16x128xf32, #tpu.memory_space<vmem_shared>>
      %dma_wait3A_121 = arith.constant 0 : i32
      %dma_wait3A_122 = arith.constant 0 : i32
      %dma_wait3A_123 = tpu.memref_slice %arg9[%dma_wait3A_121, %dma_wait3A_122] : memref<64x128xf32, #tpu.memory_space<vmem>> -> memref<16x128xf32, #tpu.memory_space<vmem>>
      tpu.wait_dma2 semaphore(%run_scoped3A : memref<!tpu.dma_semaphore, #tpu.memory_space<semaphore_mem>>) src(%dma_wait3A_123 : memref<16x128xf32, #tpu.memory_space<vmem>>) dst(%dma_wait3A_120 : memref<16x128xf32, #tpu.memory_space<vmem_shared>>)
      tpu.yield
    }) : () -> ()
    %barrier3A = arith.constant 0 : index
    tpu.barrier barrier_id(%barrier3A)
    %scan3A = arith.constant 0 : i32
    %scan3A_12 = arith.constant 0 : i32
    %scan3A_13 = arith.constant 5 : i32
    %scan3A_14 = arith.addi %scan3A_12, %scan3A_13 : i32
    %scan3A_15 = arith.constant 1 : i32
    %scan3A_16 = scf.for %scan3A_106 = %scan3A_12 to %scan3A_14 step %scan3A_15 iter_args(%scan3A_107 = %scan3A) -> (i32)  : i32 {
      %mul3A_108 = arith.constant 5 : i32
      %mul3A_109 = arith.muli %arg1, %mul3A_108 : i32
      %add3A_110 = arith.addi %mul3A_109, %scan3A_106 : i32
      "tpu.region"() ({
        %run_scoped3A_176 = tpu.sem_alloc : memref<!tpu.dma_semaphore, #tpu.memory_space<semaphore_mem>>
        %dma_start3A_177 = arith.constant 0 : i32
        %dma_start3A_178 = arith.constant 0 : i32
        %dma_start3A_179 = tpu.memref_slice %arg3[%arg0, %add3A_110, %dma_start3A_177, %dma_start3A_178] : memref<2x80x64x64xi32, #tpu.memory_space<hbm>> -> memref<1x1x64x64xi32, #tpu.memory_space<hbm>>
        %dma_start3A_180 = tpu.memref_squeeze %dma_start3A_179 : memref<1x1x64x64xi32, #tpu.memory_space<hbm>> -> memref<64x64xi32, #tpu.memory_space<hbm>>
        %dma_start3A_181 = arith.constant 0 : i32
        %dma_start3A_182 = arith.constant 0 : i32
        %dma_start3A_183 = tpu.memref_slice %arg3[%arg0, %add3A_110, %dma_start3A_181, %dma_start3A_182] : memref<2x80x64x64xi32, #tpu.memory_space<hbm>> -> memref<1x1x64x64xi32, #tpu.memory_space<hbm>>
        %dma_start3A_184 = tpu.memref_squeeze %dma_start3A_183 : memref<1x1x64x64xi32, #tpu.memory_space<hbm>> -> memref<64x64xi32, #tpu.memory_space<hbm>>
        tpu.enqueue_dma source(%dma_start3A_184 : memref<64x64xi32, #tpu.memory_space<hbm>>) target(%arg7 : memref<64x64xi32, #tpu.memory_space<vmem>>) target_semaphore(%run_scoped3A_176 : memref<!tpu.dma_semaphore, #tpu.memory_space<semaphore_mem>>)
        %dma_wait3A_185 = arith.constant 0 : i32
        %dma_wait3A_186 = arith.constant 0 : i32
        %dma_wait3A_187 = tpu.memref_slice %arg3[%arg0, %add3A_110, %dma_wait3A_185, %dma_wait3A_186] : memref<2x80x64x64xi32, #tpu.memory_space<hbm>> -> memref<1x1x64x64xi32, #tpu.memory_space<hbm>>
        %dma_wait3A_188 = tpu.memref_squeeze %dma_wait3A_187 : memref<1x1x64x64xi32, #tpu.memory_space<hbm>> -> memref<64x64xi32, #tpu.memory_space<hbm>>
        %dma_wait3A_189 = arith.constant 0 : i32
        %dma_wait3A_190 = arith.constant 0 : i32
        %dma_wait3A_191 = tpu.memref_slice %arg3[%arg0, %add3A_110, %dma_wait3A_189, %dma_wait3A_190] : memref<2x80x64x64xi32, #tpu.memory_space<hbm>> -> memref<1x1x64x64xi32, #tpu.memory_space<hbm>>
        %dma_wait3A_192 = tpu.memref_squeeze %dma_wait3A_191 : memref<1x1x64x64xi32, #tpu.memory_space<hbm>> -> memref<64x64xi32, #tpu.memory_space<hbm>>
        tpu.wait_dma2 semaphore(%run_scoped3A_176 : memref<!tpu.dma_semaphore, #tpu.memory_space<semaphore_mem>>) src(%dma_wait3A_192 : memref<64x64xi32, #tpu.memory_space<hbm>>) dst(%arg7 : memref<64x64xi32, #tpu.memory_space<vmem>>)
        tpu.yield
      }) : () -> ()
      %mul3A_111 = arith.constant 5 : i32
      %mul3A_112 = arith.muli %arg1, %mul3A_111 : i32
      %add3A_113 = arith.addi %mul3A_112, %scan3A_106 : i32
      %run_scoped3A = arith.constant 0 : i32
      "tpu.region"() ({
        %run_scoped3A_176 = tpu.sem_alloc : memref<!tpu.dma_semaphore, #tpu.memory_space<semaphore_mem>>
        %dma_start3A_177 = arith.constant 0 : i32
        %dma_start3A_178 = arith.constant 0 : i32
        %dma_start3A_179 = tpu.memref_slice %arg4[%run_scoped3A, %add3A_113, %dma_start3A_177, %dma_start3A_178] : memref<2x80x64x64xi32, #tpu.memory_space<hbm>> -> memref<1x1x64x64xi32, #tpu.memory_space<hbm>>
        %dma_start3A_180 = tpu.memref_squeeze %dma_start3A_179 : memref<1x1x64x64xi32, #tpu.memory_space<hbm>> -> memref<64x64xi32, #tpu.memory_space<hbm>>
        %dma_start3A_181 = arith.constant 0 : i32
        %dma_start3A_182 = arith.constant 0 : i32
        %dma_start3A_183 = tpu.memref_slice %arg4[%run_scoped3A, %add3A_113, %dma_start3A_181, %dma_start3A_182] : memref<2x80x64x64xi32, #tpu.memory_space<hbm>> -> memref<1x1x64x64xi32, #tpu.memory_space<hbm>>
        %dma_start3A_184 = tpu.memref_squeeze %dma_start3A_183 : memref<1x1x64x64xi32, #tpu.memory_space<hbm>> -> memref<64x64xi32, #tpu.memory_space<hbm>>
        tpu.enqueue_dma source(%dma_start3A_184 : memref<64x64xi32, #tpu.memory_space<hbm>>) target(%arg8 : memref<64x64xi32, #tpu.memory_space<vmem>>) target_semaphore(%run_scoped3A_176 : memref<!tpu.dma_semaphore, #tpu.memory_space<semaphore_mem>>)
        %dma_wait3A_185 = arith.constant 0 : i32
        %dma_wait3A_186 = arith.constant 0 : i32
        %dma_wait3A_187 = tpu.memref_slice %arg4[%run_scoped3A, %add3A_113, %dma_wait3A_185, %dma_wait3A_186] : memref<2x80x64x64xi32, #tpu.memory_space<hbm>> -> memref<1x1x64x64xi32, #tpu.memory_space<hbm>>
        %dma_wait3A_188 = tpu.memref_squeeze %dma_wait3A_187 : memref<1x1x64x64xi32, #tpu.memory_space<hbm>> -> memref<64x64xi32, #tpu.memory_space<hbm>>
        %dma_wait3A_189 = arith.constant 0 : i32
        %dma_wait3A_190 = arith.constant 0 : i32
        %dma_wait3A_191 = tpu.memref_slice %arg4[%run_scoped3A, %add3A_113, %dma_wait3A_189, %dma_wait3A_190] : memref<2x80x64x64xi32, #tpu.memory_space<hbm>> -> memref<1x1x64x64xi32, #tpu.memory_space<hbm>>
        %dma_wait3A_192 = tpu.memref_squeeze %dma_wait3A_191 : memref<1x1x64x64xi32, #tpu.memory_space<hbm>> -> memref<64x64xi32, #tpu.memory_space<hbm>>
        tpu.wait_dma2 semaphore(%run_scoped3A_176 : memref<!tpu.dma_semaphore, #tpu.memory_space<semaphore_mem>>) src(%dma_wait3A_192 : memref<64x64xi32, #tpu.memory_space<hbm>>) dst(%arg8 : memref<64x64xi32, #tpu.memory_space<vmem>>)
        tpu.yield
      }) : () -> ()
      %dma_start3A = arith.constant 0 : i32
      %dma_start3A_114 = arith.constant 0 : i32
      %dma_start3A_115 = tpu.memref_slice %arg7[%dma_start3A, %dma_start3A_114] : memref<64x64xi32, #tpu.memory_space<vmem>> -> memref<1x64xi32, #tpu.memory_space<vmem>>
      %dma_start3A_116 = tpu.memref_squeeze %dma_start3A_115 : memref<1x64xi32, #tpu.memory_space<vmem>> -> memref<64xi32, #tpu.memory_space<vmem>>
      %dma_start3A_117 = arith.constant 0 : i32
      %dma_start3A_118 = arith.constant 0 : i32
      %dma_start3A_119 = tpu.memref_slice %arg2[%dma_start3A_117, %dma_start3A_118] : memref<20480x128xf32, #tpu.memory_space<hbm>> -> memref<20480x128xf32, #tpu.memory_space<hbm>>
      tpu.enqueue_indirect_dma source(%dma_start3A_119 : memref<20480x128xf32, #tpu.memory_space<hbm>>) target(%arg9 : memref<64x128xf32, #tpu.memory_space<vmem>>) offsets(%dma_start3A_116 : memref<64xi32, #tpu.memory_space<vmem>>) semaphore(%arg12 : memref<!tpu.dma_semaphore, #tpu.memory_space<semaphore_mem>>)
      %dma_start3A_120 = arith.constant 1 : i32
      %dma_start3A_121 = arith.constant 0 : i32
      %dma_start3A_122 = tpu.memref_slice %arg7[%dma_start3A_120, %dma_start3A_121] : memref<64x64xi32, #tpu.memory_space<vmem>> -> memref<1x64xi32, #tpu.memory_space<vmem>>
      %dma_start3A_123 = tpu.memref_squeeze %dma_start3A_122 : memref<1x64xi32, #tpu.memory_space<vmem>> -> memref<64xi32, #tpu.memory_space<vmem>>
      %dma_start3A_124 = arith.constant 0 : i32
      %dma_start3A_125 = arith.constant 0 : i32
      %dma_start3A_126 = tpu.memref_slice %arg2[%dma_start3A_124, %dma_start3A_125] : memref<20480x128xf32, #tpu.memory_space<hbm>> -> memref<20480x128xf32, #tpu.memory_space<hbm>>
      tpu.enqueue_indirect_dma source(%dma_start3A_126 : memref<20480x128xf32, #tpu.memory_space<hbm>>) target(%arg10 : memref<64x128xf32, #tpu.memory_space<vmem>>) offsets(%dma_start3A_123 : memref<64xi32, #tpu.memory_space<vmem>>) semaphore(%arg13 : memref<!tpu.dma_semaphore, #tpu.memory_space<semaphore_mem>>)
      %scan3A_127 = arith.constant 0 : i32
      %scan3A_128 = arith.constant 0 : i32
      %scan3A_129 = arith.constant 31 : i32
      %scan3A_130 = arith.addi %scan3A_128, %scan3A_129 : i32
      %scan3A_131 = arith.constant 1 : i32
      %scan3A_132 = scf.for %scan3A_176 = %scan3A_128 to %scan3A_130 step %scan3A_131 iter_args(%scan3A_177 = %scan3A_127) -> (i32)  : i32 {
        %mul3A_178 = arith.constant 2 : i32
        %mul3A_179 = arith.muli %mul3A_178, %scan3A_176 : i32
        %dma_wait3A_180 = arith.constant 0 : i32
        %dma_wait3A_181 = tpu.memref_slice %arg7[%mul3A_179, %dma_wait3A_180] : memref<64x64xi32, #tpu.memory_space<vmem>> -> memref<1x64xi32, #tpu.memory_space<vmem>>
        %dma_wait3A_182 = tpu.memref_squeeze %dma_wait3A_181 : memref<1x64xi32, #tpu.memory_space<vmem>> -> memref<64xi32, #tpu.memory_space<vmem>>
        %dma_wait3A_183 = arith.constant 0 : i32
        %dma_wait3A_184 = arith.constant 0 : i32
        %dma_wait3A_185 = tpu.memref_slice %arg2[%dma_wait3A_183, %dma_wait3A_184] : memref<20480x128xf32, #tpu.memory_space<hbm>> -> memref<20480x128xf32, #tpu.memory_space<hbm>>
        tpu.wait_indirect_dma semaphore(%arg12 : memref<!tpu.dma_semaphore, #tpu.memory_space<semaphore_mem>>) src(%dma_wait3A_185 : memref<20480x128xf32, #tpu.memory_space<hbm>>) dst(%arg9 : memref<64x128xf32, #tpu.memory_space<vmem>>)
        %dma_start3A_186 = arith.constant 0 : i32
        %dma_start3A_187 = tpu.memref_slice %arg8[%mul3A_179, %dma_start3A_186] : memref<64x64xi32, #tpu.memory_space<vmem>> -> memref<1x64xi32, #tpu.memory_space<vmem>>
        %dma_start3A_188 = tpu.memref_squeeze %dma_start3A_187 : memref<1x64xi32, #tpu.memory_space<vmem>> -> memref<64xi32, #tpu.memory_space<vmem>>
        %dma_start3A_189 = arith.constant 0 : i32
        %dma_start3A_190 = arith.constant 0 : i32
        %dma_start3A_191 = tpu.memref_slice %arg11[%dma_start3A_189, %dma_start3A_190] : memref<5376x128xf32, #tpu.memory_space<vmem_shared>> -> memref<5376x128xf32, #tpu.memory_space<vmem_shared>>
        tpu.enqueue_indirect_dma source(%arg9 : memref<64x128xf32, #tpu.memory_space<vmem>>) target(%dma_start3A_191 : memref<5376x128xf32, #tpu.memory_space<vmem_shared>>) offsets(%dma_start3A_188 : memref<64xi32, #tpu.memory_space<vmem>>) semaphore(%arg14 : memref<!tpu.dma_semaphore, #tpu.memory_space<semaphore_mem>>) {add = true}
        %add3A_192 = arith.constant 1 : i32
        %add3A_193 = arith.addi %mul3A_179, %add3A_192 : i32
        %dma_wait3A_194 = arith.constant 0 : i32
        %dma_wait3A_195 = tpu.memref_slice %arg7[%add3A_193, %dma_wait3A_194] : memref<64x64xi32, #tpu.memory_space<vmem>> -> memref<1x64xi32, #tpu.memory_space<vmem>>
        %dma_wait3A_196 = tpu.memref_squeeze %dma_wait3A_195 : memref<1x64xi32, #tpu.memory_space<vmem>> -> memref<64xi32, #tpu.memory_space<vmem>>
        %dma_wait3A_197 = arith.constant 0 : i32
        %dma_wait3A_198 = arith.constant 0 : i32
        %dma_wait3A_199 = tpu.memref_slice %arg2[%dma_wait3A_197, %dma_wait3A_198] : memref<20480x128xf32, #tpu.memory_space<hbm>> -> memref<20480x128xf32, #tpu.memory_space<hbm>>
        tpu.wait_indirect_dma semaphore(%arg13 : memref<!tpu.dma_semaphore, #tpu.memory_space<semaphore_mem>>) src(%dma_wait3A_199 : memref<20480x128xf32, #tpu.memory_space<hbm>>) dst(%arg10 : memref<64x128xf32, #tpu.memory_space<vmem>>)
        %add3A_200 = arith.constant 1 : i32
        %add3A_201 = arith.addi %mul3A_179, %add3A_200 : i32
        %dma_start3A_202 = arith.constant 0 : i32
        %dma_start3A_203 = tpu.memref_slice %arg8[%add3A_201, %dma_start3A_202] : memref<64x64xi32, #tpu.memory_space<vmem>> -> memref<1x64xi32, #tpu.memory_space<vmem>>
        %dma_start3A_204 = tpu.memref_squeeze %dma_start3A_203 : memref<1x64xi32, #tpu.memory_space<vmem>> -> memref<64xi32, #tpu.memory_space<vmem>>
        %dma_start3A_205 = arith.constant 0 : i32
        %dma_start3A_206 = arith.constant 0 : i32
        %dma_start3A_207 = tpu.memref_slice %arg11[%dma_start3A_205, %dma_start3A_206] : memref<5376x128xf32, #tpu.memory_space<vmem_shared>> -> memref<5376x128xf32, #tpu.memory_space<vmem_shared>>
        tpu.enqueue_indirect_dma source(%arg10 : memref<64x128xf32, #tpu.memory_space<vmem>>) target(%dma_start3A_207 : memref<5376x128xf32, #tpu.memory_space<vmem_shared>>) offsets(%dma_start3A_204 : memref<64xi32, #tpu.memory_space<vmem>>) semaphore(%arg15 : memref<!tpu.dma_semaphore, #tpu.memory_space<semaphore_mem>>) {add = true}
        %dma_wait3A_208 = arith.constant 0 : i32
        %dma_wait3A_209 = tpu.memref_slice %arg8[%mul3A_179, %dma_wait3A_208] : memref<64x64xi32, #tpu.memory_space<vmem>> -> memref<1x64xi32, #tpu.memory_space<vmem>>
        %dma_wait3A_210 = tpu.memref_squeeze %dma_wait3A_209 : memref<1x64xi32, #tpu.memory_space<vmem>> -> memref<64xi32, #tpu.memory_space<vmem>>
        %dma_wait3A_211 = arith.constant 0 : i32
        %dma_wait3A_212 = arith.constant 0 : i32
        %dma_wait3A_213 = tpu.memref_slice %arg11[%dma_wait3A_211, %dma_wait3A_212] : memref<5376x128xf32, #tpu.memory_space<vmem_shared>> -> memref<5376x128xf32, #tpu.memory_space<vmem_shared>>
        tpu.wait_indirect_dma semaphore(%arg14 : memref<!tpu.dma_semaphore, #tpu.memory_space<semaphore_mem>>) src(%arg9 : memref<64x128xf32, #tpu.memory_space<vmem>>) dst(%dma_wait3A_213 : memref<5376x128xf32, #tpu.memory_space<vmem_shared>>)
        %add3A_214 = arith.constant 2 : i32
        %add3A_215 = arith.addi %mul3A_179, %add3A_214 : i32
        %dma_start3A_216 = arith.constant 0 : i32
        %dma_start3A_217 = tpu.memref_slice %arg7[%add3A_215, %dma_start3A_216] : memref<64x64xi32, #tpu.memory_space<vmem>> -> memref<1x64xi32, #tpu.memory_space<vmem>>
        %dma_start3A_218 = tpu.memref_squeeze %dma_start3A_217 : memref<1x64xi32, #tpu.memory_space<vmem>> -> memref<64xi32, #tpu.memory_space<vmem>>
        %dma_start3A_219 = arith.constant 0 : i32
        %dma_start3A_220 = arith.constant 0 : i32
        %dma_start3A_221 = tpu.memref_slice %arg2[%dma_start3A_219, %dma_start3A_220] : memref<20480x128xf32, #tpu.memory_space<hbm>> -> memref<20480x128xf32, #tpu.memory_space<hbm>>
        tpu.enqueue_indirect_dma source(%dma_start3A_221 : memref<20480x128xf32, #tpu.memory_space<hbm>>) target(%arg9 : memref<64x128xf32, #tpu.memory_space<vmem>>) offsets(%dma_start3A_218 : memref<64xi32, #tpu.memory_space<vmem>>) semaphore(%arg12 : memref<!tpu.dma_semaphore, #tpu.memory_space<semaphore_mem>>)
        %add3A_222 = arith.constant 1 : i32
        %add3A_223 = arith.addi %mul3A_179, %add3A_222 : i32
        %dma_wait3A_224 = arith.constant 0 : i32
        %dma_wait3A_225 = tpu.memref_slice %arg8[%add3A_223, %dma_wait3A_224] : memref<64x64xi32, #tpu.memory_space<vmem>> -> memref<1x64xi32, #tpu.memory_space<vmem>>
        %dma_wait3A_226 = tpu.memref_squeeze %dma_wait3A_225 : memref<1x64xi32, #tpu.memory_space<vmem>> -> memref<64xi32, #tpu.memory_space<vmem>>
        %dma_wait3A_227 = arith.constant 0 : i32
        %dma_wait3A_228 = arith.constant 0 : i32
        %dma_wait3A_229 = tpu.memref_slice %arg11[%dma_wait3A_227, %dma_wait3A_228] : memref<5376x128xf32, #tpu.memory_space<vmem_shared>> -> memref<5376x128xf32, #tpu.memory_space<vmem_shared>>
        tpu.wait_indirect_dma semaphore(%arg15 : memref<!tpu.dma_semaphore, #tpu.memory_space<semaphore_mem>>) src(%arg10 : memref<64x128xf32, #tpu.memory_space<vmem>>) dst(%dma_wait3A_229 : memref<5376x128xf32, #tpu.memory_space<vmem_shared>>)
        %add3A_230 = arith.constant 3 : i32
        %add3A_231 = arith.addi %mul3A_179, %add3A_230 : i32
        %dma_start3A_232 = arith.constant 0 : i32
        %dma_start3A_233 = tpu.memref_slice %arg7[%add3A_231, %dma_start3A_232] : memref<64x64xi32, #tpu.memory_space<vmem>> -> memref<1x64xi32, #tpu.memory_space<vmem>>
        %dma_start3A_234 = tpu.memref_squeeze %dma_start3A_233 : memref<1x64xi32, #tpu.memory_space<vmem>> -> memref<64xi32, #tpu.memory_space<vmem>>
        %dma_start3A_235 = arith.constant 0 : i32
        %dma_start3A_236 = arith.constant 0 : i32
        %dma_start3A_237 = tpu.memref_slice %arg2[%dma_start3A_235, %dma_start3A_236] : memref<20480x128xf32, #tpu.memory_space<hbm>> -> memref<20480x128xf32, #tpu.memory_space<hbm>>
        tpu.enqueue_indirect_dma source(%dma_start3A_237 : memref<20480x128xf32, #tpu.memory_space<hbm>>) target(%arg10 : memref<64x128xf32, #tpu.memory_space<vmem>>) offsets(%dma_start3A_234 : memref<64xi32, #tpu.memory_space<vmem>>) semaphore(%arg13 : memref<!tpu.dma_semaphore, #tpu.memory_space<semaphore_mem>>)
        %scan3A_238 = arith.constant 0 : i32
        scf.yield %scan3A_238 : i32
      }
      %scan3A_133 = arith.constant 31 : i32
      %dma_wait3A = arith.constant 62 : i32
      %dma_wait3A_134 = arith.constant 0 : i32
      %dma_wait3A_135 = tpu.memref_slice %arg7[%dma_wait3A, %dma_wait3A_134] : memref<64x64xi32, #tpu.memory_space<vmem>> -> memref<1x64xi32, #tpu.memory_space<vmem>>
      %dma_wait3A_136 = tpu.memref_squeeze %dma_wait3A_135 : memref<1x64xi32, #tpu.memory_space<vmem>> -> memref<64xi32, #tpu.memory_space<vmem>>
      %dma_wait3A_137 = arith.constant 0 : i32
      %dma_wait3A_138 = arith.constant 0 : i32
      %dma_wait3A_139 = tpu.memref_slice %arg2[%dma_wait3A_137, %dma_wait3A_138] : memref<20480x128xf32, #tpu.memory_space<hbm>> -> memref<20480x128xf32, #tpu.memory_space<hbm>>
      tpu.wait_indirect_dma semaphore(%arg12 : memref<!tpu.dma_semaphore, #tpu.memory_space<semaphore_mem>>) src(%dma_wait3A_139 : memref<20480x128xf32, #tpu.memory_space<hbm>>) dst(%arg9 : memref<64x128xf32, #tpu.memory_space<vmem>>)
      %dma_start3A_140 = arith.constant 62 : i32
      %dma_start3A_141 = arith.constant 0 : i32
      %dma_start3A_142 = tpu.memref_slice %arg8[%dma_start3A_140, %dma_start3A_141] : memref<64x64xi32, #tpu.memory_space<vmem>> -> memref<1x64xi32, #tpu.memory_space<vmem>>
      %dma_start3A_143 = tpu.memref_squeeze %dma_start3A_142 : memref<1x64xi32, #tpu.memory_space<vmem>> -> memref<64xi32, #tpu.memory_space<vmem>>
      %dma_start3A_144 = arith.constant 0 : i32
      %dma_start3A_145 = arith.constant 0 : i32
      %dma_start3A_146 = tpu.memref_slice %arg11[%dma_start3A_144, %dma_start3A_145] : memref<5376x128xf32, #tpu.memory_space<vmem_shared>> -> memref<5376x128xf32, #tpu.memory_space<vmem_shared>>
      tpu.enqueue_indirect_dma source(%arg9 : memref<64x128xf32, #tpu.memory_space<vmem>>) target(%dma_start3A_146 : memref<5376x128xf32, #tpu.memory_space<vmem_shared>>) offsets(%dma_start3A_143 : memref<64xi32, #tpu.memory_space<vmem>>) semaphore(%arg14 : memref<!tpu.dma_semaphore, #tpu.memory_space<semaphore_mem>>) {add = true}
      %dma_wait3A_147 = arith.constant 63 : i32
      %dma_wait3A_148 = arith.constant 0 : i32
      %dma_wait3A_149 = tpu.memref_slice %arg7[%dma_wait3A_147, %dma_wait3A_148] : memref<64x64xi32, #tpu.memory_space<vmem>> -> memref<1x64xi32, #tpu.memory_space<vmem>>
      %dma_wait3A_150 = tpu.memref_squeeze %dma_wait3A_149 : memref<1x64xi32, #tpu.memory_space<vmem>> -> memref<64xi32, #tpu.memory_space<vmem>>
      %dma_wait3A_151 = arith.constant 0 : i32
      %dma_wait3A_152 = arith.constant 0 : i32
      %dma_wait3A_153 = tpu.memref_slice %arg2[%dma_wait3A_151, %dma_wait3A_152] : memref<20480x128xf32, #tpu.memory_space<hbm>> -> memref<20480x128xf32, #tpu.memory_space<hbm>>
      tpu.wait_indirect_dma semaphore(%arg13 : memref<!tpu.dma_semaphore, #tpu.memory_space<semaphore_mem>>) src(%dma_wait3A_153 : memref<20480x128xf32, #tpu.memory_space<hbm>>) dst(%arg10 : memref<64x128xf32, #tpu.memory_space<vmem>>)
      %dma_start3A_154 = arith.constant 63 : i32
      %dma_start3A_155 = arith.constant 0 : i32
      %dma_start3A_156 = tpu.memref_slice %arg8[%dma_start3A_154, %dma_start3A_155] : memref<64x64xi32, #tpu.memory_space<vmem>> -> memref<1x64xi32, #tpu.memory_space<vmem>>
      %dma_start3A_157 = tpu.memref_squeeze %dma_start3A_156 : memref<1x64xi32, #tpu.memory_space<vmem>> -> memref<64xi32, #tpu.memory_space<vmem>>
      %dma_start3A_158 = arith.constant 0 : i32
      %dma_start3A_159 = arith.constant 0 : i32
      %dma_start3A_160 = tpu.memref_slice %arg11[%dma_start3A_158, %dma_start3A_159] : memref<5376x128xf32, #tpu.memory_space<vmem_shared>> -> memref<5376x128xf32, #tpu.memory_space<vmem_shared>>
      tpu.enqueue_indirect_dma source(%arg10 : memref<64x128xf32, #tpu.memory_space<vmem>>) target(%dma_start3A_160 : memref<5376x128xf32, #tpu.memory_space<vmem_shared>>) offsets(%dma_start3A_157 : memref<64xi32, #tpu.memory_space<vmem>>) semaphore(%arg15 : memref<!tpu.dma_semaphore, #tpu.memory_space<semaphore_mem>>) {add = true}
      %dma_wait3A_161 = arith.constant 62 : i32
      %dma_wait3A_162 = arith.constant 0 : i32
      %dma_wait3A_163 = tpu.memref_slice %arg8[%dma_wait3A_161, %dma_wait3A_162] : memref<64x64xi32, #tpu.memory_space<vmem>> -> memref<1x64xi32, #tpu.memory_space<vmem>>
      %dma_wait3A_164 = tpu.memref_squeeze %dma_wait3A_163 : memref<1x64xi32, #tpu.memory_space<vmem>> -> memref<64xi32, #tpu.memory_space<vmem>>
      %dma_wait3A_165 = arith.constant 0 : i32
      %dma_wait3A_166 = arith.constant 0 : i32
      %dma_wait3A_167 = tpu.memref_slice %arg11[%dma_wait3A_165, %dma_wait3A_166] : memref<5376x128xf32, #tpu.memory_space<vmem_shared>> -> memref<5376x128xf32, #tpu.memory_space<vmem_shared>>
      tpu.wait_indirect_dma semaphore(%arg14 : memref<!tpu.dma_semaphore, #tpu.memory_space<semaphore_mem>>) src(%arg9 : memref<64x128xf32, #tpu.memory_space<vmem>>) dst(%dma_wait3A_167 : memref<5376x128xf32, #tpu.memory_space<vmem_shared>>)
      %dma_wait3A_168 = arith.constant 63 : i32
      %dma_wait3A_169 = arith.constant 0 : i32
      %dma_wait3A_170 = tpu.memref_slice %arg8[%dma_wait3A_168, %dma_wait3A_169] : memref<64x64xi32, #tpu.memory_space<vmem>> -> memref<1x64xi32, #tpu.memory_space<vmem>>
      %dma_wait3A_171 = tpu.memref_squeeze %dma_wait3A_170 : memref<1x64xi32, #tpu.memory_space<vmem>> -> memref<64xi32, #tpu.memory_space<vmem>>
      %dma_wait3A_172 = arith.constant 0 : i32
      %dma_wait3A_173 = arith.constant 0 : i32
      %dma_wait3A_174 = tpu.memref_slice %arg11[%dma_wait3A_172, %dma_wait3A_173] : memref<5376x128xf32, #tpu.memory_space<vmem_shared>> -> memref<5376x128xf32, #tpu.memory_space<vmem_shared>>
      tpu.wait_indirect_dma semaphore(%arg15 : memref<!tpu.dma_semaphore, #tpu.memory_space<semaphore_mem>>) src(%arg10 : memref<64x128xf32, #tpu.memory_space<vmem>>) dst(%dma_wait3A_174 : memref<5376x128xf32, #tpu.memory_space<vmem_shared>>)
      %scan3A_175 = arith.constant 0 : i32
      scf.yield %scan3A_175 : i32
    }
    %scan3A_17 = arith.constant 5 : i32
    %barrier3A_18 = arith.constant 0 : index
    tpu.barrier barrier_id(%barrier3A_18)
    %mul3A_19 = arith.constant 320 : i32
    %mul3A_20 = arith.muli %arg1, %mul3A_19 : i32
    %add3A_21 = arith.constant 0 : i32
    %add3A_22 = arith.addi %mul3A_20, %add3A_21 : i32
    "tpu.region"() ({
      %run_scoped3A = tpu.sem_alloc : memref<!tpu.dma_semaphore, #tpu.memory_space<semaphore_mem>>
      %dma_start3A = arith.constant 0 : i32
      %dma_start3A_106 = tpu.memref_slice %arg11[%add3A_22, %dma_start3A] : memref<5376x128xf32, #tpu.memory_space<vmem_shared>> -> memref<64x128xf32, #tpu.memory_space<vmem_shared>>
      %dma_start3A_107 = arith.constant 0 : i32
      %dma_start3A_108 = tpu.memref_slice %arg11[%add3A_22, %dma_start3A_107] : memref<5376x128xf32, #tpu.memory_space<vmem_shared>> -> memref<64x128xf32, #tpu.memory_space<vmem_shared>>
      tpu.enqueue_dma source(%dma_start3A_108 : memref<64x128xf32, #tpu.memory_space<vmem_shared>>) target(%arg9 : memref<64x128xf32, #tpu.memory_space<vmem>>) target_semaphore(%run_scoped3A : memref<!tpu.dma_semaphore, #tpu.memory_space<semaphore_mem>>)
      %dma_wait3A = arith.constant 0 : i32
      %dma_wait3A_109 = tpu.memref_slice %arg11[%add3A_22, %dma_wait3A] : memref<5376x128xf32, #tpu.memory_space<vmem_shared>> -> memref<64x128xf32, #tpu.memory_space<vmem_shared>>
      %dma_wait3A_110 = arith.constant 0 : i32
      %dma_wait3A_111 = tpu.memref_slice %arg11[%add3A_22, %dma_wait3A_110] : memref<5376x128xf32, #tpu.memory_space<vmem_shared>> -> memref<64x128xf32, #tpu.memory_space<vmem_shared>>
      tpu.wait_dma2 semaphore(%run_scoped3A : memref<!tpu.dma_semaphore, #tpu.memory_space<semaphore_mem>>) src(%dma_wait3A_111 : memref<64x128xf32, #tpu.memory_space<vmem_shared>>) dst(%arg9 : memref<64x128xf32, #tpu.memory_space<vmem>>)
      tpu.yield
    }) : () -> ()
    %add3A_23 = arith.constant 0 : i32
    %add3A_24 = arith.addi %add3A_23, %mul3A_20 : i32
    %add3A_25 = arith.constant 0 : i32
    %add3A_26 = arith.addi %add3A_24, %add3A_25 : i32
    "tpu.region"() ({
      %run_scoped3A = tpu.sem_alloc : memref<!tpu.dma_semaphore, #tpu.memory_space<semaphore_mem>>
      %dma_start3A = arith.constant 0 : i32
      %dma_start3A_106 = tpu.memref_slice %arg6[%arg0, %add3A_26, %dma_start3A] : memref<2x10240x128xf32, #tpu.memory_space<hbm>> -> memref<1x64x128xf32, #tpu.memory_space<hbm>>
      %dma_start3A_107 = tpu.memref_squeeze %dma_start3A_106 : memref<1x64x128xf32, #tpu.memory_space<hbm>> -> memref<64x128xf32, #tpu.memory_space<hbm>>
      %dma_start3A_108 = arith.constant 0 : i32
      %dma_start3A_109 = tpu.memref_slice %arg6[%arg0, %add3A_26, %dma_start3A_108] : memref<2x10240x128xf32, #tpu.memory_space<hbm>> -> memref<1x64x128xf32, #tpu.memory_space<hbm>>
      %dma_start3A_110 = tpu.memref_squeeze %dma_start3A_109 : memref<1x64x128xf32, #tpu.memory_space<hbm>> -> memref<64x128xf32, #tpu.memory_space<hbm>>
      tpu.enqueue_dma source(%arg9 : memref<64x128xf32, #tpu.memory_space<vmem>>) target(%dma_start3A_110 : memref<64x128xf32, #tpu.memory_space<hbm>>) target_semaphore(%run_scoped3A : memref<!tpu.dma_semaphore, #tpu.memory_space<semaphore_mem>>)
      %dma_wait3A = arith.constant 0 : i32
      %dma_wait3A_111 = tpu.memref_slice %arg6[%arg0, %add3A_26, %dma_wait3A] : memref<2x10240x128xf32, #tpu.memory_space<hbm>> -> memref<1x64x128xf32, #tpu.memory_space<hbm>>
      %dma_wait3A_112 = tpu.memref_squeeze %dma_wait3A_111 : memref<1x64x128xf32, #tpu.memory_space<hbm>> -> memref<64x128xf32, #tpu.memory_space<hbm>>
      %dma_wait3A_113 = arith.constant 0 : i32
      %dma_wait3A_114 = tpu.memref_slice %arg6[%arg0, %add3A_26, %dma_wait3A_113] : memref<2x10240x128xf32, #tpu.memory_space<hbm>> -> memref<1x64x128xf32, #tpu.memory_space<hbm>>
      %dma_wait3A_115 = tpu.memref_squeeze %dma_wait3A_114 : memref<1x64x128xf32, #tpu.memory_space<hbm>> -> memref<64x128xf32, #tpu.memory_space<hbm>>
      tpu.wait_dma2 semaphore(%run_scoped3A : memref<!tpu.dma_semaphore, #tpu.memory_space<semaphore_mem>>) src(%arg9 : memref<64x128xf32, #tpu.memory_space<vmem>>) dst(%dma_wait3A_115 : memref<64x128xf32, #tpu.memory_space<hbm>>)
      tpu.yield
    }) : () -> ()
    %add3A_27 = arith.constant 64 : i32
    %add3A_28 = arith.addi %mul3A_20, %add3A_27 : i32
    "tpu.region"() ({
      %run_scoped3A = tpu.sem_alloc : memref<!tpu.dma_semaphore, #tpu.memory_space<semaphore_mem>>
      %dma_start3A = arith.constant 0 : i32
      %dma_start3A_106 = tpu.memref_slice %arg11[%add3A_28, %dma_start3A] : memref<5376x128xf32, #tpu.memory_space<vmem_shared>> -> memref<64x128xf32, #tpu.memory_space<vmem_shared>>
      %dma_start3A_107 = arith.constant 0 : i32
      %dma_start3A_108 = tpu.memref_slice %arg11[%add3A_28, %dma_start3A_107] : memref<5376x128xf32, #tpu.memory_space<vmem_shared>> -> memref<64x128xf32, #tpu.memory_space<vmem_shared>>
      tpu.enqueue_dma source(%dma_start3A_108 : memref<64x128xf32, #tpu.memory_space<vmem_shared>>) target(%arg9 : memref<64x128xf32, #tpu.memory_space<vmem>>) target_semaphore(%run_scoped3A : memref<!tpu.dma_semaphore, #tpu.memory_space<semaphore_mem>>)
      %dma_wait3A = arith.constant 0 : i32
      %dma_wait3A_109 = tpu.memref_slice %arg11[%add3A_28, %dma_wait3A] : memref<5376x128xf32, #tpu.memory_space<vmem_shared>> -> memref<64x128xf32, #tpu.memory_space<vmem_shared>>
      %dma_wait3A_110 = arith.constant 0 : i32
      %dma_wait3A_111 = tpu.memref_slice %arg11[%add3A_28, %dma_wait3A_110] : memref<5376x128xf32, #tpu.memory_space<vmem_shared>> -> memref<64x128xf32, #tpu.memory_space<vmem_shared>>
      tpu.wait_dma2 semaphore(%run_scoped3A : memref<!tpu.dma_semaphore, #tpu.memory_space<semaphore_mem>>) src(%dma_wait3A_111 : memref<64x128xf32, #tpu.memory_space<vmem_shared>>) dst(%arg9 : memref<64x128xf32, #tpu.memory_space<vmem>>)
      tpu.yield
    }) : () -> ()
    %add3A_29 = arith.constant 0 : i32
    %add3A_30 = arith.addi %add3A_29, %mul3A_20 : i32
    %add3A_31 = arith.constant 64 : i32
    %add3A_32 = arith.addi %add3A_30, %add3A_31 : i32
    "tpu.region"() ({
      %run_scoped3A = tpu.sem_alloc : memref<!tpu.dma_semaphore, #tpu.memory_space<semaphore_mem>>
      %dma_start3A = arith.constant 0 : i32
      %dma_start3A_106 = tpu.memref_slice %arg6[%arg0, %add3A_32, %dma_start3A] : memref<2x10240x128xf32, #tpu.memory_space<hbm>> -> memref<1x64x128xf32, #tpu.memory_space<hbm>>
      %dma_start3A_107 = tpu.memref_squeeze %dma_start3A_106 : memref<1x64x128xf32, #tpu.memory_space<hbm>> -> memref<64x128xf32, #tpu.memory_space<hbm>>
      %dma_start3A_108 = arith.constant 0 : i32
      %dma_start3A_109 = tpu.memref_slice %arg6[%arg0, %add3A_32, %dma_start3A_108] : memref<2x10240x128xf32, #tpu.memory_space<hbm>> -> memref<1x64x128xf32, #tpu.memory_space<hbm>>
      %dma_start3A_110 = tpu.memref_squeeze %dma_start3A_109 : memref<1x64x128xf32, #tpu.memory_space<hbm>> -> memref<64x128xf32, #tpu.memory_space<hbm>>
      tpu.enqueue_dma source(%arg9 : memref<64x128xf32, #tpu.memory_space<vmem>>) target(%dma_start3A_110 : memref<64x128xf32, #tpu.memory_space<hbm>>) target_semaphore(%run_scoped3A : memref<!tpu.dma_semaphore, #tpu.memory_space<semaphore_mem>>)
      %dma_wait3A = arith.constant 0 : i32
      %dma_wait3A_111 = tpu.memref_slice %arg6[%arg0, %add3A_32, %dma_wait3A] : memref<2x10240x128xf32, #tpu.memory_space<hbm>> -> memref<1x64x128xf32, #tpu.memory_space<hbm>>
      %dma_wait3A_112 = tpu.memref_squeeze %dma_wait3A_111 : memref<1x64x128xf32, #tpu.memory_space<hbm>> -> memref<64x128xf32, #tpu.memory_space<hbm>>
      %dma_wait3A_113 = arith.constant 0 : i32
      %dma_wait3A_114 = tpu.memref_slice %arg6[%arg0, %add3A_32, %dma_wait3A_113] : memref<2x10240x128xf32, #tpu.memory_space<hbm>> -> memref<1x64x128xf32, #tpu.memory_space<hbm>>
      %dma_wait3A_115 = tpu.memref_squeeze %dma_wait3A_114 : memref<1x64x128xf32, #tpu.memory_space<hbm>> -> memref<64x128xf32, #tpu.memory_space<hbm>>
      tpu.wait_dma2 semaphore(%run_scoped3A : memref<!tpu.dma_semaphore, #tpu.memory_space<semaphore_mem>>) src(%arg9 : memref<64x128xf32, #tpu.memory_space<vmem>>) dst(%dma_wait3A_115 : memref<64x128xf32, #tpu.memory_space<hbm>>)
      tpu.yield
    }) : () -> ()
    %add3A_33 = arith.constant 128 : i32
    %add3A_34 = arith.addi %mul3A_20, %add3A_33 : i32
    "tpu.region"() ({
      %run_scoped3A = tpu.sem_alloc : memref<!tpu.dma_semaphore, #tpu.memory_space<semaphore_mem>>
      %dma_start3A = arith.constant 0 : i32
      %dma_start3A_106 = tpu.memref_slice %arg11[%add3A_34, %dma_start3A] : memref<5376x128xf32, #tpu.memory_space<vmem_shared>> -> memref<64x128xf32, #tpu.memory_space<vmem_shared>>
      %dma_start3A_107 = arith.constant 0 : i32
      %dma_start3A_108 = tpu.memref_slice %arg11[%add3A_34, %dma_start3A_107] : memref<5376x128xf32, #tpu.memory_space<vmem_shared>> -> memref<64x128xf32, #tpu.memory_space<vmem_shared>>
      tpu.enqueue_dma source(%dma_start3A_108 : memref<64x128xf32, #tpu.memory_space<vmem_shared>>) target(%arg9 : memref<64x128xf32, #tpu.memory_space<vmem>>) target_semaphore(%run_scoped3A : memref<!tpu.dma_semaphore, #tpu.memory_space<semaphore_mem>>)
      %dma_wait3A = arith.constant 0 : i32
      %dma_wait3A_109 = tpu.memref_slice %arg11[%add3A_34, %dma_wait3A] : memref<5376x128xf32, #tpu.memory_space<vmem_shared>> -> memref<64x128xf32, #tpu.memory_space<vmem_shared>>
      %dma_wait3A_110 = arith.constant 0 : i32
      %dma_wait3A_111 = tpu.memref_slice %arg11[%add3A_34, %dma_wait3A_110] : memref<5376x128xf32, #tpu.memory_space<vmem_shared>> -> memref<64x128xf32, #tpu.memory_space<vmem_shared>>
      tpu.wait_dma2 semaphore(%run_scoped3A : memref<!tpu.dma_semaphore, #tpu.memory_space<semaphore_mem>>) src(%dma_wait3A_111 : memref<64x128xf32, #tpu.memory_space<vmem_shared>>) dst(%arg9 : memref<64x128xf32, #tpu.memory_space<vmem>>)
      tpu.yield
    }) : () -> ()
    %add3A_35 = arith.constant 0 : i32
    %add3A_36 = arith.addi %add3A_35, %mul3A_20 : i32
    %add3A_37 = arith.constant 128 : i32
    %add3A_38 = arith.addi %add3A_36, %add3A_37 : i32
    "tpu.region"() ({
      %run_scoped3A = tpu.sem_alloc : memref<!tpu.dma_semaphore, #tpu.memory_space<semaphore_mem>>
      %dma_start3A = arith.constant 0 : i32
      %dma_start3A_106 = tpu.memref_slice %arg6[%arg0, %add3A_38, %dma_start3A] : memref<2x10240x128xf32, #tpu.memory_space<hbm>> -> memref<1x64x128xf32, #tpu.memory_space<hbm>>
      %dma_start3A_107 = tpu.memref_squeeze %dma_start3A_106 : memref<1x64x128xf32, #tpu.memory_space<hbm>> -> memref<64x128xf32, #tpu.memory_space<hbm>>
      %dma_start3A_108 = arith.constant 0 : i32
      %dma_start3A_109 = tpu.memref_slice %arg6[%arg0, %add3A_38, %dma_start3A_108] : memref<2x10240x128xf32, #tpu.memory_space<hbm>> -> memref<1x64x128xf32, #tpu.memory_space<hbm>>
      %dma_start3A_110 = tpu.memref_squeeze %dma_start3A_109 : memref<1x64x128xf32, #tpu.memory_space<hbm>> -> memref<64x128xf32, #tpu.memory_space<hbm>>
      tpu.enqueue_dma source(%arg9 : memref<64x128xf32, #tpu.memory_space<vmem>>) target(%dma_start3A_110 : memref<64x128xf32, #tpu.memory_space<hbm>>) target_semaphore(%run_scoped3A : memref<!tpu.dma_semaphore, #tpu.memory_space<semaphore_mem>>)
      %dma_wait3A = arith.constant 0 : i32
      %dma_wait3A_111 = tpu.memref_slice %arg6[%arg0, %add3A_38, %dma_wait3A] : memref<2x10240x128xf32, #tpu.memory_space<hbm>> -> memref<1x64x128xf32, #tpu.memory_space<hbm>>
      %dma_wait3A_112 = tpu.memref_squeeze %dma_wait3A_111 : memref<1x64x128xf32, #tpu.memory_space<hbm>> -> memref<64x128xf32, #tpu.memory_space<hbm>>
      %dma_wait3A_113 = arith.constant 0 : i32
      %dma_wait3A_114 = tpu.memref_slice %arg6[%arg0, %add3A_38, %dma_wait3A_113] : memref<2x10240x128xf32, #tpu.memory_space<hbm>> -> memref<1x64x128xf32, #tpu.memory_space<hbm>>
      %dma_wait3A_115 = tpu.memref_squeeze %dma_wait3A_114 : memref<1x64x128xf32, #tpu.memory_space<hbm>> -> memref<64x128xf32, #tpu.memory_space<hbm>>
      tpu.wait_dma2 semaphore(%run_scoped3A : memref<!tpu.dma_semaphore, #tpu.memory_space<semaphore_mem>>) src(%arg9 : memref<64x128xf32, #tpu.memory_space<vmem>>) dst(%dma_wait3A_115 : memref<64x128xf32, #tpu.memory_space<hbm>>)
      tpu.yield
    }) : () -> ()
    %add3A_39 = arith.constant 192 : i32
    %add3A_40 = arith.addi %mul3A_20, %add3A_39 : i32
    "tpu.region"() ({
      %run_scoped3A = tpu.sem_alloc : memref<!tpu.dma_semaphore, #tpu.memory_space<semaphore_mem>>
      %dma_start3A = arith.constant 0 : i32
      %dma_start3A_106 = tpu.memref_slice %arg11[%add3A_40, %dma_start3A] : memref<5376x128xf32, #tpu.memory_space<vmem_shared>> -> memref<64x128xf32, #tpu.memory_space<vmem_shared>>
      %dma_start3A_107 = arith.constant 0 : i32
      %dma_start3A_108 = tpu.memref_slice %arg11[%add3A_40, %dma_start3A_107] : memref<5376x128xf32, #tpu.memory_space<vmem_shared>> -> memref<64x128xf32, #tpu.memory_space<vmem_shared>>
      tpu.enqueue_dma source(%dma_start3A_108 : memref<64x128xf32, #tpu.memory_space<vmem_shared>>) target(%arg9 : memref<64x128xf32, #tpu.memory_space<vmem>>) target_semaphore(%run_scoped3A : memref<!tpu.dma_semaphore, #tpu.memory_space<semaphore_mem>>)
      %dma_wait3A = arith.constant 0 : i32
      %dma_wait3A_109 = tpu.memref_slice %arg11[%add3A_40, %dma_wait3A] : memref<5376x128xf32, #tpu.memory_space<vmem_shared>> -> memref<64x128xf32, #tpu.memory_space<vmem_shared>>
      %dma_wait3A_110 = arith.constant 0 : i32
      %dma_wait3A_111 = tpu.memref_slice %arg11[%add3A_40, %dma_wait3A_110] : memref<5376x128xf32, #tpu.memory_space<vmem_shared>> -> memref<64x128xf32, #tpu.memory_space<vmem_shared>>
      tpu.wait_dma2 semaphore(%run_scoped3A : memref<!tpu.dma_semaphore, #tpu.memory_space<semaphore_mem>>) src(%dma_wait3A_111 : memref<64x128xf32, #tpu.memory_space<vmem_shared>>) dst(%arg9 : memref<64x128xf32, #tpu.memory_space<vmem>>)
      tpu.yield
    }) : () -> ()
    %add3A_41 = arith.constant 0 : i32
    %add3A_42 = arith.addi %add3A_41, %mul3A_20 : i32
    %add3A_43 = arith.constant 192 : i32
    %add3A_44 = arith.addi %add3A_42, %add3A_43 : i32
    "tpu.region"() ({
      %run_scoped3A = tpu.sem_alloc : memref<!tpu.dma_semaphore, #tpu.memory_space<semaphore_mem>>
      %dma_start3A = arith.constant 0 : i32
      %dma_start3A_106 = tpu.memref_slice %arg6[%arg0, %add3A_44, %dma_start3A] : memref<2x10240x128xf32, #tpu.memory_space<hbm>> -> memref<1x64x128xf32, #tpu.memory_space<hbm>>
      %dma_start3A_107 = tpu.memref_squeeze %dma_start3A_106 : memref<1x64x128xf32, #tpu.memory_space<hbm>> -> memref<64x128xf32, #tpu.memory_space<hbm>>
      %dma_start3A_108 = arith.constant 0 : i32
      %dma_start3A_109 = tpu.memref_slice %arg6[%arg0, %add3A_44, %dma_start3A_108] : memref<2x10240x128xf32, #tpu.memory_space<hbm>> -> memref<1x64x128xf32, #tpu.memory_space<hbm>>
      %dma_start3A_110 = tpu.memref_squeeze %dma_start3A_109 : memref<1x64x128xf32, #tpu.memory_space<hbm>> -> memref<64x128xf32, #tpu.memory_space<hbm>>
      tpu.enqueue_dma source(%arg9 : memref<64x128xf32, #tpu.memory_space<vmem>>) target(%dma_start3A_110 : memref<64x128xf32, #tpu.memory_space<hbm>>) target_semaphore(%run_scoped3A : memref<!tpu.dma_semaphore, #tpu.memory_space<semaphore_mem>>)
      %dma_wait3A = arith.constant 0 : i32
      %dma_wait3A_111 = tpu.memref_slice %arg6[%arg0, %add3A_44, %dma_wait3A] : memref<2x10240x128xf32, #tpu.memory_space<hbm>> -> memref<1x64x128xf32, #tpu.memory_space<hbm>>
      %dma_wait3A_112 = tpu.memref_squeeze %dma_wait3A_111 : memref<1x64x128xf32, #tpu.memory_space<hbm>> -> memref<64x128xf32, #tpu.memory_space<hbm>>
      %dma_wait3A_113 = arith.constant 0 : i32
      %dma_wait3A_114 = tpu.memref_slice %arg6[%arg0, %add3A_44, %dma_wait3A_113] : memref<2x10240x128xf32, #tpu.memory_space<hbm>> -> memref<1x64x128xf32, #tpu.memory_space<hbm>>
      %dma_wait3A_115 = tpu.memref_squeeze %dma_wait3A_114 : memref<1x64x128xf32, #tpu.memory_space<hbm>> -> memref<64x128xf32, #tpu.memory_space<hbm>>
      tpu.wait_dma2 semaphore(%run_scoped3A : memref<!tpu.dma_semaphore, #tpu.memory_space<semaphore_mem>>) src(%arg9 : memref<64x128xf32, #tpu.memory_space<vmem>>) dst(%dma_wait3A_115 : memref<64x128xf32, #tpu.memory_space<hbm>>)
      tpu.yield
    }) : () -> ()
    %add3A_45 = arith.constant 256 : i32
    %add3A_46 = arith.addi %mul3A_20, %add3A_45 : i32
    "tpu.region"() ({
      %run_scoped3A = tpu.sem_alloc : memref<!tpu.dma_semaphore, #tpu.memory_space<semaphore_mem>>
      %dma_start3A = arith.constant 0 : i32
      %dma_start3A_106 = tpu.memref_slice %arg11[%add3A_46, %dma_start3A] : memref<5376x128xf32, #tpu.memory_space<vmem_shared>> -> memref<64x128xf32, #tpu.memory_space<vmem_shared>>
      %dma_start3A_107 = arith.constant 0 : i32
      %dma_start3A_108 = tpu.memref_slice %arg11[%add3A_46, %dma_start3A_107] : memref<5376x128xf32, #tpu.memory_space<vmem_shared>> -> memref<64x128xf32, #tpu.memory_space<vmem_shared>>
      tpu.enqueue_dma source(%dma_start3A_108 : memref<64x128xf32, #tpu.memory_space<vmem_shared>>) target(%arg9 : memref<64x128xf32, #tpu.memory_space<vmem>>) target_semaphore(%run_scoped3A : memref<!tpu.dma_semaphore, #tpu.memory_space<semaphore_mem>>)
      %dma_wait3A = arith.constant 0 : i32
      %dma_wait3A_109 = tpu.memref_slice %arg11[%add3A_46, %dma_wait3A] : memref<5376x128xf32, #tpu.memory_space<vmem_shared>> -> memref<64x128xf32, #tpu.memory_space<vmem_shared>>
      %dma_wait3A_110 = arith.constant 0 : i32
      %dma_wait3A_111 = tpu.memref_slice %arg11[%add3A_46, %dma_wait3A_110] : memref<5376x128xf32, #tpu.memory_space<vmem_shared>> -> memref<64x128xf32, #tpu.memory_space<vmem_shared>>
      tpu.wait_dma2 semaphore(%run_scoped3A : memref<!tpu.dma_semaphore, #tpu.memory_space<semaphore_mem>>) src(%dma_wait3A_111 : memref<64x128xf32, #tpu.memory_space<vmem_shared>>) dst(%arg9 : memref<64x128xf32, #tpu.memory_space<vmem>>)
      tpu.yield
    }) : () -> ()
    %add3A_47 = arith.constant 0 : i32
    %add3A_48 = arith.addi %add3A_47, %mul3A_20 : i32
    %add3A_49 = arith.constant 256 : i32
    %add3A_50 = arith.addi %add3A_48, %add3A_49 : i32
    "tpu.region"() ({
      %run_scoped3A = tpu.sem_alloc : memref<!tpu.dma_semaphore, #tpu.memory_space<semaphore_mem>>
      %dma_start3A = arith.constant 0 : i32
      %dma_start3A_106 = tpu.memref_slice %arg6[%arg0, %add3A_50, %dma_start3A] : memref<2x10240x128xf32, #tpu.memory_space<hbm>> -> memref<1x64x128xf32, #tpu.memory_space<hbm>>
      %dma_start3A_107 = tpu.memref_squeeze %dma_start3A_106 : memref<1x64x128xf32, #tpu.memory_space<hbm>> -> memref<64x128xf32, #tpu.memory_space<hbm>>
      %dma_start3A_108 = arith.constant 0 : i32
      %dma_start3A_109 = tpu.memref_slice %arg6[%arg0, %add3A_50, %dma_start3A_108] : memref<2x10240x128xf32, #tpu.memory_space<hbm>> -> memref<1x64x128xf32, #tpu.memory_space<hbm>>
      %dma_start3A_110 = tpu.memref_squeeze %dma_start3A_109 : memref<1x64x128xf32, #tpu.memory_space<hbm>> -> memref<64x128xf32, #tpu.memory_space<hbm>>
      tpu.enqueue_dma source(%arg9 : memref<64x128xf32, #tpu.memory_space<vmem>>) target(%dma_start3A_110 : memref<64x128xf32, #tpu.memory_space<hbm>>) target_semaphore(%run_scoped3A : memref<!tpu.dma_semaphore, #tpu.memory_space<semaphore_mem>>)
      %dma_wait3A = arith.constant 0 : i32
      %dma_wait3A_111 = tpu.memref_slice %arg6[%arg0, %add3A_50, %dma_wait3A] : memref<2x10240x128xf32, #tpu.memory_space<hbm>> -> memref<1x64x128xf32, #tpu.memory_space<hbm>>
      %dma_wait3A_112 = tpu.memref_squeeze %dma_wait3A_111 : memref<1x64x128xf32, #tpu.memory_space<hbm>> -> memref<64x128xf32, #tpu.memory_space<hbm>>
      %dma_wait3A_113 = arith.constant 0 : i32
      %dma_wait3A_114 = tpu.memref_slice %arg6[%arg0, %add3A_50, %dma_wait3A_113] : memref<2x10240x128xf32, #tpu.memory_space<hbm>> -> memref<1x64x128xf32, #tpu.memory_space<hbm>>
      %dma_wait3A_115 = tpu.memref_squeeze %dma_wait3A_114 : memref<1x64x128xf32, #tpu.memory_space<hbm>> -> memref<64x128xf32, #tpu.memory_space<hbm>>
      tpu.wait_dma2 semaphore(%run_scoped3A : memref<!tpu.dma_semaphore, #tpu.memory_space<semaphore_mem>>) src(%arg9 : memref<64x128xf32, #tpu.memory_space<vmem>>) dst(%dma_wait3A_115 : memref<64x128xf32, #tpu.memory_space<hbm>>)
      tpu.yield
    }) : () -> ()
    %mul3A_51 = arith.constant 336 : i32
    %mul3A_52 = arith.muli %arg1, %mul3A_51 : i32
    "tpu.region"() ({
      %run_scoped3A = tpu.sem_alloc : memref<!tpu.dma_semaphore, #tpu.memory_space<semaphore_mem>>
      tpu.enqueue_dma source(%arg5 : memref<64x128xf32, #tpu.memory_space<hbm>>) target(%arg9 : memref<64x128xf32, #tpu.memory_space<vmem>>) target_semaphore(%run_scoped3A : memref<!tpu.dma_semaphore, #tpu.memory_space<semaphore_mem>>)
      tpu.wait_dma2 semaphore(%run_scoped3A : memref<!tpu.dma_semaphore, #tpu.memory_space<semaphore_mem>>) src(%arg5 : memref<64x128xf32, #tpu.memory_space<hbm>>) dst(%arg9 : memref<64x128xf32, #tpu.memory_space<vmem>>)
      tpu.yield
    }) : () -> ()
    %add3A_53 = arith.constant 0 : i32
    %add3A_54 = arith.addi %mul3A_52, %add3A_53 : i32
    "tpu.region"() ({
      %run_scoped3A = tpu.sem_alloc : memref<!tpu.dma_semaphore, #tpu.memory_space<semaphore_mem>>
      %dma_start3A = arith.constant 0 : i32
      %dma_start3A_106 = tpu.memref_slice %arg11[%add3A_54, %dma_start3A] : memref<5376x128xf32, #tpu.memory_space<vmem_shared>> -> memref<64x128xf32, #tpu.memory_space<vmem_shared>>
      %dma_start3A_107 = arith.constant 0 : i32
      %dma_start3A_108 = tpu.memref_slice %arg11[%add3A_54, %dma_start3A_107] : memref<5376x128xf32, #tpu.memory_space<vmem_shared>> -> memref<64x128xf32, #tpu.memory_space<vmem_shared>>
      tpu.enqueue_dma source(%arg9 : memref<64x128xf32, #tpu.memory_space<vmem>>) target(%dma_start3A_108 : memref<64x128xf32, #tpu.memory_space<vmem_shared>>) target_semaphore(%run_scoped3A : memref<!tpu.dma_semaphore, #tpu.memory_space<semaphore_mem>>)
      %dma_wait3A = arith.constant 0 : i32
      %dma_wait3A_109 = tpu.memref_slice %arg11[%add3A_54, %dma_wait3A] : memref<5376x128xf32, #tpu.memory_space<vmem_shared>> -> memref<64x128xf32, #tpu.memory_space<vmem_shared>>
      %dma_wait3A_110 = arith.constant 0 : i32
      %dma_wait3A_111 = tpu.memref_slice %arg11[%add3A_54, %dma_wait3A_110] : memref<5376x128xf32, #tpu.memory_space<vmem_shared>> -> memref<64x128xf32, #tpu.memory_space<vmem_shared>>
      tpu.wait_dma2 semaphore(%run_scoped3A : memref<!tpu.dma_semaphore, #tpu.memory_space<semaphore_mem>>) src(%arg9 : memref<64x128xf32, #tpu.memory_space<vmem>>) dst(%dma_wait3A_111 : memref<64x128xf32, #tpu.memory_space<vmem_shared>>)
      tpu.yield
    }) : () -> ()
    %add3A_55 = arith.constant 64 : i32
    %add3A_56 = arith.addi %mul3A_52, %add3A_55 : i32
    "tpu.region"() ({
      %run_scoped3A = tpu.sem_alloc : memref<!tpu.dma_semaphore, #tpu.memory_space<semaphore_mem>>
      %dma_start3A = arith.constant 0 : i32
      %dma_start3A_106 = tpu.memref_slice %arg11[%add3A_56, %dma_start3A] : memref<5376x128xf32, #tpu.memory_space<vmem_shared>> -> memref<64x128xf32, #tpu.memory_space<vmem_shared>>
      %dma_start3A_107 = arith.constant 0 : i32
      %dma_start3A_108 = tpu.memref_slice %arg11[%add3A_56, %dma_start3A_107] : memref<5376x128xf32, #tpu.memory_space<vmem_shared>> -> memref<64x128xf32, #tpu.memory_space<vmem_shared>>
      tpu.enqueue_dma source(%arg9 : memref<64x128xf32, #tpu.memory_space<vmem>>) target(%dma_start3A_108 : memref<64x128xf32, #tpu.memory_space<vmem_shared>>) target_semaphore(%run_scoped3A : memref<!tpu.dma_semaphore, #tpu.memory_space<semaphore_mem>>)
      %dma_wait3A = arith.constant 0 : i32
      %dma_wait3A_109 = tpu.memref_slice %arg11[%add3A_56, %dma_wait3A] : memref<5376x128xf32, #tpu.memory_space<vmem_shared>> -> memref<64x128xf32, #tpu.memory_space<vmem_shared>>
      %dma_wait3A_110 = arith.constant 0 : i32
      %dma_wait3A_111 = tpu.memref_slice %arg11[%add3A_56, %dma_wait3A_110] : memref<5376x128xf32, #tpu.memory_space<vmem_shared>> -> memref<64x128xf32, #tpu.memory_space<vmem_shared>>
      tpu.wait_dma2 semaphore(%run_scoped3A : memref<!tpu.dma_semaphore, #tpu.memory_space<semaphore_mem>>) src(%arg9 : memref<64x128xf32, #tpu.memory_space<vmem>>) dst(%dma_wait3A_111 : memref<64x128xf32, #tpu.memory_space<vmem_shared>>)
      tpu.yield
    }) : () -> ()
    %add3A_57 = arith.constant 128 : i32
    %add3A_58 = arith.addi %mul3A_52, %add3A_57 : i32
    "tpu.region"() ({
      %run_scoped3A = tpu.sem_alloc : memref<!tpu.dma_semaphore, #tpu.memory_space<semaphore_mem>>
      %dma_start3A = arith.constant 0 : i32
      %dma_start3A_106 = tpu.memref_slice %arg11[%add3A_58, %dma_start3A] : memref<5376x128xf32, #tpu.memory_space<vmem_shared>> -> memref<64x128xf32, #tpu.memory_space<vmem_shared>>
      %dma_start3A_107 = arith.constant 0 : i32
      %dma_start3A_108 = tpu.memref_slice %arg11[%add3A_58, %dma_start3A_107] : memref<5376x128xf32, #tpu.memory_space<vmem_shared>> -> memref<64x128xf32, #tpu.memory_space<vmem_shared>>
      tpu.enqueue_dma source(%arg9 : memref<64x128xf32, #tpu.memory_space<vmem>>) target(%dma_start3A_108 : memref<64x128xf32, #tpu.memory_space<vmem_shared>>) target_semaphore(%run_scoped3A : memref<!tpu.dma_semaphore, #tpu.memory_space<semaphore_mem>>)
      %dma_wait3A = arith.constant 0 : i32
      %dma_wait3A_109 = tpu.memref_slice %arg11[%add3A_58, %dma_wait3A] : memref<5376x128xf32, #tpu.memory_space<vmem_shared>> -> memref<64x128xf32, #tpu.memory_space<vmem_shared>>
      %dma_wait3A_110 = arith.constant 0 : i32
      %dma_wait3A_111 = tpu.memref_slice %arg11[%add3A_58, %dma_wait3A_110] : memref<5376x128xf32, #tpu.memory_space<vmem_shared>> -> memref<64x128xf32, #tpu.memory_space<vmem_shared>>
      tpu.wait_dma2 semaphore(%run_scoped3A : memref<!tpu.dma_semaphore, #tpu.memory_space<semaphore_mem>>) src(%arg9 : memref<64x128xf32, #tpu.memory_space<vmem>>) dst(%dma_wait3A_111 : memref<64x128xf32, #tpu.memory_space<vmem_shared>>)
      tpu.yield
    }) : () -> ()
    %add3A_59 = arith.constant 192 : i32
    %add3A_60 = arith.addi %mul3A_52, %add3A_59 : i32
    "tpu.region"() ({
      %run_scoped3A = tpu.sem_alloc : memref<!tpu.dma_semaphore, #tpu.memory_space<semaphore_mem>>
      %dma_start3A = arith.constant 0 : i32
      %dma_start3A_106 = tpu.memref_slice %arg11[%add3A_60, %dma_start3A] : memref<5376x128xf32, #tpu.memory_space<vmem_shared>> -> memref<64x128xf32, #tpu.memory_space<vmem_shared>>
      %dma_start3A_107 = arith.constant 0 : i32
      %dma_start3A_108 = tpu.memref_slice %arg11[%add3A_60, %dma_start3A_107] : memref<5376x128xf32, #tpu.memory_space<vmem_shared>> -> memref<64x128xf32, #tpu.memory_space<vmem_shared>>
      tpu.enqueue_dma source(%arg9 : memref<64x128xf32, #tpu.memory_space<vmem>>) target(%dma_start3A_108 : memref<64x128xf32, #tpu.memory_space<vmem_shared>>) target_semaphore(%run_scoped3A : memref<!tpu.dma_semaphore, #tpu.memory_space<semaphore_mem>>)
      %dma_wait3A = arith.constant 0 : i32
      %dma_wait3A_109 = tpu.memref_slice %arg11[%add3A_60, %dma_wait3A] : memref<5376x128xf32, #tpu.memory_space<vmem_shared>> -> memref<64x128xf32, #tpu.memory_space<vmem_shared>>
      %dma_wait3A_110 = arith.constant 0 : i32
      %dma_wait3A_111 = tpu.memref_slice %arg11[%add3A_60, %dma_wait3A_110] : memref<5376x128xf32, #tpu.memory_space<vmem_shared>> -> memref<64x128xf32, #tpu.memory_space<vmem_shared>>
      tpu.wait_dma2 semaphore(%run_scoped3A : memref<!tpu.dma_semaphore, #tpu.memory_space<semaphore_mem>>) src(%arg9 : memref<64x128xf32, #tpu.memory_space<vmem>>) dst(%dma_wait3A_111 : memref<64x128xf32, #tpu.memory_space<vmem_shared>>)
      tpu.yield
    }) : () -> ()
    %add3A_61 = arith.constant 256 : i32
    %add3A_62 = arith.addi %mul3A_52, %add3A_61 : i32
    "tpu.region"() ({
      %run_scoped3A = tpu.sem_alloc : memref<!tpu.dma_semaphore, #tpu.memory_space<semaphore_mem>>
      %dma_start3A = arith.constant 0 : i32
      %dma_start3A_106 = tpu.memref_slice %arg11[%add3A_62, %dma_start3A] : memref<5376x128xf32, #tpu.memory_space<vmem_shared>> -> memref<64x128xf32, #tpu.memory_space<vmem_shared>>
      %dma_start3A_107 = arith.constant 0 : i32
      %dma_start3A_108 = tpu.memref_slice %arg11[%add3A_62, %dma_start3A_107] : memref<5376x128xf32, #tpu.memory_space<vmem_shared>> -> memref<64x128xf32, #tpu.memory_space<vmem_shared>>
      tpu.enqueue_dma source(%arg9 : memref<64x128xf32, #tpu.memory_space<vmem>>) target(%dma_start3A_108 : memref<64x128xf32, #tpu.memory_space<vmem_shared>>) target_semaphore(%run_scoped3A : memref<!tpu.dma_semaphore, #tpu.memory_space<semaphore_mem>>)
      %dma_wait3A = arith.constant 0 : i32
      %dma_wait3A_109 = tpu.memref_slice %arg11[%add3A_62, %dma_wait3A] : memref<5376x128xf32, #tpu.memory_space<vmem_shared>> -> memref<64x128xf32, #tpu.memory_space<vmem_shared>>
      %dma_wait3A_110 = arith.constant 0 : i32
      %dma_wait3A_111 = tpu.memref_slice %arg11[%add3A_62, %dma_wait3A_110] : memref<5376x128xf32, #tpu.memory_space<vmem_shared>> -> memref<64x128xf32, #tpu.memory_space<vmem_shared>>
      tpu.wait_dma2 semaphore(%run_scoped3A : memref<!tpu.dma_semaphore, #tpu.memory_space<semaphore_mem>>) src(%arg9 : memref<64x128xf32, #tpu.memory_space<vmem>>) dst(%dma_wait3A_111 : memref<64x128xf32, #tpu.memory_space<vmem_shared>>)
      tpu.yield
    }) : () -> ()
    %add3A_63 = arith.constant 320 : i32
    %add3A_64 = arith.addi %mul3A_52, %add3A_63 : i32
    "tpu.region"() ({
      %run_scoped3A = tpu.sem_alloc : memref<!tpu.dma_semaphore, #tpu.memory_space<semaphore_mem>>
      %dma_start3A = arith.constant 0 : i32
      %dma_start3A_106 = arith.constant 0 : i32
      %dma_start3A_107 = tpu.memref_slice %arg9[%dma_start3A, %dma_start3A_106] : memref<64x128xf32, #tpu.memory_space<vmem>> -> memref<16x128xf32, #tpu.memory_space<vmem>>
      %dma_start3A_108 = arith.constant 0 : i32
      %dma_start3A_109 = tpu.memref_slice %arg11[%add3A_64, %dma_start3A_108] : memref<5376x128xf32, #tpu.memory_space<vmem_shared>> -> memref<16x128xf32, #tpu.memory_space<vmem_shared>>
      %dma_start3A_110 = arith.constant 0 : i32
      %dma_start3A_111 = tpu.memref_slice %arg11[%add3A_64, %dma_start3A_110] : memref<5376x128xf32, #tpu.memory_space<vmem_shared>> -> memref<16x128xf32, #tpu.memory_space<vmem_shared>>
      %dma_start3A_112 = arith.constant 0 : i32
      %dma_start3A_113 = arith.constant 0 : i32
      %dma_start3A_114 = tpu.memref_slice %arg9[%dma_start3A_112, %dma_start3A_113] : memref<64x128xf32, #tpu.memory_space<vmem>> -> memref<16x128xf32, #tpu.memory_space<vmem>>
      tpu.enqueue_dma source(%dma_start3A_114 : memref<16x128xf32, #tpu.memory_space<vmem>>) target(%dma_start3A_111 : memref<16x128xf32, #tpu.memory_space<vmem_shared>>) target_semaphore(%run_scoped3A : memref<!tpu.dma_semaphore, #tpu.memory_space<semaphore_mem>>)
      %dma_wait3A = arith.constant 0 : i32
      %dma_wait3A_115 = arith.constant 0 : i32
      %dma_wait3A_116 = tpu.memref_slice %arg9[%dma_wait3A, %dma_wait3A_115] : memref<64x128xf32, #tpu.memory_space<vmem>> -> memref<16x128xf32, #tpu.memory_space<vmem>>
      %dma_wait3A_117 = arith.constant 0 : i32
      %dma_wait3A_118 = tpu.memref_slice %arg11[%add3A_64, %dma_wait3A_117] : memref<5376x128xf32, #tpu.memory_space<vmem_shared>> -> memref<16x128xf32, #tpu.memory_space<vmem_shared>>
      %dma_wait3A_119 = arith.constant 0 : i32
      %dma_wait3A_120 = tpu.memref_slice %arg11[%add3A_64, %dma_wait3A_119] : memref<5376x128xf32, #tpu.memory_space<vmem_shared>> -> memref<16x128xf32, #tpu.memory_space<vmem_shared>>
      %dma_wait3A_121 = arith.constant 0 : i32
      %dma_wait3A_122 = arith.constant 0 : i32
      %dma_wait3A_123 = tpu.memref_slice %arg9[%dma_wait3A_121, %dma_wait3A_122] : memref<64x128xf32, #tpu.memory_space<vmem>> -> memref<16x128xf32, #tpu.memory_space<vmem>>
      tpu.wait_dma2 semaphore(%run_scoped3A : memref<!tpu.dma_semaphore, #tpu.memory_space<semaphore_mem>>) src(%dma_wait3A_123 : memref<16x128xf32, #tpu.memory_space<vmem>>) dst(%dma_wait3A_120 : memref<16x128xf32, #tpu.memory_space<vmem_shared>>)
      tpu.yield
    }) : () -> ()
    %barrier3A_65 = arith.constant 0 : index
    tpu.barrier barrier_id(%barrier3A_65)
    %scan3A_66 = arith.constant 0 : i32
    %scan3A_67 = arith.constant 0 : i32
    %scan3A_68 = arith.constant 5 : i32
    %scan3A_69 = arith.addi %scan3A_67, %scan3A_68 : i32
    %scan3A_70 = arith.constant 1 : i32
    %scan3A_71 = scf.for %scan3A_106 = %scan3A_67 to %scan3A_69 step %scan3A_70 iter_args(%scan3A_107 = %scan3A_66) -> (i32)  : i32 {
      %mul3A_108 = arith.constant 5 : i32
      %mul3A_109 = arith.muli %arg1, %mul3A_108 : i32
      %add3A_110 = arith.addi %mul3A_109, %scan3A_106 : i32
      "tpu.region"() ({
        %run_scoped3A_176 = tpu.sem_alloc : memref<!tpu.dma_semaphore, #tpu.memory_space<semaphore_mem>>
        %dma_start3A_177 = arith.constant 0 : i32
        %dma_start3A_178 = arith.constant 0 : i32
        %dma_start3A_179 = tpu.memref_slice %arg3[%arg0, %add3A_110, %dma_start3A_177, %dma_start3A_178] : memref<2x80x64x64xi32, #tpu.memory_space<hbm>> -> memref<1x1x64x64xi32, #tpu.memory_space<hbm>>
        %dma_start3A_180 = tpu.memref_squeeze %dma_start3A_179 : memref<1x1x64x64xi32, #tpu.memory_space<hbm>> -> memref<64x64xi32, #tpu.memory_space<hbm>>
        %dma_start3A_181 = arith.constant 0 : i32
        %dma_start3A_182 = arith.constant 0 : i32
        %dma_start3A_183 = tpu.memref_slice %arg3[%arg0, %add3A_110, %dma_start3A_181, %dma_start3A_182] : memref<2x80x64x64xi32, #tpu.memory_space<hbm>> -> memref<1x1x64x64xi32, #tpu.memory_space<hbm>>
        %dma_start3A_184 = tpu.memref_squeeze %dma_start3A_183 : memref<1x1x64x64xi32, #tpu.memory_space<hbm>> -> memref<64x64xi32, #tpu.memory_space<hbm>>
        tpu.enqueue_dma source(%dma_start3A_184 : memref<64x64xi32, #tpu.memory_space<hbm>>) target(%arg7 : memref<64x64xi32, #tpu.memory_space<vmem>>) target_semaphore(%run_scoped3A_176 : memref<!tpu.dma_semaphore, #tpu.memory_space<semaphore_mem>>)
        %dma_wait3A_185 = arith.constant 0 : i32
        %dma_wait3A_186 = arith.constant 0 : i32
        %dma_wait3A_187 = tpu.memref_slice %arg3[%arg0, %add3A_110, %dma_wait3A_185, %dma_wait3A_186] : memref<2x80x64x64xi32, #tpu.memory_space<hbm>> -> memref<1x1x64x64xi32, #tpu.memory_space<hbm>>
        %dma_wait3A_188 = tpu.memref_squeeze %dma_wait3A_187 : memref<1x1x64x64xi32, #tpu.memory_space<hbm>> -> memref<64x64xi32, #tpu.memory_space<hbm>>
        %dma_wait3A_189 = arith.constant 0 : i32
        %dma_wait3A_190 = arith.constant 0 : i32
        %dma_wait3A_191 = tpu.memref_slice %arg3[%arg0, %add3A_110, %dma_wait3A_189, %dma_wait3A_190] : memref<2x80x64x64xi32, #tpu.memory_space<hbm>> -> memref<1x1x64x64xi32, #tpu.memory_space<hbm>>
        %dma_wait3A_192 = tpu.memref_squeeze %dma_wait3A_191 : memref<1x1x64x64xi32, #tpu.memory_space<hbm>> -> memref<64x64xi32, #tpu.memory_space<hbm>>
        tpu.wait_dma2 semaphore(%run_scoped3A_176 : memref<!tpu.dma_semaphore, #tpu.memory_space<semaphore_mem>>) src(%dma_wait3A_192 : memref<64x64xi32, #tpu.memory_space<hbm>>) dst(%arg7 : memref<64x64xi32, #tpu.memory_space<vmem>>)
        tpu.yield
      }) : () -> ()
      %mul3A_111 = arith.constant 5 : i32
      %mul3A_112 = arith.muli %arg1, %mul3A_111 : i32
      %add3A_113 = arith.addi %mul3A_112, %scan3A_106 : i32
      %run_scoped3A = arith.constant 1 : i32
      "tpu.region"() ({
        %run_scoped3A_176 = tpu.sem_alloc : memref<!tpu.dma_semaphore, #tpu.memory_space<semaphore_mem>>
        %dma_start3A_177 = arith.constant 0 : i32
        %dma_start3A_178 = arith.constant 0 : i32
        %dma_start3A_179 = tpu.memref_slice %arg4[%run_scoped3A, %add3A_113, %dma_start3A_177, %dma_start3A_178] : memref<2x80x64x64xi32, #tpu.memory_space<hbm>> -> memref<1x1x64x64xi32, #tpu.memory_space<hbm>>
        %dma_start3A_180 = tpu.memref_squeeze %dma_start3A_179 : memref<1x1x64x64xi32, #tpu.memory_space<hbm>> -> memref<64x64xi32, #tpu.memory_space<hbm>>
        %dma_start3A_181 = arith.constant 0 : i32
        %dma_start3A_182 = arith.constant 0 : i32
        %dma_start3A_183 = tpu.memref_slice %arg4[%run_scoped3A, %add3A_113, %dma_start3A_181, %dma_start3A_182] : memref<2x80x64x64xi32, #tpu.memory_space<hbm>> -> memref<1x1x64x64xi32, #tpu.memory_space<hbm>>
        %dma_start3A_184 = tpu.memref_squeeze %dma_start3A_183 : memref<1x1x64x64xi32, #tpu.memory_space<hbm>> -> memref<64x64xi32, #tpu.memory_space<hbm>>
        tpu.enqueue_dma source(%dma_start3A_184 : memref<64x64xi32, #tpu.memory_space<hbm>>) target(%arg8 : memref<64x64xi32, #tpu.memory_space<vmem>>) target_semaphore(%run_scoped3A_176 : memref<!tpu.dma_semaphore, #tpu.memory_space<semaphore_mem>>)
        %dma_wait3A_185 = arith.constant 0 : i32
        %dma_wait3A_186 = arith.constant 0 : i32
        %dma_wait3A_187 = tpu.memref_slice %arg4[%run_scoped3A, %add3A_113, %dma_wait3A_185, %dma_wait3A_186] : memref<2x80x64x64xi32, #tpu.memory_space<hbm>> -> memref<1x1x64x64xi32, #tpu.memory_space<hbm>>
        %dma_wait3A_188 = tpu.memref_squeeze %dma_wait3A_187 : memref<1x1x64x64xi32, #tpu.memory_space<hbm>> -> memref<64x64xi32, #tpu.memory_space<hbm>>
        %dma_wait3A_189 = arith.constant 0 : i32
        %dma_wait3A_190 = arith.constant 0 : i32
        %dma_wait3A_191 = tpu.memref_slice %arg4[%run_scoped3A, %add3A_113, %dma_wait3A_189, %dma_wait3A_190] : memref<2x80x64x64xi32, #tpu.memory_space<hbm>> -> memref<1x1x64x64xi32, #tpu.memory_space<hbm>>
        %dma_wait3A_192 = tpu.memref_squeeze %dma_wait3A_191 : memref<1x1x64x64xi32, #tpu.memory_space<hbm>> -> memref<64x64xi32, #tpu.memory_space<hbm>>
        tpu.wait_dma2 semaphore(%run_scoped3A_176 : memref<!tpu.dma_semaphore, #tpu.memory_space<semaphore_mem>>) src(%dma_wait3A_192 : memref<64x64xi32, #tpu.memory_space<hbm>>) dst(%arg8 : memref<64x64xi32, #tpu.memory_space<vmem>>)
        tpu.yield
      }) : () -> ()
      %dma_start3A = arith.constant 0 : i32
      %dma_start3A_114 = arith.constant 0 : i32
      %dma_start3A_115 = tpu.memref_slice %arg7[%dma_start3A, %dma_start3A_114] : memref<64x64xi32, #tpu.memory_space<vmem>> -> memref<1x64xi32, #tpu.memory_space<vmem>>
      %dma_start3A_116 = tpu.memref_squeeze %dma_start3A_115 : memref<1x64xi32, #tpu.memory_space<vmem>> -> memref<64xi32, #tpu.memory_space<vmem>>
      %dma_start3A_117 = arith.constant 0 : i32
      %dma_start3A_118 = arith.constant 0 : i32
      %dma_start3A_119 = tpu.memref_slice %arg2[%dma_start3A_117, %dma_start3A_118] : memref<20480x128xf32, #tpu.memory_space<hbm>> -> memref<20480x128xf32, #tpu.memory_space<hbm>>
      tpu.enqueue_indirect_dma source(%dma_start3A_119 : memref<20480x128xf32, #tpu.memory_space<hbm>>) target(%arg9 : memref<64x128xf32, #tpu.memory_space<vmem>>) offsets(%dma_start3A_116 : memref<64xi32, #tpu.memory_space<vmem>>) semaphore(%arg12 : memref<!tpu.dma_semaphore, #tpu.memory_space<semaphore_mem>>)
      %dma_start3A_120 = arith.constant 1 : i32
      %dma_start3A_121 = arith.constant 0 : i32
      %dma_start3A_122 = tpu.memref_slice %arg7[%dma_start3A_120, %dma_start3A_121] : memref<64x64xi32, #tpu.memory_space<vmem>> -> memref<1x64xi32, #tpu.memory_space<vmem>>
      %dma_start3A_123 = tpu.memref_squeeze %dma_start3A_122 : memref<1x64xi32, #tpu.memory_space<vmem>> -> memref<64xi32, #tpu.memory_space<vmem>>
      %dma_start3A_124 = arith.constant 0 : i32
      %dma_start3A_125 = arith.constant 0 : i32
      %dma_start3A_126 = tpu.memref_slice %arg2[%dma_start3A_124, %dma_start3A_125] : memref<20480x128xf32, #tpu.memory_space<hbm>> -> memref<20480x128xf32, #tpu.memory_space<hbm>>
      tpu.enqueue_indirect_dma source(%dma_start3A_126 : memref<20480x128xf32, #tpu.memory_space<hbm>>) target(%arg10 : memref<64x128xf32, #tpu.memory_space<vmem>>) offsets(%dma_start3A_123 : memref<64xi32, #tpu.memory_space<vmem>>) semaphore(%arg13 : memref<!tpu.dma_semaphore, #tpu.memory_space<semaphore_mem>>)
      %scan3A_127 = arith.constant 0 : i32
      %scan3A_128 = arith.constant 0 : i32
      %scan3A_129 = arith.constant 31 : i32
      %scan3A_130 = arith.addi %scan3A_128, %scan3A_129 : i32
      %scan3A_131 = arith.constant 1 : i32
      %scan3A_132 = scf.for %scan3A_176 = %scan3A_128 to %scan3A_130 step %scan3A_131 iter_args(%scan3A_177 = %scan3A_127) -> (i32)  : i32 {
        %mul3A_178 = arith.constant 2 : i32
        %mul3A_179 = arith.muli %mul3A_178, %scan3A_176 : i32
        %dma_wait3A_180 = arith.constant 0 : i32
        %dma_wait3A_181 = tpu.memref_slice %arg7[%mul3A_179, %dma_wait3A_180] : memref<64x64xi32, #tpu.memory_space<vmem>> -> memref<1x64xi32, #tpu.memory_space<vmem>>
        %dma_wait3A_182 = tpu.memref_squeeze %dma_wait3A_181 : memref<1x64xi32, #tpu.memory_space<vmem>> -> memref<64xi32, #tpu.memory_space<vmem>>
        %dma_wait3A_183 = arith.constant 0 : i32
        %dma_wait3A_184 = arith.constant 0 : i32
        %dma_wait3A_185 = tpu.memref_slice %arg2[%dma_wait3A_183, %dma_wait3A_184] : memref<20480x128xf32, #tpu.memory_space<hbm>> -> memref<20480x128xf32, #tpu.memory_space<hbm>>
        tpu.wait_indirect_dma semaphore(%arg12 : memref<!tpu.dma_semaphore, #tpu.memory_space<semaphore_mem>>) src(%dma_wait3A_185 : memref<20480x128xf32, #tpu.memory_space<hbm>>) dst(%arg9 : memref<64x128xf32, #tpu.memory_space<vmem>>)
        %dma_start3A_186 = arith.constant 0 : i32
        %dma_start3A_187 = tpu.memref_slice %arg8[%mul3A_179, %dma_start3A_186] : memref<64x64xi32, #tpu.memory_space<vmem>> -> memref<1x64xi32, #tpu.memory_space<vmem>>
        %dma_start3A_188 = tpu.memref_squeeze %dma_start3A_187 : memref<1x64xi32, #tpu.memory_space<vmem>> -> memref<64xi32, #tpu.memory_space<vmem>>
        %dma_start3A_189 = arith.constant 0 : i32
        %dma_start3A_190 = arith.constant 0 : i32
        %dma_start3A_191 = tpu.memref_slice %arg11[%dma_start3A_189, %dma_start3A_190] : memref<5376x128xf32, #tpu.memory_space<vmem_shared>> -> memref<5376x128xf32, #tpu.memory_space<vmem_shared>>
        tpu.enqueue_indirect_dma source(%arg9 : memref<64x128xf32, #tpu.memory_space<vmem>>) target(%dma_start3A_191 : memref<5376x128xf32, #tpu.memory_space<vmem_shared>>) offsets(%dma_start3A_188 : memref<64xi32, #tpu.memory_space<vmem>>) semaphore(%arg14 : memref<!tpu.dma_semaphore, #tpu.memory_space<semaphore_mem>>) {add = true}
        %add3A_192 = arith.constant 1 : i32
        %add3A_193 = arith.addi %mul3A_179, %add3A_192 : i32
        %dma_wait3A_194 = arith.constant 0 : i32
        %dma_wait3A_195 = tpu.memref_slice %arg7[%add3A_193, %dma_wait3A_194] : memref<64x64xi32, #tpu.memory_space<vmem>> -> memref<1x64xi32, #tpu.memory_space<vmem>>
        %dma_wait3A_196 = tpu.memref_squeeze %dma_wait3A_195 : memref<1x64xi32, #tpu.memory_space<vmem>> -> memref<64xi32, #tpu.memory_space<vmem>>
        %dma_wait3A_197 = arith.constant 0 : i32
        %dma_wait3A_198 = arith.constant 0 : i32
        %dma_wait3A_199 = tpu.memref_slice %arg2[%dma_wait3A_197, %dma_wait3A_198] : memref<20480x128xf32, #tpu.memory_space<hbm>> -> memref<20480x128xf32, #tpu.memory_space<hbm>>
        tpu.wait_indirect_dma semaphore(%arg13 : memref<!tpu.dma_semaphore, #tpu.memory_space<semaphore_mem>>) src(%dma_wait3A_199 : memref<20480x128xf32, #tpu.memory_space<hbm>>) dst(%arg10 : memref<64x128xf32, #tpu.memory_space<vmem>>)
        %add3A_200 = arith.constant 1 : i32
        %add3A_201 = arith.addi %mul3A_179, %add3A_200 : i32
        %dma_start3A_202 = arith.constant 0 : i32
        %dma_start3A_203 = tpu.memref_slice %arg8[%add3A_201, %dma_start3A_202] : memref<64x64xi32, #tpu.memory_space<vmem>> -> memref<1x64xi32, #tpu.memory_space<vmem>>
        %dma_start3A_204 = tpu.memref_squeeze %dma_start3A_203 : memref<1x64xi32, #tpu.memory_space<vmem>> -> memref<64xi32, #tpu.memory_space<vmem>>
        %dma_start3A_205 = arith.constant 0 : i32
        %dma_start3A_206 = arith.constant 0 : i32
        %dma_start3A_207 = tpu.memref_slice %arg11[%dma_start3A_205, %dma_start3A_206] : memref<5376x128xf32, #tpu.memory_space<vmem_shared>> -> memref<5376x128xf32, #tpu.memory_space<vmem_shared>>
        tpu.enqueue_indirect_dma source(%arg10 : memref<64x128xf32, #tpu.memory_space<vmem>>) target(%dma_start3A_207 : memref<5376x128xf32, #tpu.memory_space<vmem_shared>>) offsets(%dma_start3A_204 : memref<64xi32, #tpu.memory_space<vmem>>) semaphore(%arg15 : memref<!tpu.dma_semaphore, #tpu.memory_space<semaphore_mem>>) {add = true}
        %dma_wait3A_208 = arith.constant 0 : i32
        %dma_wait3A_209 = tpu.memref_slice %arg8[%mul3A_179, %dma_wait3A_208] : memref<64x64xi32, #tpu.memory_space<vmem>> -> memref<1x64xi32, #tpu.memory_space<vmem>>
        %dma_wait3A_210 = tpu.memref_squeeze %dma_wait3A_209 : memref<1x64xi32, #tpu.memory_space<vmem>> -> memref<64xi32, #tpu.memory_space<vmem>>
        %dma_wait3A_211 = arith.constant 0 : i32
        %dma_wait3A_212 = arith.constant 0 : i32
        %dma_wait3A_213 = tpu.memref_slice %arg11[%dma_wait3A_211, %dma_wait3A_212] : memref<5376x128xf32, #tpu.memory_space<vmem_shared>> -> memref<5376x128xf32, #tpu.memory_space<vmem_shared>>
        tpu.wait_indirect_dma semaphore(%arg14 : memref<!tpu.dma_semaphore, #tpu.memory_space<semaphore_mem>>) src(%arg9 : memref<64x128xf32, #tpu.memory_space<vmem>>) dst(%dma_wait3A_213 : memref<5376x128xf32, #tpu.memory_space<vmem_shared>>)
        %add3A_214 = arith.constant 2 : i32
        %add3A_215 = arith.addi %mul3A_179, %add3A_214 : i32
        %dma_start3A_216 = arith.constant 0 : i32
        %dma_start3A_217 = tpu.memref_slice %arg7[%add3A_215, %dma_start3A_216] : memref<64x64xi32, #tpu.memory_space<vmem>> -> memref<1x64xi32, #tpu.memory_space<vmem>>
        %dma_start3A_218 = tpu.memref_squeeze %dma_start3A_217 : memref<1x64xi32, #tpu.memory_space<vmem>> -> memref<64xi32, #tpu.memory_space<vmem>>
        %dma_start3A_219 = arith.constant 0 : i32
        %dma_start3A_220 = arith.constant 0 : i32
        %dma_start3A_221 = tpu.memref_slice %arg2[%dma_start3A_219, %dma_start3A_220] : memref<20480x128xf32, #tpu.memory_space<hbm>> -> memref<20480x128xf32, #tpu.memory_space<hbm>>
        tpu.enqueue_indirect_dma source(%dma_start3A_221 : memref<20480x128xf32, #tpu.memory_space<hbm>>) target(%arg9 : memref<64x128xf32, #tpu.memory_space<vmem>>) offsets(%dma_start3A_218 : memref<64xi32, #tpu.memory_space<vmem>>) semaphore(%arg12 : memref<!tpu.dma_semaphore, #tpu.memory_space<semaphore_mem>>)
        %add3A_222 = arith.constant 1 : i32
        %add3A_223 = arith.addi %mul3A_179, %add3A_222 : i32
        %dma_wait3A_224 = arith.constant 0 : i32
        %dma_wait3A_225 = tpu.memref_slice %arg8[%add3A_223, %dma_wait3A_224] : memref<64x64xi32, #tpu.memory_space<vmem>> -> memref<1x64xi32, #tpu.memory_space<vmem>>
        %dma_wait3A_226 = tpu.memref_squeeze %dma_wait3A_225 : memref<1x64xi32, #tpu.memory_space<vmem>> -> memref<64xi32, #tpu.memory_space<vmem>>
        %dma_wait3A_227 = arith.constant 0 : i32
        %dma_wait3A_228 = arith.constant 0 : i32
        %dma_wait3A_229 = tpu.memref_slice %arg11[%dma_wait3A_227, %dma_wait3A_228] : memref<5376x128xf32, #tpu.memory_space<vmem_shared>> -> memref<5376x128xf32, #tpu.memory_space<vmem_shared>>
        tpu.wait_indirect_dma semaphore(%arg15 : memref<!tpu.dma_semaphore, #tpu.memory_space<semaphore_mem>>) src(%arg10 : memref<64x128xf32, #tpu.memory_space<vmem>>) dst(%dma_wait3A_229 : memref<5376x128xf32, #tpu.memory_space<vmem_shared>>)
        %add3A_230 = arith.constant 3 : i32
        %add3A_231 = arith.addi %mul3A_179, %add3A_230 : i32
        %dma_start3A_232 = arith.constant 0 : i32
        %dma_start3A_233 = tpu.memref_slice %arg7[%add3A_231, %dma_start3A_232] : memref<64x64xi32, #tpu.memory_space<vmem>> -> memref<1x64xi32, #tpu.memory_space<vmem>>
        %dma_start3A_234 = tpu.memref_squeeze %dma_start3A_233 : memref<1x64xi32, #tpu.memory_space<vmem>> -> memref<64xi32, #tpu.memory_space<vmem>>
        %dma_start3A_235 = arith.constant 0 : i32
        %dma_start3A_236 = arith.constant 0 : i32
        %dma_start3A_237 = tpu.memref_slice %arg2[%dma_start3A_235, %dma_start3A_236] : memref<20480x128xf32, #tpu.memory_space<hbm>> -> memref<20480x128xf32, #tpu.memory_space<hbm>>
        tpu.enqueue_indirect_dma source(%dma_start3A_237 : memref<20480x128xf32, #tpu.memory_space<hbm>>) target(%arg10 : memref<64x128xf32, #tpu.memory_space<vmem>>) offsets(%dma_start3A_234 : memref<64xi32, #tpu.memory_space<vmem>>) semaphore(%arg13 : memref<!tpu.dma_semaphore, #tpu.memory_space<semaphore_mem>>)
        %scan3A_238 = arith.constant 0 : i32
        scf.yield %scan3A_238 : i32
      }
      %scan3A_133 = arith.constant 31 : i32
      %dma_wait3A = arith.constant 62 : i32
      %dma_wait3A_134 = arith.constant 0 : i32
      %dma_wait3A_135 = tpu.memref_slice %arg7[%dma_wait3A, %dma_wait3A_134] : memref<64x64xi32, #tpu.memory_space<vmem>> -> memref<1x64xi32, #tpu.memory_space<vmem>>
      %dma_wait3A_136 = tpu.memref_squeeze %dma_wait3A_135 : memref<1x64xi32, #tpu.memory_space<vmem>> -> memref<64xi32, #tpu.memory_space<vmem>>
      %dma_wait3A_137 = arith.constant 0 : i32
      %dma_wait3A_138 = arith.constant 0 : i32
      %dma_wait3A_139 = tpu.memref_slice %arg2[%dma_wait3A_137, %dma_wait3A_138] : memref<20480x128xf32, #tpu.memory_space<hbm>> -> memref<20480x128xf32, #tpu.memory_space<hbm>>
      tpu.wait_indirect_dma semaphore(%arg12 : memref<!tpu.dma_semaphore, #tpu.memory_space<semaphore_mem>>) src(%dma_wait3A_139 : memref<20480x128xf32, #tpu.memory_space<hbm>>) dst(%arg9 : memref<64x128xf32, #tpu.memory_space<vmem>>)
      %dma_start3A_140 = arith.constant 62 : i32
      %dma_start3A_141 = arith.constant 0 : i32
      %dma_start3A_142 = tpu.memref_slice %arg8[%dma_start3A_140, %dma_start3A_141] : memref<64x64xi32, #tpu.memory_space<vmem>> -> memref<1x64xi32, #tpu.memory_space<vmem>>
      %dma_start3A_143 = tpu.memref_squeeze %dma_start3A_142 : memref<1x64xi32, #tpu.memory_space<vmem>> -> memref<64xi32, #tpu.memory_space<vmem>>
      %dma_start3A_144 = arith.constant 0 : i32
      %dma_start3A_145 = arith.constant 0 : i32
      %dma_start3A_146 = tpu.memref_slice %arg11[%dma_start3A_144, %dma_start3A_145] : memref<5376x128xf32, #tpu.memory_space<vmem_shared>> -> memref<5376x128xf32, #tpu.memory_space<vmem_shared>>
      tpu.enqueue_indirect_dma source(%arg9 : memref<64x128xf32, #tpu.memory_space<vmem>>) target(%dma_start3A_146 : memref<5376x128xf32, #tpu.memory_space<vmem_shared>>) offsets(%dma_start3A_143 : memref<64xi32, #tpu.memory_space<vmem>>) semaphore(%arg14 : memref<!tpu.dma_semaphore, #tpu.memory_space<semaphore_mem>>) {add = true}
      %dma_wait3A_147 = arith.constant 63 : i32
      %dma_wait3A_148 = arith.constant 0 : i32
      %dma_wait3A_149 = tpu.memref_slice %arg7[%dma_wait3A_147, %dma_wait3A_148] : memref<64x64xi32, #tpu.memory_space<vmem>> -> memref<1x64xi32, #tpu.memory_space<vmem>>
      %dma_wait3A_150 = tpu.memref_squeeze %dma_wait3A_149 : memref<1x64xi32, #tpu.memory_space<vmem>> -> memref<64xi32, #tpu.memory_space<vmem>>
      %dma_wait3A_151 = arith.constant 0 : i32
      %dma_wait3A_152 = arith.constant 0 : i32
      %dma_wait3A_153 = tpu.memref_slice %arg2[%dma_wait3A_151, %dma_wait3A_152] : memref<20480x128xf32, #tpu.memory_space<hbm>> -> memref<20480x128xf32, #tpu.memory_space<hbm>>
      tpu.wait_indirect_dma semaphore(%arg13 : memref<!tpu.dma_semaphore, #tpu.memory_space<semaphore_mem>>) src(%dma_wait3A_153 : memref<20480x128xf32, #tpu.memory_space<hbm>>) dst(%arg10 : memref<64x128xf32, #tpu.memory_space<vmem>>)
      %dma_start3A_154 = arith.constant 63 : i32
      %dma_start3A_155 = arith.constant 0 : i32
      %dma_start3A_156 = tpu.memref_slice %arg8[%dma_start3A_154, %dma_start3A_155] : memref<64x64xi32, #tpu.memory_space<vmem>> -> memref<1x64xi32, #tpu.memory_space<vmem>>
      %dma_start3A_157 = tpu.memref_squeeze %dma_start3A_156 : memref<1x64xi32, #tpu.memory_space<vmem>> -> memref<64xi32, #tpu.memory_space<vmem>>
      %dma_start3A_158 = arith.constant 0 : i32
      %dma_start3A_159 = arith.constant 0 : i32
      %dma_start3A_160 = tpu.memref_slice %arg11[%dma_start3A_158, %dma_start3A_159] : memref<5376x128xf32, #tpu.memory_space<vmem_shared>> -> memref<5376x128xf32, #tpu.memory_space<vmem_shared>>
      tpu.enqueue_indirect_dma source(%arg10 : memref<64x128xf32, #tpu.memory_space<vmem>>) target(%dma_start3A_160 : memref<5376x128xf32, #tpu.memory_space<vmem_shared>>) offsets(%dma_start3A_157 : memref<64xi32, #tpu.memory_space<vmem>>) semaphore(%arg15 : memref<!tpu.dma_semaphore, #tpu.memory_space<semaphore_mem>>) {add = true}
      %dma_wait3A_161 = arith.constant 62 : i32
      %dma_wait3A_162 = arith.constant 0 : i32
      %dma_wait3A_163 = tpu.memref_slice %arg8[%dma_wait3A_161, %dma_wait3A_162] : memref<64x64xi32, #tpu.memory_space<vmem>> -> memref<1x64xi32, #tpu.memory_space<vmem>>
      %dma_wait3A_164 = tpu.memref_squeeze %dma_wait3A_163 : memref<1x64xi32, #tpu.memory_space<vmem>> -> memref<64xi32, #tpu.memory_space<vmem>>
      %dma_wait3A_165 = arith.constant 0 : i32
      %dma_wait3A_166 = arith.constant 0 : i32
      %dma_wait3A_167 = tpu.memref_slice %arg11[%dma_wait3A_165, %dma_wait3A_166] : memref<5376x128xf32, #tpu.memory_space<vmem_shared>> -> memref<5376x128xf32, #tpu.memory_space<vmem_shared>>
      tpu.wait_indirect_dma semaphore(%arg14 : memref<!tpu.dma_semaphore, #tpu.memory_space<semaphore_mem>>) src(%arg9 : memref<64x128xf32, #tpu.memory_space<vmem>>) dst(%dma_wait3A_167 : memref<5376x128xf32, #tpu.memory_space<vmem_shared>>)
      %dma_wait3A_168 = arith.constant 63 : i32
      %dma_wait3A_169 = arith.constant 0 : i32
      %dma_wait3A_170 = tpu.memref_slice %arg8[%dma_wait3A_168, %dma_wait3A_169] : memref<64x64xi32, #tpu.memory_space<vmem>> -> memref<1x64xi32, #tpu.memory_space<vmem>>
      %dma_wait3A_171 = tpu.memref_squeeze %dma_wait3A_170 : memref<1x64xi32, #tpu.memory_space<vmem>> -> memref<64xi32, #tpu.memory_space<vmem>>
      %dma_wait3A_172 = arith.constant 0 : i32
      %dma_wait3A_173 = arith.constant 0 : i32
      %dma_wait3A_174 = tpu.memref_slice %arg11[%dma_wait3A_172, %dma_wait3A_173] : memref<5376x128xf32, #tpu.memory_space<vmem_shared>> -> memref<5376x128xf32, #tpu.memory_space<vmem_shared>>
      tpu.wait_indirect_dma semaphore(%arg15 : memref<!tpu.dma_semaphore, #tpu.memory_space<semaphore_mem>>) src(%arg10 : memref<64x128xf32, #tpu.memory_space<vmem>>) dst(%dma_wait3A_174 : memref<5376x128xf32, #tpu.memory_space<vmem_shared>>)
      %scan3A_175 = arith.constant 0 : i32
      scf.yield %scan3A_175 : i32
    }
    %scan3A_72 = arith.constant 5 : i32
    %barrier3A_73 = arith.constant 0 : index
    tpu.barrier barrier_id(%barrier3A_73)
    %mul3A_74 = arith.constant 320 : i32
    %mul3A_75 = arith.muli %arg1, %mul3A_74 : i32
    %add3A_76 = arith.constant 0 : i32
    %add3A_77 = arith.addi %mul3A_75, %add3A_76 : i32
    "tpu.region"() ({
      %run_scoped3A = tpu.sem_alloc : memref<!tpu.dma_semaphore, #tpu.memory_space<semaphore_mem>>
      %dma_start3A = arith.constant 0 : i32
      %dma_start3A_106 = tpu.memref_slice %arg11[%add3A_77, %dma_start3A] : memref<5376x128xf32, #tpu.memory_space<vmem_shared>> -> memref<64x128xf32, #tpu.memory_space<vmem_shared>>
      %dma_start3A_107 = arith.constant 0 : i32
      %dma_start3A_108 = tpu.memref_slice %arg11[%add3A_77, %dma_start3A_107] : memref<5376x128xf32, #tpu.memory_space<vmem_shared>> -> memref<64x128xf32, #tpu.memory_space<vmem_shared>>
      tpu.enqueue_dma source(%dma_start3A_108 : memref<64x128xf32, #tpu.memory_space<vmem_shared>>) target(%arg9 : memref<64x128xf32, #tpu.memory_space<vmem>>) target_semaphore(%run_scoped3A : memref<!tpu.dma_semaphore, #tpu.memory_space<semaphore_mem>>)
      %dma_wait3A = arith.constant 0 : i32
      %dma_wait3A_109 = tpu.memref_slice %arg11[%add3A_77, %dma_wait3A] : memref<5376x128xf32, #tpu.memory_space<vmem_shared>> -> memref<64x128xf32, #tpu.memory_space<vmem_shared>>
      %dma_wait3A_110 = arith.constant 0 : i32
      %dma_wait3A_111 = tpu.memref_slice %arg11[%add3A_77, %dma_wait3A_110] : memref<5376x128xf32, #tpu.memory_space<vmem_shared>> -> memref<64x128xf32, #tpu.memory_space<vmem_shared>>
      tpu.wait_dma2 semaphore(%run_scoped3A : memref<!tpu.dma_semaphore, #tpu.memory_space<semaphore_mem>>) src(%dma_wait3A_111 : memref<64x128xf32, #tpu.memory_space<vmem_shared>>) dst(%arg9 : memref<64x128xf32, #tpu.memory_space<vmem>>)
      tpu.yield
    }) : () -> ()
    %add3A_78 = arith.constant 5120 : i32
    %add3A_79 = arith.addi %add3A_78, %mul3A_75 : i32
    %add3A_80 = arith.constant 0 : i32
    %add3A_81 = arith.addi %add3A_79, %add3A_80 : i32
    "tpu.region"() ({
      %run_scoped3A = tpu.sem_alloc : memref<!tpu.dma_semaphore, #tpu.memory_space<semaphore_mem>>
      %dma_start3A = arith.constant 0 : i32
      %dma_start3A_106 = tpu.memref_slice %arg6[%arg0, %add3A_81, %dma_start3A] : memref<2x10240x128xf32, #tpu.memory_space<hbm>> -> memref<1x64x128xf32, #tpu.memory_space<hbm>>
      %dma_start3A_107 = tpu.memref_squeeze %dma_start3A_106 : memref<1x64x128xf32, #tpu.memory_space<hbm>> -> memref<64x128xf32, #tpu.memory_space<hbm>>
      %dma_start3A_108 = arith.constant 0 : i32
      %dma_start3A_109 = tpu.memref_slice %arg6[%arg0, %add3A_81, %dma_start3A_108] : memref<2x10240x128xf32, #tpu.memory_space<hbm>> -> memref<1x64x128xf32, #tpu.memory_space<hbm>>
      %dma_start3A_110 = tpu.memref_squeeze %dma_start3A_109 : memref<1x64x128xf32, #tpu.memory_space<hbm>> -> memref<64x128xf32, #tpu.memory_space<hbm>>
      tpu.enqueue_dma source(%arg9 : memref<64x128xf32, #tpu.memory_space<vmem>>) target(%dma_start3A_110 : memref<64x128xf32, #tpu.memory_space<hbm>>) target_semaphore(%run_scoped3A : memref<!tpu.dma_semaphore, #tpu.memory_space<semaphore_mem>>)
      %dma_wait3A = arith.constant 0 : i32
      %dma_wait3A_111 = tpu.memref_slice %arg6[%arg0, %add3A_81, %dma_wait3A] : memref<2x10240x128xf32, #tpu.memory_space<hbm>> -> memref<1x64x128xf32, #tpu.memory_space<hbm>>
      %dma_wait3A_112 = tpu.memref_squeeze %dma_wait3A_111 : memref<1x64x128xf32, #tpu.memory_space<hbm>> -> memref<64x128xf32, #tpu.memory_space<hbm>>
      %dma_wait3A_113 = arith.constant 0 : i32
      %dma_wait3A_114 = tpu.memref_slice %arg6[%arg0, %add3A_81, %dma_wait3A_113] : memref<2x10240x128xf32, #tpu.memory_space<hbm>> -> memref<1x64x128xf32, #tpu.memory_space<hbm>>
      %dma_wait3A_115 = tpu.memref_squeeze %dma_wait3A_114 : memref<1x64x128xf32, #tpu.memory_space<hbm>> -> memref<64x128xf32, #tpu.memory_space<hbm>>
      tpu.wait_dma2 semaphore(%run_scoped3A : memref<!tpu.dma_semaphore, #tpu.memory_space<semaphore_mem>>) src(%arg9 : memref<64x128xf32, #tpu.memory_space<vmem>>) dst(%dma_wait3A_115 : memref<64x128xf32, #tpu.memory_space<hbm>>)
      tpu.yield
    }) : () -> ()
    %add3A_82 = arith.constant 64 : i32
    %add3A_83 = arith.addi %mul3A_75, %add3A_82 : i32
    "tpu.region"() ({
      %run_scoped3A = tpu.sem_alloc : memref<!tpu.dma_semaphore, #tpu.memory_space<semaphore_mem>>
      %dma_start3A = arith.constant 0 : i32
      %dma_start3A_106 = tpu.memref_slice %arg11[%add3A_83, %dma_start3A] : memref<5376x128xf32, #tpu.memory_space<vmem_shared>> -> memref<64x128xf32, #tpu.memory_space<vmem_shared>>
      %dma_start3A_107 = arith.constant 0 : i32
      %dma_start3A_108 = tpu.memref_slice %arg11[%add3A_83, %dma_start3A_107] : memref<5376x128xf32, #tpu.memory_space<vmem_shared>> -> memref<64x128xf32, #tpu.memory_space<vmem_shared>>
      tpu.enqueue_dma source(%dma_start3A_108 : memref<64x128xf32, #tpu.memory_space<vmem_shared>>) target(%arg9 : memref<64x128xf32, #tpu.memory_space<vmem>>) target_semaphore(%run_scoped3A : memref<!tpu.dma_semaphore, #tpu.memory_space<semaphore_mem>>)
      %dma_wait3A = arith.constant 0 : i32
      %dma_wait3A_109 = tpu.memref_slice %arg11[%add3A_83, %dma_wait3A] : memref<5376x128xf32, #tpu.memory_space<vmem_shared>> -> memref<64x128xf32, #tpu.memory_space<vmem_shared>>
      %dma_wait3A_110 = arith.constant 0 : i32
      %dma_wait3A_111 = tpu.memref_slice %arg11[%add3A_83, %dma_wait3A_110] : memref<5376x128xf32, #tpu.memory_space<vmem_shared>> -> memref<64x128xf32, #tpu.memory_space<vmem_shared>>
      tpu.wait_dma2 semaphore(%run_scoped3A : memref<!tpu.dma_semaphore, #tpu.memory_space<semaphore_mem>>) src(%dma_wait3A_111 : memref<64x128xf32, #tpu.memory_space<vmem_shared>>) dst(%arg9 : memref<64x128xf32, #tpu.memory_space<vmem>>)
      tpu.yield
    }) : () -> ()
    %add3A_84 = arith.constant 5120 : i32
    %add3A_85 = arith.addi %add3A_84, %mul3A_75 : i32
    %add3A_86 = arith.constant 64 : i32
    %add3A_87 = arith.addi %add3A_85, %add3A_86 : i32
    "tpu.region"() ({
      %run_scoped3A = tpu.sem_alloc : memref<!tpu.dma_semaphore, #tpu.memory_space<semaphore_mem>>
      %dma_start3A = arith.constant 0 : i32
      %dma_start3A_106 = tpu.memref_slice %arg6[%arg0, %add3A_87, %dma_start3A] : memref<2x10240x128xf32, #tpu.memory_space<hbm>> -> memref<1x64x128xf32, #tpu.memory_space<hbm>>
      %dma_start3A_107 = tpu.memref_squeeze %dma_start3A_106 : memref<1x64x128xf32, #tpu.memory_space<hbm>> -> memref<64x128xf32, #tpu.memory_space<hbm>>
      %dma_start3A_108 = arith.constant 0 : i32
      %dma_start3A_109 = tpu.memref_slice %arg6[%arg0, %add3A_87, %dma_start3A_108] : memref<2x10240x128xf32, #tpu.memory_space<hbm>> -> memref<1x64x128xf32, #tpu.memory_space<hbm>>
      %dma_start3A_110 = tpu.memref_squeeze %dma_start3A_109 : memref<1x64x128xf32, #tpu.memory_space<hbm>> -> memref<64x128xf32, #tpu.memory_space<hbm>>
      tpu.enqueue_dma source(%arg9 : memref<64x128xf32, #tpu.memory_space<vmem>>) target(%dma_start3A_110 : memref<64x128xf32, #tpu.memory_space<hbm>>) target_semaphore(%run_scoped3A : memref<!tpu.dma_semaphore, #tpu.memory_space<semaphore_mem>>)
      %dma_wait3A = arith.constant 0 : i32
      %dma_wait3A_111 = tpu.memref_slice %arg6[%arg0, %add3A_87, %dma_wait3A] : memref<2x10240x128xf32, #tpu.memory_space<hbm>> -> memref<1x64x128xf32, #tpu.memory_space<hbm>>
      %dma_wait3A_112 = tpu.memref_squeeze %dma_wait3A_111 : memref<1x64x128xf32, #tpu.memory_space<hbm>> -> memref<64x128xf32, #tpu.memory_space<hbm>>
      %dma_wait3A_113 = arith.constant 0 : i32
      %dma_wait3A_114 = tpu.memref_slice %arg6[%arg0, %add3A_87, %dma_wait3A_113] : memref<2x10240x128xf32, #tpu.memory_space<hbm>> -> memref<1x64x128xf32, #tpu.memory_space<hbm>>
      %dma_wait3A_115 = tpu.memref_squeeze %dma_wait3A_114 : memref<1x64x128xf32, #tpu.memory_space<hbm>> -> memref<64x128xf32, #tpu.memory_space<hbm>>
      tpu.wait_dma2 semaphore(%run_scoped3A : memref<!tpu.dma_semaphore, #tpu.memory_space<semaphore_mem>>) src(%arg9 : memref<64x128xf32, #tpu.memory_space<vmem>>) dst(%dma_wait3A_115 : memref<64x128xf32, #tpu.memory_space<hbm>>)
      tpu.yield
    }) : () -> ()
    %add3A_88 = arith.constant 128 : i32
    %add3A_89 = arith.addi %mul3A_75, %add3A_88 : i32
    "tpu.region"() ({
      %run_scoped3A = tpu.sem_alloc : memref<!tpu.dma_semaphore, #tpu.memory_space<semaphore_mem>>
      %dma_start3A = arith.constant 0 : i32
      %dma_start3A_106 = tpu.memref_slice %arg11[%add3A_89, %dma_start3A] : memref<5376x128xf32, #tpu.memory_space<vmem_shared>> -> memref<64x128xf32, #tpu.memory_space<vmem_shared>>
      %dma_start3A_107 = arith.constant 0 : i32
      %dma_start3A_108 = tpu.memref_slice %arg11[%add3A_89, %dma_start3A_107] : memref<5376x128xf32, #tpu.memory_space<vmem_shared>> -> memref<64x128xf32, #tpu.memory_space<vmem_shared>>
      tpu.enqueue_dma source(%dma_start3A_108 : memref<64x128xf32, #tpu.memory_space<vmem_shared>>) target(%arg9 : memref<64x128xf32, #tpu.memory_space<vmem>>) target_semaphore(%run_scoped3A : memref<!tpu.dma_semaphore, #tpu.memory_space<semaphore_mem>>)
      %dma_wait3A = arith.constant 0 : i32
      %dma_wait3A_109 = tpu.memref_slice %arg11[%add3A_89, %dma_wait3A] : memref<5376x128xf32, #tpu.memory_space<vmem_shared>> -> memref<64x128xf32, #tpu.memory_space<vmem_shared>>
      %dma_wait3A_110 = arith.constant 0 : i32
      %dma_wait3A_111 = tpu.memref_slice %arg11[%add3A_89, %dma_wait3A_110] : memref<5376x128xf32, #tpu.memory_space<vmem_shared>> -> memref<64x128xf32, #tpu.memory_space<vmem_shared>>
      tpu.wait_dma2 semaphore(%run_scoped3A : memref<!tpu.dma_semaphore, #tpu.memory_space<semaphore_mem>>) src(%dma_wait3A_111 : memref<64x128xf32, #tpu.memory_space<vmem_shared>>) dst(%arg9 : memref<64x128xf32, #tpu.memory_space<vmem>>)
      tpu.yield
    }) : () -> ()
    %add3A_90 = arith.constant 5120 : i32
    %add3A_91 = arith.addi %add3A_90, %mul3A_75 : i32
    %add3A_92 = arith.constant 128 : i32
    %add3A_93 = arith.addi %add3A_91, %add3A_92 : i32
    "tpu.region"() ({
      %run_scoped3A = tpu.sem_alloc : memref<!tpu.dma_semaphore, #tpu.memory_space<semaphore_mem>>
      %dma_start3A = arith.constant 0 : i32
      %dma_start3A_106 = tpu.memref_slice %arg6[%arg0, %add3A_93, %dma_start3A] : memref<2x10240x128xf32, #tpu.memory_space<hbm>> -> memref<1x64x128xf32, #tpu.memory_space<hbm>>
      %dma_start3A_107 = tpu.memref_squeeze %dma_start3A_106 : memref<1x64x128xf32, #tpu.memory_space<hbm>> -> memref<64x128xf32, #tpu.memory_space<hbm>>
      %dma_start3A_108 = arith.constant 0 : i32
      %dma_start3A_109 = tpu.memref_slice %arg6[%arg0, %add3A_93, %dma_start3A_108] : memref<2x10240x128xf32, #tpu.memory_space<hbm>> -> memref<1x64x128xf32, #tpu.memory_space<hbm>>
      %dma_start3A_110 = tpu.memref_squeeze %dma_start3A_109 : memref<1x64x128xf32, #tpu.memory_space<hbm>> -> memref<64x128xf32, #tpu.memory_space<hbm>>
      tpu.enqueue_dma source(%arg9 : memref<64x128xf32, #tpu.memory_space<vmem>>) target(%dma_start3A_110 : memref<64x128xf32, #tpu.memory_space<hbm>>) target_semaphore(%run_scoped3A : memref<!tpu.dma_semaphore, #tpu.memory_space<semaphore_mem>>)
      %dma_wait3A = arith.constant 0 : i32
      %dma_wait3A_111 = tpu.memref_slice %arg6[%arg0, %add3A_93, %dma_wait3A] : memref<2x10240x128xf32, #tpu.memory_space<hbm>> -> memref<1x64x128xf32, #tpu.memory_space<hbm>>
      %dma_wait3A_112 = tpu.memref_squeeze %dma_wait3A_111 : memref<1x64x128xf32, #tpu.memory_space<hbm>> -> memref<64x128xf32, #tpu.memory_space<hbm>>
      %dma_wait3A_113 = arith.constant 0 : i32
      %dma_wait3A_114 = tpu.memref_slice %arg6[%arg0, %add3A_93, %dma_wait3A_113] : memref<2x10240x128xf32, #tpu.memory_space<hbm>> -> memref<1x64x128xf32, #tpu.memory_space<hbm>>
      %dma_wait3A_115 = tpu.memref_squeeze %dma_wait3A_114 : memref<1x64x128xf32, #tpu.memory_space<hbm>> -> memref<64x128xf32, #tpu.memory_space<hbm>>
      tpu.wait_dma2 semaphore(%run_scoped3A : memref<!tpu.dma_semaphore, #tpu.memory_space<semaphore_mem>>) src(%arg9 : memref<64x128xf32, #tpu.memory_space<vmem>>) dst(%dma_wait3A_115 : memref<64x128xf32, #tpu.memory_space<hbm>>)
      tpu.yield
    }) : () -> ()
    %add3A_94 = arith.constant 192 : i32
    %add3A_95 = arith.addi %mul3A_75, %add3A_94 : i32
    "tpu.region"() ({
      %run_scoped3A = tpu.sem_alloc : memref<!tpu.dma_semaphore, #tpu.memory_space<semaphore_mem>>
      %dma_start3A = arith.constant 0 : i32
      %dma_start3A_106 = tpu.memref_slice %arg11[%add3A_95, %dma_start3A] : memref<5376x128xf32, #tpu.memory_space<vmem_shared>> -> memref<64x128xf32, #tpu.memory_space<vmem_shared>>
      %dma_start3A_107 = arith.constant 0 : i32
      %dma_start3A_108 = tpu.memref_slice %arg11[%add3A_95, %dma_start3A_107] : memref<5376x128xf32, #tpu.memory_space<vmem_shared>> -> memref<64x128xf32, #tpu.memory_space<vmem_shared>>
      tpu.enqueue_dma source(%dma_start3A_108 : memref<64x128xf32, #tpu.memory_space<vmem_shared>>) target(%arg9 : memref<64x128xf32, #tpu.memory_space<vmem>>) target_semaphore(%run_scoped3A : memref<!tpu.dma_semaphore, #tpu.memory_space<semaphore_mem>>)
      %dma_wait3A = arith.constant 0 : i32
      %dma_wait3A_109 = tpu.memref_slice %arg11[%add3A_95, %dma_wait3A] : memref<5376x128xf32, #tpu.memory_space<vmem_shared>> -> memref<64x128xf32, #tpu.memory_space<vmem_shared>>
      %dma_wait3A_110 = arith.constant 0 : i32
      %dma_wait3A_111 = tpu.memref_slice %arg11[%add3A_95, %dma_wait3A_110] : memref<5376x128xf32, #tpu.memory_space<vmem_shared>> -> memref<64x128xf32, #tpu.memory_space<vmem_shared>>
      tpu.wait_dma2 semaphore(%run_scoped3A : memref<!tpu.dma_semaphore, #tpu.memory_space<semaphore_mem>>) src(%dma_wait3A_111 : memref<64x128xf32, #tpu.memory_space<vmem_shared>>) dst(%arg9 : memref<64x128xf32, #tpu.memory_space<vmem>>)
      tpu.yield
    }) : () -> ()
    %add3A_96 = arith.constant 5120 : i32
    %add3A_97 = arith.addi %add3A_96, %mul3A_75 : i32
    %add3A_98 = arith.constant 192 : i32
    %add3A_99 = arith.addi %add3A_97, %add3A_98 : i32
    "tpu.region"() ({
      %run_scoped3A = tpu.sem_alloc : memref<!tpu.dma_semaphore, #tpu.memory_space<semaphore_mem>>
      %dma_start3A = arith.constant 0 : i32
      %dma_start3A_106 = tpu.memref_slice %arg6[%arg0, %add3A_99, %dma_start3A] : memref<2x10240x128xf32, #tpu.memory_space<hbm>> -> memref<1x64x128xf32, #tpu.memory_space<hbm>>
      %dma_start3A_107 = tpu.memref_squeeze %dma_start3A_106 : memref<1x64x128xf32, #tpu.memory_space<hbm>> -> memref<64x128xf32, #tpu.memory_space<hbm>>
      %dma_start3A_108 = arith.constant 0 : i32
      %dma_start3A_109 = tpu.memref_slice %arg6[%arg0, %add3A_99, %dma_start3A_108] : memref<2x10240x128xf32, #tpu.memory_space<hbm>> -> memref<1x64x128xf32, #tpu.memory_space<hbm>>
      %dma_start3A_110 = tpu.memref_squeeze %dma_start3A_109 : memref<1x64x128xf32, #tpu.memory_space<hbm>> -> memref<64x128xf32, #tpu.memory_space<hbm>>
      tpu.enqueue_dma source(%arg9 : memref<64x128xf32, #tpu.memory_space<vmem>>) target(%dma_start3A_110 : memref<64x128xf32, #tpu.memory_space<hbm>>) target_semaphore(%run_scoped3A : memref<!tpu.dma_semaphore, #tpu.memory_space<semaphore_mem>>)
      %dma_wait3A = arith.constant 0 : i32
      %dma_wait3A_111 = tpu.memref_slice %arg6[%arg0, %add3A_99, %dma_wait3A] : memref<2x10240x128xf32, #tpu.memory_space<hbm>> -> memref<1x64x128xf32, #tpu.memory_space<hbm>>
      %dma_wait3A_112 = tpu.memref_squeeze %dma_wait3A_111 : memref<1x64x128xf32, #tpu.memory_space<hbm>> -> memref<64x128xf32, #tpu.memory_space<hbm>>
      %dma_wait3A_113 = arith.constant 0 : i32
      %dma_wait3A_114 = tpu.memref_slice %arg6[%arg0, %add3A_99, %dma_wait3A_113] : memref<2x10240x128xf32, #tpu.memory_space<hbm>> -> memref<1x64x128xf32, #tpu.memory_space<hbm>>
      %dma_wait3A_115 = tpu.memref_squeeze %dma_wait3A_114 : memref<1x64x128xf32, #tpu.memory_space<hbm>> -> memref<64x128xf32, #tpu.memory_space<hbm>>
      tpu.wait_dma2 semaphore(%run_scoped3A : memref<!tpu.dma_semaphore, #tpu.memory_space<semaphore_mem>>) src(%arg9 : memref<64x128xf32, #tpu.memory_space<vmem>>) dst(%dma_wait3A_115 : memref<64x128xf32, #tpu.memory_space<hbm>>)
      tpu.yield
    }) : () -> ()
    %add3A_100 = arith.constant 256 : i32
    %add3A_101 = arith.addi %mul3A_75, %add3A_100 : i32
    "tpu.region"() ({
      %run_scoped3A = tpu.sem_alloc : memref<!tpu.dma_semaphore, #tpu.memory_space<semaphore_mem>>
      %dma_start3A = arith.constant 0 : i32
      %dma_start3A_106 = tpu.memref_slice %arg11[%add3A_101, %dma_start3A] : memref<5376x128xf32, #tpu.memory_space<vmem_shared>> -> memref<64x128xf32, #tpu.memory_space<vmem_shared>>
      %dma_start3A_107 = arith.constant 0 : i32
      %dma_start3A_108 = tpu.memref_slice %arg11[%add3A_101, %dma_start3A_107] : memref<5376x128xf32, #tpu.memory_space<vmem_shared>> -> memref<64x128xf32, #tpu.memory_space<vmem_shared>>
      tpu.enqueue_dma source(%dma_start3A_108 : memref<64x128xf32, #tpu.memory_space<vmem_shared>>) target(%arg9 : memref<64x128xf32, #tpu.memory_space<vmem>>) target_semaphore(%run_scoped3A : memref<!tpu.dma_semaphore, #tpu.memory_space<semaphore_mem>>)
      %dma_wait3A = arith.constant 0 : i32
      %dma_wait3A_109 = tpu.memref_slice %arg11[%add3A_101, %dma_wait3A] : memref<5376x128xf32, #tpu.memory_space<vmem_shared>> -> memref<64x128xf32, #tpu.memory_space<vmem_shared>>
      %dma_wait3A_110 = arith.constant 0 : i32
      %dma_wait3A_111 = tpu.memref_slice %arg11[%add3A_101, %dma_wait3A_110] : memref<5376x128xf32, #tpu.memory_space<vmem_shared>> -> memref<64x128xf32, #tpu.memory_space<vmem_shared>>
      tpu.wait_dma2 semaphore(%run_scoped3A : memref<!tpu.dma_semaphore, #tpu.memory_space<semaphore_mem>>) src(%dma_wait3A_111 : memref<64x128xf32, #tpu.memory_space<vmem_shared>>) dst(%arg9 : memref<64x128xf32, #tpu.memory_space<vmem>>)
      tpu.yield
    }) : () -> ()
    %add3A_102 = arith.constant 5120 : i32
    %add3A_103 = arith.addi %add3A_102, %mul3A_75 : i32
    %add3A_104 = arith.constant 256 : i32
    %add3A_105 = arith.addi %add3A_103, %add3A_104 : i32
    "tpu.region"() ({
      %run_scoped3A = tpu.sem_alloc : memref<!tpu.dma_semaphore, #tpu.memory_space<semaphore_mem>>
      %dma_start3A = arith.constant 0 : i32
      %dma_start3A_106 = tpu.memref_slice %arg6[%arg0, %add3A_105, %dma_start3A] : memref<2x10240x128xf32, #tpu.memory_space<hbm>> -> memref<1x64x128xf32, #tpu.memory_space<hbm>>
      %dma_start3A_107 = tpu.memref_squeeze %dma_start3A_106 : memref<1x64x128xf32, #tpu.memory_space<hbm>> -> memref<64x128xf32, #tpu.memory_space<hbm>>
      %dma_start3A_108 = arith.constant 0 : i32
      %dma_start3A_109 = tpu.memref_slice %arg6[%arg0, %add3A_105, %dma_start3A_108] : memref<2x10240x128xf32, #tpu.memory_space<hbm>> -> memref<1x64x128xf32, #tpu.memory_space<hbm>>
      %dma_start3A_110 = tpu.memref_squeeze %dma_start3A_109 : memref<1x64x128xf32, #tpu.memory_space<hbm>> -> memref<64x128xf32, #tpu.memory_space<hbm>>
      tpu.enqueue_dma source(%arg9 : memref<64x128xf32, #tpu.memory_space<vmem>>) target(%dma_start3A_110 : memref<64x128xf32, #tpu.memory_space<hbm>>) target_semaphore(%run_scoped3A : memref<!tpu.dma_semaphore, #tpu.memory_space<semaphore_mem>>)
      %dma_wait3A = arith.constant 0 : i32
      %dma_wait3A_111 = tpu.memref_slice %arg6[%arg0, %add3A_105, %dma_wait3A] : memref<2x10240x128xf32, #tpu.memory_space<hbm>> -> memref<1x64x128xf32, #tpu.memory_space<hbm>>
      %dma_wait3A_112 = tpu.memref_squeeze %dma_wait3A_111 : memref<1x64x128xf32, #tpu.memory_space<hbm>> -> memref<64x128xf32, #tpu.memory_space<hbm>>
      %dma_wait3A_113 = arith.constant 0 : i32
      %dma_wait3A_114 = tpu.memref_slice %arg6[%arg0, %add3A_105, %dma_wait3A_113] : memref<2x10240x128xf32, #tpu.memory_space<hbm>> -> memref<1x64x128xf32, #tpu.memory_space<hbm>>
      %dma_wait3A_115 = tpu.memref_squeeze %dma_wait3A_114 : memref<1x64x128xf32, #tpu.memory_space<hbm>> -> memref<64x128xf32, #tpu.memory_space<hbm>>
      tpu.wait_dma2 semaphore(%run_scoped3A : memref<!tpu.dma_semaphore, #tpu.memory_space<semaphore_mem>>) src(%arg9 : memref<64x128xf32, #tpu.memory_space<vmem>>) dst(%dma_wait3A_115 : memref<64x128xf32, #tpu.memory_space<hbm>>)
      tpu.yield
    }) : () -> ()
    return
  }
}

#map = affine_map<(d0, d1) -> (0, 0)>
#map1 = affine_map<(d0, d1) -> (0, 0, 0, 0)>
#map2 = affine_map<(d0, d1) -> (0, 0, 0)>
module attributes {stable_mosaic.version = 14 : i64} {
  func.func @body(%arg0: i32, %arg1: i32, %arg2: memref<20480x128xf32, #tpu.memory_space<hbm>>, %arg3: memref<2x80x64x64xi32, #tpu.memory_space<hbm>>, %arg4: memref<2x80x64x64xi32, #tpu.memory_space<hbm>>, %arg5: memref<64x128xf32, #tpu.memory_space<hbm>>, %arg6: memref<2x10240x128xf32, #tpu.memory_space<hbm>>, %arg7: memref<64x64xi32, #tpu.memory_space<vmem>>, %arg8: memref<64x64xi32, #tpu.memory_space<vmem>>, %arg9: memref<64x128xf32, #tpu.memory_space<vmem>>, %arg10: memref<64x128xf32, #tpu.memory_space<vmem>>, %arg11: memref<5376x128xf32, #tpu.memory_space<vmem_shared>>, %arg12: memref<!tpu.dma_semaphore, #tpu.memory_space<semaphore_mem>>, %arg13: memref<!tpu.dma_semaphore, #tpu.memory_space<semaphore_mem>>, %arg14: memref<!tpu.dma_semaphore, #tpu.memory_space<semaphore_mem>>, %arg15: memref<!tpu.dma_semaphore, #tpu.memory_space<semaphore_mem>>) attributes {dimension_semantics = [#tpu.dimension_semantics<core_parallel>, #tpu.dimension_semantics<subcore_parallel>], iteration_bounds = array<i64: 2, 16>, scalar_prefetch = 0 : i64, scratch_operands = 9 : i64, tpu.core_type = #tpu.core_type<sc_vector_subcore>, window_params = [{transform_indices = #map}, {transform_indices = #map1}, {transform_indices = #map1}, {transform_indices = #map}, {transform_indices = #map2}]} {
    %mul3A = arith.constant 336 : i32
    %mul3A_0 = arith.muli %arg1, %mul3A : i32
    "tpu.region"() ({
      %run_scoped3A = tpu.sem_alloc : memref<!tpu.dma_semaphore, #tpu.memory_space<semaphore_mem>>
      tpu.enqueue_dma source(%arg5 : memref<64x128xf32, #tpu.memory_space<hbm>>) target(%arg9 : memref<64x128xf32, #tpu.memory_space<vmem>>) target_semaphore(%run_scoped3A : memref<!tpu.dma_semaphore, #tpu.memory_space<semaphore_mem>>)
      tpu.wait_dma2 semaphore(%run_scoped3A : memref<!tpu.dma_semaphore, #tpu.memory_space<semaphore_mem>>) src(%arg5 : memref<64x128xf32, #tpu.memory_space<hbm>>) dst(%arg9 : memref<64x128xf32, #tpu.memory_space<vmem>>)
      tpu.yield
    }) : () -> ()
    %add3A = arith.constant 0 : i32
    %add3A_1 = arith.addi %mul3A_0, %add3A : i32
    "tpu.region"() ({
      %run_scoped3A = tpu.sem_alloc : memref<!tpu.dma_semaphore, #tpu.memory_space<semaphore_mem>>
      %dma_start3A = arith.constant 0 : i32
      %dma_start3A_106 = tpu.memref_slice %arg11[%add3A_1, %dma_start3A] : memref<5376x128xf32, #tpu.memory_space<vmem_shared>> -> memref<64x128xf32, #tpu.memory_space<vmem_shared>>
      %dma_start3A_107 = arith.constant 0 : i32
      %dma_start3A_108 = tpu.memref_slice %arg11[%add3A_1, %dma_start3A_107] : memref<5376x128xf32, #tpu.memory_space<vmem_shared>> -> memref<64x128xf32, #tpu.memory_space<vmem_shared>>
      tpu.enqueue_dma source(%arg9 : memref<64x128xf32, #tpu.memory_space<vmem>>) target(%dma_start3A_108 : memref<64x128xf32, #tpu.memory_space<vmem_shared>>) target_semaphore(%run_scoped3A : memref<!tpu.dma_semaphore, #tpu.memory_space<semaphore_mem>>)
      %dma_wait3A = arith.constant 0 : i32
      %dma_wait3A_109 = tpu.memref_slice %arg11[%add3A_1, %dma_wait3A] : memref<5376x128xf32, #tpu.memory_space<vmem_shared>> -> memref<64x128xf32, #tpu.memory_space<vmem_shared>>
      %dma_wait3A_110 = arith.constant 0 : i32
      %dma_wait3A_111 = tpu.memref_slice %arg11[%add3A_1, %dma_wait3A_110] : memref<5376x128xf32, #tpu.memory_space<vmem_shared>> -> memref<64x128xf32, #tpu.memory_space<vmem_shared>>
      tpu.wait_dma2 semaphore(%run_scoped3A : memref<!tpu.dma_semaphore, #tpu.memory_space<semaphore_mem>>) src(%arg9 : memref<64x128xf32, #tpu.memory_space<vmem>>) dst(%dma_wait3A_111 : memref<64x128xf32, #tpu.memory_space<vmem_shared>>)
      tpu.yield
    }) : () -> ()
    %add3A_2 = arith.constant 64 : i32
    %add3A_3 = arith.addi %mul3A_0, %add3A_2 : i32
    "tpu.region"() ({
      %run_scoped3A = tpu.sem_alloc : memref<!tpu.dma_semaphore, #tpu.memory_space<semaphore_mem>>
      %dma_start3A = arith.constant 0 : i32
      %dma_start3A_106 = tpu.memref_slice %arg11[%add3A_3, %dma_start3A] : memref<5376x128xf32, #tpu.memory_space<vmem_shared>> -> memref<64x128xf32, #tpu.memory_space<vmem_shared>>
      %dma_start3A_107 = arith.constant 0 : i32
      %dma_start3A_108 = tpu.memref_slice %arg11[%add3A_3, %dma_start3A_107] : memref<5376x128xf32, #tpu.memory_space<vmem_shared>> -> memref<64x128xf32, #tpu.memory_space<vmem_shared>>
      tpu.enqueue_dma source(%arg9 : memref<64x128xf32, #tpu.memory_space<vmem>>) target(%dma_start3A_108 : memref<64x128xf32, #tpu.memory_space<vmem_shared>>) target_semaphore(%run_scoped3A : memref<!tpu.dma_semaphore, #tpu.memory_space<semaphore_mem>>)
      %dma_wait3A = arith.constant 0 : i32
      %dma_wait3A_109 = tpu.memref_slice %arg11[%add3A_3, %dma_wait3A] : memref<5376x128xf32, #tpu.memory_space<vmem_shared>> -> memref<64x128xf32, #tpu.memory_space<vmem_shared>>
      %dma_wait3A_110 = arith.constant 0 : i32
      %dma_wait3A_111 = tpu.memref_slice %arg11[%add3A_3, %dma_wait3A_110] : memref<5376x128xf32, #tpu.memory_space<vmem_shared>> -> memref<64x128xf32, #tpu.memory_space<vmem_shared>>
      tpu.wait_dma2 semaphore(%run_scoped3A : memref<!tpu.dma_semaphore, #tpu.memory_space<semaphore_mem>>) src(%arg9 : memref<64x128xf32, #tpu.memory_space<vmem>>) dst(%dma_wait3A_111 : memref<64x128xf32, #tpu.memory_space<vmem_shared>>)
      tpu.yield
    }) : () -> ()
    %add3A_4 = arith.constant 128 : i32
    %add3A_5 = arith.addi %mul3A_0, %add3A_4 : i32
    "tpu.region"() ({
      %run_scoped3A = tpu.sem_alloc : memref<!tpu.dma_semaphore, #tpu.memory_space<semaphore_mem>>
      %dma_start3A = arith.constant 0 : i32
      %dma_start3A_106 = tpu.memref_slice %arg11[%add3A_5, %dma_start3A] : memref<5376x128xf32, #tpu.memory_space<vmem_shared>> -> memref<64x128xf32, #tpu.memory_space<vmem_shared>>
      %dma_start3A_107 = arith.constant 0 : i32
      %dma_start3A_108 = tpu.memref_slice %arg11[%add3A_5, %dma_start3A_107] : memref<5376x128xf32, #tpu.memory_space<vmem_shared>> -> memref<64x128xf32, #tpu.memory_space<vmem_shared>>
      tpu.enqueue_dma source(%arg9 : memref<64x128xf32, #tpu.memory_space<vmem>>) target(%dma_start3A_108 : memref<64x128xf32, #tpu.memory_space<vmem_shared>>) target_semaphore(%run_scoped3A : memref<!tpu.dma_semaphore, #tpu.memory_space<semaphore_mem>>)
      %dma_wait3A = arith.constant 0 : i32
      %dma_wait3A_109 = tpu.memref_slice %arg11[%add3A_5, %dma_wait3A] : memref<5376x128xf32, #tpu.memory_space<vmem_shared>> -> memref<64x128xf32, #tpu.memory_space<vmem_shared>>
      %dma_wait3A_110 = arith.constant 0 : i32
      %dma_wait3A_111 = tpu.memref_slice %arg11[%add3A_5, %dma_wait3A_110] : memref<5376x128xf32, #tpu.memory_space<vmem_shared>> -> memref<64x128xf32, #tpu.memory_space<vmem_shared>>
      tpu.wait_dma2 semaphore(%run_scoped3A : memref<!tpu.dma_semaphore, #tpu.memory_space<semaphore_mem>>) src(%arg9 : memref<64x128xf32, #tpu.memory_space<vmem>>) dst(%dma_wait3A_111 : memref<64x128xf32, #tpu.memory_space<vmem_shared>>)
      tpu.yield
    }) : () -> ()
    %add3A_6 = arith.constant 192 : i32
    %add3A_7 = arith.addi %mul3A_0, %add3A_6 : i32
    "tpu.region"() ({
      %run_scoped3A = tpu.sem_alloc : memref<!tpu.dma_semaphore, #tpu.memory_space<semaphore_mem>>
      %dma_start3A = arith.constant 0 : i32
      %dma_start3A_106 = tpu.memref_slice %arg11[%add3A_7, %dma_start3A] : memref<5376x128xf32, #tpu.memory_space<vmem_shared>> -> memref<64x128xf32, #tpu.memory_space<vmem_shared>>
      %dma_start3A_107 = arith.constant 0 : i32
      %dma_start3A_108 = tpu.memref_slice %arg11[%add3A_7, %dma_start3A_107] : memref<5376x128xf32, #tpu.memory_space<vmem_shared>> -> memref<64x128xf32, #tpu.memory_space<vmem_shared>>
      tpu.enqueue_dma source(%arg9 : memref<64x128xf32, #tpu.memory_space<vmem>>) target(%dma_start3A_108 : memref<64x128xf32, #tpu.memory_space<vmem_shared>>) target_semaphore(%run_scoped3A : memref<!tpu.dma_semaphore, #tpu.memory_space<semaphore_mem>>)
      %dma_wait3A = arith.constant 0 : i32
      %dma_wait3A_109 = tpu.memref_slice %arg11[%add3A_7, %dma_wait3A] : memref<5376x128xf32, #tpu.memory_space<vmem_shared>> -> memref<64x128xf32, #tpu.memory_space<vmem_shared>>
      %dma_wait3A_110 = arith.constant 0 : i32
      %dma_wait3A_111 = tpu.memref_slice %arg11[%add3A_7, %dma_wait3A_110] : memref<5376x128xf32, #tpu.memory_space<vmem_shared>> -> memref<64x128xf32, #tpu.memory_space<vmem_shared>>
      tpu.wait_dma2 semaphore(%run_scoped3A : memref<!tpu.dma_semaphore, #tpu.memory_space<semaphore_mem>>) src(%arg9 : memref<64x128xf32, #tpu.memory_space<vmem>>) dst(%dma_wait3A_111 : memref<64x128xf32, #tpu.memory_space<vmem_shared>>)
      tpu.yield
    }) : () -> ()
    %add3A_8 = arith.constant 256 : i32
    %add3A_9 = arith.addi %mul3A_0, %add3A_8 : i32
    "tpu.region"() ({
      %run_scoped3A = tpu.sem_alloc : memref<!tpu.dma_semaphore, #tpu.memory_space<semaphore_mem>>
      %dma_start3A = arith.constant 0 : i32
      %dma_start3A_106 = tpu.memref_slice %arg11[%add3A_9, %dma_start3A] : memref<5376x128xf32, #tpu.memory_space<vmem_shared>> -> memref<64x128xf32, #tpu.memory_space<vmem_shared>>
      %dma_start3A_107 = arith.constant 0 : i32
      %dma_start3A_108 = tpu.memref_slice %arg11[%add3A_9, %dma_start3A_107] : memref<5376x128xf32, #tpu.memory_space<vmem_shared>> -> memref<64x128xf32, #tpu.memory_space<vmem_shared>>
      tpu.enqueue_dma source(%arg9 : memref<64x128xf32, #tpu.memory_space<vmem>>) target(%dma_start3A_108 : memref<64x128xf32, #tpu.memory_space<vmem_shared>>) target_semaphore(%run_scoped3A : memref<!tpu.dma_semaphore, #tpu.memory_space<semaphore_mem>>)
      %dma_wait3A = arith.constant 0 : i32
      %dma_wait3A_109 = tpu.memref_slice %arg11[%add3A_9, %dma_wait3A] : memref<5376x128xf32, #tpu.memory_space<vmem_shared>> -> memref<64x128xf32, #tpu.memory_space<vmem_shared>>
      %dma_wait3A_110 = arith.constant 0 : i32
      %dma_wait3A_111 = tpu.memref_slice %arg11[%add3A_9, %dma_wait3A_110] : memref<5376x128xf32, #tpu.memory_space<vmem_shared>> -> memref<64x128xf32, #tpu.memory_space<vmem_shared>>
      tpu.wait_dma2 semaphore(%run_scoped3A : memref<!tpu.dma_semaphore, #tpu.memory_space<semaphore_mem>>) src(%arg9 : memref<64x128xf32, #tpu.memory_space<vmem>>) dst(%dma_wait3A_111 : memref<64x128xf32, #tpu.memory_space<vmem_shared>>)
      tpu.yield
    }) : () -> ()
    %add3A_10 = arith.constant 320 : i32
    %add3A_11 = arith.addi %mul3A_0, %add3A_10 : i32
    "tpu.region"() ({
      %run_scoped3A = tpu.sem_alloc : memref<!tpu.dma_semaphore, #tpu.memory_space<semaphore_mem>>
      %dma_start3A = arith.constant 0 : i32
      %dma_start3A_106 = arith.constant 0 : i32
      %dma_start3A_107 = tpu.memref_slice %arg9[%dma_start3A, %dma_start3A_106] : memref<64x128xf32, #tpu.memory_space<vmem>> -> memref<16x128xf32, #tpu.memory_space<vmem>>
      %dma_start3A_108 = arith.constant 0 : i32
      %dma_start3A_109 = tpu.memref_slice %arg11[%add3A_11, %dma_start3A_108] : memref<5376x128xf32, #tpu.memory_space<vmem_shared>> -> memref<16x128xf32, #tpu.memory_space<vmem_shared>>
      %dma_start3A_110 = arith.constant 0 : i32
      %dma_start3A_111 = tpu.memref_slice %arg11[%add3A_11, %dma_start3A_110] : memref<5376x128xf32, #tpu.memory_space<vmem_shared>> -> memref<16x128xf32, #tpu.memory_space<vmem_shared>>
      %dma_start3A_112 = arith.constant 0 : i32
      %dma_start3A_113 = arith.constant 0 : i32
      %dma_start3A_114 = tpu.memref_slice %arg9[%dma_start3A_112, %dma_start3A_113] : memref<64x128xf32, #tpu.memory_space<vmem>> -> memref<16x128xf32, #tpu.memory_space<vmem>>
      tpu.enqueue_dma source(%dma_start3A_114 : memref<16x128xf32, #tpu.memory_space<vmem>>) target(%dma_start3A_111 : memref<16x128xf32, #tpu.memory_space<vmem_shared>>) target_semaphore(%run_scoped3A : memref<!tpu.dma_semaphore, #tpu.memory_space<semaphore_mem>>)
      %dma_wait3A = arith.constant 0 : i32
      %dma_wait3A_115 = arith.constant 0 : i32
      %dma_wait3A_116 = tpu.memref_slice %arg9[%dma_wait3A, %dma_wait3A_115] : memref<64x128xf32, #tpu.memory_space<vmem>> -> memref<16x128xf32, #tpu.memory_space<vmem>>
      %dma_wait3A_117 = arith.constant 0 : i32
      %dma_wait3A_118 = tpu.memref_slice %arg11[%add3A_11, %dma_wait3A_117] : memref<5376x128xf32, #tpu.memory_space<vmem_shared>> -> memref<16x128xf32, #tpu.memory_space<vmem_shared>>
      %dma_wait3A_119 = arith.constant 0 : i32
      %dma_wait3A_120 = tpu.memref_slice %arg11[%add3A_11, %dma_wait3A_119] : memref<5376x128xf32, #tpu.memory_space<vmem_shared>> -> memref<16x128xf32, #tpu.memory_space<vmem_shared>>
      %dma_wait3A_121 = arith.constant 0 : i32
      %dma_wait3A_122 = arith.constant 0 : i32
      %dma_wait3A_123 = tpu.memref_slice %arg9[%dma_wait3A_121, %dma_wait3A_122] : memref<64x128xf32, #tpu.memory_space<vmem>> -> memref<16x128xf32, #tpu.memory_space<vmem>>
      tpu.wait_dma2 semaphore(%run_scoped3A : memref<!tpu.dma_semaphore, #tpu.memory_space<semaphore_mem>>) src(%dma_wait3A_123 : memref<16x128xf32, #tpu.memory_space<vmem>>) dst(%dma_wait3A_120 : memref<16x128xf32, #tpu.memory_space<vmem_shared>>)
      tpu.yield
    }) : () -> ()
    %barrier3A = arith.constant 0 : index
    tpu.barrier barrier_id(%barrier3A)
    %scan3A = arith.constant 0 : i32
    %scan3A_12 = arith.constant 0 : i32
    %scan3A_13 = arith.constant 5 : i32
    %scan3A_14 = arith.addi %scan3A_12, %scan3A_13 : i32
    %scan3A_15 = arith.constant 1 : i32
    %scan3A_16 = scf.for %scan3A_106 = %scan3A_12 to %scan3A_14 step %scan3A_15 iter_args(%scan3A_107 = %scan3A) -> (i32)  : i32 {
      %mul3A_108 = arith.constant 5 : i32
      %mul3A_109 = arith.muli %arg1, %mul3A_108 : i32
      %add3A_110 = arith.addi %mul3A_109, %scan3A_106 : i32
      "tpu.region"() ({
        %run_scoped3A_176 = tpu.sem_alloc : memref<!tpu.dma_semaphore, #tpu.memory_space<semaphore_mem>>
        %dma_start3A_177 = arith.constant 0 : i32
        %dma_start3A_178 = arith.constant 0 : i32
        %dma_start3A_179 = tpu.memref_slice %arg3[%arg0, %add3A_110, %dma_start3A_177, %dma_start3A_178] : memref<2x80x64x64xi32, #tpu.memory_space<hbm>> -> memref<1x1x64x64xi32, #tpu.memory_space<hbm>>
        %dma_start3A_180 = tpu.memref_squeeze %dma_start3A_179 : memref<1x1x64x64xi32, #tpu.memory_space<hbm>> -> memref<64x64xi32, #tpu.memory_space<hbm>>
        %dma_start3A_181 = arith.constant 0 : i32
        %dma_start3A_182 = arith.constant 0 : i32
        %dma_start3A_183 = tpu.memref_slice %arg3[%arg0, %add3A_110, %dma_start3A_181, %dma_start3A_182] : memref<2x80x64x64xi32, #tpu.memory_space<hbm>> -> memref<1x1x64x64xi32, #tpu.memory_space<hbm>>
        %dma_start3A_184 = tpu.memref_squeeze %dma_start3A_183 : memref<1x1x64x64xi32, #tpu.memory_space<hbm>> -> memref<64x64xi32, #tpu.memory_space<hbm>>
        tpu.enqueue_dma source(%dma_start3A_184 : memref<64x64xi32, #tpu.memory_space<hbm>>) target(%arg7 : memref<64x64xi32, #tpu.memory_space<vmem>>) target_semaphore(%run_scoped3A_176 : memref<!tpu.dma_semaphore, #tpu.memory_space<semaphore_mem>>)
        %dma_wait3A_185 = arith.constant 0 : i32
        %dma_wait3A_186 = arith.constant 0 : i32
        %dma_wait3A_187 = tpu.memref_slice %arg3[%arg0, %add3A_110, %dma_wait3A_185, %dma_wait3A_186] : memref<2x80x64x64xi32, #tpu.memory_space<hbm>> -> memref<1x1x64x64xi32, #tpu.memory_space<hbm>>
        %dma_wait3A_188 = tpu.memref_squeeze %dma_wait3A_187 : memref<1x1x64x64xi32, #tpu.memory_space<hbm>> -> memref<64x64xi32, #tpu.memory_space<hbm>>
        %dma_wait3A_189 = arith.constant 0 : i32
        %dma_wait3A_190 = arith.constant 0 : i32
        %dma_wait3A_191 = tpu.memref_slice %arg3[%arg0, %add3A_110, %dma_wait3A_189, %dma_wait3A_190] : memref<2x80x64x64xi32, #tpu.memory_space<hbm>> -> memref<1x1x64x64xi32, #tpu.memory_space<hbm>>
        %dma_wait3A_192 = tpu.memref_squeeze %dma_wait3A_191 : memref<1x1x64x64xi32, #tpu.memory_space<hbm>> -> memref<64x64xi32, #tpu.memory_space<hbm>>
        tpu.wait_dma2 semaphore(%run_scoped3A_176 : memref<!tpu.dma_semaphore, #tpu.memory_space<semaphore_mem>>) src(%dma_wait3A_192 : memref<64x64xi32, #tpu.memory_space<hbm>>) dst(%arg7 : memref<64x64xi32, #tpu.memory_space<vmem>>)
        tpu.yield
      }) : () -> ()
      %mul3A_111 = arith.constant 5 : i32
      %mul3A_112 = arith.muli %arg1, %mul3A_111 : i32
      %add3A_113 = arith.addi %mul3A_112, %scan3A_106 : i32
      %run_scoped3A = arith.constant 0 : i32
      "tpu.region"() ({
        %run_scoped3A_176 = tpu.sem_alloc : memref<!tpu.dma_semaphore, #tpu.memory_space<semaphore_mem>>
        %dma_start3A_177 = arith.constant 0 : i32
        %dma_start3A_178 = arith.constant 0 : i32
        %dma_start3A_179 = tpu.memref_slice %arg4[%run_scoped3A, %add3A_113, %dma_start3A_177, %dma_start3A_178] : memref<2x80x64x64xi32, #tpu.memory_space<hbm>> -> memref<1x1x64x64xi32, #tpu.memory_space<hbm>>
        %dma_start3A_180 = tpu.memref_squeeze %dma_start3A_179 : memref<1x1x64x64xi32, #tpu.memory_space<hbm>> -> memref<64x64xi32, #tpu.memory_space<hbm>>
        %dma_start3A_181 = arith.constant 0 : i32
        %dma_start3A_182 = arith.constant 0 : i32
        %dma_start3A_183 = tpu.memref_slice %arg4[%run_scoped3A, %add3A_113, %dma_start3A_181, %dma_start3A_182] : memref<2x80x64x64xi32, #tpu.memory_space<hbm>> -> memref<1x1x64x64xi32, #tpu.memory_space<hbm>>
        %dma_start3A_184 = tpu.memref_squeeze %dma_start3A_183 : memref<1x1x64x64xi32, #tpu.memory_space<hbm>> -> memref<64x64xi32, #tpu.memory_space<hbm>>
        tpu.enqueue_dma source(%dma_start3A_184 : memref<64x64xi32, #tpu.memory_space<hbm>>) target(%arg8 : memref<64x64xi32, #tpu.memory_space<vmem>>) target_semaphore(%run_scoped3A_176 : memref<!tpu.dma_semaphore, #tpu.memory_space<semaphore_mem>>)
        %dma_wait3A_185 = arith.constant 0 : i32
        %dma_wait3A_186 = arith.constant 0 : i32
        %dma_wait3A_187 = tpu.memref_slice %arg4[%run_scoped3A, %add3A_113, %dma_wait3A_185, %dma_wait3A_186] : memref<2x80x64x64xi32, #tpu.memory_space<hbm>> -> memref<1x1x64x64xi32, #tpu.memory_space<hbm>>
        %dma_wait3A_188 = tpu.memref_squeeze %dma_wait3A_187 : memref<1x1x64x64xi32, #tpu.memory_space<hbm>> -> memref<64x64xi32, #tpu.memory_space<hbm>>
        %dma_wait3A_189 = arith.constant 0 : i32
        %dma_wait3A_190 = arith.constant 0 : i32
        %dma_wait3A_191 = tpu.memref_slice %arg4[%run_scoped3A, %add3A_113, %dma_wait3A_189, %dma_wait3A_190] : memref<2x80x64x64xi32, #tpu.memory_space<hbm>> -> memref<1x1x64x64xi32, #tpu.memory_space<hbm>>
        %dma_wait3A_192 = tpu.memref_squeeze %dma_wait3A_191 : memref<1x1x64x64xi32, #tpu.memory_space<hbm>> -> memref<64x64xi32, #tpu.memory_space<hbm>>
        tpu.wait_dma2 semaphore(%run_scoped3A_176 : memref<!tpu.dma_semaphore, #tpu.memory_space<semaphore_mem>>) src(%dma_wait3A_192 : memref<64x64xi32, #tpu.memory_space<hbm>>) dst(%arg8 : memref<64x64xi32, #tpu.memory_space<vmem>>)
        tpu.yield
      }) : () -> ()
      %dma_start3A = arith.constant 0 : i32
      %dma_start3A_114 = arith.constant 0 : i32
      %dma_start3A_115 = tpu.memref_slice %arg7[%dma_start3A, %dma_start3A_114] : memref<64x64xi32, #tpu.memory_space<vmem>> -> memref<1x64xi32, #tpu.memory_space<vmem>>
      %dma_start3A_116 = tpu.memref_squeeze %dma_start3A_115 : memref<1x64xi32, #tpu.memory_space<vmem>> -> memref<64xi32, #tpu.memory_space<vmem>>
      %dma_start3A_117 = arith.constant 0 : i32
      %dma_start3A_118 = arith.constant 0 : i32
      %dma_start3A_119 = tpu.memref_slice %arg2[%dma_start3A_117, %dma_start3A_118] : memref<20480x128xf32, #tpu.memory_space<hbm>> -> memref<20480x128xf32, #tpu.memory_space<hbm>>
      tpu.enqueue_indirect_dma source(%dma_start3A_119 : memref<20480x128xf32, #tpu.memory_space<hbm>>) target(%arg9 : memref<64x128xf32, #tpu.memory_space<vmem>>) offsets(%dma_start3A_116 : memref<64xi32, #tpu.memory_space<vmem>>) semaphore(%arg12 : memref<!tpu.dma_semaphore, #tpu.memory_space<semaphore_mem>>)
      %dma_start3A_120 = arith.constant 1 : i32
      %dma_start3A_121 = arith.constant 0 : i32
      %dma_start3A_122 = tpu.memref_slice %arg7[%dma_start3A_120, %dma_start3A_121] : memref<64x64xi32, #tpu.memory_space<vmem>> -> memref<1x64xi32, #tpu.memory_space<vmem>>
      %dma_start3A_123 = tpu.memref_squeeze %dma_start3A_122 : memref<1x64xi32, #tpu.memory_space<vmem>> -> memref<64xi32, #tpu.memory_space<vmem>>
      %dma_start3A_124 = arith.constant 0 : i32
      %dma_start3A_125 = arith.constant 0 : i32
      %dma_start3A_126 = tpu.memref_slice %arg2[%dma_start3A_124, %dma_start3A_125] : memref<20480x128xf32, #tpu.memory_space<hbm>> -> memref<20480x128xf32, #tpu.memory_space<hbm>>
      tpu.enqueue_indirect_dma source(%dma_start3A_126 : memref<20480x128xf32, #tpu.memory_space<hbm>>) target(%arg10 : memref<64x128xf32, #tpu.memory_space<vmem>>) offsets(%dma_start3A_123 : memref<64xi32, #tpu.memory_space<vmem>>) semaphore(%arg13 : memref<!tpu.dma_semaphore, #tpu.memory_space<semaphore_mem>>)
      %scan3A_127 = arith.constant 0 : i32
      %scan3A_128 = arith.constant 0 : i32
      %scan3A_129 = arith.constant 31 : i32
      %scan3A_130 = arith.addi %scan3A_128, %scan3A_129 : i32
      %scan3A_131 = arith.constant 1 : i32
      %scan3A_132 = scf.for %scan3A_176 = %scan3A_128 to %scan3A_130 step %scan3A_131 iter_args(%scan3A_177 = %scan3A_127) -> (i32)  : i32 {
        %mul3A_178 = arith.constant 2 : i32
        %mul3A_179 = arith.muli %mul3A_178, %scan3A_176 : i32
        %dma_wait3A_180 = arith.constant 0 : i32
        %dma_wait3A_181 = tpu.memref_slice %arg7[%mul3A_179, %dma_wait3A_180] : memref<64x64xi32, #tpu.memory_space<vmem>> -> memref<1x64xi32, #tpu.memory_space<vmem>>
        %dma_wait3A_182 = tpu.memref_squeeze %dma_wait3A_181 : memref<1x64xi32, #tpu.memory_space<vmem>> -> memref<64xi32, #tpu.memory_space<vmem>>
        %dma_wait3A_183 = arith.constant 0 : i32
        %dma_wait3A_184 = arith.constant 0 : i32
        %dma_wait3A_185 = tpu.memref_slice %arg2[%dma_wait3A_183, %dma_wait3A_184] : memref<20480x128xf32, #tpu.memory_space<hbm>> -> memref<20480x128xf32, #tpu.memory_space<hbm>>
        tpu.wait_indirect_dma semaphore(%arg12 : memref<!tpu.dma_semaphore, #tpu.memory_space<semaphore_mem>>) src(%dma_wait3A_185 : memref<20480x128xf32, #tpu.memory_space<hbm>>) dst(%arg9 : memref<64x128xf32, #tpu.memory_space<vmem>>)
        %dma_start3A_186 = arith.constant 0 : i32
        %dma_start3A_187 = tpu.memref_slice %arg8[%mul3A_179, %dma_start3A_186] : memref<64x64xi32, #tpu.memory_space<vmem>> -> memref<1x64xi32, #tpu.memory_space<vmem>>
        %dma_start3A_188 = tpu.memref_squeeze %dma_start3A_187 : memref<1x64xi32, #tpu.memory_space<vmem>> -> memref<64xi32, #tpu.memory_space<vmem>>
        %dma_start3A_189 = arith.constant 0 : i32
        %dma_start3A_190 = arith.constant 0 : i32
        %dma_start3A_191 = tpu.memref_slice %arg11[%dma_start3A_189, %dma_start3A_190] : memref<5376x128xf32, #tpu.memory_space<vmem_shared>> -> memref<5376x128xf32, #tpu.memory_space<vmem_shared>>
        tpu.enqueue_indirect_dma source(%arg9 : memref<64x128xf32, #tpu.memory_space<vmem>>) target(%dma_start3A_191 : memref<5376x128xf32, #tpu.memory_space<vmem_shared>>) offsets(%dma_start3A_188 : memref<64xi32, #tpu.memory_space<vmem>>) semaphore(%arg14 : memref<!tpu.dma_semaphore, #tpu.memory_space<semaphore_mem>>) {add = true}
        %add3A_192 = arith.constant 1 : i32
        %add3A_193 = arith.addi %mul3A_179, %add3A_192 : i32
        %dma_wait3A_194 = arith.constant 0 : i32
        %dma_wait3A_195 = tpu.memref_slice %arg7[%add3A_193, %dma_wait3A_194] : memref<64x64xi32, #tpu.memory_space<vmem>> -> memref<1x64xi32, #tpu.memory_space<vmem>>
        %dma_wait3A_196 = tpu.memref_squeeze %dma_wait3A_195 : memref<1x64xi32, #tpu.memory_space<vmem>> -> memref<64xi32, #tpu.memory_space<vmem>>
        %dma_wait3A_197 = arith.constant 0 : i32
        %dma_wait3A_198 = arith.constant 0 : i32
        %dma_wait3A_199 = tpu.memref_slice %arg2[%dma_wait3A_197, %dma_wait3A_198] : memref<20480x128xf32, #tpu.memory_space<hbm>> -> memref<20480x128xf32, #tpu.memory_space<hbm>>
        tpu.wait_indirect_dma semaphore(%arg13 : memref<!tpu.dma_semaphore, #tpu.memory_space<semaphore_mem>>) src(%dma_wait3A_199 : memref<20480x128xf32, #tpu.memory_space<hbm>>) dst(%arg10 : memref<64x128xf32, #tpu.memory_space<vmem>>)
        %add3A_200 = arith.constant 1 : i32
        %add3A_201 = arith.addi %mul3A_179, %add3A_200 : i32
        %dma_start3A_202 = arith.constant 0 : i32
        %dma_start3A_203 = tpu.memref_slice %arg8[%add3A_201, %dma_start3A_202] : memref<64x64xi32, #tpu.memory_space<vmem>> -> memref<1x64xi32, #tpu.memory_space<vmem>>
        %dma_start3A_204 = tpu.memref_squeeze %dma_start3A_203 : memref<1x64xi32, #tpu.memory_space<vmem>> -> memref<64xi32, #tpu.memory_space<vmem>>
        %dma_start3A_205 = arith.constant 0 : i32
        %dma_start3A_206 = arith.constant 0 : i32
        %dma_start3A_207 = tpu.memref_slice %arg11[%dma_start3A_205, %dma_start3A_206] : memref<5376x128xf32, #tpu.memory_space<vmem_shared>> -> memref<5376x128xf32, #tpu.memory_space<vmem_shared>>
        tpu.enqueue_indirect_dma source(%arg10 : memref<64x128xf32, #tpu.memory_space<vmem>>) target(%dma_start3A_207 : memref<5376x128xf32, #tpu.memory_space<vmem_shared>>) offsets(%dma_start3A_204 : memref<64xi32, #tpu.memory_space<vmem>>) semaphore(%arg15 : memref<!tpu.dma_semaphore, #tpu.memory_space<semaphore_mem>>) {add = true}
        %dma_wait3A_208 = arith.constant 0 : i32
        %dma_wait3A_209 = tpu.memref_slice %arg8[%mul3A_179, %dma_wait3A_208] : memref<64x64xi32, #tpu.memory_space<vmem>> -> memref<1x64xi32, #tpu.memory_space<vmem>>
        %dma_wait3A_210 = tpu.memref_squeeze %dma_wait3A_209 : memref<1x64xi32, #tpu.memory_space<vmem>> -> memref<64xi32, #tpu.memory_space<vmem>>
        %dma_wait3A_211 = arith.constant 0 : i32
        %dma_wait3A_212 = arith.constant 0 : i32
        %dma_wait3A_213 = tpu.memref_slice %arg11[%dma_wait3A_211, %dma_wait3A_212] : memref<5376x128xf32, #tpu.memory_space<vmem_shared>> -> memref<5376x128xf32, #tpu.memory_space<vmem_shared>>
        tpu.wait_indirect_dma semaphore(%arg14 : memref<!tpu.dma_semaphore, #tpu.memory_space<semaphore_mem>>) src(%arg9 : memref<64x128xf32, #tpu.memory_space<vmem>>) dst(%dma_wait3A_213 : memref<5376x128xf32, #tpu.memory_space<vmem_shared>>)
        %add3A_214 = arith.constant 2 : i32
        %add3A_215 = arith.addi %mul3A_179, %add3A_214 : i32
        %dma_start3A_216 = arith.constant 0 : i32
        %dma_start3A_217 = tpu.memref_slice %arg7[%add3A_215, %dma_start3A_216] : memref<64x64xi32, #tpu.memory_space<vmem>> -> memref<1x64xi32, #tpu.memory_space<vmem>>
        %dma_start3A_218 = tpu.memref_squeeze %dma_start3A_217 : memref<1x64xi32, #tpu.memory_space<vmem>> -> memref<64xi32, #tpu.memory_space<vmem>>
        %dma_start3A_219 = arith.constant 0 : i32
        %dma_start3A_220 = arith.constant 0 : i32
        %dma_start3A_221 = tpu.memref_slice %arg2[%dma_start3A_219, %dma_start3A_220] : memref<20480x128xf32, #tpu.memory_space<hbm>> -> memref<20480x128xf32, #tpu.memory_space<hbm>>
        tpu.enqueue_indirect_dma source(%dma_start3A_221 : memref<20480x128xf32, #tpu.memory_space<hbm>>) target(%arg9 : memref<64x128xf32, #tpu.memory_space<vmem>>) offsets(%dma_start3A_218 : memref<64xi32, #tpu.memory_space<vmem>>) semaphore(%arg12 : memref<!tpu.dma_semaphore, #tpu.memory_space<semaphore_mem>>)
        %add3A_222 = arith.constant 1 : i32
        %add3A_223 = arith.addi %mul3A_179, %add3A_222 : i32
        %dma_wait3A_224 = arith.constant 0 : i32
        %dma_wait3A_225 = tpu.memref_slice %arg8[%add3A_223, %dma_wait3A_224] : memref<64x64xi32, #tpu.memory_space<vmem>> -> memref<1x64xi32, #tpu.memory_space<vmem>>
        %dma_wait3A_226 = tpu.memref_squeeze %dma_wait3A_225 : memref<1x64xi32, #tpu.memory_space<vmem>> -> memref<64xi32, #tpu.memory_space<vmem>>
        %dma_wait3A_227 = arith.constant 0 : i32
        %dma_wait3A_228 = arith.constant 0 : i32
        %dma_wait3A_229 = tpu.memref_slice %arg11[%dma_wait3A_227, %dma_wait3A_228] : memref<5376x128xf32, #tpu.memory_space<vmem_shared>> -> memref<5376x128xf32, #tpu.memory_space<vmem_shared>>
        tpu.wait_indirect_dma semaphore(%arg15 : memref<!tpu.dma_semaphore, #tpu.memory_space<semaphore_mem>>) src(%arg10 : memref<64x128xf32, #tpu.memory_space<vmem>>) dst(%dma_wait3A_229 : memref<5376x128xf32, #tpu.memory_space<vmem_shared>>)
        %add3A_230 = arith.constant 3 : i32
        %add3A_231 = arith.addi %mul3A_179, %add3A_230 : i32
        %dma_start3A_232 = arith.constant 0 : i32
        %dma_start3A_233 = tpu.memref_slice %arg7[%add3A_231, %dma_start3A_232] : memref<64x64xi32, #tpu.memory_space<vmem>> -> memref<1x64xi32, #tpu.memory_space<vmem>>
        %dma_start3A_234 = tpu.memref_squeeze %dma_start3A_233 : memref<1x64xi32, #tpu.memory_space<vmem>> -> memref<64xi32, #tpu.memory_space<vmem>>
        %dma_start3A_235 = arith.constant 0 : i32
        %dma_start3A_236 = arith.constant 0 : i32
        %dma_start3A_237 = tpu.memref_slice %arg2[%dma_start3A_235, %dma_start3A_236] : memref<20480x128xf32, #tpu.memory_space<hbm>> -> memref<20480x128xf32, #tpu.memory_space<hbm>>
        tpu.enqueue_indirect_dma source(%dma_start3A_237 : memref<20480x128xf32, #tpu.memory_space<hbm>>) target(%arg10 : memref<64x128xf32, #tpu.memory_space<vmem>>) offsets(%dma_start3A_234 : memref<64xi32, #tpu.memory_space<vmem>>) semaphore(%arg13 : memref<!tpu.dma_semaphore, #tpu.memory_space<semaphore_mem>>)
        %scan3A_238 = arith.constant 0 : i32
        scf.yield %scan3A_238 : i32
      }
      %scan3A_133 = arith.constant 31 : i32
      %dma_wait3A = arith.constant 62 : i32
      %dma_wait3A_134 = arith.constant 0 : i32
      %dma_wait3A_135 = tpu.memref_slice %arg7[%dma_wait3A, %dma_wait3A_134] : memref<64x64xi32, #tpu.memory_space<vmem>> -> memref<1x64xi32, #tpu.memory_space<vmem>>
      %dma_wait3A_136 = tpu.memref_squeeze %dma_wait3A_135 : memref<1x64xi32, #tpu.memory_space<vmem>> -> memref<64xi32, #tpu.memory_space<vmem>>
      %dma_wait3A_137 = arith.constant 0 : i32
      %dma_wait3A_138 = arith.constant 0 : i32
      %dma_wait3A_139 = tpu.memref_slice %arg2[%dma_wait3A_137, %dma_wait3A_138] : memref<20480x128xf32, #tpu.memory_space<hbm>> -> memref<20480x128xf32, #tpu.memory_space<hbm>>
      tpu.wait_indirect_dma semaphore(%arg12 : memref<!tpu.dma_semaphore, #tpu.memory_space<semaphore_mem>>) src(%dma_wait3A_139 : memref<20480x128xf32, #tpu.memory_space<hbm>>) dst(%arg9 : memref<64x128xf32, #tpu.memory_space<vmem>>)
      %dma_start3A_140 = arith.constant 62 : i32
      %dma_start3A_141 = arith.constant 0 : i32
      %dma_start3A_142 = tpu.memref_slice %arg8[%dma_start3A_140, %dma_start3A_141] : memref<64x64xi32, #tpu.memory_space<vmem>> -> memref<1x64xi32, #tpu.memory_space<vmem>>
      %dma_start3A_143 = tpu.memref_squeeze %dma_start3A_142 : memref<1x64xi32, #tpu.memory_space<vmem>> -> memref<64xi32, #tpu.memory_space<vmem>>
      %dma_start3A_144 = arith.constant 0 : i32
      %dma_start3A_145 = arith.constant 0 : i32
      %dma_start3A_146 = tpu.memref_slice %arg11[%dma_start3A_144, %dma_start3A_145] : memref<5376x128xf32, #tpu.memory_space<vmem_shared>> -> memref<5376x128xf32, #tpu.memory_space<vmem_shared>>
      tpu.enqueue_indirect_dma source(%arg9 : memref<64x128xf32, #tpu.memory_space<vmem>>) target(%dma_start3A_146 : memref<5376x128xf32, #tpu.memory_space<vmem_shared>>) offsets(%dma_start3A_143 : memref<64xi32, #tpu.memory_space<vmem>>) semaphore(%arg14 : memref<!tpu.dma_semaphore, #tpu.memory_space<semaphore_mem>>) {add = true}
      %dma_wait3A_147 = arith.constant 63 : i32
      %dma_wait3A_148 = arith.constant 0 : i32
      %dma_wait3A_149 = tpu.memref_slice %arg7[%dma_wait3A_147, %dma_wait3A_148] : memref<64x64xi32, #tpu.memory_space<vmem>> -> memref<1x64xi32, #tpu.memory_space<vmem>>
      %dma_wait3A_150 = tpu.memref_squeeze %dma_wait3A_149 : memref<1x64xi32, #tpu.memory_space<vmem>> -> memref<64xi32, #tpu.memory_space<vmem>>
      %dma_wait3A_151 = arith.constant 0 : i32
      %dma_wait3A_152 = arith.constant 0 : i32
      %dma_wait3A_153 = tpu.memref_slice %arg2[%dma_wait3A_151, %dma_wait3A_152] : memref<20480x128xf32, #tpu.memory_space<hbm>> -> memref<20480x128xf32, #tpu.memory_space<hbm>>
      tpu.wait_indirect_dma semaphore(%arg13 : memref<!tpu.dma_semaphore, #tpu.memory_space<semaphore_mem>>) src(%dma_wait3A_153 : memref<20480x128xf32, #tpu.memory_space<hbm>>) dst(%arg10 : memref<64x128xf32, #tpu.memory_space<vmem>>)
      %dma_start3A_154 = arith.constant 63 : i32
      %dma_start3A_155 = arith.constant 0 : i32
      %dma_start3A_156 = tpu.memref_slice %arg8[%dma_start3A_154, %dma_start3A_155] : memref<64x64xi32, #tpu.memory_space<vmem>> -> memref<1x64xi32, #tpu.memory_space<vmem>>
      %dma_start3A_157 = tpu.memref_squeeze %dma_start3A_156 : memref<1x64xi32, #tpu.memory_space<vmem>> -> memref<64xi32, #tpu.memory_space<vmem>>
      %dma_start3A_158 = arith.constant 0 : i32
      %dma_start3A_159 = arith.constant 0 : i32
      %dma_start3A_160 = tpu.memref_slice %arg11[%dma_start3A_158, %dma_start3A_159] : memref<5376x128xf32, #tpu.memory_space<vmem_shared>> -> memref<5376x128xf32, #tpu.memory_space<vmem_shared>>
      tpu.enqueue_indirect_dma source(%arg10 : memref<64x128xf32, #tpu.memory_space<vmem>>) target(%dma_start3A_160 : memref<5376x128xf32, #tpu.memory_space<vmem_shared>>) offsets(%dma_start3A_157 : memref<64xi32, #tpu.memory_space<vmem>>) semaphore(%arg15 : memref<!tpu.dma_semaphore, #tpu.memory_space<semaphore_mem>>) {add = true}
      %dma_wait3A_161 = arith.constant 62 : i32
      %dma_wait3A_162 = arith.constant 0 : i32
      %dma_wait3A_163 = tpu.memref_slice %arg8[%dma_wait3A_161, %dma_wait3A_162] : memref<64x64xi32, #tpu.memory_space<vmem>> -> memref<1x64xi32, #tpu.memory_space<vmem>>
      %dma_wait3A_164 = tpu.memref_squeeze %dma_wait3A_163 : memref<1x64xi32, #tpu.memory_space<vmem>> -> memref<64xi32, #tpu.memory_space<vmem>>
      %dma_wait3A_165 = arith.constant 0 : i32
      %dma_wait3A_166 = arith.constant 0 : i32
      %dma_wait3A_167 = tpu.memref_slice %arg11[%dma_wait3A_165, %dma_wait3A_166] : memref<5376x128xf32, #tpu.memory_space<vmem_shared>> -> memref<5376x128xf32, #tpu.memory_space<vmem_shared>>
      tpu.wait_indirect_dma semaphore(%arg14 : memref<!tpu.dma_semaphore, #tpu.memory_space<semaphore_mem>>) src(%arg9 : memref<64x128xf32, #tpu.memory_space<vmem>>) dst(%dma_wait3A_167 : memref<5376x128xf32, #tpu.memory_space<vmem_shared>>)
      %dma_wait3A_168 = arith.constant 63 : i32
      %dma_wait3A_169 = arith.constant 0 : i32
      %dma_wait3A_170 = tpu.memref_slice %arg8[%dma_wait3A_168, %dma_wait3A_169] : memref<64x64xi32, #tpu.memory_space<vmem>> -> memref<1x64xi32, #tpu.memory_space<vmem>>
      %dma_wait3A_171 = tpu.memref_squeeze %dma_wait3A_170 : memref<1x64xi32, #tpu.memory_space<vmem>> -> memref<64xi32, #tpu.memory_space<vmem>>
      %dma_wait3A_172 = arith.constant 0 : i32
      %dma_wait3A_173 = arith.constant 0 : i32
      %dma_wait3A_174 = tpu.memref_slice %arg11[%dma_wait3A_172, %dma_wait3A_173] : memref<5376x128xf32, #tpu.memory_space<vmem_shared>> -> memref<5376x128xf32, #tpu.memory_space<vmem_shared>>
      tpu.wait_indirect_dma semaphore(%arg15 : memref<!tpu.dma_semaphore, #tpu.memory_space<semaphore_mem>>) src(%arg10 : memref<64x128xf32, #tpu.memory_space<vmem>>) dst(%dma_wait3A_174 : memref<5376x128xf32, #tpu.memory_space<vmem_shared>>)
      %scan3A_175 = arith.constant 0 : i32
      scf.yield %scan3A_175 : i32
    }
    %scan3A_17 = arith.constant 5 : i32
    %barrier3A_18 = arith.constant 0 : index
    tpu.barrier barrier_id(%barrier3A_18)
    %mul3A_19 = arith.constant 320 : i32
    %mul3A_20 = arith.muli %arg1, %mul3A_19 : i32
    %add3A_21 = arith.constant 0 : i32
    %add3A_22 = arith.addi %mul3A_20, %add3A_21 : i32
    "tpu.region"() ({
      %run_scoped3A = tpu.sem_alloc : memref<!tpu.dma_semaphore, #tpu.memory_space<semaphore_mem>>
      %dma_start3A = arith.constant 0 : i32
      %dma_start3A_106 = tpu.memref_slice %arg11[%add3A_22, %dma_start3A] : memref<5376x128xf32, #tpu.memory_space<vmem_shared>> -> memref<64x128xf32, #tpu.memory_space<vmem_shared>>
      %dma_start3A_107 = arith.constant 0 : i32
      %dma_start3A_108 = tpu.memref_slice %arg11[%add3A_22, %dma_start3A_107] : memref<5376x128xf32, #tpu.memory_space<vmem_shared>> -> memref<64x128xf32, #tpu.memory_space<vmem_shared>>
      tpu.enqueue_dma source(%dma_start3A_108 : memref<64x128xf32, #tpu.memory_space<vmem_shared>>) target(%arg9 : memref<64x128xf32, #tpu.memory_space<vmem>>) target_semaphore(%run_scoped3A : memref<!tpu.dma_semaphore, #tpu.memory_space<semaphore_mem>>)
      %dma_wait3A = arith.constant 0 : i32
      %dma_wait3A_109 = tpu.memref_slice %arg11[%add3A_22, %dma_wait3A] : memref<5376x128xf32, #tpu.memory_space<vmem_shared>> -> memref<64x128xf32, #tpu.memory_space<vmem_shared>>
      %dma_wait3A_110 = arith.constant 0 : i32
      %dma_wait3A_111 = tpu.memref_slice %arg11[%add3A_22, %dma_wait3A_110] : memref<5376x128xf32, #tpu.memory_space<vmem_shared>> -> memref<64x128xf32, #tpu.memory_space<vmem_shared>>
      tpu.wait_dma2 semaphore(%run_scoped3A : memref<!tpu.dma_semaphore, #tpu.memory_space<semaphore_mem>>) src(%dma_wait3A_111 : memref<64x128xf32, #tpu.memory_space<vmem_shared>>) dst(%arg9 : memref<64x128xf32, #tpu.memory_space<vmem>>)
      tpu.yield
    }) : () -> ()
    %add3A_23 = arith.constant 0 : i32
    %add3A_24 = arith.addi %add3A_23, %mul3A_20 : i32
    %add3A_25 = arith.constant 0 : i32
    %add3A_26 = arith.addi %add3A_24, %add3A_25 : i32
    "tpu.region"() ({
      %run_scoped3A = tpu.sem_alloc : memref<!tpu.dma_semaphore, #tpu.memory_space<semaphore_mem>>
      %dma_start3A = arith.constant 0 : i32
      %dma_start3A_106 = tpu.memref_slice %arg6[%arg0, %add3A_26, %dma_start3A] : memref<2x10240x128xf32, #tpu.memory_space<hbm>> -> memref<1x64x128xf32, #tpu.memory_space<hbm>>
      %dma_start3A_107 = tpu.memref_squeeze %dma_start3A_106 : memref<1x64x128xf32, #tpu.memory_space<hbm>> -> memref<64x128xf32, #tpu.memory_space<hbm>>
      %dma_start3A_108 = arith.constant 0 : i32
      %dma_start3A_109 = tpu.memref_slice %arg6[%arg0, %add3A_26, %dma_start3A_108] : memref<2x10240x128xf32, #tpu.memory_space<hbm>> -> memref<1x64x128xf32, #tpu.memory_space<hbm>>
      %dma_start3A_110 = tpu.memref_squeeze %dma_start3A_109 : memref<1x64x128xf32, #tpu.memory_space<hbm>> -> memref<64x128xf32, #tpu.memory_space<hbm>>
      tpu.enqueue_dma source(%arg9 : memref<64x128xf32, #tpu.memory_space<vmem>>) target(%dma_start3A_110 : memref<64x128xf32, #tpu.memory_space<hbm>>) target_semaphore(%run_scoped3A : memref<!tpu.dma_semaphore, #tpu.memory_space<semaphore_mem>>)
      %dma_wait3A = arith.constant 0 : i32
      %dma_wait3A_111 = tpu.memref_slice %arg6[%arg0, %add3A_26, %dma_wait3A] : memref<2x10240x128xf32, #tpu.memory_space<hbm>> -> memref<1x64x128xf32, #tpu.memory_space<hbm>>
      %dma_wait3A_112 = tpu.memref_squeeze %dma_wait3A_111 : memref<1x64x128xf32, #tpu.memory_space<hbm>> -> memref<64x128xf32, #tpu.memory_space<hbm>>
      %dma_wait3A_113 = arith.constant 0 : i32
      %dma_wait3A_114 = tpu.memref_slice %arg6[%arg0, %add3A_26, %dma_wait3A_113] : memref<2x10240x128xf32, #tpu.memory_space<hbm>> -> memref<1x64x128xf32, #tpu.memory_space<hbm>>
      %dma_wait3A_115 = tpu.memref_squeeze %dma_wait3A_114 : memref<1x64x128xf32, #tpu.memory_space<hbm>> -> memref<64x128xf32, #tpu.memory_space<hbm>>
      tpu.wait_dma2 semaphore(%run_scoped3A : memref<!tpu.dma_semaphore, #tpu.memory_space<semaphore_mem>>) src(%arg9 : memref<64x128xf32, #tpu.memory_space<vmem>>) dst(%dma_wait3A_115 : memref<64x128xf32, #tpu.memory_space<hbm>>)
      tpu.yield
    }) : () -> ()
    %add3A_27 = arith.constant 64 : i32
    %add3A_28 = arith.addi %mul3A_20, %add3A_27 : i32
    "tpu.region"() ({
      %run_scoped3A = tpu.sem_alloc : memref<!tpu.dma_semaphore, #tpu.memory_space<semaphore_mem>>
      %dma_start3A = arith.constant 0 : i32
      %dma_start3A_106 = tpu.memref_slice %arg11[%add3A_28, %dma_start3A] : memref<5376x128xf32, #tpu.memory_space<vmem_shared>> -> memref<64x128xf32, #tpu.memory_space<vmem_shared>>
      %dma_start3A_107 = arith.constant 0 : i32
      %dma_start3A_108 = tpu.memref_slice %arg11[%add3A_28, %dma_start3A_107] : memref<5376x128xf32, #tpu.memory_space<vmem_shared>> -> memref<64x128xf32, #tpu.memory_space<vmem_shared>>
      tpu.enqueue_dma source(%dma_start3A_108 : memref<64x128xf32, #tpu.memory_space<vmem_shared>>) target(%arg9 : memref<64x128xf32, #tpu.memory_space<vmem>>) target_semaphore(%run_scoped3A : memref<!tpu.dma_semaphore, #tpu.memory_space<semaphore_mem>>)
      %dma_wait3A = arith.constant 0 : i32
      %dma_wait3A_109 = tpu.memref_slice %arg11[%add3A_28, %dma_wait3A] : memref<5376x128xf32, #tpu.memory_space<vmem_shared>> -> memref<64x128xf32, #tpu.memory_space<vmem_shared>>
      %dma_wait3A_110 = arith.constant 0 : i32
      %dma_wait3A_111 = tpu.memref_slice %arg11[%add3A_28, %dma_wait3A_110] : memref<5376x128xf32, #tpu.memory_space<vmem_shared>> -> memref<64x128xf32, #tpu.memory_space<vmem_shared>>
      tpu.wait_dma2 semaphore(%run_scoped3A : memref<!tpu.dma_semaphore, #tpu.memory_space<semaphore_mem>>) src(%dma_wait3A_111 : memref<64x128xf32, #tpu.memory_space<vmem_shared>>) dst(%arg9 : memref<64x128xf32, #tpu.memory_space<vmem>>)
      tpu.yield
    }) : () -> ()
    %add3A_29 = arith.constant 0 : i32
    %add3A_30 = arith.addi %add3A_29, %mul3A_20 : i32
    %add3A_31 = arith.constant 64 : i32
    %add3A_32 = arith.addi %add3A_30, %add3A_31 : i32
    "tpu.region"() ({
      %run_scoped3A = tpu.sem_alloc : memref<!tpu.dma_semaphore, #tpu.memory_space<semaphore_mem>>
      %dma_start3A = arith.constant 0 : i32
      %dma_start3A_106 = tpu.memref_slice %arg6[%arg0, %add3A_32, %dma_start3A] : memref<2x10240x128xf32, #tpu.memory_space<hbm>> -> memref<1x64x128xf32, #tpu.memory_space<hbm>>
      %dma_start3A_107 = tpu.memref_squeeze %dma_start3A_106 : memref<1x64x128xf32, #tpu.memory_space<hbm>> -> memref<64x128xf32, #tpu.memory_space<hbm>>
      %dma_start3A_108 = arith.constant 0 : i32
      %dma_start3A_109 = tpu.memref_slice %arg6[%arg0, %add3A_32, %dma_start3A_108] : memref<2x10240x128xf32, #tpu.memory_space<hbm>> -> memref<1x64x128xf32, #tpu.memory_space<hbm>>
      %dma_start3A_110 = tpu.memref_squeeze %dma_start3A_109 : memref<1x64x128xf32, #tpu.memory_space<hbm>> -> memref<64x128xf32, #tpu.memory_space<hbm>>
      tpu.enqueue_dma source(%arg9 : memref<64x128xf32, #tpu.memory_space<vmem>>) target(%dma_start3A_110 : memref<64x128xf32, #tpu.memory_space<hbm>>) target_semaphore(%run_scoped3A : memref<!tpu.dma_semaphore, #tpu.memory_space<semaphore_mem>>)
      %dma_wait3A = arith.constant 0 : i32
      %dma_wait3A_111 = tpu.memref_slice %arg6[%arg0, %add3A_32, %dma_wait3A] : memref<2x10240x128xf32, #tpu.memory_space<hbm>> -> memref<1x64x128xf32, #tpu.memory_space<hbm>>
      %dma_wait3A_112 = tpu.memref_squeeze %dma_wait3A_111 : memref<1x64x128xf32, #tpu.memory_space<hbm>> -> memref<64x128xf32, #tpu.memory_space<hbm>>
      %dma_wait3A_113 = arith.constant 0 : i32
      %dma_wait3A_114 = tpu.memref_slice %arg6[%arg0, %add3A_32, %dma_wait3A_113] : memref<2x10240x128xf32, #tpu.memory_space<hbm>> -> memref<1x64x128xf32, #tpu.memory_space<hbm>>
      %dma_wait3A_115 = tpu.memref_squeeze %dma_wait3A_114 : memref<1x64x128xf32, #tpu.memory_space<hbm>> -> memref<64x128xf32, #tpu.memory_space<hbm>>
      tpu.wait_dma2 semaphore(%run_scoped3A : memref<!tpu.dma_semaphore, #tpu.memory_space<semaphore_mem>>) src(%arg9 : memref<64x128xf32, #tpu.memory_space<vmem>>) dst(%dma_wait3A_115 : memref<64x128xf32, #tpu.memory_space<hbm>>)
      tpu.yield
    }) : () -> ()
    %add3A_33 = arith.constant 128 : i32
    %add3A_34 = arith.addi %mul3A_20, %add3A_33 : i32
    "tpu.region"() ({
      %run_scoped3A = tpu.sem_alloc : memref<!tpu.dma_semaphore, #tpu.memory_space<semaphore_mem>>
      %dma_start3A = arith.constant 0 : i32
      %dma_start3A_106 = tpu.memref_slice %arg11[%add3A_34, %dma_start3A] : memref<5376x128xf32, #tpu.memory_space<vmem_shared>> -> memref<64x128xf32, #tpu.memory_space<vmem_shared>>
      %dma_start3A_107 = arith.constant 0 : i32
      %dma_start3A_108 = tpu.memref_slice %arg11[%add3A_34, %dma_start3A_107] : memref<5376x128xf32, #tpu.memory_space<vmem_shared>> -> memref<64x128xf32, #tpu.memory_space<vmem_shared>>
      tpu.enqueue_dma source(%dma_start3A_108 : memref<64x128xf32, #tpu.memory_space<vmem_shared>>) target(%arg9 : memref<64x128xf32, #tpu.memory_space<vmem>>) target_semaphore(%run_scoped3A : memref<!tpu.dma_semaphore, #tpu.memory_space<semaphore_mem>>)
      %dma_wait3A = arith.constant 0 : i32
      %dma_wait3A_109 = tpu.memref_slice %arg11[%add3A_34, %dma_wait3A] : memref<5376x128xf32, #tpu.memory_space<vmem_shared>> -> memref<64x128xf32, #tpu.memory_space<vmem_shared>>
      %dma_wait3A_110 = arith.constant 0 : i32
      %dma_wait3A_111 = tpu.memref_slice %arg11[%add3A_34, %dma_wait3A_110] : memref<5376x128xf32, #tpu.memory_space<vmem_shared>> -> memref<64x128xf32, #tpu.memory_space<vmem_shared>>
      tpu.wait_dma2 semaphore(%run_scoped3A : memref<!tpu.dma_semaphore, #tpu.memory_space<semaphore_mem>>) src(%dma_wait3A_111 : memref<64x128xf32, #tpu.memory_space<vmem_shared>>) dst(%arg9 : memref<64x128xf32, #tpu.memory_space<vmem>>)
      tpu.yield
    }) : () -> ()
    %add3A_35 = arith.constant 0 : i32
    %add3A_36 = arith.addi %add3A_35, %mul3A_20 : i32
    %add3A_37 = arith.constant 128 : i32
    %add3A_38 = arith.addi %add3A_36, %add3A_37 : i32
    "tpu.region"() ({
      %run_scoped3A = tpu.sem_alloc : memref<!tpu.dma_semaphore, #tpu.memory_space<semaphore_mem>>
      %dma_start3A = arith.constant 0 : i32
      %dma_start3A_106 = tpu.memref_slice %arg6[%arg0, %add3A_38, %dma_start3A] : memref<2x10240x128xf32, #tpu.memory_space<hbm>> -> memref<1x64x128xf32, #tpu.memory_space<hbm>>
      %dma_start3A_107 = tpu.memref_squeeze %dma_start3A_106 : memref<1x64x128xf32, #tpu.memory_space<hbm>> -> memref<64x128xf32, #tpu.memory_space<hbm>>
      %dma_start3A_108 = arith.constant 0 : i32
      %dma_start3A_109 = tpu.memref_slice %arg6[%arg0, %add3A_38, %dma_start3A_108] : memref<2x10240x128xf32, #tpu.memory_space<hbm>> -> memref<1x64x128xf32, #tpu.memory_space<hbm>>
      %dma_start3A_110 = tpu.memref_squeeze %dma_start3A_109 : memref<1x64x128xf32, #tpu.memory_space<hbm>> -> memref<64x128xf32, #tpu.memory_space<hbm>>
      tpu.enqueue_dma source(%arg9 : memref<64x128xf32, #tpu.memory_space<vmem>>) target(%dma_start3A_110 : memref<64x128xf32, #tpu.memory_space<hbm>>) target_semaphore(%run_scoped3A : memref<!tpu.dma_semaphore, #tpu.memory_space<semaphore_mem>>)
      %dma_wait3A = arith.constant 0 : i32
      %dma_wait3A_111 = tpu.memref_slice %arg6[%arg0, %add3A_38, %dma_wait3A] : memref<2x10240x128xf32, #tpu.memory_space<hbm>> -> memref<1x64x128xf32, #tpu.memory_space<hbm>>
      %dma_wait3A_112 = tpu.memref_squeeze %dma_wait3A_111 : memref<1x64x128xf32, #tpu.memory_space<hbm>> -> memref<64x128xf32, #tpu.memory_space<hbm>>
      %dma_wait3A_113 = arith.constant 0 : i32
      %dma_wait3A_114 = tpu.memref_slice %arg6[%arg0, %add3A_38, %dma_wait3A_113] : memref<2x10240x128xf32, #tpu.memory_space<hbm>> -> memref<1x64x128xf32, #tpu.memory_space<hbm>>
      %dma_wait3A_115 = tpu.memref_squeeze %dma_wait3A_114 : memref<1x64x128xf32, #tpu.memory_space<hbm>> -> memref<64x128xf32, #tpu.memory_space<hbm>>
      tpu.wait_dma2 semaphore(%run_scoped3A : memref<!tpu.dma_semaphore, #tpu.memory_space<semaphore_mem>>) src(%arg9 : memref<64x128xf32, #tpu.memory_space<vmem>>) dst(%dma_wait3A_115 : memref<64x128xf32, #tpu.memory_space<hbm>>)
      tpu.yield
    }) : () -> ()
    %add3A_39 = arith.constant 192 : i32
    %add3A_40 = arith.addi %mul3A_20, %add3A_39 : i32
    "tpu.region"() ({
      %run_scoped3A = tpu.sem_alloc : memref<!tpu.dma_semaphore, #tpu.memory_space<semaphore_mem>>
      %dma_start3A = arith.constant 0 : i32
      %dma_start3A_106 = tpu.memref_slice %arg11[%add3A_40, %dma_start3A] : memref<5376x128xf32, #tpu.memory_space<vmem_shared>> -> memref<64x128xf32, #tpu.memory_space<vmem_shared>>
      %dma_start3A_107 = arith.constant 0 : i32
      %dma_start3A_108 = tpu.memref_slice %arg11[%add3A_40, %dma_start3A_107] : memref<5376x128xf32, #tpu.memory_space<vmem_shared>> -> memref<64x128xf32, #tpu.memory_space<vmem_shared>>
      tpu.enqueue_dma source(%dma_start3A_108 : memref<64x128xf32, #tpu.memory_space<vmem_shared>>) target(%arg9 : memref<64x128xf32, #tpu.memory_space<vmem>>) target_semaphore(%run_scoped3A : memref<!tpu.dma_semaphore, #tpu.memory_space<semaphore_mem>>)
      %dma_wait3A = arith.constant 0 : i32
      %dma_wait3A_109 = tpu.memref_slice %arg11[%add3A_40, %dma_wait3A] : memref<5376x128xf32, #tpu.memory_space<vmem_shared>> -> memref<64x128xf32, #tpu.memory_space<vmem_shared>>
      %dma_wait3A_110 = arith.constant 0 : i32
      %dma_wait3A_111 = tpu.memref_slice %arg11[%add3A_40, %dma_wait3A_110] : memref<5376x128xf32, #tpu.memory_space<vmem_shared>> -> memref<64x128xf32, #tpu.memory_space<vmem_shared>>
      tpu.wait_dma2 semaphore(%run_scoped3A : memref<!tpu.dma_semaphore, #tpu.memory_space<semaphore_mem>>) src(%dma_wait3A_111 : memref<64x128xf32, #tpu.memory_space<vmem_shared>>) dst(%arg9 : memref<64x128xf32, #tpu.memory_space<vmem>>)
      tpu.yield
    }) : () -> ()
    %add3A_41 = arith.constant 0 : i32
    %add3A_42 = arith.addi %add3A_41, %mul3A_20 : i32
    %add3A_43 = arith.constant 192 : i32
    %add3A_44 = arith.addi %add3A_42, %add3A_43 : i32
    "tpu.region"() ({
      %run_scoped3A = tpu.sem_alloc : memref<!tpu.dma_semaphore, #tpu.memory_space<semaphore_mem>>
      %dma_start3A = arith.constant 0 : i32
      %dma_start3A_106 = tpu.memref_slice %arg6[%arg0, %add3A_44, %dma_start3A] : memref<2x10240x128xf32, #tpu.memory_space<hbm>> -> memref<1x64x128xf32, #tpu.memory_space<hbm>>
      %dma_start3A_107 = tpu.memref_squeeze %dma_start3A_106 : memref<1x64x128xf32, #tpu.memory_space<hbm>> -> memref<64x128xf32, #tpu.memory_space<hbm>>
      %dma_start3A_108 = arith.constant 0 : i32
      %dma_start3A_109 = tpu.memref_slice %arg6[%arg0, %add3A_44, %dma_start3A_108] : memref<2x10240x128xf32, #tpu.memory_space<hbm>> -> memref<1x64x128xf32, #tpu.memory_space<hbm>>
      %dma_start3A_110 = tpu.memref_squeeze %dma_start3A_109 : memref<1x64x128xf32, #tpu.memory_space<hbm>> -> memref<64x128xf32, #tpu.memory_space<hbm>>
      tpu.enqueue_dma source(%arg9 : memref<64x128xf32, #tpu.memory_space<vmem>>) target(%dma_start3A_110 : memref<64x128xf32, #tpu.memory_space<hbm>>) target_semaphore(%run_scoped3A : memref<!tpu.dma_semaphore, #tpu.memory_space<semaphore_mem>>)
      %dma_wait3A = arith.constant 0 : i32
      %dma_wait3A_111 = tpu.memref_slice %arg6[%arg0, %add3A_44, %dma_wait3A] : memref<2x10240x128xf32, #tpu.memory_space<hbm>> -> memref<1x64x128xf32, #tpu.memory_space<hbm>>
      %dma_wait3A_112 = tpu.memref_squeeze %dma_wait3A_111 : memref<1x64x128xf32, #tpu.memory_space<hbm>> -> memref<64x128xf32, #tpu.memory_space<hbm>>
      %dma_wait3A_113 = arith.constant 0 : i32
      %dma_wait3A_114 = tpu.memref_slice %arg6[%arg0, %add3A_44, %dma_wait3A_113] : memref<2x10240x128xf32, #tpu.memory_space<hbm>> -> memref<1x64x128xf32, #tpu.memory_space<hbm>>
      %dma_wait3A_115 = tpu.memref_squeeze %dma_wait3A_114 : memref<1x64x128xf32, #tpu.memory_space<hbm>> -> memref<64x128xf32, #tpu.memory_space<hbm>>
      tpu.wait_dma2 semaphore(%run_scoped3A : memref<!tpu.dma_semaphore, #tpu.memory_space<semaphore_mem>>) src(%arg9 : memref<64x128xf32, #tpu.memory_space<vmem>>) dst(%dma_wait3A_115 : memref<64x128xf32, #tpu.memory_space<hbm>>)
      tpu.yield
    }) : () -> ()
    %add3A_45 = arith.constant 256 : i32
    %add3A_46 = arith.addi %mul3A_20, %add3A_45 : i32
    "tpu.region"() ({
      %run_scoped3A = tpu.sem_alloc : memref<!tpu.dma_semaphore, #tpu.memory_space<semaphore_mem>>
      %dma_start3A = arith.constant 0 : i32
      %dma_start3A_106 = tpu.memref_slice %arg11[%add3A_46, %dma_start3A] : memref<5376x128xf32, #tpu.memory_space<vmem_shared>> -> memref<64x128xf32, #tpu.memory_space<vmem_shared>>
      %dma_start3A_107 = arith.constant 0 : i32
      %dma_start3A_108 = tpu.memref_slice %arg11[%add3A_46, %dma_start3A_107] : memref<5376x128xf32, #tpu.memory_space<vmem_shared>> -> memref<64x128xf32, #tpu.memory_space<vmem_shared>>
      tpu.enqueue_dma source(%dma_start3A_108 : memref<64x128xf32, #tpu.memory_space<vmem_shared>>) target(%arg9 : memref<64x128xf32, #tpu.memory_space<vmem>>) target_semaphore(%run_scoped3A : memref<!tpu.dma_semaphore, #tpu.memory_space<semaphore_mem>>)
      %dma_wait3A = arith.constant 0 : i32
      %dma_wait3A_109 = tpu.memref_slice %arg11[%add3A_46, %dma_wait3A] : memref<5376x128xf32, #tpu.memory_space<vmem_shared>> -> memref<64x128xf32, #tpu.memory_space<vmem_shared>>
      %dma_wait3A_110 = arith.constant 0 : i32
      %dma_wait3A_111 = tpu.memref_slice %arg11[%add3A_46, %dma_wait3A_110] : memref<5376x128xf32, #tpu.memory_space<vmem_shared>> -> memref<64x128xf32, #tpu.memory_space<vmem_shared>>
      tpu.wait_dma2 semaphore(%run_scoped3A : memref<!tpu.dma_semaphore, #tpu.memory_space<semaphore_mem>>) src(%dma_wait3A_111 : memref<64x128xf32, #tpu.memory_space<vmem_shared>>) dst(%arg9 : memref<64x128xf32, #tpu.memory_space<vmem>>)
      tpu.yield
    }) : () -> ()
    %add3A_47 = arith.constant 0 : i32
    %add3A_48 = arith.addi %add3A_47, %mul3A_20 : i32
    %add3A_49 = arith.constant 256 : i32
    %add3A_50 = arith.addi %add3A_48, %add3A_49 : i32
    "tpu.region"() ({
      %run_scoped3A = tpu.sem_alloc : memref<!tpu.dma_semaphore, #tpu.memory_space<semaphore_mem>>
      %dma_start3A = arith.constant 0 : i32
      %dma_start3A_106 = tpu.memref_slice %arg6[%arg0, %add3A_50, %dma_start3A] : memref<2x10240x128xf32, #tpu.memory_space<hbm>> -> memref<1x64x128xf32, #tpu.memory_space<hbm>>
      %dma_start3A_107 = tpu.memref_squeeze %dma_start3A_106 : memref<1x64x128xf32, #tpu.memory_space<hbm>> -> memref<64x128xf32, #tpu.memory_space<hbm>>
      %dma_start3A_108 = arith.constant 0 : i32
      %dma_start3A_109 = tpu.memref_slice %arg6[%arg0, %add3A_50, %dma_start3A_108] : memref<2x10240x128xf32, #tpu.memory_space<hbm>> -> memref<1x64x128xf32, #tpu.memory_space<hbm>>
      %dma_start3A_110 = tpu.memref_squeeze %dma_start3A_109 : memref<1x64x128xf32, #tpu.memory_space<hbm>> -> memref<64x128xf32, #tpu.memory_space<hbm>>
      tpu.enqueue_dma source(%arg9 : memref<64x128xf32, #tpu.memory_space<vmem>>) target(%dma_start3A_110 : memref<64x128xf32, #tpu.memory_space<hbm>>) target_semaphore(%run_scoped3A : memref<!tpu.dma_semaphore, #tpu.memory_space<semaphore_mem>>)
      %dma_wait3A = arith.constant 0 : i32
      %dma_wait3A_111 = tpu.memref_slice %arg6[%arg0, %add3A_50, %dma_wait3A] : memref<2x10240x128xf32, #tpu.memory_space<hbm>> -> memref<1x64x128xf32, #tpu.memory_space<hbm>>
      %dma_wait3A_112 = tpu.memref_squeeze %dma_wait3A_111 : memref<1x64x128xf32, #tpu.memory_space<hbm>> -> memref<64x128xf32, #tpu.memory_space<hbm>>
      %dma_wait3A_113 = arith.constant 0 : i32
      %dma_wait3A_114 = tpu.memref_slice %arg6[%arg0, %add3A_50, %dma_wait3A_113] : memref<2x10240x128xf32, #tpu.memory_space<hbm>> -> memref<1x64x128xf32, #tpu.memory_space<hbm>>
      %dma_wait3A_115 = tpu.memref_squeeze %dma_wait3A_114 : memref<1x64x128xf32, #tpu.memory_space<hbm>> -> memref<64x128xf32, #tpu.memory_space<hbm>>
      tpu.wait_dma2 semaphore(%run_scoped3A : memref<!tpu.dma_semaphore, #tpu.memory_space<semaphore_mem>>) src(%arg9 : memref<64x128xf32, #tpu.memory_space<vmem>>) dst(%dma_wait3A_115 : memref<64x128xf32, #tpu.memory_space<hbm>>)
      tpu.yield
    }) : () -> ()
    %mul3A_51 = arith.constant 336 : i32
    %mul3A_52 = arith.muli %arg1, %mul3A_51 : i32
    "tpu.region"() ({
      %run_scoped3A = tpu.sem_alloc : memref<!tpu.dma_semaphore, #tpu.memory_space<semaphore_mem>>
      tpu.enqueue_dma source(%arg5 : memref<64x128xf32, #tpu.memory_space<hbm>>) target(%arg9 : memref<64x128xf32, #tpu.memory_space<vmem>>) target_semaphore(%run_scoped3A : memref<!tpu.dma_semaphore, #tpu.memory_space<semaphore_mem>>)
      tpu.wait_dma2 semaphore(%run_scoped3A : memref<!tpu.dma_semaphore, #tpu.memory_space<semaphore_mem>>) src(%arg5 : memref<64x128xf32, #tpu.memory_space<hbm>>) dst(%arg9 : memref<64x128xf32, #tpu.memory_space<vmem>>)
      tpu.yield
    }) : () -> ()
    %add3A_53 = arith.constant 0 : i32
    %add3A_54 = arith.addi %mul3A_52, %add3A_53 : i32
    "tpu.region"() ({
      %run_scoped3A = tpu.sem_alloc : memref<!tpu.dma_semaphore, #tpu.memory_space<semaphore_mem>>
      %dma_start3A = arith.constant 0 : i32
      %dma_start3A_106 = tpu.memref_slice %arg11[%add3A_54, %dma_start3A] : memref<5376x128xf32, #tpu.memory_space<vmem_shared>> -> memref<64x128xf32, #tpu.memory_space<vmem_shared>>
      %dma_start3A_107 = arith.constant 0 : i32
      %dma_start3A_108 = tpu.memref_slice %arg11[%add3A_54, %dma_start3A_107] : memref<5376x128xf32, #tpu.memory_space<vmem_shared>> -> memref<64x128xf32, #tpu.memory_space<vmem_shared>>
      tpu.enqueue_dma source(%arg9 : memref<64x128xf32, #tpu.memory_space<vmem>>) target(%dma_start3A_108 : memref<64x128xf32, #tpu.memory_space<vmem_shared>>) target_semaphore(%run_scoped3A : memref<!tpu.dma_semaphore, #tpu.memory_space<semaphore_mem>>)
      %dma_wait3A = arith.constant 0 : i32
      %dma_wait3A_109 = tpu.memref_slice %arg11[%add3A_54, %dma_wait3A] : memref<5376x128xf32, #tpu.memory_space<vmem_shared>> -> memref<64x128xf32, #tpu.memory_space<vmem_shared>>
      %dma_wait3A_110 = arith.constant 0 : i32
      %dma_wait3A_111 = tpu.memref_slice %arg11[%add3A_54, %dma_wait3A_110] : memref<5376x128xf32, #tpu.memory_space<vmem_shared>> -> memref<64x128xf32, #tpu.memory_space<vmem_shared>>
      tpu.wait_dma2 semaphore(%run_scoped3A : memref<!tpu.dma_semaphore, #tpu.memory_space<semaphore_mem>>) src(%arg9 : memref<64x128xf32, #tpu.memory_space<vmem>>) dst(%dma_wait3A_111 : memref<64x128xf32, #tpu.memory_space<vmem_shared>>)
      tpu.yield
    }) : () -> ()
    %add3A_55 = arith.constant 64 : i32
    %add3A_56 = arith.addi %mul3A_52, %add3A_55 : i32
    "tpu.region"() ({
      %run_scoped3A = tpu.sem_alloc : memref<!tpu.dma_semaphore, #tpu.memory_space<semaphore_mem>>
      %dma_start3A = arith.constant 0 : i32
      %dma_start3A_106 = tpu.memref_slice %arg11[%add3A_56, %dma_start3A] : memref<5376x128xf32, #tpu.memory_space<vmem_shared>> -> memref<64x128xf32, #tpu.memory_space<vmem_shared>>
      %dma_start3A_107 = arith.constant 0 : i32
      %dma_start3A_108 = tpu.memref_slice %arg11[%add3A_56, %dma_start3A_107] : memref<5376x128xf32, #tpu.memory_space<vmem_shared>> -> memref<64x128xf32, #tpu.memory_space<vmem_shared>>
      tpu.enqueue_dma source(%arg9 : memref<64x128xf32, #tpu.memory_space<vmem>>) target(%dma_start3A_108 : memref<64x128xf32, #tpu.memory_space<vmem_shared>>) target_semaphore(%run_scoped3A : memref<!tpu.dma_semaphore, #tpu.memory_space<semaphore_mem>>)
      %dma_wait3A = arith.constant 0 : i32
      %dma_wait3A_109 = tpu.memref_slice %arg11[%add3A_56, %dma_wait3A] : memref<5376x128xf32, #tpu.memory_space<vmem_shared>> -> memref<64x128xf32, #tpu.memory_space<vmem_shared>>
      %dma_wait3A_110 = arith.constant 0 : i32
      %dma_wait3A_111 = tpu.memref_slice %arg11[%add3A_56, %dma_wait3A_110] : memref<5376x128xf32, #tpu.memory_space<vmem_shared>> -> memref<64x128xf32, #tpu.memory_space<vmem_shared>>
      tpu.wait_dma2 semaphore(%run_scoped3A : memref<!tpu.dma_semaphore, #tpu.memory_space<semaphore_mem>>) src(%arg9 : memref<64x128xf32, #tpu.memory_space<vmem>>) dst(%dma_wait3A_111 : memref<64x128xf32, #tpu.memory_space<vmem_shared>>)
      tpu.yield
    }) : () -> ()
    %add3A_57 = arith.constant 128 : i32
    %add3A_58 = arith.addi %mul3A_52, %add3A_57 : i32
    "tpu.region"() ({
      %run_scoped3A = tpu.sem_alloc : memref<!tpu.dma_semaphore, #tpu.memory_space<semaphore_mem>>
      %dma_start3A = arith.constant 0 : i32
      %dma_start3A_106 = tpu.memref_slice %arg11[%add3A_58, %dma_start3A] : memref<5376x128xf32, #tpu.memory_space<vmem_shared>> -> memref<64x128xf32, #tpu.memory_space<vmem_shared>>
      %dma_start3A_107 = arith.constant 0 : i32
      %dma_start3A_108 = tpu.memref_slice %arg11[%add3A_58, %dma_start3A_107] : memref<5376x128xf32, #tpu.memory_space<vmem_shared>> -> memref<64x128xf32, #tpu.memory_space<vmem_shared>>
      tpu.enqueue_dma source(%arg9 : memref<64x128xf32, #tpu.memory_space<vmem>>) target(%dma_start3A_108 : memref<64x128xf32, #tpu.memory_space<vmem_shared>>) target_semaphore(%run_scoped3A : memref<!tpu.dma_semaphore, #tpu.memory_space<semaphore_mem>>)
      %dma_wait3A = arith.constant 0 : i32
      %dma_wait3A_109 = tpu.memref_slice %arg11[%add3A_58, %dma_wait3A] : memref<5376x128xf32, #tpu.memory_space<vmem_shared>> -> memref<64x128xf32, #tpu.memory_space<vmem_shared>>
      %dma_wait3A_110 = arith.constant 0 : i32
      %dma_wait3A_111 = tpu.memref_slice %arg11[%add3A_58, %dma_wait3A_110] : memref<5376x128xf32, #tpu.memory_space<vmem_shared>> -> memref<64x128xf32, #tpu.memory_space<vmem_shared>>
      tpu.wait_dma2 semaphore(%run_scoped3A : memref<!tpu.dma_semaphore, #tpu.memory_space<semaphore_mem>>) src(%arg9 : memref<64x128xf32, #tpu.memory_space<vmem>>) dst(%dma_wait3A_111 : memref<64x128xf32, #tpu.memory_space<vmem_shared>>)
      tpu.yield
    }) : () -> ()
    %add3A_59 = arith.constant 192 : i32
    %add3A_60 = arith.addi %mul3A_52, %add3A_59 : i32
    "tpu.region"() ({
      %run_scoped3A = tpu.sem_alloc : memref<!tpu.dma_semaphore, #tpu.memory_space<semaphore_mem>>
      %dma_start3A = arith.constant 0 : i32
      %dma_start3A_106 = tpu.memref_slice %arg11[%add3A_60, %dma_start3A] : memref<5376x128xf32, #tpu.memory_space<vmem_shared>> -> memref<64x128xf32, #tpu.memory_space<vmem_shared>>
      %dma_start3A_107 = arith.constant 0 : i32
      %dma_start3A_108 = tpu.memref_slice %arg11[%add3A_60, %dma_start3A_107] : memref<5376x128xf32, #tpu.memory_space<vmem_shared>> -> memref<64x128xf32, #tpu.memory_space<vmem_shared>>
      tpu.enqueue_dma source(%arg9 : memref<64x128xf32, #tpu.memory_space<vmem>>) target(%dma_start3A_108 : memref<64x128xf32, #tpu.memory_space<vmem_shared>>) target_semaphore(%run_scoped3A : memref<!tpu.dma_semaphore, #tpu.memory_space<semaphore_mem>>)
      %dma_wait3A = arith.constant 0 : i32
      %dma_wait3A_109 = tpu.memref_slice %arg11[%add3A_60, %dma_wait3A] : memref<5376x128xf32, #tpu.memory_space<vmem_shared>> -> memref<64x128xf32, #tpu.memory_space<vmem_shared>>
      %dma_wait3A_110 = arith.constant 0 : i32
      %dma_wait3A_111 = tpu.memref_slice %arg11[%add3A_60, %dma_wait3A_110] : memref<5376x128xf32, #tpu.memory_space<vmem_shared>> -> memref<64x128xf32, #tpu.memory_space<vmem_shared>>
      tpu.wait_dma2 semaphore(%run_scoped3A : memref<!tpu.dma_semaphore, #tpu.memory_space<semaphore_mem>>) src(%arg9 : memref<64x128xf32, #tpu.memory_space<vmem>>) dst(%dma_wait3A_111 : memref<64x128xf32, #tpu.memory_space<vmem_shared>>)
      tpu.yield
    }) : () -> ()
    %add3A_61 = arith.constant 256 : i32
    %add3A_62 = arith.addi %mul3A_52, %add3A_61 : i32
    "tpu.region"() ({
      %run_scoped3A = tpu.sem_alloc : memref<!tpu.dma_semaphore, #tpu.memory_space<semaphore_mem>>
      %dma_start3A = arith.constant 0 : i32
      %dma_start3A_106 = tpu.memref_slice %arg11[%add3A_62, %dma_start3A] : memref<5376x128xf32, #tpu.memory_space<vmem_shared>> -> memref<64x128xf32, #tpu.memory_space<vmem_shared>>
      %dma_start3A_107 = arith.constant 0 : i32
      %dma_start3A_108 = tpu.memref_slice %arg11[%add3A_62, %dma_start3A_107] : memref<5376x128xf32, #tpu.memory_space<vmem_shared>> -> memref<64x128xf32, #tpu.memory_space<vmem_shared>>
      tpu.enqueue_dma source(%arg9 : memref<64x128xf32, #tpu.memory_space<vmem>>) target(%dma_start3A_108 : memref<64x128xf32, #tpu.memory_space<vmem_shared>>) target_semaphore(%run_scoped3A : memref<!tpu.dma_semaphore, #tpu.memory_space<semaphore_mem>>)
      %dma_wait3A = arith.constant 0 : i32
      %dma_wait3A_109 = tpu.memref_slice %arg11[%add3A_62, %dma_wait3A] : memref<5376x128xf32, #tpu.memory_space<vmem_shared>> -> memref<64x128xf32, #tpu.memory_space<vmem_shared>>
      %dma_wait3A_110 = arith.constant 0 : i32
      %dma_wait3A_111 = tpu.memref_slice %arg11[%add3A_62, %dma_wait3A_110] : memref<5376x128xf32, #tpu.memory_space<vmem_shared>> -> memref<64x128xf32, #tpu.memory_space<vmem_shared>>
      tpu.wait_dma2 semaphore(%run_scoped3A : memref<!tpu.dma_semaphore, #tpu.memory_space<semaphore_mem>>) src(%arg9 : memref<64x128xf32, #tpu.memory_space<vmem>>) dst(%dma_wait3A_111 : memref<64x128xf32, #tpu.memory_space<vmem_shared>>)
      tpu.yield
    }) : () -> ()
    %add3A_63 = arith.constant 320 : i32
    %add3A_64 = arith.addi %mul3A_52, %add3A_63 : i32
    "tpu.region"() ({
      %run_scoped3A = tpu.sem_alloc : memref<!tpu.dma_semaphore, #tpu.memory_space<semaphore_mem>>
      %dma_start3A = arith.constant 0 : i32
      %dma_start3A_106 = arith.constant 0 : i32
      %dma_start3A_107 = tpu.memref_slice %arg9[%dma_start3A, %dma_start3A_106] : memref<64x128xf32, #tpu.memory_space<vmem>> -> memref<16x128xf32, #tpu.memory_space<vmem>>
      %dma_start3A_108 = arith.constant 0 : i32
      %dma_start3A_109 = tpu.memref_slice %arg11[%add3A_64, %dma_start3A_108] : memref<5376x128xf32, #tpu.memory_space<vmem_shared>> -> memref<16x128xf32, #tpu.memory_space<vmem_shared>>
      %dma_start3A_110 = arith.constant 0 : i32
      %dma_start3A_111 = tpu.memref_slice %arg11[%add3A_64, %dma_start3A_110] : memref<5376x128xf32, #tpu.memory_space<vmem_shared>> -> memref<16x128xf32, #tpu.memory_space<vmem_shared>>
      %dma_start3A_112 = arith.constant 0 : i32
      %dma_start3A_113 = arith.constant 0 : i32
      %dma_start3A_114 = tpu.memref_slice %arg9[%dma_start3A_112, %dma_start3A_113] : memref<64x128xf32, #tpu.memory_space<vmem>> -> memref<16x128xf32, #tpu.memory_space<vmem>>
      tpu.enqueue_dma source(%dma_start3A_114 : memref<16x128xf32, #tpu.memory_space<vmem>>) target(%dma_start3A_111 : memref<16x128xf32, #tpu.memory_space<vmem_shared>>) target_semaphore(%run_scoped3A : memref<!tpu.dma_semaphore, #tpu.memory_space<semaphore_mem>>)
      %dma_wait3A = arith.constant 0 : i32
      %dma_wait3A_115 = arith.constant 0 : i32
      %dma_wait3A_116 = tpu.memref_slice %arg9[%dma_wait3A, %dma_wait3A_115] : memref<64x128xf32, #tpu.memory_space<vmem>> -> memref<16x128xf32, #tpu.memory_space<vmem>>
      %dma_wait3A_117 = arith.constant 0 : i32
      %dma_wait3A_118 = tpu.memref_slice %arg11[%add3A_64, %dma_wait3A_117] : memref<5376x128xf32, #tpu.memory_space<vmem_shared>> -> memref<16x128xf32, #tpu.memory_space<vmem_shared>>
      %dma_wait3A_119 = arith.constant 0 : i32
      %dma_wait3A_120 = tpu.memref_slice %arg11[%add3A_64, %dma_wait3A_119] : memref<5376x128xf32, #tpu.memory_space<vmem_shared>> -> memref<16x128xf32, #tpu.memory_space<vmem_shared>>
      %dma_wait3A_121 = arith.constant 0 : i32
      %dma_wait3A_122 = arith.constant 0 : i32
      %dma_wait3A_123 = tpu.memref_slice %arg9[%dma_wait3A_121, %dma_wait3A_122] : memref<64x128xf32, #tpu.memory_space<vmem>> -> memref<16x128xf32, #tpu.memory_space<vmem>>
      tpu.wait_dma2 semaphore(%run_scoped3A : memref<!tpu.dma_semaphore, #tpu.memory_space<semaphore_mem>>) src(%dma_wait3A_123 : memref<16x128xf32, #tpu.memory_space<vmem>>) dst(%dma_wait3A_120 : memref<16x128xf32, #tpu.memory_space<vmem_shared>>)
      tpu.yield
    }) : () -> ()
    %barrier3A_65 = arith.constant 0 : index
    tpu.barrier barrier_id(%barrier3A_65)
    %scan3A_66 = arith.constant 0 : i32
    %scan3A_67 = arith.constant 0 : i32
    %scan3A_68 = arith.constant 5 : i32
    %scan3A_69 = arith.addi %scan3A_67, %scan3A_68 : i32
    %scan3A_70 = arith.constant 1 : i32
    %scan3A_71 = scf.for %scan3A_106 = %scan3A_67 to %scan3A_69 step %scan3A_70 iter_args(%scan3A_107 = %scan3A_66) -> (i32)  : i32 {
      %mul3A_108 = arith.constant 5 : i32
      %mul3A_109 = arith.muli %arg1, %mul3A_108 : i32
      %add3A_110 = arith.addi %mul3A_109, %scan3A_106 : i32
      "tpu.region"() ({
        %run_scoped3A_176 = tpu.sem_alloc : memref<!tpu.dma_semaphore, #tpu.memory_space<semaphore_mem>>
        %dma_start3A_177 = arith.constant 0 : i32
        %dma_start3A_178 = arith.constant 0 : i32
        %dma_start3A_179 = tpu.memref_slice %arg3[%arg0, %add3A_110, %dma_start3A_177, %dma_start3A_178] : memref<2x80x64x64xi32, #tpu.memory_space<hbm>> -> memref<1x1x64x64xi32, #tpu.memory_space<hbm>>
        %dma_start3A_180 = tpu.memref_squeeze %dma_start3A_179 : memref<1x1x64x64xi32, #tpu.memory_space<hbm>> -> memref<64x64xi32, #tpu.memory_space<hbm>>
        %dma_start3A_181 = arith.constant 0 : i32
        %dma_start3A_182 = arith.constant 0 : i32
        %dma_start3A_183 = tpu.memref_slice %arg3[%arg0, %add3A_110, %dma_start3A_181, %dma_start3A_182] : memref<2x80x64x64xi32, #tpu.memory_space<hbm>> -> memref<1x1x64x64xi32, #tpu.memory_space<hbm>>
        %dma_start3A_184 = tpu.memref_squeeze %dma_start3A_183 : memref<1x1x64x64xi32, #tpu.memory_space<hbm>> -> memref<64x64xi32, #tpu.memory_space<hbm>>
        tpu.enqueue_dma source(%dma_start3A_184 : memref<64x64xi32, #tpu.memory_space<hbm>>) target(%arg7 : memref<64x64xi32, #tpu.memory_space<vmem>>) target_semaphore(%run_scoped3A_176 : memref<!tpu.dma_semaphore, #tpu.memory_space<semaphore_mem>>)
        %dma_wait3A_185 = arith.constant 0 : i32
        %dma_wait3A_186 = arith.constant 0 : i32
        %dma_wait3A_187 = tpu.memref_slice %arg3[%arg0, %add3A_110, %dma_wait3A_185, %dma_wait3A_186] : memref<2x80x64x64xi32, #tpu.memory_space<hbm>> -> memref<1x1x64x64xi32, #tpu.memory_space<hbm>>
        %dma_wait3A_188 = tpu.memref_squeeze %dma_wait3A_187 : memref<1x1x64x64xi32, #tpu.memory_space<hbm>> -> memref<64x64xi32, #tpu.memory_space<hbm>>
        %dma_wait3A_189 = arith.constant 0 : i32
        %dma_wait3A_190 = arith.constant 0 : i32
        %dma_wait3A_191 = tpu.memref_slice %arg3[%arg0, %add3A_110, %dma_wait3A_189, %dma_wait3A_190] : memref<2x80x64x64xi32, #tpu.memory_space<hbm>> -> memref<1x1x64x64xi32, #tpu.memory_space<hbm>>
        %dma_wait3A_192 = tpu.memref_squeeze %dma_wait3A_191 : memref<1x1x64x64xi32, #tpu.memory_space<hbm>> -> memref<64x64xi32, #tpu.memory_space<hbm>>
        tpu.wait_dma2 semaphore(%run_scoped3A_176 : memref<!tpu.dma_semaphore, #tpu.memory_space<semaphore_mem>>) src(%dma_wait3A_192 : memref<64x64xi32, #tpu.memory_space<hbm>>) dst(%arg7 : memref<64x64xi32, #tpu.memory_space<vmem>>)
        tpu.yield
      }) : () -> ()
      %mul3A_111 = arith.constant 5 : i32
      %mul3A_112 = arith.muli %arg1, %mul3A_111 : i32
      %add3A_113 = arith.addi %mul3A_112, %scan3A_106 : i32
      %run_scoped3A = arith.constant 1 : i32
      "tpu.region"() ({
        %run_scoped3A_176 = tpu.sem_alloc : memref<!tpu.dma_semaphore, #tpu.memory_space<semaphore_mem>>
        %dma_start3A_177 = arith.constant 0 : i32
        %dma_start3A_178 = arith.constant 0 : i32
        %dma_start3A_179 = tpu.memref_slice %arg4[%run_scoped3A, %add3A_113, %dma_start3A_177, %dma_start3A_178] : memref<2x80x64x64xi32, #tpu.memory_space<hbm>> -> memref<1x1x64x64xi32, #tpu.memory_space<hbm>>
        %dma_start3A_180 = tpu.memref_squeeze %dma_start3A_179 : memref<1x1x64x64xi32, #tpu.memory_space<hbm>> -> memref<64x64xi32, #tpu.memory_space<hbm>>
        %dma_start3A_181 = arith.constant 0 : i32
        %dma_start3A_182 = arith.constant 0 : i32
        %dma_start3A_183 = tpu.memref_slice %arg4[%run_scoped3A, %add3A_113, %dma_start3A_181, %dma_start3A_182] : memref<2x80x64x64xi32, #tpu.memory_space<hbm>> -> memref<1x1x64x64xi32, #tpu.memory_space<hbm>>
        %dma_start3A_184 = tpu.memref_squeeze %dma_start3A_183 : memref<1x1x64x64xi32, #tpu.memory_space<hbm>> -> memref<64x64xi32, #tpu.memory_space<hbm>>
        tpu.enqueue_dma source(%dma_start3A_184 : memref<64x64xi32, #tpu.memory_space<hbm>>) target(%arg8 : memref<64x64xi32, #tpu.memory_space<vmem>>) target_semaphore(%run_scoped3A_176 : memref<!tpu.dma_semaphore, #tpu.memory_space<semaphore_mem>>)
        %dma_wait3A_185 = arith.constant 0 : i32
        %dma_wait3A_186 = arith.constant 0 : i32
        %dma_wait3A_187 = tpu.memref_slice %arg4[%run_scoped3A, %add3A_113, %dma_wait3A_185, %dma_wait3A_186] : memref<2x80x64x64xi32, #tpu.memory_space<hbm>> -> memref<1x1x64x64xi32, #tpu.memory_space<hbm>>
        %dma_wait3A_188 = tpu.memref_squeeze %dma_wait3A_187 : memref<1x1x64x64xi32, #tpu.memory_space<hbm>> -> memref<64x64xi32, #tpu.memory_space<hbm>>
        %dma_wait3A_189 = arith.constant 0 : i32
        %dma_wait3A_190 = arith.constant 0 : i32
        %dma_wait3A_191 = tpu.memref_slice %arg4[%run_scoped3A, %add3A_113, %dma_wait3A_189, %dma_wait3A_190] : memref<2x80x64x64xi32, #tpu.memory_space<hbm>> -> memref<1x1x64x64xi32, #tpu.memory_space<hbm>>
        %dma_wait3A_192 = tpu.memref_squeeze %dma_wait3A_191 : memref<1x1x64x64xi32, #tpu.memory_space<hbm>> -> memref<64x64xi32, #tpu.memory_space<hbm>>
        tpu.wait_dma2 semaphore(%run_scoped3A_176 : memref<!tpu.dma_semaphore, #tpu.memory_space<semaphore_mem>>) src(%dma_wait3A_192 : memref<64x64xi32, #tpu.memory_space<hbm>>) dst(%arg8 : memref<64x64xi32, #tpu.memory_space<vmem>>)
        tpu.yield
      }) : () -> ()
      %dma_start3A = arith.constant 0 : i32
      %dma_start3A_114 = arith.constant 0 : i32
      %dma_start3A_115 = tpu.memref_slice %arg7[%dma_start3A, %dma_start3A_114] : memref<64x64xi32, #tpu.memory_space<vmem>> -> memref<1x64xi32, #tpu.memory_space<vmem>>
      %dma_start3A_116 = tpu.memref_squeeze %dma_start3A_115 : memref<1x64xi32, #tpu.memory_space<vmem>> -> memref<64xi32, #tpu.memory_space<vmem>>
      %dma_start3A_117 = arith.constant 0 : i32
      %dma_start3A_118 = arith.constant 0 : i32
      %dma_start3A_119 = tpu.memref_slice %arg2[%dma_start3A_117, %dma_start3A_118] : memref<20480x128xf32, #tpu.memory_space<hbm>> -> memref<20480x128xf32, #tpu.memory_space<hbm>>
      tpu.enqueue_indirect_dma source(%dma_start3A_119 : memref<20480x128xf32, #tpu.memory_space<hbm>>) target(%arg9 : memref<64x128xf32, #tpu.memory_space<vmem>>) offsets(%dma_start3A_116 : memref<64xi32, #tpu.memory_space<vmem>>) semaphore(%arg12 : memref<!tpu.dma_semaphore, #tpu.memory_space<semaphore_mem>>)
      %dma_start3A_120 = arith.constant 1 : i32
      %dma_start3A_121 = arith.constant 0 : i32
      %dma_start3A_122 = tpu.memref_slice %arg7[%dma_start3A_120, %dma_start3A_121] : memref<64x64xi32, #tpu.memory_space<vmem>> -> memref<1x64xi32, #tpu.memory_space<vmem>>
      %dma_start3A_123 = tpu.memref_squeeze %dma_start3A_122 : memref<1x64xi32, #tpu.memory_space<vmem>> -> memref<64xi32, #tpu.memory_space<vmem>>
      %dma_start3A_124 = arith.constant 0 : i32
      %dma_start3A_125 = arith.constant 0 : i32
      %dma_start3A_126 = tpu.memref_slice %arg2[%dma_start3A_124, %dma_start3A_125] : memref<20480x128xf32, #tpu.memory_space<hbm>> -> memref<20480x128xf32, #tpu.memory_space<hbm>>
      tpu.enqueue_indirect_dma source(%dma_start3A_126 : memref<20480x128xf32, #tpu.memory_space<hbm>>) target(%arg10 : memref<64x128xf32, #tpu.memory_space<vmem>>) offsets(%dma_start3A_123 : memref<64xi32, #tpu.memory_space<vmem>>) semaphore(%arg13 : memref<!tpu.dma_semaphore, #tpu.memory_space<semaphore_mem>>)
      %scan3A_127 = arith.constant 0 : i32
      %scan3A_128 = arith.constant 0 : i32
      %scan3A_129 = arith.constant 31 : i32
      %scan3A_130 = arith.addi %scan3A_128, %scan3A_129 : i32
      %scan3A_131 = arith.constant 1 : i32
      %scan3A_132 = scf.for %scan3A_176 = %scan3A_128 to %scan3A_130 step %scan3A_131 iter_args(%scan3A_177 = %scan3A_127) -> (i32)  : i32 {
        %mul3A_178 = arith.constant 2 : i32
        %mul3A_179 = arith.muli %mul3A_178, %scan3A_176 : i32
        %dma_wait3A_180 = arith.constant 0 : i32
        %dma_wait3A_181 = tpu.memref_slice %arg7[%mul3A_179, %dma_wait3A_180] : memref<64x64xi32, #tpu.memory_space<vmem>> -> memref<1x64xi32, #tpu.memory_space<vmem>>
        %dma_wait3A_182 = tpu.memref_squeeze %dma_wait3A_181 : memref<1x64xi32, #tpu.memory_space<vmem>> -> memref<64xi32, #tpu.memory_space<vmem>>
        %dma_wait3A_183 = arith.constant 0 : i32
        %dma_wait3A_184 = arith.constant 0 : i32
        %dma_wait3A_185 = tpu.memref_slice %arg2[%dma_wait3A_183, %dma_wait3A_184] : memref<20480x128xf32, #tpu.memory_space<hbm>> -> memref<20480x128xf32, #tpu.memory_space<hbm>>
        tpu.wait_indirect_dma semaphore(%arg12 : memref<!tpu.dma_semaphore, #tpu.memory_space<semaphore_mem>>) src(%dma_wait3A_185 : memref<20480x128xf32, #tpu.memory_space<hbm>>) dst(%arg9 : memref<64x128xf32, #tpu.memory_space<vmem>>)
        %dma_start3A_186 = arith.constant 0 : i32
        %dma_start3A_187 = tpu.memref_slice %arg8[%mul3A_179, %dma_start3A_186] : memref<64x64xi32, #tpu.memory_space<vmem>> -> memref<1x64xi32, #tpu.memory_space<vmem>>
        %dma_start3A_188 = tpu.memref_squeeze %dma_start3A_187 : memref<1x64xi32, #tpu.memory_space<vmem>> -> memref<64xi32, #tpu.memory_space<vmem>>
        %dma_start3A_189 = arith.constant 0 : i32
        %dma_start3A_190 = arith.constant 0 : i32
        %dma_start3A_191 = tpu.memref_slice %arg11[%dma_start3A_189, %dma_start3A_190] : memref<5376x128xf32, #tpu.memory_space<vmem_shared>> -> memref<5376x128xf32, #tpu.memory_space<vmem_shared>>
        tpu.enqueue_indirect_dma source(%arg9 : memref<64x128xf32, #tpu.memory_space<vmem>>) target(%dma_start3A_191 : memref<5376x128xf32, #tpu.memory_space<vmem_shared>>) offsets(%dma_start3A_188 : memref<64xi32, #tpu.memory_space<vmem>>) semaphore(%arg14 : memref<!tpu.dma_semaphore, #tpu.memory_space<semaphore_mem>>) {add = true}
        %add3A_192 = arith.constant 1 : i32
        %add3A_193 = arith.addi %mul3A_179, %add3A_192 : i32
        %dma_wait3A_194 = arith.constant 0 : i32
        %dma_wait3A_195 = tpu.memref_slice %arg7[%add3A_193, %dma_wait3A_194] : memref<64x64xi32, #tpu.memory_space<vmem>> -> memref<1x64xi32, #tpu.memory_space<vmem>>
        %dma_wait3A_196 = tpu.memref_squeeze %dma_wait3A_195 : memref<1x64xi32, #tpu.memory_space<vmem>> -> memref<64xi32, #tpu.memory_space<vmem>>
        %dma_wait3A_197 = arith.constant 0 : i32
        %dma_wait3A_198 = arith.constant 0 : i32
        %dma_wait3A_199 = tpu.memref_slice %arg2[%dma_wait3A_197, %dma_wait3A_198] : memref<20480x128xf32, #tpu.memory_space<hbm>> -> memref<20480x128xf32, #tpu.memory_space<hbm>>
        tpu.wait_indirect_dma semaphore(%arg13 : memref<!tpu.dma_semaphore, #tpu.memory_space<semaphore_mem>>) src(%dma_wait3A_199 : memref<20480x128xf32, #tpu.memory_space<hbm>>) dst(%arg10 : memref<64x128xf32, #tpu.memory_space<vmem>>)
        %add3A_200 = arith.constant 1 : i32
        %add3A_201 = arith.addi %mul3A_179, %add3A_200 : i32
        %dma_start3A_202 = arith.constant 0 : i32
        %dma_start3A_203 = tpu.memref_slice %arg8[%add3A_201, %dma_start3A_202] : memref<64x64xi32, #tpu.memory_space<vmem>> -> memref<1x64xi32, #tpu.memory_space<vmem>>
        %dma_start3A_204 = tpu.memref_squeeze %dma_start3A_203 : memref<1x64xi32, #tpu.memory_space<vmem>> -> memref<64xi32, #tpu.memory_space<vmem>>
        %dma_start3A_205 = arith.constant 0 : i32
        %dma_start3A_206 = arith.constant 0 : i32
        %dma_start3A_207 = tpu.memref_slice %arg11[%dma_start3A_205, %dma_start3A_206] : memref<5376x128xf32, #tpu.memory_space<vmem_shared>> -> memref<5376x128xf32, #tpu.memory_space<vmem_shared>>
        tpu.enqueue_indirect_dma source(%arg10 : memref<64x128xf32, #tpu.memory_space<vmem>>) target(%dma_start3A_207 : memref<5376x128xf32, #tpu.memory_space<vmem_shared>>) offsets(%dma_start3A_204 : memref<64xi32, #tpu.memory_space<vmem>>) semaphore(%arg15 : memref<!tpu.dma_semaphore, #tpu.memory_space<semaphore_mem>>) {add = true}
        %dma_wait3A_208 = arith.constant 0 : i32
        %dma_wait3A_209 = tpu.memref_slice %arg8[%mul3A_179, %dma_wait3A_208] : memref<64x64xi32, #tpu.memory_space<vmem>> -> memref<1x64xi32, #tpu.memory_space<vmem>>
        %dma_wait3A_210 = tpu.memref_squeeze %dma_wait3A_209 : memref<1x64xi32, #tpu.memory_space<vmem>> -> memref<64xi32, #tpu.memory_space<vmem>>
        %dma_wait3A_211 = arith.constant 0 : i32
        %dma_wait3A_212 = arith.constant 0 : i32
        %dma_wait3A_213 = tpu.memref_slice %arg11[%dma_wait3A_211, %dma_wait3A_212] : memref<5376x128xf32, #tpu.memory_space<vmem_shared>> -> memref<5376x128xf32, #tpu.memory_space<vmem_shared>>
        tpu.wait_indirect_dma semaphore(%arg14 : memref<!tpu.dma_semaphore, #tpu.memory_space<semaphore_mem>>) src(%arg9 : memref<64x128xf32, #tpu.memory_space<vmem>>) dst(%dma_wait3A_213 : memref<5376x128xf32, #tpu.memory_space<vmem_shared>>)
        %add3A_214 = arith.constant 2 : i32
        %add3A_215 = arith.addi %mul3A_179, %add3A_214 : i32
        %dma_start3A_216 = arith.constant 0 : i32
        %dma_start3A_217 = tpu.memref_slice %arg7[%add3A_215, %dma_start3A_216] : memref<64x64xi32, #tpu.memory_space<vmem>> -> memref<1x64xi32, #tpu.memory_space<vmem>>
        %dma_start3A_218 = tpu.memref_squeeze %dma_start3A_217 : memref<1x64xi32, #tpu.memory_space<vmem>> -> memref<64xi32, #tpu.memory_space<vmem>>
        %dma_start3A_219 = arith.constant 0 : i32
        %dma_start3A_220 = arith.constant 0 : i32
        %dma_start3A_221 = tpu.memref_slice %arg2[%dma_start3A_219, %dma_start3A_220] : memref<20480x128xf32, #tpu.memory_space<hbm>> -> memref<20480x128xf32, #tpu.memory_space<hbm>>
        tpu.enqueue_indirect_dma source(%dma_start3A_221 : memref<20480x128xf32, #tpu.memory_space<hbm>>) target(%arg9 : memref<64x128xf32, #tpu.memory_space<vmem>>) offsets(%dma_start3A_218 : memref<64xi32, #tpu.memory_space<vmem>>) semaphore(%arg12 : memref<!tpu.dma_semaphore, #tpu.memory_space<semaphore_mem>>)
        %add3A_222 = arith.constant 1 : i32
        %add3A_223 = arith.addi %mul3A_179, %add3A_222 : i32
        %dma_wait3A_224 = arith.constant 0 : i32
        %dma_wait3A_225 = tpu.memref_slice %arg8[%add3A_223, %dma_wait3A_224] : memref<64x64xi32, #tpu.memory_space<vmem>> -> memref<1x64xi32, #tpu.memory_space<vmem>>
        %dma_wait3A_226 = tpu.memref_squeeze %dma_wait3A_225 : memref<1x64xi32, #tpu.memory_space<vmem>> -> memref<64xi32, #tpu.memory_space<vmem>>
        %dma_wait3A_227 = arith.constant 0 : i32
        %dma_wait3A_228 = arith.constant 0 : i32
        %dma_wait3A_229 = tpu.memref_slice %arg11[%dma_wait3A_227, %dma_wait3A_228] : memref<5376x128xf32, #tpu.memory_space<vmem_shared>> -> memref<5376x128xf32, #tpu.memory_space<vmem_shared>>
        tpu.wait_indirect_dma semaphore(%arg15 : memref<!tpu.dma_semaphore, #tpu.memory_space<semaphore_mem>>) src(%arg10 : memref<64x128xf32, #tpu.memory_space<vmem>>) dst(%dma_wait3A_229 : memref<5376x128xf32, #tpu.memory_space<vmem_shared>>)
        %add3A_230 = arith.constant 3 : i32
        %add3A_231 = arith.addi %mul3A_179, %add3A_230 : i32
        %dma_start3A_232 = arith.constant 0 : i32
        %dma_start3A_233 = tpu.memref_slice %arg7[%add3A_231, %dma_start3A_232] : memref<64x64xi32, #tpu.memory_space<vmem>> -> memref<1x64xi32, #tpu.memory_space<vmem>>
        %dma_start3A_234 = tpu.memref_squeeze %dma_start3A_233 : memref<1x64xi32, #tpu.memory_space<vmem>> -> memref<64xi32, #tpu.memory_space<vmem>>
        %dma_start3A_235 = arith.constant 0 : i32
        %dma_start3A_236 = arith.constant 0 : i32
        %dma_start3A_237 = tpu.memref_slice %arg2[%dma_start3A_235, %dma_start3A_236] : memref<20480x128xf32, #tpu.memory_space<hbm>> -> memref<20480x128xf32, #tpu.memory_space<hbm>>
        tpu.enqueue_indirect_dma source(%dma_start3A_237 : memref<20480x128xf32, #tpu.memory_space<hbm>>) target(%arg10 : memref<64x128xf32, #tpu.memory_space<vmem>>) offsets(%dma_start3A_234 : memref<64xi32, #tpu.memory_space<vmem>>) semaphore(%arg13 : memref<!tpu.dma_semaphore, #tpu.memory_space<semaphore_mem>>)
        %scan3A_238 = arith.constant 0 : i32
        scf.yield %scan3A_238 : i32
      }
      %scan3A_133 = arith.constant 31 : i32
      %dma_wait3A = arith.constant 62 : i32
      %dma_wait3A_134 = arith.constant 0 : i32
      %dma_wait3A_135 = tpu.memref_slice %arg7[%dma_wait3A, %dma_wait3A_134] : memref<64x64xi32, #tpu.memory_space<vmem>> -> memref<1x64xi32, #tpu.memory_space<vmem>>
      %dma_wait3A_136 = tpu.memref_squeeze %dma_wait3A_135 : memref<1x64xi32, #tpu.memory_space<vmem>> -> memref<64xi32, #tpu.memory_space<vmem>>
      %dma_wait3A_137 = arith.constant 0 : i32
      %dma_wait3A_138 = arith.constant 0 : i32
      %dma_wait3A_139 = tpu.memref_slice %arg2[%dma_wait3A_137, %dma_wait3A_138] : memref<20480x128xf32, #tpu.memory_space<hbm>> -> memref<20480x128xf32, #tpu.memory_space<hbm>>
      tpu.wait_indirect_dma semaphore(%arg12 : memref<!tpu.dma_semaphore, #tpu.memory_space<semaphore_mem>>) src(%dma_wait3A_139 : memref<20480x128xf32, #tpu.memory_space<hbm>>) dst(%arg9 : memref<64x128xf32, #tpu.memory_space<vmem>>)
      %dma_start3A_140 = arith.constant 62 : i32
      %dma_start3A_141 = arith.constant 0 : i32
      %dma_start3A_142 = tpu.memref_slice %arg8[%dma_start3A_140, %dma_start3A_141] : memref<64x64xi32, #tpu.memory_space<vmem>> -> memref<1x64xi32, #tpu.memory_space<vmem>>
      %dma_start3A_143 = tpu.memref_squeeze %dma_start3A_142 : memref<1x64xi32, #tpu.memory_space<vmem>> -> memref<64xi32, #tpu.memory_space<vmem>>
      %dma_start3A_144 = arith.constant 0 : i32
      %dma_start3A_145 = arith.constant 0 : i32
      %dma_start3A_146 = tpu.memref_slice %arg11[%dma_start3A_144, %dma_start3A_145] : memref<5376x128xf32, #tpu.memory_space<vmem_shared>> -> memref<5376x128xf32, #tpu.memory_space<vmem_shared>>
      tpu.enqueue_indirect_dma source(%arg9 : memref<64x128xf32, #tpu.memory_space<vmem>>) target(%dma_start3A_146 : memref<5376x128xf32, #tpu.memory_space<vmem_shared>>) offsets(%dma_start3A_143 : memref<64xi32, #tpu.memory_space<vmem>>) semaphore(%arg14 : memref<!tpu.dma_semaphore, #tpu.memory_space<semaphore_mem>>) {add = true}
      %dma_wait3A_147 = arith.constant 63 : i32
      %dma_wait3A_148 = arith.constant 0 : i32
      %dma_wait3A_149 = tpu.memref_slice %arg7[%dma_wait3A_147, %dma_wait3A_148] : memref<64x64xi32, #tpu.memory_space<vmem>> -> memref<1x64xi32, #tpu.memory_space<vmem>>
      %dma_wait3A_150 = tpu.memref_squeeze %dma_wait3A_149 : memref<1x64xi32, #tpu.memory_space<vmem>> -> memref<64xi32, #tpu.memory_space<vmem>>
      %dma_wait3A_151 = arith.constant 0 : i32
      %dma_wait3A_152 = arith.constant 0 : i32
      %dma_wait3A_153 = tpu.memref_slice %arg2[%dma_wait3A_151, %dma_wait3A_152] : memref<20480x128xf32, #tpu.memory_space<hbm>> -> memref<20480x128xf32, #tpu.memory_space<hbm>>
      tpu.wait_indirect_dma semaphore(%arg13 : memref<!tpu.dma_semaphore, #tpu.memory_space<semaphore_mem>>) src(%dma_wait3A_153 : memref<20480x128xf32, #tpu.memory_space<hbm>>) dst(%arg10 : memref<64x128xf32, #tpu.memory_space<vmem>>)
      %dma_start3A_154 = arith.constant 63 : i32
      %dma_start3A_155 = arith.constant 0 : i32
      %dma_start3A_156 = tpu.memref_slice %arg8[%dma_start3A_154, %dma_start3A_155] : memref<64x64xi32, #tpu.memory_space<vmem>> -> memref<1x64xi32, #tpu.memory_space<vmem>>
      %dma_start3A_157 = tpu.memref_squeeze %dma_start3A_156 : memref<1x64xi32, #tpu.memory_space<vmem>> -> memref<64xi32, #tpu.memory_space<vmem>>
      %dma_start3A_158 = arith.constant 0 : i32
      %dma_start3A_159 = arith.constant 0 : i32
      %dma_start3A_160 = tpu.memref_slice %arg11[%dma_start3A_158, %dma_start3A_159] : memref<5376x128xf32, #tpu.memory_space<vmem_shared>> -> memref<5376x128xf32, #tpu.memory_space<vmem_shared>>
      tpu.enqueue_indirect_dma source(%arg10 : memref<64x128xf32, #tpu.memory_space<vmem>>) target(%dma_start3A_160 : memref<5376x128xf32, #tpu.memory_space<vmem_shared>>) offsets(%dma_start3A_157 : memref<64xi32, #tpu.memory_space<vmem>>) semaphore(%arg15 : memref<!tpu.dma_semaphore, #tpu.memory_space<semaphore_mem>>) {add = true}
      %dma_wait3A_161 = arith.constant 62 : i32
      %dma_wait3A_162 = arith.constant 0 : i32
      %dma_wait3A_163 = tpu.memref_slice %arg8[%dma_wait3A_161, %dma_wait3A_162] : memref<64x64xi32, #tpu.memory_space<vmem>> -> memref<1x64xi32, #tpu.memory_space<vmem>>
      %dma_wait3A_164 = tpu.memref_squeeze %dma_wait3A_163 : memref<1x64xi32, #tpu.memory_space<vmem>> -> memref<64xi32, #tpu.memory_space<vmem>>
      %dma_wait3A_165 = arith.constant 0 : i32
      %dma_wait3A_166 = arith.constant 0 : i32
      %dma_wait3A_167 = tpu.memref_slice %arg11[%dma_wait3A_165, %dma_wait3A_166] : memref<5376x128xf32, #tpu.memory_space<vmem_shared>> -> memref<5376x128xf32, #tpu.memory_space<vmem_shared>>
      tpu.wait_indirect_dma semaphore(%arg14 : memref<!tpu.dma_semaphore, #tpu.memory_space<semaphore_mem>>) src(%arg9 : memref<64x128xf32, #tpu.memory_space<vmem>>) dst(%dma_wait3A_167 : memref<5376x128xf32, #tpu.memory_space<vmem_shared>>)
      %dma_wait3A_168 = arith.constant 63 : i32
      %dma_wait3A_169 = arith.constant 0 : i32
      %dma_wait3A_170 = tpu.memref_slice %arg8[%dma_wait3A_168, %dma_wait3A_169] : memref<64x64xi32, #tpu.memory_space<vmem>> -> memref<1x64xi32, #tpu.memory_space<vmem>>
      %dma_wait3A_171 = tpu.memref_squeeze %dma_wait3A_170 : memref<1x64xi32, #tpu.memory_space<vmem>> -> memref<64xi32, #tpu.memory_space<vmem>>
      %dma_wait3A_172 = arith.constant 0 : i32
      %dma_wait3A_173 = arith.constant 0 : i32
      %dma_wait3A_174 = tpu.memref_slice %arg11[%dma_wait3A_172, %dma_wait3A_173] : memref<5376x128xf32, #tpu.memory_space<vmem_shared>> -> memref<5376x128xf32, #tpu.memory_space<vmem_shared>>
      tpu.wait_indirect_dma semaphore(%arg15 : memref<!tpu.dma_semaphore, #tpu.memory_space<semaphore_mem>>) src(%arg10 : memref<64x128xf32, #tpu.memory_space<vmem>>) dst(%dma_wait3A_174 : memref<5376x128xf32, #tpu.memory_space<vmem_shared>>)
      %scan3A_175 = arith.constant 0 : i32
      scf.yield %scan3A_175 : i32
    }
    %scan3A_72 = arith.constant 5 : i32
    %barrier3A_73 = arith.constant 0 : index
    tpu.barrier barrier_id(%barrier3A_73)
    %mul3A_74 = arith.constant 320 : i32
    %mul3A_75 = arith.muli %arg1, %mul3A_74 : i32
    %add3A_76 = arith.constant 0 : i32
    %add3A_77 = arith.addi %mul3A_75, %add3A_76 : i32
    "tpu.region"() ({
      %run_scoped3A = tpu.sem_alloc : memref<!tpu.dma_semaphore, #tpu.memory_space<semaphore_mem>>
      %dma_start3A = arith.constant 0 : i32
      %dma_start3A_106 = tpu.memref_slice %arg11[%add3A_77, %dma_start3A] : memref<5376x128xf32, #tpu.memory_space<vmem_shared>> -> memref<64x128xf32, #tpu.memory_space<vmem_shared>>
      %dma_start3A_107 = arith.constant 0 : i32
      %dma_start3A_108 = tpu.memref_slice %arg11[%add3A_77, %dma_start3A_107] : memref<5376x128xf32, #tpu.memory_space<vmem_shared>> -> memref<64x128xf32, #tpu.memory_space<vmem_shared>>
      tpu.enqueue_dma source(%dma_start3A_108 : memref<64x128xf32, #tpu.memory_space<vmem_shared>>) target(%arg9 : memref<64x128xf32, #tpu.memory_space<vmem>>) target_semaphore(%run_scoped3A : memref<!tpu.dma_semaphore, #tpu.memory_space<semaphore_mem>>)
      %dma_wait3A = arith.constant 0 : i32
      %dma_wait3A_109 = tpu.memref_slice %arg11[%add3A_77, %dma_wait3A] : memref<5376x128xf32, #tpu.memory_space<vmem_shared>> -> memref<64x128xf32, #tpu.memory_space<vmem_shared>>
      %dma_wait3A_110 = arith.constant 0 : i32
      %dma_wait3A_111 = tpu.memref_slice %arg11[%add3A_77, %dma_wait3A_110] : memref<5376x128xf32, #tpu.memory_space<vmem_shared>> -> memref<64x128xf32, #tpu.memory_space<vmem_shared>>
      tpu.wait_dma2 semaphore(%run_scoped3A : memref<!tpu.dma_semaphore, #tpu.memory_space<semaphore_mem>>) src(%dma_wait3A_111 : memref<64x128xf32, #tpu.memory_space<vmem_shared>>) dst(%arg9 : memref<64x128xf32, #tpu.memory_space<vmem>>)
      tpu.yield
    }) : () -> ()
    %add3A_78 = arith.constant 5120 : i32
    %add3A_79 = arith.addi %add3A_78, %mul3A_75 : i32
    %add3A_80 = arith.constant 0 : i32
    %add3A_81 = arith.addi %add3A_79, %add3A_80 : i32
    "tpu.region"() ({
      %run_scoped3A = tpu.sem_alloc : memref<!tpu.dma_semaphore, #tpu.memory_space<semaphore_mem>>
      %dma_start3A = arith.constant 0 : i32
      %dma_start3A_106 = tpu.memref_slice %arg6[%arg0, %add3A_81, %dma_start3A] : memref<2x10240x128xf32, #tpu.memory_space<hbm>> -> memref<1x64x128xf32, #tpu.memory_space<hbm>>
      %dma_start3A_107 = tpu.memref_squeeze %dma_start3A_106 : memref<1x64x128xf32, #tpu.memory_space<hbm>> -> memref<64x128xf32, #tpu.memory_space<hbm>>
      %dma_start3A_108 = arith.constant 0 : i32
      %dma_start3A_109 = tpu.memref_slice %arg6[%arg0, %add3A_81, %dma_start3A_108] : memref<2x10240x128xf32, #tpu.memory_space<hbm>> -> memref<1x64x128xf32, #tpu.memory_space<hbm>>
      %dma_start3A_110 = tpu.memref_squeeze %dma_start3A_109 : memref<1x64x128xf32, #tpu.memory_space<hbm>> -> memref<64x128xf32, #tpu.memory_space<hbm>>
      tpu.enqueue_dma source(%arg9 : memref<64x128xf32, #tpu.memory_space<vmem>>) target(%dma_start3A_110 : memref<64x128xf32, #tpu.memory_space<hbm>>) target_semaphore(%run_scoped3A : memref<!tpu.dma_semaphore, #tpu.memory_space<semaphore_mem>>)
      %dma_wait3A = arith.constant 0 : i32
      %dma_wait3A_111 = tpu.memref_slice %arg6[%arg0, %add3A_81, %dma_wait3A] : memref<2x10240x128xf32, #tpu.memory_space<hbm>> -> memref<1x64x128xf32, #tpu.memory_space<hbm>>
      %dma_wait3A_112 = tpu.memref_squeeze %dma_wait3A_111 : memref<1x64x128xf32, #tpu.memory_space<hbm>> -> memref<64x128xf32, #tpu.memory_space<hbm>>
      %dma_wait3A_113 = arith.constant 0 : i32
      %dma_wait3A_114 = tpu.memref_slice %arg6[%arg0, %add3A_81, %dma_wait3A_113] : memref<2x10240x128xf32, #tpu.memory_space<hbm>> -> memref<1x64x128xf32, #tpu.memory_space<hbm>>
      %dma_wait3A_115 = tpu.memref_squeeze %dma_wait3A_114 : memref<1x64x128xf32, #tpu.memory_space<hbm>> -> memref<64x128xf32, #tpu.memory_space<hbm>>
      tpu.wait_dma2 semaphore(%run_scoped3A : memref<!tpu.dma_semaphore, #tpu.memory_space<semaphore_mem>>) src(%arg9 : memref<64x128xf32, #tpu.memory_space<vmem>>) dst(%dma_wait3A_115 : memref<64x128xf32, #tpu.memory_space<hbm>>)
      tpu.yield
    }) : () -> ()
    %add3A_82 = arith.constant 64 : i32
    %add3A_83 = arith.addi %mul3A_75, %add3A_82 : i32
    "tpu.region"() ({
      %run_scoped3A = tpu.sem_alloc : memref<!tpu.dma_semaphore, #tpu.memory_space<semaphore_mem>>
      %dma_start3A = arith.constant 0 : i32
      %dma_start3A_106 = tpu.memref_slice %arg11[%add3A_83, %dma_start3A] : memref<5376x128xf32, #tpu.memory_space<vmem_shared>> -> memref<64x128xf32, #tpu.memory_space<vmem_shared>>
      %dma_start3A_107 = arith.constant 0 : i32
      %dma_start3A_108 = tpu.memref_slice %arg11[%add3A_83, %dma_start3A_107] : memref<5376x128xf32, #tpu.memory_space<vmem_shared>> -> memref<64x128xf32, #tpu.memory_space<vmem_shared>>
      tpu.enqueue_dma source(%dma_start3A_108 : memref<64x128xf32, #tpu.memory_space<vmem_shared>>) target(%arg9 : memref<64x128xf32, #tpu.memory_space<vmem>>) target_semaphore(%run_scoped3A : memref<!tpu.dma_semaphore, #tpu.memory_space<semaphore_mem>>)
      %dma_wait3A = arith.constant 0 : i32
      %dma_wait3A_109 = tpu.memref_slice %arg11[%add3A_83, %dma_wait3A] : memref<5376x128xf32, #tpu.memory_space<vmem_shared>> -> memref<64x128xf32, #tpu.memory_space<vmem_shared>>
      %dma_wait3A_110 = arith.constant 0 : i32
      %dma_wait3A_111 = tpu.memref_slice %arg11[%add3A_83, %dma_wait3A_110] : memref<5376x128xf32, #tpu.memory_space<vmem_shared>> -> memref<64x128xf32, #tpu.memory_space<vmem_shared>>
      tpu.wait_dma2 semaphore(%run_scoped3A : memref<!tpu.dma_semaphore, #tpu.memory_space<semaphore_mem>>) src(%dma_wait3A_111 : memref<64x128xf32, #tpu.memory_space<vmem_shared>>) dst(%arg9 : memref<64x128xf32, #tpu.memory_space<vmem>>)
      tpu.yield
    }) : () -> ()
    %add3A_84 = arith.constant 5120 : i32
    %add3A_85 = arith.addi %add3A_84, %mul3A_75 : i32
    %add3A_86 = arith.constant 64 : i32
    %add3A_87 = arith.addi %add3A_85, %add3A_86 : i32
    "tpu.region"() ({
      %run_scoped3A = tpu.sem_alloc : memref<!tpu.dma_semaphore, #tpu.memory_space<semaphore_mem>>
      %dma_start3A = arith.constant 0 : i32
      %dma_start3A_106 = tpu.memref_slice %arg6[%arg0, %add3A_87, %dma_start3A] : memref<2x10240x128xf32, #tpu.memory_space<hbm>> -> memref<1x64x128xf32, #tpu.memory_space<hbm>>
      %dma_start3A_107 = tpu.memref_squeeze %dma_start3A_106 : memref<1x64x128xf32, #tpu.memory_space<hbm>> -> memref<64x128xf32, #tpu.memory_space<hbm>>
      %dma_start3A_108 = arith.constant 0 : i32
      %dma_start3A_109 = tpu.memref_slice %arg6[%arg0, %add3A_87, %dma_start3A_108] : memref<2x10240x128xf32, #tpu.memory_space<hbm>> -> memref<1x64x128xf32, #tpu.memory_space<hbm>>
      %dma_start3A_110 = tpu.memref_squeeze %dma_start3A_109 : memref<1x64x128xf32, #tpu.memory_space<hbm>> -> memref<64x128xf32, #tpu.memory_space<hbm>>
      tpu.enqueue_dma source(%arg9 : memref<64x128xf32, #tpu.memory_space<vmem>>) target(%dma_start3A_110 : memref<64x128xf32, #tpu.memory_space<hbm>>) target_semaphore(%run_scoped3A : memref<!tpu.dma_semaphore, #tpu.memory_space<semaphore_mem>>)
      %dma_wait3A = arith.constant 0 : i32
      %dma_wait3A_111 = tpu.memref_slice %arg6[%arg0, %add3A_87, %dma_wait3A] : memref<2x10240x128xf32, #tpu.memory_space<hbm>> -> memref<1x64x128xf32, #tpu.memory_space<hbm>>
      %dma_wait3A_112 = tpu.memref_squeeze %dma_wait3A_111 : memref<1x64x128xf32, #tpu.memory_space<hbm>> -> memref<64x128xf32, #tpu.memory_space<hbm>>
      %dma_wait3A_113 = arith.constant 0 : i32
      %dma_wait3A_114 = tpu.memref_slice %arg6[%arg0, %add3A_87, %dma_wait3A_113] : memref<2x10240x128xf32, #tpu.memory_space<hbm>> -> memref<1x64x128xf32, #tpu.memory_space<hbm>>
      %dma_wait3A_115 = tpu.memref_squeeze %dma_wait3A_114 : memref<1x64x128xf32, #tpu.memory_space<hbm>> -> memref<64x128xf32, #tpu.memory_space<hbm>>
      tpu.wait_dma2 semaphore(%run_scoped3A : memref<!tpu.dma_semaphore, #tpu.memory_space<semaphore_mem>>) src(%arg9 : memref<64x128xf32, #tpu.memory_space<vmem>>) dst(%dma_wait3A_115 : memref<64x128xf32, #tpu.memory_space<hbm>>)
      tpu.yield
    }) : () -> ()
    %add3A_88 = arith.constant 128 : i32
    %add3A_89 = arith.addi %mul3A_75, %add3A_88 : i32
    "tpu.region"() ({
      %run_scoped3A = tpu.sem_alloc : memref<!tpu.dma_semaphore, #tpu.memory_space<semaphore_mem>>
      %dma_start3A = arith.constant 0 : i32
      %dma_start3A_106 = tpu.memref_slice %arg11[%add3A_89, %dma_start3A] : memref<5376x128xf32, #tpu.memory_space<vmem_shared>> -> memref<64x128xf32, #tpu.memory_space<vmem_shared>>
      %dma_start3A_107 = arith.constant 0 : i32
      %dma_start3A_108 = tpu.memref_slice %arg11[%add3A_89, %dma_start3A_107] : memref<5376x128xf32, #tpu.memory_space<vmem_shared>> -> memref<64x128xf32, #tpu.memory_space<vmem_shared>>
      tpu.enqueue_dma source(%dma_start3A_108 : memref<64x128xf32, #tpu.memory_space<vmem_shared>>) target(%arg9 : memref<64x128xf32, #tpu.memory_space<vmem>>) target_semaphore(%run_scoped3A : memref<!tpu.dma_semaphore, #tpu.memory_space<semaphore_mem>>)
      %dma_wait3A = arith.constant 0 : i32
      %dma_wait3A_109 = tpu.memref_slice %arg11[%add3A_89, %dma_wait3A] : memref<5376x128xf32, #tpu.memory_space<vmem_shared>> -> memref<64x128xf32, #tpu.memory_space<vmem_shared>>
      %dma_wait3A_110 = arith.constant 0 : i32
      %dma_wait3A_111 = tpu.memref_slice %arg11[%add3A_89, %dma_wait3A_110] : memref<5376x128xf32, #tpu.memory_space<vmem_shared>> -> memref<64x128xf32, #tpu.memory_space<vmem_shared>>
      tpu.wait_dma2 semaphore(%run_scoped3A : memref<!tpu.dma_semaphore, #tpu.memory_space<semaphore_mem>>) src(%dma_wait3A_111 : memref<64x128xf32, #tpu.memory_space<vmem_shared>>) dst(%arg9 : memref<64x128xf32, #tpu.memory_space<vmem>>)
      tpu.yield
    }) : () -> ()
    %add3A_90 = arith.constant 5120 : i32
    %add3A_91 = arith.addi %add3A_90, %mul3A_75 : i32
    %add3A_92 = arith.constant 128 : i32
    %add3A_93 = arith.addi %add3A_91, %add3A_92 : i32
    "tpu.region"() ({
      %run_scoped3A = tpu.sem_alloc : memref<!tpu.dma_semaphore, #tpu.memory_space<semaphore_mem>>
      %dma_start3A = arith.constant 0 : i32
      %dma_start3A_106 = tpu.memref_slice %arg6[%arg0, %add3A_93, %dma_start3A] : memref<2x10240x128xf32, #tpu.memory_space<hbm>> -> memref<1x64x128xf32, #tpu.memory_space<hbm>>
      %dma_start3A_107 = tpu.memref_squeeze %dma_start3A_106 : memref<1x64x128xf32, #tpu.memory_space<hbm>> -> memref<64x128xf32, #tpu.memory_space<hbm>>
      %dma_start3A_108 = arith.constant 0 : i32
      %dma_start3A_109 = tpu.memref_slice %arg6[%arg0, %add3A_93, %dma_start3A_108] : memref<2x10240x128xf32, #tpu.memory_space<hbm>> -> memref<1x64x128xf32, #tpu.memory_space<hbm>>
      %dma_start3A_110 = tpu.memref_squeeze %dma_start3A_109 : memref<1x64x128xf32, #tpu.memory_space<hbm>> -> memref<64x128xf32, #tpu.memory_space<hbm>>
      tpu.enqueue_dma source(%arg9 : memref<64x128xf32, #tpu.memory_space<vmem>>) target(%dma_start3A_110 : memref<64x128xf32, #tpu.memory_space<hbm>>) target_semaphore(%run_scoped3A : memref<!tpu.dma_semaphore, #tpu.memory_space<semaphore_mem>>)
      %dma_wait3A = arith.constant 0 : i32
      %dma_wait3A_111 = tpu.memref_slice %arg6[%arg0, %add3A_93, %dma_wait3A] : memref<2x10240x128xf32, #tpu.memory_space<hbm>> -> memref<1x64x128xf32, #tpu.memory_space<hbm>>
      %dma_wait3A_112 = tpu.memref_squeeze %dma_wait3A_111 : memref<1x64x128xf32, #tpu.memory_space<hbm>> -> memref<64x128xf32, #tpu.memory_space<hbm>>
      %dma_wait3A_113 = arith.constant 0 : i32
      %dma_wait3A_114 = tpu.memref_slice %arg6[%arg0, %add3A_93, %dma_wait3A_113] : memref<2x10240x128xf32, #tpu.memory_space<hbm>> -> memref<1x64x128xf32, #tpu.memory_space<hbm>>
      %dma_wait3A_115 = tpu.memref_squeeze %dma_wait3A_114 : memref<1x64x128xf32, #tpu.memory_space<hbm>> -> memref<64x128xf32, #tpu.memory_space<hbm>>
      tpu.wait_dma2 semaphore(%run_scoped3A : memref<!tpu.dma_semaphore, #tpu.memory_space<semaphore_mem>>) src(%arg9 : memref<64x128xf32, #tpu.memory_space<vmem>>) dst(%dma_wait3A_115 : memref<64x128xf32, #tpu.memory_space<hbm>>)
      tpu.yield
    }) : () -> ()
    %add3A_94 = arith.constant 192 : i32
    %add3A_95 = arith.addi %mul3A_75, %add3A_94 : i32
    "tpu.region"() ({
      %run_scoped3A = tpu.sem_alloc : memref<!tpu.dma_semaphore, #tpu.memory_space<semaphore_mem>>
      %dma_start3A = arith.constant 0 : i32
      %dma_start3A_106 = tpu.memref_slice %arg11[%add3A_95, %dma_start3A] : memref<5376x128xf32, #tpu.memory_space<vmem_shared>> -> memref<64x128xf32, #tpu.memory_space<vmem_shared>>
      %dma_start3A_107 = arith.constant 0 : i32
      %dma_start3A_108 = tpu.memref_slice %arg11[%add3A_95, %dma_start3A_107] : memref<5376x128xf32, #tpu.memory_space<vmem_shared>> -> memref<64x128xf32, #tpu.memory_space<vmem_shared>>
      tpu.enqueue_dma source(%dma_start3A_108 : memref<64x128xf32, #tpu.memory_space<vmem_shared>>) target(%arg9 : memref<64x128xf32, #tpu.memory_space<vmem>>) target_semaphore(%run_scoped3A : memref<!tpu.dma_semaphore, #tpu.memory_space<semaphore_mem>>)
      %dma_wait3A = arith.constant 0 : i32
      %dma_wait3A_109 = tpu.memref_slice %arg11[%add3A_95, %dma_wait3A] : memref<5376x128xf32, #tpu.memory_space<vmem_shared>> -> memref<64x128xf32, #tpu.memory_space<vmem_shared>>
      %dma_wait3A_110 = arith.constant 0 : i32
      %dma_wait3A_111 = tpu.memref_slice %arg11[%add3A_95, %dma_wait3A_110] : memref<5376x128xf32, #tpu.memory_space<vmem_shared>> -> memref<64x128xf32, #tpu.memory_space<vmem_shared>>
      tpu.wait_dma2 semaphore(%run_scoped3A : memref<!tpu.dma_semaphore, #tpu.memory_space<semaphore_mem>>) src(%dma_wait3A_111 : memref<64x128xf32, #tpu.memory_space<vmem_shared>>) dst(%arg9 : memref<64x128xf32, #tpu.memory_space<vmem>>)
      tpu.yield
    }) : () -> ()
    %add3A_96 = arith.constant 5120 : i32
    %add3A_97 = arith.addi %add3A_96, %mul3A_75 : i32
    %add3A_98 = arith.constant 192 : i32
    %add3A_99 = arith.addi %add3A_97, %add3A_98 : i32
    "tpu.region"() ({
      %run_scoped3A = tpu.sem_alloc : memref<!tpu.dma_semaphore, #tpu.memory_space<semaphore_mem>>
      %dma_start3A = arith.constant 0 : i32
      %dma_start3A_106 = tpu.memref_slice %arg6[%arg0, %add3A_99, %dma_start3A] : memref<2x10240x128xf32, #tpu.memory_space<hbm>> -> memref<1x64x128xf32, #tpu.memory_space<hbm>>
      %dma_start3A_107 = tpu.memref_squeeze %dma_start3A_106 : memref<1x64x128xf32, #tpu.memory_space<hbm>> -> memref<64x128xf32, #tpu.memory_space<hbm>>
      %dma_start3A_108 = arith.constant 0 : i32
      %dma_start3A_109 = tpu.memref_slice %arg6[%arg0, %add3A_99, %dma_start3A_108] : memref<2x10240x128xf32, #tpu.memory_space<hbm>> -> memref<1x64x128xf32, #tpu.memory_space<hbm>>
      %dma_start3A_110 = tpu.memref_squeeze %dma_start3A_109 : memref<1x64x128xf32, #tpu.memory_space<hbm>> -> memref<64x128xf32, #tpu.memory_space<hbm>>
      tpu.enqueue_dma source(%arg9 : memref<64x128xf32, #tpu.memory_space<vmem>>) target(%dma_start3A_110 : memref<64x128xf32, #tpu.memory_space<hbm>>) target_semaphore(%run_scoped3A : memref<!tpu.dma_semaphore, #tpu.memory_space<semaphore_mem>>)
      %dma_wait3A = arith.constant 0 : i32
      %dma_wait3A_111 = tpu.memref_slice %arg6[%arg0, %add3A_99, %dma_wait3A] : memref<2x10240x128xf32, #tpu.memory_space<hbm>> -> memref<1x64x128xf32, #tpu.memory_space<hbm>>
      %dma_wait3A_112 = tpu.memref_squeeze %dma_wait3A_111 : memref<1x64x128xf32, #tpu.memory_space<hbm>> -> memref<64x128xf32, #tpu.memory_space<hbm>>
      %dma_wait3A_113 = arith.constant 0 : i32
      %dma_wait3A_114 = tpu.memref_slice %arg6[%arg0, %add3A_99, %dma_wait3A_113] : memref<2x10240x128xf32, #tpu.memory_space<hbm>> -> memref<1x64x128xf32, #tpu.memory_space<hbm>>
      %dma_wait3A_115 = tpu.memref_squeeze %dma_wait3A_114 : memref<1x64x128xf32, #tpu.memory_space<hbm>> -> memref<64x128xf32, #tpu.memory_space<hbm>>
      tpu.wait_dma2 semaphore(%run_scoped3A : memref<!tpu.dma_semaphore, #tpu.memory_space<semaphore_mem>>) src(%arg9 : memref<64x128xf32, #tpu.memory_space<vmem>>) dst(%dma_wait3A_115 : memref<64x128xf32, #tpu.memory_space<hbm>>)
      tpu.yield
    }) : () -> ()
    %add3A_100 = arith.constant 256 : i32
    %add3A_101 = arith.addi %mul3A_75, %add3A_100 : i32
    "tpu.region"() ({
      %run_scoped3A = tpu.sem_alloc : memref<!tpu.dma_semaphore, #tpu.memory_space<semaphore_mem>>
      %dma_start3A = arith.constant 0 : i32
      %dma_start3A_106 = tpu.memref_slice %arg11[%add3A_101, %dma_start3A] : memref<5376x128xf32, #tpu.memory_space<vmem_shared>> -> memref<64x128xf32, #tpu.memory_space<vmem_shared>>
      %dma_start3A_107 = arith.constant 0 : i32
      %dma_start3A_108 = tpu.memref_slice %arg11[%add3A_101, %dma_start3A_107] : memref<5376x128xf32, #tpu.memory_space<vmem_shared>> -> memref<64x128xf32, #tpu.memory_space<vmem_shared>>
      tpu.enqueue_dma source(%dma_start3A_108 : memref<64x128xf32, #tpu.memory_space<vmem_shared>>) target(%arg9 : memref<64x128xf32, #tpu.memory_space<vmem>>) target_semaphore(%run_scoped3A : memref<!tpu.dma_semaphore, #tpu.memory_space<semaphore_mem>>)
      %dma_wait3A = arith.constant 0 : i32
      %dma_wait3A_109 = tpu.memref_slice %arg11[%add3A_101, %dma_wait3A] : memref<5376x128xf32, #tpu.memory_space<vmem_shared>> -> memref<64x128xf32, #tpu.memory_space<vmem_shared>>
      %dma_wait3A_110 = arith.constant 0 : i32
      %dma_wait3A_111 = tpu.memref_slice %arg11[%add3A_101, %dma_wait3A_110] : memref<5376x128xf32, #tpu.memory_space<vmem_shared>> -> memref<64x128xf32, #tpu.memory_space<vmem_shared>>
      tpu.wait_dma2 semaphore(%run_scoped3A : memref<!tpu.dma_semaphore, #tpu.memory_space<semaphore_mem>>) src(%dma_wait3A_111 : memref<64x128xf32, #tpu.memory_space<vmem_shared>>) dst(%arg9 : memref<64x128xf32, #tpu.memory_space<vmem>>)
      tpu.yield
    }) : () -> ()
    %add3A_102 = arith.constant 5120 : i32
    %add3A_103 = arith.addi %add3A_102, %mul3A_75 : i32
    %add3A_104 = arith.constant 256 : i32
    %add3A_105 = arith.addi %add3A_103, %add3A_104 : i32
    "tpu.region"() ({
      %run_scoped3A = tpu.sem_alloc : memref<!tpu.dma_semaphore, #tpu.memory_space<semaphore_mem>>
      %dma_start3A = arith.constant 0 : i32
      %dma_start3A_106 = tpu.memref_slice %arg6[%arg0, %add3A_105, %dma_start3A] : memref<2x10240x128xf32, #tpu.memory_space<hbm>> -> memref<1x64x128xf32, #tpu.memory_space<hbm>>
      %dma_start3A_107 = tpu.memref_squeeze %dma_start3A_106 : memref<1x64x128xf32, #tpu.memory_space<hbm>> -> memref<64x128xf32, #tpu.memory_space<hbm>>
      %dma_start3A_108 = arith.constant 0 : i32
      %dma_start3A_109 = tpu.memref_slice %arg6[%arg0, %add3A_105, %dma_start3A_108] : memref<2x10240x128xf32, #tpu.memory_space<hbm>> -> memref<1x64x128xf32, #tpu.memory_space<hbm>>
      %dma_start3A_110 = tpu.memref_squeeze %dma_start3A_109 : memref<1x64x128xf32, #tpu.memory_space<hbm>> -> memref<64x128xf32, #tpu.memory_space<hbm>>
      tpu.enqueue_dma source(%arg9 : memref<64x128xf32, #tpu.memory_space<vmem>>) target(%dma_start3A_110 : memref<64x128xf32, #tpu.memory_space<hbm>>) target_semaphore(%run_scoped3A : memref<!tpu.dma_semaphore, #tpu.memory_space<semaphore_mem>>)
      %dma_wait3A = arith.constant 0 : i32
      %dma_wait3A_111 = tpu.memref_slice %arg6[%arg0, %add3A_105, %dma_wait3A] : memref<2x10240x128xf32, #tpu.memory_space<hbm>> -> memref<1x64x128xf32, #tpu.memory_space<hbm>>
      %dma_wait3A_112 = tpu.memref_squeeze %dma_wait3A_111 : memref<1x64x128xf32, #tpu.memory_space<hbm>> -> memref<64x128xf32, #tpu.memory_space<hbm>>
      %dma_wait3A_113 = arith.constant 0 : i32
      %dma_wait3A_114 = tpu.memref_slice %arg6[%arg0, %add3A_105, %dma_wait3A_113] : memref<2x10240x128xf32, #tpu.memory_space<hbm>> -> memref<1x64x128xf32, #tpu.memory_space<hbm>>
      %dma_wait3A_115 = tpu.memref_squeeze %dma_wait3A_114 : memref<1x64x128xf32, #tpu.memory_space<hbm>> -> memref<64x128xf32, #tpu.memory_space<hbm>>
      tpu.wait_dma2 semaphore(%run_scoped3A : memref<!tpu.dma_semaphore, #tpu.memory_space<semaphore_mem>>) src(%arg9 : memref<64x128xf32, #tpu.memory_space<vmem>>) dst(%dma_wait3A_115 : memref<64x128xf32, #tpu.memory_space<hbm>>)
      tpu.yield
    }) : () -> ()
    return
  }
}

module attributes {stable_mosaic.version = 14 : i64} {
  func.func @body(%arg0: i32, %arg1: memref<1024x128xf32, #tpu.memory_space<vmem>>, %arg2: memref<1x1024x128xf32, #tpu.memory_space<vmem>>, %arg3: memref<1x1024x128xf32, #tpu.memory_space<vmem>>, %arg4: memref<128x256xf32, #tpu.memory_space<vmem>>, %arg5: memref<128x256xf32, #tpu.memory_space<vmem>>, %arg6: memref<1x256xf32, #tpu.memory_space<vmem>>, %arg7: memref<2x1024x128xf32, #tpu.memory_space<vmem>>) attributes {dimension_semantics = [#tpu.dimension_semantics<arbitrary>], iteration_bounds = array<i64: 10>, scalar_prefetch = 0 : i64, scratch_operands = 0 : i64, tpu.core_type = #tpu.core_type<tc>, window_params = [{transform_indices = @transform_0, window_bounds = array<i64: 1024, 128>}, {transform_indices = @transform_1, window_bounds = array<i64: 1, 1024, 128>}, {transform_indices = @transform_2, window_bounds = array<i64: 1, 1024, 128>}, {pipeline_mode = #tpu.pipeline_mode<synchronous>, transform_indices = @transform_3, window_bounds = array<i64: 128, 256>}, {pipeline_mode = #tpu.pipeline_mode<synchronous>, transform_indices = @transform_4, window_bounds = array<i64: 128, 256>}, {pipeline_mode = #tpu.pipeline_mode<synchronous>, transform_indices = @transform_5, window_bounds = array<i64: 1, 256>}, {transform_indices = @transform_6, window_bounds = array<i64: 2, 1024, 128>}]} {
    %get3A = arith.constant 0 : index
    %get3A_0 = arith.constant 0 : index
    %get3A_1 = arith.constant 0 : index
    %get3A_2 = vector.load %arg3[%get3A, %get3A_0, %get3A_1] : memref<1x1024x128xf32, #tpu.memory_space<vmem>>, vector<1x1024x128xf32>
    %get3A_3 = vector.shape_cast %get3A_2 : vector<1x1024x128xf32> to vector<1024x128xf32>
    %slice3A = vector.extract_strided_slice %get3A_3 {offsets = [0, 0], sizes = [1024, 1], strides = [1, 1]} : vector<1024x128xf32> to vector<1024x1xf32>
    %max3A = arith.constant 1.000000e+00 : f32
    %max3A_4 = vector.broadcast %max3A : f32 to vector<1024x1xf32>
    %max3A_5 = arith.maximumf %slice3A, %max3A_4 : vector<1024x1xf32>
    %div3A = arith.constant 1.000000e+00 : f32
    %div3A_6 = vector.broadcast %div3A : f32 to vector<1024x1xf32>
    %div3A_7 = arith.divf %div3A_6, %max3A_5 : vector<1024x1xf32>
    %get3A_8 = arith.constant 0 : index
    %get3A_9 = arith.constant 0 : index
    %get3A_10 = arith.constant 0 : index
    %get3A_11 = vector.load %arg2[%get3A_8, %get3A_9, %get3A_10] : memref<1x1024x128xf32, #tpu.memory_space<vmem>>, vector<1x1024x128xf32>
    %get3A_12 = vector.shape_cast %get3A_11 : vector<1x1024x128xf32> to vector<1024x128xf32>
    %mul3A = vector.broadcast %div3A_7 : vector<1024x1xf32> to vector<1024x128xf32>
    %mul3A_13 = arith.mulf %get3A_12, %mul3A : vector<1024x128xf32>
    %get3A_14 = arith.constant 0 : index
    %get3A_15 = arith.constant 0 : index
    %get3A_16 = vector.load %arg1[%get3A_14, %get3A_15] : memref<1024x128xf32, #tpu.memory_space<vmem>>, vector<1024x128xf32>
    %get3A_17 = arith.constant 0 : index
    %get3A_18 = arith.constant 0 : index
    %get3A_19 = vector.load %arg4[%get3A_17, %get3A_18] : memref<128x256xf32, #tpu.memory_space<vmem>>, vector<128x256xf32>
    %dot_general3A = arith.constant dense<0.000000e+00> : vector<1024x256xf32>
    %dot_general3A_20 = tpu.matmul %get3A_16, %get3A_19, %dot_general3A {dimension_numbers = #tpu.dot_dimension_numbers<[1], [0], [0], [1], [0, 0, 1, 1], [], []>, transpose_lhs_hint = false} : vector<1024x128xf32>, vector<128x256xf32>, vector<1024x256xf32> -> vector<1024x256xf32>
    %get3A_21 = arith.constant 0 : index
    %get3A_22 = arith.constant 0 : index
    %get3A_23 = vector.load %arg5[%get3A_21, %get3A_22] : memref<128x256xf32, #tpu.memory_space<vmem>>, vector<128x256xf32>
    %dot_general3A_24 = arith.constant dense<0.000000e+00> : vector<1024x256xf32>
    %dot_general3A_25 = tpu.matmul %mul3A_13, %get3A_23, %dot_general3A_24 {dimension_numbers = #tpu.dot_dimension_numbers<[1], [0], [0], [1], [0, 0, 1, 1], [], []>, transpose_lhs_hint = false} : vector<1024x128xf32>, vector<128x256xf32>, vector<1024x256xf32> -> vector<1024x256xf32>
    %add3A = arith.addf %dot_general3A_20, %dot_general3A_25 : vector<1024x256xf32>
    %get3A_26 = arith.constant 0 : index
    %get3A_27 = arith.constant 0 : index
    %get3A_28 = vector.load %arg6[%get3A_26, %get3A_27] : memref<1x256xf32, #tpu.memory_space<vmem>>, vector<1x256xf32>
    %add3A_29 = vector.broadcast %get3A_28 : vector<1x256xf32> to vector<1024x256xf32>
    %add3A_30 = arith.addf %add3A, %add3A_29 : vector<1024x256xf32>
    %max3A_31 = arith.constant 0.000000e+00 : f32
    %max3A_32 = vector.broadcast %max3A_31 : f32 to vector<1024x256xf32>
    %max3A_33 = arith.maximumf %add3A_30, %max3A_32 : vector<1024x256xf32>
    %slice3A_34 = vector.extract_strided_slice %max3A_33 {offsets = [0, 0], sizes = [1024, 128], strides = [1, 1]} : vector<1024x256xf32> to vector<1024x128xf32>
    %swap3A = arith.constant 0 : index
    %swap3A_35 = arith.constant 0 : index
    %swap3A_36 = arith.constant 0 : index
    %swap3A_37 = vector.load %arg7[%swap3A, %swap3A_35, %swap3A_36] : memref<2x1024x128xf32, #tpu.memory_space<vmem>>, vector<1x1024x128xf32>
    %swap3A_38 = vector.shape_cast %swap3A_37 : vector<1x1024x128xf32> to vector<1024x128xf32>
    %swap3A_39 = vector.shape_cast %slice3A_34 : vector<1024x128xf32> to vector<1x1024x128xf32>
    tpu.vector_store %arg7[%swap3A, %swap3A_35, %swap3A_36], %swap3A_39 {strides = array<i32>} : memref<2x1024x128xf32, #tpu.memory_space<vmem>>, vector<1x1024x128xf32>,
    %slice3A_40 = vector.extract_strided_slice %max3A_33 {offsets = [0, 128], sizes = [1024, 128], strides = [1, 1]} : vector<1024x256xf32> to vector<1024x128xf32>
    %swap3A_41 = arith.constant 1 : index
    %swap3A_42 = arith.constant 0 : index
    %swap3A_43 = arith.constant 0 : index
    %swap3A_44 = vector.load %arg7[%swap3A_41, %swap3A_42, %swap3A_43] : memref<2x1024x128xf32, #tpu.memory_space<vmem>>, vector<1x1024x128xf32>
    %swap3A_45 = vector.shape_cast %swap3A_44 : vector<1x1024x128xf32> to vector<1024x128xf32>
    %swap3A_46 = vector.shape_cast %slice3A_40 : vector<1024x128xf32> to vector<1x1024x128xf32>
    tpu.vector_store %arg7[%swap3A_41, %swap3A_42, %swap3A_43], %swap3A_46 {strides = array<i32>} : memref<2x1024x128xf32, #tpu.memory_space<vmem>>, vector<1x1024x128xf32>,
    return
  }
  func.func @transform_0(%arg0: i32) -> (i32, i32) {
    %c0_i32 = arith.constant 0 : i32
    %c0_i32_0 = arith.constant 0 : i32
    return %arg0, %c0_i32 : i32, i32
  }
  func.func @transform_1(%arg0: i32) -> (i32, i32, i32) {
    %c0_i32 = arith.constant 0 : i32
    %c0_i32_0 = arith.constant 0 : i32
    %c0_i32_1 = arith.constant 0 : i32
    return %c0_i32, %arg0, %c0_i32_0 : i32, i32, i32
  }
  func.func @transform_2(%arg0: i32) -> (i32, i32, i32) {
    %c1_i32 = arith.constant 1 : i32
    %c0_i32 = arith.constant 0 : i32
    %c0_i32_0 = arith.constant 0 : i32
    return %c1_i32, %arg0, %c0_i32 : i32, i32, i32
  }
  func.func @transform_3(%arg0: i32) -> (i32, i32) {
    %c0_i32 = arith.constant 0 : i32
    %c0_i32_0 = arith.constant 0 : i32
    %c0_i32_1 = arith.constant 0 : i32
    return %c0_i32, %c0_i32_0 : i32, i32
  }
  func.func @transform_4(%arg0: i32) -> (i32, i32) {
    %c0_i32 = arith.constant 0 : i32
    %c0_i32_0 = arith.constant 0 : i32
    %c0_i32_1 = arith.constant 0 : i32
    return %c0_i32, %c0_i32_0 : i32, i32
  }
  func.func @transform_5(%arg0: i32) -> (i32, i32) {
    %c0_i32 = arith.constant 0 : i32
    %c0_i32_0 = arith.constant 0 : i32
    %c0_i32_1 = arith.constant 0 : i32
    return %c0_i32, %c0_i32_0 : i32, i32
  }
  func.func @transform_6(%arg0: i32) -> (i32, i32, i32) {
    %c0_i32 = arith.constant 0 : i32
    %c0_i32_0 = arith.constant 0 : i32
    %c0_i32_1 = arith.constant 0 : i32
    return %c0_i32, %arg0, %c0_i32_0 : i32, i32, i32
  }
}

module attributes {stable_mosaic.version = 14 : i64} {
  func.func @body(%arg0: i32, %arg1: memref<1024x128xf32, #tpu.memory_space<vmem>>, %arg2: memref<1024x128xf32, #tpu.memory_space<vmem>>, %arg3: memref<1024x128xf32, #tpu.memory_space<vmem>>, %arg4: memref<1024x128xf32, #tpu.memory_space<vmem>>, %arg5: memref<1x1024x128xf32, #tpu.memory_space<vmem>>, %arg6: memref<256x256xf32, #tpu.memory_space<vmem>>, %arg7: memref<256x256xf32, #tpu.memory_space<vmem>>, %arg8: memref<1x256xf32, #tpu.memory_space<vmem>>, %arg9: memref<2x1024x128xf32, #tpu.memory_space<vmem>>) attributes {dimension_semantics = [#tpu.dimension_semantics<arbitrary>], iteration_bounds = array<i64: 10>, scalar_prefetch = 0 : i64, scratch_operands = 0 : i64, tpu.core_type = #tpu.core_type<tc>, window_params = [{transform_indices = @transform_0, window_bounds = array<i64: 1024, 128>}, {transform_indices = @transform_1, window_bounds = array<i64: 1024, 128>}, {transform_indices = @transform_2, window_bounds = array<i64: 1024, 128>}, {transform_indices = @transform_3, window_bounds = array<i64: 1024, 128>}, {transform_indices = @transform_4, window_bounds = array<i64: 1, 1024, 128>}, {pipeline_mode = #tpu.pipeline_mode<synchronous>, transform_indices = @transform_5, window_bounds = array<i64: 256, 256>}, {pipeline_mode = #tpu.pipeline_mode<synchronous>, transform_indices = @transform_6, window_bounds = array<i64: 256, 256>}, {pipeline_mode = #tpu.pipeline_mode<synchronous>, transform_indices = @transform_7, window_bounds = array<i64: 1, 256>}, {transform_indices = @transform_8, window_bounds = array<i64: 2, 1024, 128>}]} {
    %get3A = arith.constant 0 : index
    %get3A_0 = arith.constant 0 : index
    %get3A_1 = arith.constant 0 : index
    %get3A_2 = vector.load %arg5[%get3A, %get3A_0, %get3A_1] : memref<1x1024x128xf32, #tpu.memory_space<vmem>>, vector<1x1024x128xf32>
    %get3A_3 = vector.shape_cast %get3A_2 : vector<1x1024x128xf32> to vector<1024x128xf32>
    %slice3A = vector.extract_strided_slice %get3A_3 {offsets = [0, 0], sizes = [1024, 1], strides = [1, 1]} : vector<1024x128xf32> to vector<1024x1xf32>
    %max3A = arith.constant 1.000000e+00 : f32
    %max3A_4 = vector.broadcast %max3A : f32 to vector<1024x1xf32>
    %max3A_5 = arith.maximumf %slice3A, %max3A_4 : vector<1024x1xf32>
    %div3A = arith.constant 1.000000e+00 : f32
    %div3A_6 = vector.broadcast %div3A : f32 to vector<1024x1xf32>
    %div3A_7 = arith.divf %div3A_6, %max3A_5 : vector<1024x1xf32>
    %get3A_8 = arith.constant 0 : index
    %get3A_9 = arith.constant 0 : index
    %get3A_10 = vector.load %arg1[%get3A_8, %get3A_9] : memref<1024x128xf32, #tpu.memory_space<vmem>>, vector<1024x128xf32>
    %get3A_11 = arith.constant 0 : index
    %get3A_12 = arith.constant 0 : index
    %get3A_13 = vector.load %arg6[%get3A_11, %get3A_12] : memref<256x256xf32, #tpu.memory_space<vmem>>, vector<128x256xf32>
    %dot_general3A = arith.constant dense<0.000000e+00> : vector<1024x256xf32>
    %dot_general3A_14 = tpu.matmul %get3A_10, %get3A_13, %dot_general3A {dimension_numbers = #tpu.dot_dimension_numbers<[1], [0], [0], [1], [0, 0, 1, 1], [], []>, transpose_lhs_hint = false} : vector<1024x128xf32>, vector<128x256xf32>, vector<1024x256xf32> -> vector<1024x256xf32>
    %get3A_15 = arith.constant 0 : index
    %get3A_16 = arith.constant 0 : index
    %get3A_17 = vector.load %arg2[%get3A_15, %get3A_16] : memref<1024x128xf32, #tpu.memory_space<vmem>>, vector<1024x128xf32>
    %get3A_18 = arith.constant 128 : index
    %get3A_19 = arith.constant 0 : index
    %get3A_20 = vector.load %arg6[%get3A_18, %get3A_19] : memref<256x256xf32, #tpu.memory_space<vmem>>, vector<128x256xf32>
    %dot_general3A_21 = arith.constant dense<0.000000e+00> : vector<1024x256xf32>
    %dot_general3A_22 = tpu.matmul %get3A_17, %get3A_20, %dot_general3A_21 {dimension_numbers = #tpu.dot_dimension_numbers<[1], [0], [0], [1], [0, 0, 1, 1], [], []>, transpose_lhs_hint = false} : vector<1024x128xf32>, vector<128x256xf32>, vector<1024x256xf32> -> vector<1024x256xf32>
    %add3A = arith.addf %dot_general3A_14, %dot_general3A_22 : vector<1024x256xf32>
    %get3A_23 = arith.constant 0 : index
    %get3A_24 = arith.constant 0 : index
    %get3A_25 = vector.load %arg3[%get3A_23, %get3A_24] : memref<1024x128xf32, #tpu.memory_space<vmem>>, vector<1024x128xf32>
    %mul3A = vector.broadcast %div3A_7 : vector<1024x1xf32> to vector<1024x128xf32>
    %mul3A_26 = arith.mulf %get3A_25, %mul3A : vector<1024x128xf32>
    %get3A_27 = arith.constant 0 : index
    %get3A_28 = arith.constant 0 : index
    %get3A_29 = vector.load %arg7[%get3A_27, %get3A_28] : memref<256x256xf32, #tpu.memory_space<vmem>>, vector<128x256xf32>
    %dot_general3A_30 = arith.constant dense<0.000000e+00> : vector<1024x256xf32>
    %dot_general3A_31 = tpu.matmul %mul3A_26, %get3A_29, %dot_general3A_30 {dimension_numbers = #tpu.dot_dimension_numbers<[1], [0], [0], [1], [0, 0, 1, 1], [], []>, transpose_lhs_hint = false} : vector<1024x128xf32>, vector<128x256xf32>, vector<1024x256xf32> -> vector<1024x256xf32>
    %add3A_32 = arith.addf %add3A, %dot_general3A_31 : vector<1024x256xf32>
    %get3A_33 = arith.constant 0 : index
    %get3A_34 = arith.constant 0 : index
    %get3A_35 = vector.load %arg4[%get3A_33, %get3A_34] : memref<1024x128xf32, #tpu.memory_space<vmem>>, vector<1024x128xf32>
    %mul3A_36 = vector.broadcast %div3A_7 : vector<1024x1xf32> to vector<1024x128xf32>
    %mul3A_37 = arith.mulf %get3A_35, %mul3A_36 : vector<1024x128xf32>
    %get3A_38 = arith.constant 128 : index
    %get3A_39 = arith.constant 0 : index
    %get3A_40 = vector.load %arg7[%get3A_38, %get3A_39] : memref<256x256xf32, #tpu.memory_space<vmem>>, vector<128x256xf32>
    %dot_general3A_41 = arith.constant dense<0.000000e+00> : vector<1024x256xf32>
    %dot_general3A_42 = tpu.matmul %mul3A_37, %get3A_40, %dot_general3A_41 {dimension_numbers = #tpu.dot_dimension_numbers<[1], [0], [0], [1], [0, 0, 1, 1], [], []>, transpose_lhs_hint = false} : vector<1024x128xf32>, vector<128x256xf32>, vector<1024x256xf32> -> vector<1024x256xf32>
    %add3A_43 = arith.addf %add3A_32, %dot_general3A_42 : vector<1024x256xf32>
    %get3A_44 = arith.constant 0 : index
    %get3A_45 = arith.constant 0 : index
    %get3A_46 = vector.load %arg8[%get3A_44, %get3A_45] : memref<1x256xf32, #tpu.memory_space<vmem>>, vector<1x256xf32>
    %add3A_47 = vector.broadcast %get3A_46 : vector<1x256xf32> to vector<1024x256xf32>
    %add3A_48 = arith.addf %add3A_43, %add3A_47 : vector<1024x256xf32>
    %max3A_49 = arith.constant 0.000000e+00 : f32
    %max3A_50 = vector.broadcast %max3A_49 : f32 to vector<1024x256xf32>
    %max3A_51 = arith.maximumf %add3A_48, %max3A_50 : vector<1024x256xf32>
    %slice3A_52 = vector.extract_strided_slice %max3A_51 {offsets = [0, 0], sizes = [1024, 128], strides = [1, 1]} : vector<1024x256xf32> to vector<1024x128xf32>
    %swap3A = arith.constant 0 : index
    %swap3A_53 = arith.constant 0 : index
    %swap3A_54 = arith.constant 0 : index
    %swap3A_55 = vector.load %arg9[%swap3A, %swap3A_53, %swap3A_54] : memref<2x1024x128xf32, #tpu.memory_space<vmem>>, vector<1x1024x128xf32>
    %swap3A_56 = vector.shape_cast %swap3A_55 : vector<1x1024x128xf32> to vector<1024x128xf32>
    %swap3A_57 = vector.shape_cast %slice3A_52 : vector<1024x128xf32> to vector<1x1024x128xf32>
    tpu.vector_store %arg9[%swap3A, %swap3A_53, %swap3A_54], %swap3A_57 {strides = array<i32>} : memref<2x1024x128xf32, #tpu.memory_space<vmem>>, vector<1x1024x128xf32>,
    %slice3A_58 = vector.extract_strided_slice %max3A_51 {offsets = [0, 128], sizes = [1024, 128], strides = [1, 1]} : vector<1024x256xf32> to vector<1024x128xf32>
    %swap3A_59 = arith.constant 1 : index
    %swap3A_60 = arith.constant 0 : index
    %swap3A_61 = arith.constant 0 : index
    %swap3A_62 = vector.load %arg9[%swap3A_59, %swap3A_60, %swap3A_61] : memref<2x1024x128xf32, #tpu.memory_space<vmem>>, vector<1x1024x128xf32>
    %swap3A_63 = vector.shape_cast %swap3A_62 : vector<1x1024x128xf32> to vector<1024x128xf32>
    %swap3A_64 = vector.shape_cast %slice3A_58 : vector<1024x128xf32> to vector<1x1024x128xf32>
    tpu.vector_store %arg9[%swap3A_59, %swap3A_60, %swap3A_61], %swap3A_64 {strides = array<i32>} : memref<2x1024x128xf32, #tpu.memory_space<vmem>>, vector<1x1024x128xf32>,
    return
  }
  func.func @transform_0(%arg0: i32) -> (i32, i32) {
    %c0_i32 = arith.constant 0 : i32
    %c0_i32_0 = arith.constant 0 : i32
    return %arg0, %c0_i32 : i32, i32
  }
  func.func @transform_1(%arg0: i32) -> (i32, i32) {
    %add3A = arith.constant 10 : i32
    %add3A_0 = arith.addi %arg0, %add3A : i32
    %c0_i32 = arith.constant 0 : i32
    %c0_i32_1 = arith.constant 0 : i32
    return %add3A_0, %c0_i32 : i32, i32
  }
  func.func @transform_2(%arg0: i32) -> (i32, i32) {
    %c0_i32 = arith.constant 0 : i32
    %c0_i32_0 = arith.constant 0 : i32
    return %arg0, %c0_i32 : i32, i32
  }
  func.func @transform_3(%arg0: i32) -> (i32, i32) {
    %add3A = arith.constant 10 : i32
    %add3A_0 = arith.addi %arg0, %add3A : i32
    %c0_i32 = arith.constant 0 : i32
    %c0_i32_1 = arith.constant 0 : i32
    return %add3A_0, %c0_i32 : i32, i32
  }
  func.func @transform_4(%arg0: i32) -> (i32, i32, i32) {
    %c1_i32 = arith.constant 1 : i32
    %c0_i32 = arith.constant 0 : i32
    %c0_i32_0 = arith.constant 0 : i32
    return %c1_i32, %arg0, %c0_i32 : i32, i32, i32
  }
  func.func @transform_5(%arg0: i32) -> (i32, i32) {
    %c0_i32 = arith.constant 0 : i32
    %c0_i32_0 = arith.constant 0 : i32
    %c0_i32_1 = arith.constant 0 : i32
    return %c0_i32, %c0_i32_0 : i32, i32
  }
  func.func @transform_6(%arg0: i32) -> (i32, i32) {
    %c0_i32 = arith.constant 0 : i32
    %c0_i32_0 = arith.constant 0 : i32
    %c0_i32_1 = arith.constant 0 : i32
    return %c0_i32, %c0_i32_0 : i32, i32
  }
  func.func @transform_7(%arg0: i32) -> (i32, i32) {
    %c0_i32 = arith.constant 0 : i32
    %c0_i32_0 = arith.constant 0 : i32
    %c0_i32_1 = arith.constant 0 : i32
    return %c0_i32, %c0_i32_0 : i32, i32
  }
  func.func @transform_8(%arg0: i32) -> (i32, i32, i32) {
    %c0_i32 = arith.constant 0 : i32
    %c0_i32_0 = arith.constant 0 : i32
    %c0_i32_1 = arith.constant 0 : i32
    return %c0_i32, %arg0, %c0_i32_0 : i32, i32, i32
  }
}

module attributes {stable_mosaic.version = 14 : i64} {
  func.func @body(%arg0: i32, %arg1: memref<1024x128xf32, #tpu.memory_space<vmem>>, %arg2: memref<1024x128xf32, #tpu.memory_space<vmem>>, %arg3: memref<1024x128xf32, #tpu.memory_space<vmem>>, %arg4: memref<1024x128xf32, #tpu.memory_space<vmem>>, %arg5: memref<1x1024x128xf32, #tpu.memory_space<vmem>>, %arg6: memref<256x256xf32, #tpu.memory_space<vmem>>, %arg7: memref<256x256xf32, #tpu.memory_space<vmem>>, %arg8: memref<1x256xf32, #tpu.memory_space<vmem>>, %arg9: memref<1024x256xf32, #tpu.memory_space<vmem>>) attributes {dimension_semantics = [#tpu.dimension_semantics<arbitrary>], iteration_bounds = array<i64: 10>, scalar_prefetch = 0 : i64, scratch_operands = 0 : i64, tpu.core_type = #tpu.core_type<tc>, window_params = [{transform_indices = @transform_0, window_bounds = array<i64: 1024, 128>}, {transform_indices = @transform_1, window_bounds = array<i64: 1024, 128>}, {transform_indices = @transform_2, window_bounds = array<i64: 1024, 128>}, {transform_indices = @transform_3, window_bounds = array<i64: 1024, 128>}, {transform_indices = @transform_4, window_bounds = array<i64: 1, 1024, 128>}, {pipeline_mode = #tpu.pipeline_mode<synchronous>, transform_indices = @transform_5, window_bounds = array<i64: 256, 256>}, {pipeline_mode = #tpu.pipeline_mode<synchronous>, transform_indices = @transform_6, window_bounds = array<i64: 256, 256>}, {pipeline_mode = #tpu.pipeline_mode<synchronous>, transform_indices = @transform_7, window_bounds = array<i64: 1, 256>}, {transform_indices = @transform_8, window_bounds = array<i64: 1024, 256>}]} {
    %get3A = arith.constant 0 : index
    %get3A_0 = arith.constant 0 : index
    %get3A_1 = arith.constant 0 : index
    %get3A_2 = vector.load %arg5[%get3A, %get3A_0, %get3A_1] : memref<1x1024x128xf32, #tpu.memory_space<vmem>>, vector<1x1024x128xf32>
    %get3A_3 = vector.shape_cast %get3A_2 : vector<1x1024x128xf32> to vector<1024x128xf32>
    %slice3A = vector.extract_strided_slice %get3A_3 {offsets = [0, 0], sizes = [1024, 1], strides = [1, 1]} : vector<1024x128xf32> to vector<1024x1xf32>
    %max3A = arith.constant 1.000000e+00 : f32
    %max3A_4 = vector.broadcast %max3A : f32 to vector<1024x1xf32>
    %max3A_5 = arith.maximumf %slice3A, %max3A_4 : vector<1024x1xf32>
    %div3A = arith.constant 1.000000e+00 : f32
    %div3A_6 = vector.broadcast %div3A : f32 to vector<1024x1xf32>
    %div3A_7 = arith.divf %div3A_6, %max3A_5 : vector<1024x1xf32>
    %get3A_8 = arith.constant 0 : index
    %get3A_9 = arith.constant 0 : index
    %get3A_10 = vector.load %arg1[%get3A_8, %get3A_9] : memref<1024x128xf32, #tpu.memory_space<vmem>>, vector<1024x128xf32>
    %get3A_11 = arith.constant 0 : index
    %get3A_12 = arith.constant 0 : index
    %get3A_13 = vector.load %arg6[%get3A_11, %get3A_12] : memref<256x256xf32, #tpu.memory_space<vmem>>, vector<128x256xf32>
    %dot_general3A = arith.constant dense<0.000000e+00> : vector<1024x256xf32>
    %dot_general3A_14 = tpu.matmul %get3A_10, %get3A_13, %dot_general3A {dimension_numbers = #tpu.dot_dimension_numbers<[1], [0], [0], [1], [0, 0, 1, 1], [], []>, transpose_lhs_hint = false} : vector<1024x128xf32>, vector<128x256xf32>, vector<1024x256xf32> -> vector<1024x256xf32>
    %get3A_15 = arith.constant 0 : index
    %get3A_16 = arith.constant 0 : index
    %get3A_17 = vector.load %arg2[%get3A_15, %get3A_16] : memref<1024x128xf32, #tpu.memory_space<vmem>>, vector<1024x128xf32>
    %get3A_18 = arith.constant 128 : index
    %get3A_19 = arith.constant 0 : index
    %get3A_20 = vector.load %arg6[%get3A_18, %get3A_19] : memref<256x256xf32, #tpu.memory_space<vmem>>, vector<128x256xf32>
    %dot_general3A_21 = arith.constant dense<0.000000e+00> : vector<1024x256xf32>
    %dot_general3A_22 = tpu.matmul %get3A_17, %get3A_20, %dot_general3A_21 {dimension_numbers = #tpu.dot_dimension_numbers<[1], [0], [0], [1], [0, 0, 1, 1], [], []>, transpose_lhs_hint = false} : vector<1024x128xf32>, vector<128x256xf32>, vector<1024x256xf32> -> vector<1024x256xf32>
    %add3A = arith.addf %dot_general3A_14, %dot_general3A_22 : vector<1024x256xf32>
    %get3A_23 = arith.constant 0 : index
    %get3A_24 = arith.constant 0 : index
    %get3A_25 = vector.load %arg3[%get3A_23, %get3A_24] : memref<1024x128xf32, #tpu.memory_space<vmem>>, vector<1024x128xf32>
    %mul3A = vector.broadcast %div3A_7 : vector<1024x1xf32> to vector<1024x128xf32>
    %mul3A_26 = arith.mulf %get3A_25, %mul3A : vector<1024x128xf32>
    %get3A_27 = arith.constant 0 : index
    %get3A_28 = arith.constant 0 : index
    %get3A_29 = vector.load %arg7[%get3A_27, %get3A_28] : memref<256x256xf32, #tpu.memory_space<vmem>>, vector<128x256xf32>
    %dot_general3A_30 = arith.constant dense<0.000000e+00> : vector<1024x256xf32>
    %dot_general3A_31 = tpu.matmul %mul3A_26, %get3A_29, %dot_general3A_30 {dimension_numbers = #tpu.dot_dimension_numbers<[1], [0], [0], [1], [0, 0, 1, 1], [], []>, transpose_lhs_hint = false} : vector<1024x128xf32>, vector<128x256xf32>, vector<1024x256xf32> -> vector<1024x256xf32>
    %add3A_32 = arith.addf %add3A, %dot_general3A_31 : vector<1024x256xf32>
    %get3A_33 = arith.constant 0 : index
    %get3A_34 = arith.constant 0 : index
    %get3A_35 = vector.load %arg4[%get3A_33, %get3A_34] : memref<1024x128xf32, #tpu.memory_space<vmem>>, vector<1024x128xf32>
    %mul3A_36 = vector.broadcast %div3A_7 : vector<1024x1xf32> to vector<1024x128xf32>
    %mul3A_37 = arith.mulf %get3A_35, %mul3A_36 : vector<1024x128xf32>
    %get3A_38 = arith.constant 128 : index
    %get3A_39 = arith.constant 0 : index
    %get3A_40 = vector.load %arg7[%get3A_38, %get3A_39] : memref<256x256xf32, #tpu.memory_space<vmem>>, vector<128x256xf32>
    %dot_general3A_41 = arith.constant dense<0.000000e+00> : vector<1024x256xf32>
    %dot_general3A_42 = tpu.matmul %mul3A_37, %get3A_40, %dot_general3A_41 {dimension_numbers = #tpu.dot_dimension_numbers<[1], [0], [0], [1], [0, 0, 1, 1], [], []>, transpose_lhs_hint = false} : vector<1024x128xf32>, vector<128x256xf32>, vector<1024x256xf32> -> vector<1024x256xf32>
    %add3A_43 = arith.addf %add3A_32, %dot_general3A_42 : vector<1024x256xf32>
    %get3A_44 = arith.constant 0 : index
    %get3A_45 = arith.constant 0 : index
    %get3A_46 = vector.load %arg8[%get3A_44, %get3A_45] : memref<1x256xf32, #tpu.memory_space<vmem>>, vector<1x256xf32>
    %add3A_47 = vector.broadcast %get3A_46 : vector<1x256xf32> to vector<1024x256xf32>
    %add3A_48 = arith.addf %add3A_43, %add3A_47 : vector<1024x256xf32>
    %swap3A = arith.constant 0 : index
    %swap3A_49 = arith.constant 0 : index
    %swap3A_50 = vector.load %arg9[%swap3A, %swap3A_49] : memref<1024x256xf32, #tpu.memory_space<vmem>>, vector<1024x256xf32>
    tpu.vector_store %arg9[%swap3A, %swap3A_49], %add3A_48 {strides = array<i32>} : memref<1024x256xf32, #tpu.memory_space<vmem>>, vector<1024x256xf32>,
    return
  }
  func.func @transform_0(%arg0: i32) -> (i32, i32) {
    %c0_i32 = arith.constant 0 : i32
    %c0_i32_0 = arith.constant 0 : i32
    return %arg0, %c0_i32 : i32, i32
  }
  func.func @transform_1(%arg0: i32) -> (i32, i32) {
    %add3A = arith.constant 10 : i32
    %add3A_0 = arith.addi %arg0, %add3A : i32
    %c0_i32 = arith.constant 0 : i32
    %c0_i32_1 = arith.constant 0 : i32
    return %add3A_0, %c0_i32 : i32, i32
  }
  func.func @transform_2(%arg0: i32) -> (i32, i32) {
    %c0_i32 = arith.constant 0 : i32
    %c0_i32_0 = arith.constant 0 : i32
    return %arg0, %c0_i32 : i32, i32
  }
  func.func @transform_3(%arg0: i32) -> (i32, i32) {
    %add3A = arith.constant 10 : i32
    %add3A_0 = arith.addi %arg0, %add3A : i32
    %c0_i32 = arith.constant 0 : i32
    %c0_i32_1 = arith.constant 0 : i32
    return %add3A_0, %c0_i32 : i32, i32
  }
  func.func @transform_4(%arg0: i32) -> (i32, i32, i32) {
    %c1_i32 = arith.constant 1 : i32
    %c0_i32 = arith.constant 0 : i32
    %c0_i32_0 = arith.constant 0 : i32
    return %c1_i32, %arg0, %c0_i32 : i32, i32, i32
  }
  func.func @transform_5(%arg0: i32) -> (i32, i32) {
    %c0_i32 = arith.constant 0 : i32
    %c0_i32_0 = arith.constant 0 : i32
    %c0_i32_1 = arith.constant 0 : i32
    return %c0_i32, %c0_i32_0 : i32, i32
  }
  func.func @transform_6(%arg0: i32) -> (i32, i32) {
    %c0_i32 = arith.constant 0 : i32
    %c0_i32_0 = arith.constant 0 : i32
    %c0_i32_1 = arith.constant 0 : i32
    return %c0_i32, %c0_i32_0 : i32, i32
  }
  func.func @transform_7(%arg0: i32) -> (i32, i32) {
    %c0_i32 = arith.constant 0 : i32
    %c0_i32_0 = arith.constant 0 : i32
    %c0_i32_1 = arith.constant 0 : i32
    return %c0_i32, %c0_i32_0 : i32, i32
  }
  func.func @transform_8(%arg0: i32) -> (i32, i32) {
    %c0_i32 = arith.constant 0 : i32
    %c0_i32_0 = arith.constant 0 : i32
    return %arg0, %c0_i32 : i32, i32
  }
}

</mosaic_0001>

<sc_bundles>
// kernel: kernel.11.cloned.1.call-start
scs
__scs_entry_jumppad:
0x0: {  	(pc) =	sbr.rel $0x88, $3  }
0x1: {  	(tag) =	ssettag $0x0;
	lr =	simm.s32 $0x1  }
0x2: {  	[smem:$0x3F96] =	sst lr;
	_ =	strace $0xD0000000  }
0x3: {  	_ = 	snop  }
0x4: {  	_ = 	snop  }
0x5: {  	_ = 	snop  }
0x6: {  	_ = 	snop  }
0x7: {  	_ = 	snop  }
__scs_overlays_trampoline_lowered:
0x8: {  	[smem:$0x3FA5] =	sst s0  }
0x9: {  	[smem:$0x3FA6] =	sst s1  }
0xa: {  	[smem:$0x3FA7] =	sst s2  }
0xb: {  	[smem:$0x3FA8] =	sst s3  }
0xc: {  	[smem:$0x3FA9] =	sst s4  }
0xd: {  	[smem:$0x3FAA] =	sst s5  }
0xe: {  	[smem:$0x3FAB] =	sst s6  }
0xf: {  	[smem:$0x3FAC] =	sst s7  }
0x10: {  	[smem:$0x3FAD] =	sst s8  }
0x11: {  	[smem:$0x3FAE] =	sst s9;
	s0 =	simm.s32 @!p0 $0x0  }
0x12: {  	s1 =	sld [smem:$0x3F94];
	s0 =	simm.s32 @p0 $0x1  }
0x13: {  	[smem:$0x3FAF] =	sst s0;
	s0 =	simm.s32 @!p1 $0x0  }
0x14: {  	s2 =	sld [smem:$0x3F93];
	s0 =	simm.s32 @p1 $0x1  }
0x15: {  	[smem:$0x3FB0] =	sst s0;
	s0 =	simm.s32 @!p2 $0x0  }
0x16: {  	s3 =	sld [smem:$0x3FDB];
	s0 =	simm.s32 @p2 $0x1  }
0x17: {  	s4 =	simm.s32 $0x1BF5;
	[smem:$0x3FB2] =	sst s0  }
0x18: {  	s0 =	sld [smem:$0x3F95];
	_ =	swait.ge [sflag:s4], $0x0  }
0x19: {  	s7 =	sld [smem:$0x3F96]  }
0x1a: {  	s8 =	sadd.s32 $0xFFFFE003, lr  }
0x1b: {  	s9 =	sadd.s32 $0xFFFFFEF7, lr;
	s5 =	simm.s32 $0xFFFFFFFF;
	p2 =	slt.u32 s8, $0xFFFFF086  }
0x1c: {  	p1 =	slt.u32 s9, $0xF7A;
	s5 =	simm.s32 @!p2 $0x0  }
0x1d: {  	s5 =	simm.s32 @p1 $0x1;
	p0 =	seq.s32 s7, s2  }
0x1e: {  	s7 =	smul.u32 @!p0 $0xF7A, s2;
	p2 =	seq.s32 @!p0 s5, $0x0  }
0x1f: {  	s9 =	smul.u32 $0xF7A, s1;
	s8 =	simm.s32 @!p0 $0x1BF5;
	p2 =	por !p2, p0  }
0x20: {  	[sflag:s8] =	ssyncset.s32 @!p0 $0xFFFFF086;
	s6 =	sadd.s32 @!p0 s3, s7;
	s7 =	simm.s32 @!p0 $0x108  }
0x21: {  	s3 =	sadd.s32 s3, s9;
	s6 =	sadd.s32 @!p0 $0x88, s6;
	s7 =	simm.s32 @p2 $0x1082  }
0x22: {  	[simem:s7], [sflag:s8] =	dma.local @!p0 [hbm:s6], $0xF7A  }
0x23: {  	s9 =	sor.u32 $0xD0000000, s2;
	s6 =	simm.s32 $0x108;
	_ =	swait.ge @!p0 [sflag:s8], $0x0  }
0x24: {  	s3 =	sadd.s32 $0x88, s3;
	s6 =	simm.s32 @!p1 $0x1082;
	[sflag:s4] =	ssyncset.s32 $0xFFFFF086  }
0x25: {  	[simem:s6], [sflag:s4] =	dma.local [hbm:s3], $0xF7A  }
0x26: {  	[smem:$0x3F96] =	sst s1;
	(tag) =	ssettag s2;
	_ =	strace s9  }
0x27: {  	s1 =	sld [smem:$0x3FA6]  }
0x28: {  	s2 =	sld [smem:$0x3FA7]  }
0x29: {  	s4 =	sld [smem:$0x3FA9]  }
0x2a: {  	p0 =	seq.s32 s5, $0x0;
	s5 =	sld [smem:$0x3FAA]  }
0x2b: {  	s6 =	sld [smem:$0x3FAB]  }
0x2c: {  	s7 =	sld [smem:$0x3FAC]  }
0x2d: {  	s3 =	simm.s32 $0x108;
	s8 =	sld [smem:$0x3FAD]  }
0x2e: {  	s3 =	simm.s32 @!p0 $0x1082;
	s9 =	sld [smem:$0x3FAE]  }
0x2f: {  	lr =	sadd.s32 s0, s3;
	s0 =	sld [smem:$0x3FA5]  }
0x30: {  	s3 =	sld [smem:$0x3FA8]  }
0x31: {  	[smem:$0x3FB1] =	sst s10  }
0x32: {  	s10 =	sld [smem:$0x3FAF];
	_ =	sdelay $0x3  }
0x33: {  	p0 =	seq.s32 s10, $0x1;
	s10 =	sld [smem:$0x3FB1];
	_ =	sdelay $0x3  }
0x34: {  	[smem:$0x3FB1] =	sst s10  }
0x35: {  	s10 =	sld [smem:$0x3FB0];
	_ =	sdelay $0x3  }
0x36: {  	p1 =	seq.s32 s10, $0x1;
	s10 =	sld [smem:$0x3FB1];
	_ =	sdelay $0x3  }
0x37: {  	[smem:$0x3FB1] =	sst s10  }
0x38: {  	s10 =	sld [smem:$0x3FB2]  }
0x39: {  	_ = 	snop;
	(pc) =	sbr.ind lr, $3  }
0x3a: {  	_ = 	snop  }
0x3b: {  	_ = 	snop  }
0x3c: {  	p2 =	seq.s32 s10, $0x1;
	s10 =	sld [smem:$0x3FB1]  }
0x3d: {  	_ =	shalt  }
0x3e: {  	_ =	shalt  }
0x3f: {  	_ =	shalt  }
0x40: {  	_ =	shalt  }
0x41: {  	_ =	shalt  }
0x42: {  	_ =	shalt  }
0x43: {  	_ =	shalt  }
0x44: {  	_ =	shalt  }
0x45: {  	_ =	shalt  }
0x46: {  	_ =	shalt  }
0x47: {  	_ =	shalt  }
0x48: {  	_ =	shalt  }
0x49: {  	_ =	shalt  }
0x4a: {  	_ =	shalt  }
0x4b: {  	_ =	shalt  }
0x4c: {  	_ =	shalt  }
0x4d: {  	_ =	shalt  }
0x4e: {  	_ =	shalt  }
0x4f: {  	_ =	shalt  }
0x50: {  	_ =	shalt  }
0x51: {  	_ =	shalt  }
0x52: {  	_ =	shalt  }
0x53: {  	_ =	shalt  }
0x54: {  	_ =	shalt  }
0x55: {  	_ =	shalt  }
0x56: {  	_ =	shalt  }
0x57: {  	_ =	shalt  }
0x58: {  	_ =	shalt  }
0x59: {  	_ =	shalt  }
0x5a: {  	_ =	shalt  }
0x5b: {  	_ =	shalt  }
0x5c: {  	_ =	shalt  }
0x5d: {  	_ =	shalt  }
0x5e: {  	_ =	shalt  }
0x5f: {  	_ =	shalt  }
0x60: {  	_ =	shalt  }
0x61: {  	_ =	shalt  }
0x62: {  	_ =	shalt  }
0x63: {  	_ =	shalt  }
0x64: {  	_ =	shalt  }
0x65: {  	_ =	shalt  }
0x66: {  	_ =	shalt  }
0x67: {  	_ =	shalt  }
0x68: {  	_ =	shalt  }
0x69: {  	_ =	shalt  }
0x6a: {  	_ =	shalt  }
0x6b: {  	_ =	shalt  }
0x6c: {  	_ =	shalt  }
0x6d: {  	_ =	shalt  }
0x6e: {  	_ =	shalt  }
0x6f: {  	_ =	shalt  }
0x70: {  	_ =	shalt  }
0x71: {  	_ =	shalt  }
0x72: {  	_ =	shalt  }
0x73: {  	_ =	shalt  }
0x74: {  	_ =	shalt  }
0x75: {  	_ =	shalt  }
0x76: {  	_ =	shalt  }
0x77: {  	_ =	shalt  }
0x78: {  	_ =	shalt  }
0x79: {  	_ =	shalt  }
0x7a: {  	_ =	shalt  }
0x7b: {  	_ =	shalt  }
0x7c: {  	_ =	shalt  }
0x7d: {  	_ =	shalt  }
0x7e: {  	_ =	shalt  }
0x7f: {  	_ =	shalt  }
0x80: {  	_ =	shalt  }
0x81: {  	_ =	shalt  }
0x82: {  	_ =	shalt  }
0x83: {  	_ =	shalt  }
0x84: {  	_ =	shalt  }
0x85: {  	_ =	shalt  }
0x86: {  	_ =	shalt  }
0x87: {  	_ =	shalt  }
.Lfunc_end0:
.L_simem_size_0:
called_computation.1_lowered:
.L_overlay_start_0:
0x88: {  	s2 =	sld [smem:$0x3FD9]  }
0x89: {  	s3 =	sld [smem:$0x3FFE];
	_ =	sdelay $0x1  }
0x8a: {  	s1 =	srdreg.scid  }
0x8b: {  	s0 =	sand.u32 $0x1, s1  }
0x8c: {  	s17 =	sshll.u32 s0, $0xA;
	s2 =	sadd.s32 s3, s2  }
0x8d: {  	s2 =	sadd.s32 s2, s17  }
0x8e: {  	[smem:$0x3FBD] =	sst s2  }
0x8f: {  	_ = 	snop  }
0x90: {  	s2 =	sld [smem:$0x3FD0];
	(tm) =	ssettm $0x1  }
0x91: {  	s18 =	sld [smem:$0x3FFB];
	_ =	sdelay $0x3  }
0x92: {  	_ =	strace s18  }
0x93: {  	s3 =	sld [smem:$0x3FFC];
	_ =	sdelay $0x3  }
0x94: {  	_ =	strace s3  }
0x95: {  	s3 =	sld [smem:$0x3FFD];
	_ =	sdelay $0x3  }
0x96: {  	_ =	strace s3  }
0x97: {  	_ =	strace $0x8FFFFFFF  }
0x98: {  	s19 =	sld [smem:$0x3FDB];
	_ =	sdelay $0x1  }
0x99: {  	s4 =	simm.s32 $_scs_section_size  }
0x9a: {  	s5 =	simm.s32 $_size__tile_overlayer_lowered;
	s6 =	simm.s32 $_tile_overlayer_lowered  }
0x9b: {  	s22 =	simm.s32 $0x1BFF;
	s21 =	sshll.u32 s6, $0x1;
	s3 =	sadd.s32 s4, s19  }
0x9c: {  	s7 =	simm.s32 $0x0;
	s20 =	sshll.u32 s5, $0x1;
	s5 =	sadd.s32 s21, s3  }
0x9d: {  	[timem:s7], [sflag:s22] =	dma.local [hbm:s5], s20  }
0x9e: {  	_ =	swait.ge [sflag:s22], s20  }
0x9f: {  	s4 =	ssub.s32 $0x0, s20;
	[sflag:s22] =	ssyncset.done $0x0  }
0xa0: {  	[sflag:s22] =	ssyncadd.s32 s4;
	_ =	sdelay $0x1  }
0xa1: {  	s23 =	simm.s32 $0x1B8B  }
0xa2: {  	_ =	swait.ge [sflag:s23], $0x1  }
0xa3: {  	[sflag:s23] =	ssyncset.done $0x0  }
0xa4: {  	s25 =	simm.s32 $0x1B8E;
	s24 =	sld [smem:$0x3FFE];
	[sflag:s23] =	ssyncadd.s32 $0xFFFFFFFF  }
0xa5: {  	s26 =	simm.s32 $execute0_lowered;
	[smem:$0x3FD2] =	sst s25  }
0xa6: {  	s5 =	sshll.u32 s26, $0x1;
	_ =	strace $0x80000049;
	[dreg:$0x1] =	wrdreg $0xFFFFFFFF  }
0xa7: {  	s28 =	simm.s32 $_size_execute0_lowered;
	s3 =	sadd.s32 s3, s5;
	[dreg:$0x0] =	wrdreg $0x0  }
0xa8: {  	s5 =	sshll.u32 s28, $0x1;
	[dreg:$0x2] =	wrdreg s3  }
0xa9: {  	[dreg:$0x3] =	wrdreg s5  }
0xaa: {  	[dreg:$0x4] =	wrdreg $0xC0  }
0xab: {  	_ =	task [dreg:s7], $0x5FFFF  }
0xac: {  	[dreg:$0x1] =	wrdreg $0xFFFFFFFF  }
0xad: {  	[dreg:$0x0] =	wrdreg $0x60  }
0xae: {  	[dreg:$0x2] =	wrdreg s24  }
0xaf: {  	[dreg:$0x3] =	wrdreg s2  }
0xb0: {  	[dreg:$0x4] =	wrdreg $0x80000  }
0xb1: {  	[dreg:$0x5] =	wrdreg $0x9  }
0xb2: {  	_ =	task.clear_ibuf [dreg:s7], $0x6FFFF;
	_ =	strace $0x90000049  }
0xb3: {  	s29 =	simm.s32 $0x9;
	_ =	strace $0x8000004B  }
0xb4: {  	_ =	swait.ge [sflag:s29], $0x1  }
0xb5: {  	[sflag:s29] =	ssyncadd.s32 $0xFFFFFFFF  }
0xb6: {  	_ =	strace $0x9000004B  }
0xb7: {  	_ =	sfence  }
0xb8: {  	s30 =	sld [smem:$0x0];
	_ =	sdelay $0x2  }
0xb9: {  	s31 =	sshll.u32 s1, $0xD;
	s1 =	sshrl.u32 s1, $0x2  }
0xba: {  	s3 =	sand.u32 $0x4000, s31;
	s1 =	sadd.s32 s1, s30  }
0xbb: {  	s0 =	sor.u32 s3, s0;
	s1 =	sshll.u32 s1, $0x11  }
0xbc: {  	s0 =	sor.u32 s1, s0  }
0xbd: {  	s0 =	sadd.s32 $0x8F2B, s0  }
0xbe: {  	[sflag:s0] =	ssyncadd.remote.s32 $0x1  }
0xbf: {  	_ =	sfence.sel $0xFFFF  }
0xc0: {  	[dreg:$0x0] =	wrdreg $0xFFFFFFFF;
	(pc) =	sbr.abs _section_cstart, $3  }
0xc1: {  	[dreg:$0x1] =	wrdreg $0xFFFFFFFF  }
0xc2: {  	_ =	task.clear_ibuf [dreg:s7], $0x2FFFF;
	_ =	strace $0x9FFFFFFF  }
0xc3: {  	(tm) =	ssettm $0x7FFFFFFF  }
tec
execute0_lowered:
.L_overlay_start_1:
0x0: {  	(tag) =	ssettag $0x1  }
0x1: {  	s0 =	rddreg [dreg:$0x0]  }
0x2: {  	s1 =	rddreg [dreg:$0x1]  }
0x3: {  	s2 =	rddreg [dreg:$0x2]  }
0x4: {  	s4 =	simm.s32 $0x0;
	s17 =	stileid.u32;
	s3 =	srdreg.scid  }
0x5: {  	s28 =	simm.s32 $0x1;
	s29 =	simm.s32 $0x2;
	s30 =	simm.s32 $0x3  }
0x6: {  	s31 =	simm.s32 $0x4;
	[smem:$0x7FF] =	sst s4;
	s5 =	sadd.s32 $0x3800, s0  }
0x7: {  	s7 =	smul.u32 $0x2A000, s17;
	s6 =	sadd.s32 $0x53800, s0;
	s18 =	sadd.s32 $0x7B800, s0  }
0x8: {  	s3 =	sand.u32 $0x1, s3;
	s0 =	sadd.s32 $0xCBC00, s0;
	s26 =	smul.u32 $0xA000, s17  }
0x9: {  	s12 =	smul.u32 $0x28000, s17;
	_ =	strace $0x8000004A;
	s9 =	ssub.s32 $0x2, s3  }
0xa: {  	s19 =	smul.u32 $0x140000, s3;
	s7 =	sshrl.u32 s7, $0x2;
	s10 =	sshrl.u32 s9, $0x1  }
0xb: {  	s21 =	sadd.s32 $0x2000, s26;
	s12 =	sshrl.u32 s12, $0x2;
	s23 =	sadd.s32 $0x4000, s26  }
0xc: {  	s24 =	sadd.s32 $0x6000, s26;
	s8 =	sadd.s32 s7, s2;
	s9 =	ssub.s32 s9, s10  }
0xd: {  	s13 =	sadd.s32 s26, s19;
	s14 =	sadd.s32 s19, s21;
	s12 =	sadd.s32 s12, s2  }
0xe: {  	s7 =	sadd.s32 $0x8000, s26;
	s16 =	sadd.s32 $0x2000, s8;
	[dreg:$0xe] =	wrdreg s12  }
0xf: {  	s25 =	sadd.s32 s19, s23;
	s11 =	sadd.s32 $0x4000, s8;
	[dreg:$0x4] =	wrdreg s16  }
0x10: {  	s21 =	sadd.s32 s21, s2;
	s20 =	sadd.s32 $0x6000, s8;
	[dreg:$0x5] =	wrdreg s11  }
0x11: {  	s15 =	sadd.s32 $0x8000, s8;
	s13 =	sshrl.u32 s13, $0x3;
	[dreg:$0x6] =	wrdreg s20  }
0x12: {  	s14 =	sshrl.u32 s14, $0x3;
	s10 =	sadd.s32 s19, s7;
	[dreg:$0x7] =	wrdreg s15  }
0x13: {  	s20 =	sadd.s32 s0, s13;
	s22 =	sadd.s32 s0, s14;
	s16 =	sadd.s32 s19, s24  }
0x14: {  	s15 =	sshrl.u32 s25, $0x3;
	s13 =	smax.u32 s9, $0x1;
	[dreg:$0x9] =	wrdreg s22  }
0x15: {  	s10 =	sshrl.u32 s10, $0x3;
	s19 =	smul.u32 $0xA0000, s3;
	[dreg:$0xf] =	wrdreg s13  }
0x16: {  	s3 =	simm.s32 $0x4000;
	s15 =	sadd.s32 s0, s15;
	[dreg:$0x8] =	wrdreg s20  }
0x17: {  	s16 =	sshrl.u32 s16, $0x3;
	s14 =	sadd.s32 $0x14000, s20;
	[dreg:$0xa] =	wrdreg s15  }
0x18: {  	s22 =	sadd.s32 s23, s2;
	s25 =	sadd.s32 $0x15000, s20;
	[dreg:$0x10] =	wrdreg s14  }
0x19: {  	s23 =	sadd.s32 s24, s2;
	s26 =	sadd.s32 s0, s16;
	[dreg:$0x14] =	wrdreg s25  }
0x1a: {  	s24 =	sadd.s32 s7, s2;
	s0 =	sadd.s32 s0, s10;
	[dreg:$0xb] =	wrdreg s26  }
0x1b: {  	s13 =	simm.s32 $0x3F80;
	s10 =	sadd.s32 $0xA000, s8;
	[dreg:$0xc] =	wrdreg s0  }
0x1c: {  	s7 =	simm.s32 $0x0;
	s15 =	sadd.s32 $0x14400, s20;
	[dreg:$0xd] =	wrdreg s10  }
0x1d: {  	s16 =	sadd.s32 $0x14800, s20;
	s14 =	simm.s32 $0x5;
	[dreg:$0x11] =	wrdreg s15  }
0x1e: {  	s25 =	simm.s32 $0x6000;
	s26 =	smul.u32 $0x5, s17;
	[dreg:$0x12] =	wrdreg s16  }
0x1f: {  	s17 =	sadd.s32 $0x14C00, s20;
	s15 =	simm.s32 $0x2000;
	s16 =	simm.s32 $0x40  }
0x20: {  	s0 =	simm.s32 $0x3F00;
	[dreg:$0x13] =	wrdreg s17;
	s17 =	simm.s32 $0x80  }
.LBB2_1:
0x21: {  	[tilespmem:s3], [sflag:$0x5] =	stream.linear.gather [hbm4b:s18+s4], $0x2000, $0x38;
	[tilespmem:$0x12800] =	vst v63  }
0x22: {  	_ =	swait.ge [sflag:s14], $0x2000  }
0x23: {  	[sflag:s14] =	ssyncset.done $0x0  }
0x24: {  	[sflag:s14] =	ssyncadd.s32 $0xFFFFE000  }
0x25: {  	[spmem:s8] =	stream.linear.scatter [tilespmem:s3], [sflag:$0x5], $0x2000, $0x38;
	[tilespmem:$0x12800] =	vst v63  }
0x26: {  	_ =	swait.ge [sflag:s14], $0x2000  }
0x27: {  	[sflag:s14] =	ssyncset.done $0x0  }
0x28: {  	s9 =	rddreg [dreg:$0x4];
	[sflag:s14] =	ssyncadd.s32 $0xFFFFE000  }
0x29: {  	[spmem:s9] =	stream.linear.scatter [tilespmem:s3], [sflag:$0x5], $0x2000, $0x38;
	[tilespmem:$0x12800] =	vst v63  }
0x2a: {  	_ =	swait.ge [sflag:s14], $0x2000  }
0x2b: {  	[sflag:s14] =	ssyncset.done $0x0  }
0x2c: {  	s10 =	rddreg [dreg:$0x5];
	[sflag:s14] =	ssyncadd.s32 $0xFFFFE000  }
0x2d: {  	[spmem:s10] =	stream.linear.scatter [tilespmem:s3], [sflag:$0x5], $0x2000, $0x38;
	[tilespmem:$0x12800] =	vst v63  }
0x2e: {  	_ =	swait.ge [sflag:s14], $0x2000  }
0x2f: {  	[sflag:s14] =	ssyncset.done $0x0  }
0x30: {  	s11 =	rddreg [dreg:$0x6];
	[sflag:s14] =	ssyncadd.s32 $0xFFFFE000  }
0x31: {  	[spmem:s11] =	stream.linear.scatter [tilespmem:s3], [sflag:$0x5], $0x2000, $0x38;
	[tilespmem:$0x12800] =	vst v63  }
0x32: {  	_ =	swait.ge [sflag:s14], $0x2000  }
0x33: {  	[sflag:s14] =	ssyncset.done $0x0  }
0x34: {  	s12 =	rddreg [dreg:$0x7];
	[sflag:s14] =	ssyncadd.s32 $0xFFFFE000  }
0x35: {  	[spmem:s12] =	stream.linear.scatter [tilespmem:s3], [sflag:$0x5], $0x2000, $0x38;
	[tilespmem:$0x12800] =	vst v63  }
0x36: {  	_ =	swait.ge [sflag:s14], $0x2000  }
0x37: {  	[sflag:s14] =	ssyncset.done $0x0  }
0x38: {  	s20 =	rddreg [dreg:$0xd];
	[sflag:s14] =	ssyncadd.s32 $0xFFFFE000  }
0x39: {  	[spmem:s20] =	stream.linear.scatter [tilespmem:s3], [sflag:$0x5], $0x800, $0x38;
	[tilespmem:$0x12800] =	vst v63  }
0x3a: {  	_ =	swait.ge [sflag:s14], $0x800  }
0x3b: {  	[sflag:s14] =	ssyncset.done $0x0  }
0x3c: {  	[sflag:s14] =	ssyncadd.s32 $0xFFFFF800  }
0x3d: {  	s9 =	simm.s32 $0x0;
	[bflag:$0x0] =	sbarrier.arrive $0xFFFF  }
.LBB2_2:
0x3e: {  	s10 =	sadd.s32 s26, s9  }
0x3f: {  	s11 =	sshll.u32 s10, $0xD  }
0x40: {  	s11 =	sadd.s32 s19, s11  }
0x41: {  	s11 =	sshrl.u32 s11, $0x3  }
0x42: {  	s12 =	simm.s32 $0x0;
	s11 =	sadd.s32 s6, s11  }
0x43: {  	[tilespmem:s12], [sflag:$0x5] =	stream.linear.gather [hbm4b:s11+s12], $0x2000, $0x38;
	[tilespmem:$0x12800] =	vst v63  }
0x44: {  	_ =	swait.ge [sflag:s14], $0x2000  }
0x45: {  	s10 =	sshll.u32 s10, $0xA;
	[sflag:s14] =	ssyncset.done $0x0  }
0x46: {  	s10 =	sadd.s32 s1, s10;
	[sflag:s14] =	ssyncadd.s32 $0xFFFFE000  }
0x47: {  	[tilespmem:s15], [sflag:$0x5] =	stream.linear.gather [hbm4b:s10+s12], $0x2000, $0x38;
	[tilespmem:$0x12800] =	vst v63  }
0x48: {  	_ =	swait.ge [sflag:s14], $0x2000  }
0x49: {  	[sflag:s14] =	ssyncset.done $0x0  }
0x4a: {  	[sflag:s14] =	ssyncadd.s32 $0xFFFFE000  }
0x4b: {  	[tilespmem:s3], [sflag:$0x1] =	stream.indirect.gather [hbm4b:s5+s16], $0x80, s12, s16, $0xb8;
	[tilespmem:$0x12800] =	vst v63  }
0x4c: {  	_ = 	snop  }
0x4d: {  	[tilespmem:s25], [sflag:$0x2] =	stream.indirect.gather [hbm4b:s5+s16], $0x80, s17, s16, $0xb8;
	[tilespmem:$0x12800] =	vst v63  }
0x4e: {  	_ =	swait.ge [sflag:s28], $0x2000  }
0x4f: {  	[sflag:s28] =	ssyncset.done $0x0  }
0x50: {  	s11 =	simm.s32 $0x2000;
	[sflag:s28] =	ssyncadd.s32 $0xFFFFE000  }
0x51: {  	[spmem:s2] =	stream.indirect.scatter.add.f32 [tilespmem:s3], [sflag:$0x3], $0x80, s11, s16, $0xb8;
	[tilespmem:$0x12800] =	vst v63  }
0x52: {  	_ =	swait.ge [sflag:s29], $0x2000  }
0x53: {  	[sflag:s29] =	ssyncset.done $0x0  }
0x54: {  	s12 =	simm.s32 $0x2080;
	[sflag:s29] =	ssyncadd.s32 $0xFFFFE000  }
0x55: {  	[spmem:s2] =	stream.indirect.scatter.add.f32 [tilespmem:s25], [sflag:$0x4], $0x80, s12, s16, $0xb8;
	[tilespmem:$0x12800] =	vst v63  }
0x56: {  	_ =	swait.ge [sflag:s30], $0x2000  }
0x57: {  	[sflag:s30] =	ssyncset.done $0x0  }
0x58: {  	s20 =	simm.s32 $0x100;
	[sflag:s30] =	ssyncadd.s32 $0xFFFFE000  }
0x59: {  	[tilespmem:s3], [sflag:$0x1] =	stream.indirect.gather [hbm4b:s5+s16], $0x80, s20, s16, $0xb8;
	[tilespmem:$0x12800] =	vst v63  }
0x5a: {  	_ =	swait.ge [sflag:s31], $0x2000  }
0x5b: {  	[sflag:s31] =	ssyncset.done $0x0  }
0x5c: {  	s10 =	simm.s32 $0x400;
	s11 =	simm.s32 $0x180;
	[sflag:s31] =	ssyncadd.s32 $0xFFFFE000  }
.LBB2_3:
0x5d: {  	[tilespmem:s25], [sflag:$0x2] =	stream.indirect.gather [hbm4b:s5+s16], $0x80, s11, s16, $0xb8;
	[tilespmem:$0x12800] =	vst v63  }
0x5e: {  	s11 =	smov.u32 s10  }
0x5f: {  	p0 =	sne.s32 s10, $0x7800;
	s10 =	sadd.s32 $0x400, s10;
	_ =	swait.ge [sflag:s28], $0x2000  }
0x60: {  	s11 =	sshra.s32 s11, $0x2;
	[sflag:s28] =	ssyncset.done $0x0  }
0x61: {  	s12 =	sadd.s32 $0x2000, s11;
	[sflag:s28] =	ssyncadd.s32 $0xFFFFE000  }
0x62: {  	[spmem:s2] =	stream.indirect.scatter.add.f32 [tilespmem:s3], [sflag:$0x3], $0x80, s12, s16, $0xb8;
	[tilespmem:$0x12800] =	vst v63  }
0x63: {  	_ =	swait.ge [sflag:s29], $0x2000  }
0x64: {  	[sflag:s29] =	ssyncset.done $0x0  }
0x65: {  	s12 =	sadd.s32 $0x2080, s11;
	[sflag:s29] =	ssyncadd.s32 $0xFFFFE000  }
0x66: {  	[spmem:s2] =	stream.indirect.scatter.add.f32 [tilespmem:s25], [sflag:$0x4], $0x80, s12, s16, $0xb8;
	[tilespmem:$0x12800] =	vst v63  }
0x67: {  	_ =	swait.ge [sflag:s30], $0x2000  }
0x68: {  	[sflag:s30] =	ssyncset.done $0x0  }
.Ltmp0:
0x69: {  	s12 =	sadd.s32 $0x100, s11;
	[sflag:s30] =	ssyncadd.s32 $0xFFFFE000;
	(pc) =	sbr.rel @p0 .LBB2_3-.Ltmp0, $4  }
0x6a: {  	[tilespmem:s3], [sflag:$0x1] =	stream.indirect.gather [hbm4b:s5+s16], $0x80, s12, s16, $0xb8;
	[tilespmem:$0x12800] =	vst v63  }
0x6b: {  	_ =	swait.ge [sflag:s31], $0x2000  }
0x6c: {  	[sflag:s31] =	ssyncset.done $0x0  }
0x6d: {  	s11 =	sadd.s32 $0x180, s11;
	[sflag:s31] =	ssyncadd.s32 $0xFFFFE000  }
0x6e: {  	[tilespmem:s25], [sflag:$0x2] =	stream.indirect.gather [hbm4b:s5+s16], $0x80, s11, s16, $0xb8;
	[tilespmem:$0x12800] =	vst v63  }
0x6f: {  	_ =	swait.ge [sflag:s28], $0x2000  }
0x70: {  	[sflag:s28] =	ssyncset.done $0x0  }
0x71: {  	[sflag:s28] =	ssyncadd.s32 $0xFFFFE000  }
0x72: {  	[spmem:s2] =	stream.indirect.scatter.add.f32 [tilespmem:s3], [sflag:$0x3], $0x80, s0, s16, $0xb8;
	[tilespmem:$0x12800] =	vst v63  }
0x73: {  	_ =	swait.ge [sflag:s29], $0x2000  }
0x74: {  	[sflag:s29] =	ssyncset.done $0x0  }
0x75: {  	s9 =	sadd.s32 $0x1, s9;
	[sflag:s29] =	ssyncadd.s32 $0xFFFFE000  }
0x76: {  	[spmem:s2] =	stream.indirect.scatter.add.f32 [tilespmem:s25], [sflag:$0x4], $0x80, s13, s16, $0xb8;
	[tilespmem:$0x12800] =	vst v63  }
0x77: {  	p0 =	sne.s32 s9, $0x5;
	_ =	swait.ge [sflag:s30], $0x2000  }
.Ltmp1:
0x78: {  	[sflag:s30] =	ssyncset.done $0x0;
	(pc) =	sbr.rel @p0 .LBB2_2-.Ltmp1, $4  }
0x79: {  	[sflag:s30] =	ssyncadd.s32 $0xFFFFE000  }
0x7a: {  	_ =	swait.ge [sflag:s31], $0x2000  }
0x7b: {  	[sflag:s31] =	ssyncset.done $0x0  }
0x7c: {  	[sflag:s31] =	ssyncadd.s32 $0xFFFFE000  }
0x7d: {  	[bflag:$0x0] =	sbarrier.arrive $0xFFFF  }
0x7e: {  	s9 =	rddreg [dreg:$0xe]  }
0x7f: {  	[tilespmem:s3], [sflag:$0x5] =	stream.linear.gather [spmem:s9], $0x2000, $0x38;
	[tilespmem:$0x12800] =	vst v63  }
0x80: {  	_ =	swait.ge [sflag:s14], $0x2000  }
0x81: {  	[sflag:s14] =	ssyncset.done $0x0  }
0x82: {  	s9 =	simm.s32 $0x0;
	s10 =	rddreg [dreg:$0x8];
	[sflag:s14] =	ssyncadd.s32 $0xFFFFE000  }
0x83: {  	[hbm4b:s10+s9] =	stream.linear.scatter [tilespmem:s3], [sflag:$0x5], $0x2000, $0x38;
	[tilespmem:$0x12800] =	vst v63  }
0x84: {  	_ =	swait.ge [sflag:s14], $0x2000  }
0x85: {  	[sflag:s14] =	ssyncset.done $0x0  }
0x86: {  	[sflag:s14] =	ssyncadd.s32 $0xFFFFE000  }
0x87: {  	[tilespmem:s3], [sflag:$0x5] =	stream.linear.gather [spmem:s21], $0x2000, $0x38;
	[tilespmem:$0x12800] =	vst v63  }
0x88: {  	_ =	swait.ge [sflag:s14], $0x2000  }
0x89: {  	[sflag:s14] =	ssyncset.done $0x0  }
0x8a: {  	s11 =	rddreg [dreg:$0x9];
	[sflag:s14] =	ssyncadd.s32 $0xFFFFE000  }
0x8b: {  	[hbm4b:s11+s9] =	stream.linear.scatter [tilespmem:s3], [sflag:$0x5], $0x2000, $0x38;
	[tilespmem:$0x12800] =	vst v63  }
0x8c: {  	_ =	swait.ge [sflag:s14], $0x2000  }
0x8d: {  	[sflag:s14] =	ssyncset.done $0x0  }
0x8e: {  	[sflag:s14] =	ssyncadd.s32 $0xFFFFE000  }
0x8f: {  	[tilespmem:s3], [sflag:$0x5] =	stream.linear.gather [spmem:s22], $0x2000, $0x38;
	[tilespmem:$0x12800] =	vst v63  }
0x90: {  	_ =	swait.ge [sflag:s14], $0x2000  }
0x91: {  	[sflag:s14] =	ssyncset.done $0x0  }
0x92: {  	s12 =	rddreg [dreg:$0xa];
	[sflag:s14] =	ssyncadd.s32 $0xFFFFE000  }
0x93: {  	[hbm4b:s12+s9] =	stream.linear.scatter [tilespmem:s3], [sflag:$0x5], $0x2000, $0x38;
	[tilespmem:$0x12800] =	vst v63  }
0x94: {  	_ =	swait.ge [sflag:s14], $0x2000  }
0x95: {  	[sflag:s14] =	ssyncset.done $0x0  }
0x96: {  	[sflag:s14] =	ssyncadd.s32 $0xFFFFE000  }
0x97: {  	[tilespmem:s3], [sflag:$0x5] =	stream.linear.gather [spmem:s23], $0x2000, $0x38;
	[tilespmem:$0x12800] =	vst v63  }
0x98: {  	_ =	swait.ge [sflag:s14], $0x2000  }
0x99: {  	[sflag:s14] =	ssyncset.done $0x0  }
0x9a: {  	s20 =	rddreg [dreg:$0xb];
	[sflag:s14] =	ssyncadd.s32 $0xFFFFE000  }
0x9b: {  	[hbm4b:s20+s9] =	stream.linear.scatter [tilespmem:s3], [sflag:$0x5], $0x2000, $0x38;
	[tilespmem:$0x12800] =	vst v63  }
0x9c: {  	_ =	swait.ge [sflag:s14], $0x2000  }
0x9d: {  	[sflag:s14] =	ssyncset.done $0x0  }
0x9e: {  	[sflag:s14] =	ssyncadd.s32 $0xFFFFE000  }
0x9f: {  	[tilespmem:s3], [sflag:$0x5] =	stream.linear.gather [spmem:s24], $0x2000, $0x38;
	[tilespmem:$0x12800] =	vst v63  }
0xa0: {  	_ =	swait.ge [sflag:s14], $0x2000  }
0xa1: {  	[sflag:s14] =	ssyncset.done $0x0  }
0xa2: {  	s11 =	rddreg [dreg:$0xc];
	[sflag:s14] =	ssyncadd.s32 $0xFFFFE000  }
0xa3: {  	[hbm4b:s11+s9] =	stream.linear.scatter [tilespmem:s3], [sflag:$0x5], $0x2000, $0x38;
	[tilespmem:$0x12800] =	vst v63  }
0xa4: {  	_ =	swait.ge [sflag:s14], $0x2000  }
0xa5: {  	[sflag:s14] =	ssyncset.done $0x0  }
0xa6: {  	[sflag:s14] =	ssyncadd.s32 $0xFFFFE000  }
0xa7: {  	[tilespmem:s3], [sflag:$0x5] =	stream.linear.gather [hbm4b:s18+s9], $0x2000, $0x38;
	[tilespmem:$0x12800] =	vst v63  }
0xa8: {  	_ =	swait.ge [sflag:s14], $0x2000  }
0xa9: {  	[sflag:s14] =	ssyncset.done $0x0  }
0xaa: {  	[sflag:s14] =	ssyncadd.s32 $0xFFFFE000  }
0xab: {  	[spmem:s8] =	stream.linear.scatter [tilespmem:s3], [sflag:$0x5], $0x2000, $0x38;
	[tilespmem:$0x12800] =	vst v63  }
0xac: {  	_ =	swait.ge [sflag:s14], $0x2000  }
0xad: {  	[sflag:s14] =	ssyncset.done $0x0  }
0xae: {  	s12 =	rddreg [dreg:$0x4];
	[sflag:s14] =	ssyncadd.s32 $0xFFFFE000  }
0xaf: {  	[spmem:s12] =	stream.linear.scatter [tilespmem:s3], [sflag:$0x5], $0x2000, $0x38;
	[tilespmem:$0x12800] =	vst v63  }
0xb0: {  	_ =	swait.ge [sflag:s14], $0x2000  }
0xb1: {  	[sflag:s14] =	ssyncset.done $0x0  }
0xb2: {  	s20 =	smov.u32 s18;
	s18 =	rddreg [dreg:$0x5];
	[sflag:s14] =	ssyncadd.s32 $0xFFFFE000  }
0xb3: {  	[spmem:s18] =	stream.linear.scatter [tilespmem:s3], [sflag:$0x5], $0x2000, $0x38;
	[tilespmem:$0x12800] =	vst v63  }
0xb4: {  	_ =	swait.ge [sflag:s14], $0x2000  }
0xb5: {  	[sflag:s14] =	ssyncset.done $0x0  }
0xb6: {  	s11 =	rddreg [dreg:$0x6];
	[sflag:s14] =	ssyncadd.s32 $0xFFFFE000  }
0xb7: {  	[spmem:s11] =	stream.linear.scatter [tilespmem:s3], [sflag:$0x5], $0x2000, $0x38;
	[tilespmem:$0x12800] =	vst v63  }
0xb8: {  	_ =	swait.ge [sflag:s14], $0x2000  }
0xb9: {  	[sflag:s14] =	ssyncset.done $0x0  }
0xba: {  	s12 =	rddreg [dreg:$0x7];
	[sflag:s14] =	ssyncadd.s32 $0xFFFFE000  }
0xbb: {  	[spmem:s12] =	stream.linear.scatter [tilespmem:s3], [sflag:$0x5], $0x2000, $0x38;
	[tilespmem:$0x12800] =	vst v63  }
0xbc: {  	_ =	swait.ge [sflag:s14], $0x2000  }
0xbd: {  	[sflag:s14] =	ssyncset.done $0x0  }
0xbe: {  	s18 =	rddreg [dreg:$0xd];
	[sflag:s14] =	ssyncadd.s32 $0xFFFFE000  }
0xbf: {  	[spmem:s18] =	stream.linear.scatter [tilespmem:s3], [sflag:$0x5], $0x800, $0x38;
	[tilespmem:$0x12800] =	vst v63  }
0xc0: {  	_ =	swait.ge [sflag:s14], $0x800  }
0xc1: {  	[sflag:s14] =	ssyncset.done $0x0  }
0xc2: {  	[sflag:s14] =	ssyncadd.s32 $0xFFFFF800  }
0xc3: {  	s10 =	simm.s32 $0x0;
	[bflag:$0x0] =	sbarrier.arrive $0xFFFF  }
.LBB2_6:
0xc4: {  	s11 =	sadd.s32 s26, s10  }
0xc5: {  	s11 =	sshll.u32 s11, $0xD  }
0xc6: {  	s12 =	sadd.s32 s19, s11  }
0xc7: {  	s12 =	sshrl.u32 s12, $0x3  }
0xc8: {  	s12 =	sadd.s32 s6, s12  }
0xc9: {  	[tilespmem:s9], [sflag:$0x5] =	stream.linear.gather [hbm4b:s12+s9], $0x2000, $0x38;
	[tilespmem:$0x12800] =	vst v63  }
0xca: {  	s11 =	sshrl.u32 s11, $0x3;
	_ =	swait.ge [sflag:s14], $0x2000  }
0xcb: {  	s11 =	sadd.s32 s1, s11;
	[sflag:s14] =	ssyncset.done $0x0  }
0xcc: {  	s11 =	sadd.s32 $0x14000, s11;
	[sflag:s14] =	ssyncadd.s32 $0xFFFFE000  }
0xcd: {  	[tilespmem:s15], [sflag:$0x5] =	stream.linear.gather [hbm4b:s11+s9], $0x2000, $0x38;
	[tilespmem:$0x12800] =	vst v63  }
0xce: {  	_ =	swait.ge [sflag:s14], $0x2000  }
0xcf: {  	[sflag:s14] =	ssyncset.done $0x0  }
0xd0: {  	[sflag:s14] =	ssyncadd.s32 $0xFFFFE000  }
0xd1: {  	[tilespmem:s3], [sflag:$0x1] =	stream.indirect.gather [hbm4b:s5+s16], $0x80, s9, s16, $0xb8;
	[tilespmem:$0x12800] =	vst v63  }
0xd2: {  	_ = 	snop  }
0xd3: {  	[tilespmem:s25], [sflag:$0x2] =	stream.indirect.gather [hbm4b:s5+s16], $0x80, s17, s16, $0xb8;
	[tilespmem:$0x12800] =	vst v63  }
0xd4: {  	_ =	swait.ge [sflag:s28], $0x2000  }
0xd5: {  	[sflag:s28] =	ssyncset.done $0x0  }
0xd6: {  	s18 =	simm.s32 $0x2000;
	[sflag:s28] =	ssyncadd.s32 $0xFFFFE000  }
0xd7: {  	[spmem:s2] =	stream.indirect.scatter.add.f32 [tilespmem:s3], [sflag:$0x3], $0x80, s18, s16, $0xb8;
	[tilespmem:$0x12800] =	vst v63  }
0xd8: {  	_ =	swait.ge [sflag:s29], $0x2000  }
0xd9: {  	[sflag:s29] =	ssyncset.done $0x0  }
0xda: {  	s12 =	simm.s32 $0x2080;
	[sflag:s29] =	ssyncadd.s32 $0xFFFFE000  }
0xdb: {  	[spmem:s2] =	stream.indirect.scatter.add.f32 [tilespmem:s25], [sflag:$0x4], $0x80, s12, s16, $0xb8;
	[tilespmem:$0x12800] =	vst v63  }
0xdc: {  	_ =	swait.ge [sflag:s30], $0x2000  }
0xdd: {  	[sflag:s30] =	ssyncset.done $0x0  }
0xde: {  	s18 =	simm.s32 $0x100;
	[sflag:s30] =	ssyncadd.s32 $0xFFFFE000  }
0xdf: {  	[tilespmem:s3], [sflag:$0x1] =	stream.indirect.gather [hbm4b:s5+s16], $0x80, s18, s16, $0xb8;
	[tilespmem:$0x12800] =	vst v63  }
0xe0: {  	_ =	swait.ge [sflag:s31], $0x2000  }
0xe1: {  	[sflag:s31] =	ssyncset.done $0x0  }
0xe2: {  	s11 =	simm.s32 $0x400;
	s12 =	simm.s32 $0x180;
	[sflag:s31] =	ssyncadd.s32 $0xFFFFE000  }
.LBB2_7:
0xe3: {  	[tilespmem:s25], [sflag:$0x2] =	stream.indirect.gather [hbm4b:s5+s16], $0x80, s12, s16, $0xb8;
	[tilespmem:$0x12800] =	vst v63  }
0xe4: {  	s12 =	smov.u32 s11  }
0xe5: {  	p0 =	sne.s32 s11, $0x7800;
	s11 =	sadd.s32 $0x400, s11;
	_ =	swait.ge [sflag:s28], $0x2000  }
0xe6: {  	s12 =	sshra.s32 s12, $0x2;
	[sflag:s28] =	ssyncset.done $0x0  }
0xe7: {  	s18 =	sadd.s32 $0x2000, s12;
	[sflag:s28] =	ssyncadd.s32 $0xFFFFE000  }
0xe8: {  	[spmem:s2] =	stream.indirect.scatter.add.f32 [tilespmem:s3], [sflag:$0x3], $0x80, s18, s16, $0xb8;
	[tilespmem:$0x12800] =	vst v63  }
0xe9: {  	_ =	swait.ge [sflag:s29], $0x2000  }
0xea: {  	[sflag:s29] =	ssyncset.done $0x0  }
0xeb: {  	s18 =	sadd.s32 $0x2080, s12;
	[sflag:s29] =	ssyncadd.s32 $0xFFFFE000  }
0xec: {  	[spmem:s2] =	stream.indirect.scatter.add.f32 [tilespmem:s25], [sflag:$0x4], $0x80, s18, s16, $0xb8;
	[tilespmem:$0x12800] =	vst v63  }
0xed: {  	_ =	swait.ge [sflag:s30], $0x2000  }
0xee: {  	[sflag:s30] =	ssyncset.done $0x0  }
.Ltmp2:
0xef: {  	s18 =	sadd.s32 $0x100, s12;
	[sflag:s30] =	ssyncadd.s32 $0xFFFFE000;
	(pc) =	sbr.rel @p0 .LBB2_7-.Ltmp2, $4  }
0xf0: {  	[tilespmem:s3], [sflag:$0x1] =	stream.indirect.gather [hbm4b:s5+s16], $0x80, s18, s16, $0xb8;
	[tilespmem:$0x12800] =	vst v63  }
0xf1: {  	_ =	swait.ge [sflag:s31], $0x2000  }
0xf2: {  	[sflag:s31] =	ssyncset.done $0x0  }
0xf3: {  	s12 =	sadd.s32 $0x180, s12;
	[sflag:s31] =	ssyncadd.s32 $0xFFFFE000  }
0xf4: {  	[tilespmem:s25], [sflag:$0x2] =	stream.indirect.gather [hbm4b:s5+s16], $0x80, s12, s16, $0xb8;
	[tilespmem:$0x12800] =	vst v63  }
0xf5: {  	_ =	swait.ge [sflag:s28], $0x2000  }
0xf6: {  	[sflag:s28] =	ssyncset.done $0x0  }
0xf7: {  	[sflag:s28] =	ssyncadd.s32 $0xFFFFE000  }
0xf8: {  	[spmem:s2] =	stream.indirect.scatter.add.f32 [tilespmem:s3], [sflag:$0x3], $0x80, s0, s16, $0xb8;
	[tilespmem:$0x12800] =	vst v63  }
0xf9: {  	_ =	swait.ge [sflag:s29], $0x2000  }
0xfa: {  	[sflag:s29] =	ssyncset.done $0x0  }
0xfb: {  	s10 =	sadd.s32 $0x1, s10;
	[sflag:s29] =	ssyncadd.s32 $0xFFFFE000  }
0xfc: {  	[spmem:s2] =	stream.indirect.scatter.add.f32 [tilespmem:s25], [sflag:$0x4], $0x80, s13, s16, $0xb8;
	[tilespmem:$0x12800] =	vst v63  }
0xfd: {  	p0 =	sne.s32 s10, $0x5;
	_ =	swait.ge [sflag:s30], $0x2000  }
.Ltmp3:
0xfe: {  	[sflag:s30] =	ssyncset.done $0x0;
	(pc) =	sbr.rel @p0 .LBB2_6-.Ltmp3, $4  }
0xff: {  	[sflag:s30] =	ssyncadd.s32 $0xFFFFE000  }
0x100: {  	_ =	swait.ge [sflag:s31], $0x2000  }
0x101: {  	[sflag:s31] =	ssyncset.done $0x0  }
0x102: {  	[sflag:s31] =	ssyncadd.s32 $0xFFFFE000  }
0x103: {  	[bflag:$0x0] =	sbarrier.arrive $0xFFFF  }
0x104: {  	s9 =	rddreg [dreg:$0xe]  }
0x105: {  	[tilespmem:s3], [sflag:$0x5] =	stream.linear.gather [spmem:s9], $0x2000, $0x38;
	[tilespmem:$0x12800] =	vst v63  }
0x106: {  	_ =	swait.ge [sflag:s14], $0x2000  }
0x107: {  	[sflag:s14] =	ssyncset.done $0x0  }
0x108: {  	s12 =	rddreg [dreg:$0x10];
	[sflag:s14] =	ssyncadd.s32 $0xFFFFE000  }
0x109: {  	[hbm4b:s12+s4] =	stream.linear.scatter [tilespmem:s3], [sflag:$0x5], $0x2000, $0x38;
	[tilespmem:$0x12800] =	vst v63  }
0x10a: {  	_ =	swait.ge [sflag:s14], $0x2000  }
0x10b: {  	[sflag:s14] =	ssyncset.done $0x0  }
0x10c: {  	[sflag:s14] =	ssyncadd.s32 $0xFFFFE000  }
0x10d: {  	[tilespmem:s3], [sflag:$0x5] =	stream.linear.gather [spmem:s21], $0x2000, $0x38;
	[tilespmem:$0x12800] =	vst v63  }
0x10e: {  	_ =	swait.ge [sflag:s14], $0x2000  }
0x10f: {  	[sflag:s14] =	ssyncset.done $0x0  }
0x110: {  	s18 =	rddreg [dreg:$0x11];
	[sflag:s14] =	ssyncadd.s32 $0xFFFFE000  }
0x111: {  	[hbm4b:s18+s4] =	stream.linear.scatter [tilespmem:s3], [sflag:$0x5], $0x2000, $0x38;
	[tilespmem:$0x12800] =	vst v63  }
0x112: {  	_ =	swait.ge [sflag:s14], $0x2000  }
0x113: {  	[sflag:s14] =	ssyncset.done $0x0  }
0x114: {  	[sflag:s14] =	ssyncadd.s32 $0xFFFFE000  }
0x115: {  	[tilespmem:s3], [sflag:$0x5] =	stream.linear.gather [spmem:s22], $0x2000, $0x38;
	[tilespmem:$0x12800] =	vst v63  }
0x116: {  	_ =	swait.ge [sflag:s14], $0x2000  }
0x117: {  	[sflag:s14] =	ssyncset.done $0x0  }
0x118: {  	s10 =	rddreg [dreg:$0x12];
	[sflag:s14] =	ssyncadd.s32 $0xFFFFE000  }
0x119: {  	[hbm4b:s10+s4] =	stream.linear.scatter [tilespmem:s3], [sflag:$0x5], $0x2000, $0x38;
	[tilespmem:$0x12800] =	vst v63  }
0x11a: {  	_ =	swait.ge [sflag:s14], $0x2000  }
0x11b: {  	[sflag:s14] =	ssyncset.done $0x0  }
0x11c: {  	[sflag:s14] =	ssyncadd.s32 $0xFFFFE000  }
0x11d: {  	[tilespmem:s3], [sflag:$0x5] =	stream.linear.gather [spmem:s23], $0x2000, $0x38;
	[tilespmem:$0x12800] =	vst v63  }
0x11e: {  	_ =	swait.ge [sflag:s14], $0x2000  }
0x11f: {  	[sflag:s14] =	ssyncset.done $0x0  }
0x120: {  	s11 =	rddreg [dreg:$0x13];
	[sflag:s14] =	ssyncadd.s32 $0xFFFFE000  }
0x121: {  	[hbm4b:s11+s4] =	stream.linear.scatter [tilespmem:s3], [sflag:$0x5], $0x2000, $0x38;
	[tilespmem:$0x12800] =	vst v63  }
0x122: {  	_ =	swait.ge [sflag:s14], $0x2000  }
0x123: {  	[sflag:s14] =	ssyncset.done $0x0  }
0x124: {  	[sflag:s14] =	ssyncadd.s32 $0xFFFFE000  }
0x125: {  	[tilespmem:s3], [sflag:$0x5] =	stream.linear.gather [spmem:s24], $0x2000, $0x38;
	[tilespmem:$0x12800] =	vst v63  }
0x126: {  	_ =	swait.ge [sflag:s14], $0x2000  }
0x127: {  	[sflag:s14] =	ssyncset.done $0x0  }
0x128: {  	s12 =	rddreg [dreg:$0x14];
	[sflag:s14] =	ssyncadd.s32 $0xFFFFE000  }
0x129: {  	[hbm4b:s12+s4] =	stream.linear.scatter [tilespmem:s3], [sflag:$0x5], $0x2000, $0x38;
	[tilespmem:$0x12800] =	vst v63  }
0x12a: {  	_ =	swait.ge [sflag:s14], $0x2000  }
0x12b: {  	s7 =	sadd.s32 $0x1, s7;
	s18 =	rddreg [dreg:$0xf]  }
0x12c: {  	p0 =	sne.s32 s7, s18  }
.Ltmp4:
0x12d: {  	_ = 	snop;
	(pc) =	sbr.rel @p0 .LBB2_1-.Ltmp4, $3  }
0x12e: {  	_ =	sdelay $0x1  }
0x12f: {  	[sflag:s14] =	ssyncset.done $0x0  }
0x130: {  	[sflag:s14] =	ssyncadd.s32 $0xFFFFE000;
	s18 =	smov.u32 s20  }
0x131: {  	_ =	sfence.sel $0x180000  }
0x132: {  	[bflag:$0x0] =	sbarrier.arrive $0xFFFF  }
0x133: {  	_ =	strace $0x9000004A  }
0x134: {  	s0 =	stileid.u32;
	[bflag:$0x2] =	sbarrier.arrive $0xFFFF  }
0x135: {  	p0 =	sne.s32 s0, $0x0;
	s0 =	rddreg [dreg:$0x3]  }
0x136: {  	s0 =	sadd.s32 @!p0 $0x100000, s0  }
0x137: {  	[sflag:s0] =	ssyncadd.tile.s32 @!p0 $0x1;
	_ =	shalt  }
.Lfunc_end2:
_tile_overlayer_lowered:
.L_overlay_start_2:
0x138: {  	(tag) =	ssettag $0x2  }
0x139: {  	s0 =	rddreg [dreg:$0x0];
	s2 =	stileid.u32  }
0x13a: {  	s1 =	rddreg [dreg:$0x1];
	p0 =	sne.s32 s2, $0x0  }
0x13b: {  	s3 =	rddreg [dreg:$0x2];
	[bflag:$0x3] =	sbarrier.arrive $0xFFFF;
	s2 =	simm.s32 @!p0 $0x1C05  }
0x13c: {  	[timem:s3], [sflag:s2] =	dma.local @!p0 [hbm:s0], s1  }
0x13d: {  	s0 =	simm.s32 @!p0 $0x5  }
0x13e: {  	_ =	swait.ge @!p0 [sflag:s0], s1  }
0x13f: {  	s1 =	ssub.s32 @!p0 $0x0, s1;
	[sflag:s0] =	ssyncset.done @!p0 $0x0  }
0x140: {  	[sflag:s0] =	ssyncadd.s32 @!p0 s1  }
0x141: {  	[bflag:$0x3] =	sbarrier.arrive $0xFFFF  }
0x142: {  	_ =	shalt  }

// kernel: kernel.14.cloned.1.call-start
scs
__scs_entry_jumppad:
0x0: {  	(pc) =	sbr.rel $0x88, $3  }
0x1: {  	(tag) =	ssettag $0x0;
	lr =	simm.s32 $0x1  }
0x2: {  	[smem:$0x3F96] =	sst lr;
	_ =	strace $0xD0000000  }
0x3: {  	_ = 	snop  }
0x4: {  	_ = 	snop  }
0x5: {  	_ = 	snop  }
0x6: {  	_ = 	snop  }
0x7: {  	_ = 	snop  }
__scs_overlays_trampoline_lowered:
0x8: {  	[smem:$0x3FA5] =	sst s0  }
0x9: {  	[smem:$0x3FA6] =	sst s1  }
0xa: {  	[smem:$0x3FA7] =	sst s2  }
0xb: {  	[smem:$0x3FA8] =	sst s3  }
0xc: {  	[smem:$0x3FA9] =	sst s4  }
0xd: {  	[smem:$0x3FAA] =	sst s5  }
0xe: {  	[smem:$0x3FAB] =	sst s6  }
0xf: {  	[smem:$0x3FAC] =	sst s7  }
0x10: {  	[smem:$0x3FAD] =	sst s8  }
0x11: {  	[smem:$0x3FAE] =	sst s9;
	s0 =	simm.s32 @!p0 $0x0  }
0x12: {  	s1 =	sld [smem:$0x3F94];
	s0 =	simm.s32 @p0 $0x1  }
0x13: {  	[smem:$0x3FAF] =	sst s0;
	s0 =	simm.s32 @!p1 $0x0  }
0x14: {  	s2 =	sld [smem:$0x3F93];
	s0 =	simm.s32 @p1 $0x1  }
0x15: {  	[smem:$0x3FB0] =	sst s0;
	s0 =	simm.s32 @!p2 $0x0  }
0x16: {  	s3 =	sld [smem:$0x3FDB];
	s0 =	simm.s32 @p2 $0x1  }
0x17: {  	s4 =	simm.s32 $0x1BF5;
	[smem:$0x3FB2] =	sst s0  }
0x18: {  	s0 =	sld [smem:$0x3F95];
	_ =	swait.ge [sflag:s4], $0x0  }
0x19: {  	s7 =	sld [smem:$0x3F96]  }
0x1a: {  	s8 =	sadd.s32 $0xFFFFE003, lr  }
0x1b: {  	s9 =	sadd.s32 $0xFFFFFEF7, lr;
	s5 =	simm.s32 $0xFFFFFFFF;
	p2 =	slt.u32 s8, $0xFFFFF086  }
0x1c: {  	p1 =	slt.u32 s9, $0xF7A;
	s5 =	simm.s32 @!p2 $0x0  }
0x1d: {  	s5 =	simm.s32 @p1 $0x1;
	p0 =	seq.s32 s7, s2  }
0x1e: {  	s7 =	smul.u32 @!p0 $0xF7A, s2;
	p2 =	seq.s32 @!p0 s5, $0x0  }
0x1f: {  	s9 =	smul.u32 $0xF7A, s1;
	s8 =	simm.s32 @!p0 $0x1BF5;
	p2 =	por !p2, p0  }
0x20: {  	[sflag:s8] =	ssyncset.s32 @!p0 $0xFFFFF086;
	s6 =	sadd.s32 @!p0 s3, s7;
	s7 =	simm.s32 @!p0 $0x108  }
0x21: {  	s3 =	sadd.s32 s3, s9;
	s6 =	sadd.s32 @!p0 $0x88, s6;
	s7 =	simm.s32 @p2 $0x1082  }
0x22: {  	[simem:s7], [sflag:s8] =	dma.local @!p0 [hbm:s6], $0xF7A  }
0x23: {  	s9 =	sor.u32 $0xD0000000, s2;
	s6 =	simm.s32 $0x108;
	_ =	swait.ge @!p0 [sflag:s8], $0x0  }
0x24: {  	s3 =	sadd.s32 $0x88, s3;
	s6 =	simm.s32 @!p1 $0x1082;
	[sflag:s4] =	ssyncset.s32 $0xFFFFF086  }
0x25: {  	[simem:s6], [sflag:s4] =	dma.local [hbm:s3], $0xF7A  }
0x26: {  	[smem:$0x3F96] =	sst s1;
	(tag) =	ssettag s2;
	_ =	strace s9  }
0x27: {  	s1 =	sld [smem:$0x3FA6]  }
0x28: {  	s2 =	sld [smem:$0x3FA7]  }
0x29: {  	s4 =	sld [smem:$0x3FA9]  }
0x2a: {  	p0 =	seq.s32 s5, $0x0;
	s5 =	sld [smem:$0x3FAA]  }
0x2b: {  	s6 =	sld [smem:$0x3FAB]  }
0x2c: {  	s7 =	sld [smem:$0x3FAC]  }
0x2d: {  	s3 =	simm.s32 $0x108;
	s8 =	sld [smem:$0x3FAD]  }
0x2e: {  	s3 =	simm.s32 @!p0 $0x1082;
	s9 =	sld [smem:$0x3FAE]  }
0x2f: {  	lr =	sadd.s32 s0, s3;
	s0 =	sld [smem:$0x3FA5]  }
0x30: {  	s3 =	sld [smem:$0x3FA8]  }
0x31: {  	[smem:$0x3FB1] =	sst s10  }
0x32: {  	s10 =	sld [smem:$0x3FAF];
	_ =	sdelay $0x3  }
0x33: {  	p0 =	seq.s32 s10, $0x1;
	s10 =	sld [smem:$0x3FB1];
	_ =	sdelay $0x3  }
0x34: {  	[smem:$0x3FB1] =	sst s10  }
0x35: {  	s10 =	sld [smem:$0x3FB0];
	_ =	sdelay $0x3  }
0x36: {  	p1 =	seq.s32 s10, $0x1;
	s10 =	sld [smem:$0x3FB1];
	_ =	sdelay $0x3  }
0x37: {  	[smem:$0x3FB1] =	sst s10  }
0x38: {  	s10 =	sld [smem:$0x3FB2]  }
0x39: {  	_ = 	snop;
	(pc) =	sbr.ind lr, $3  }
0x3a: {  	_ = 	snop  }
0x3b: {  	_ = 	snop  }
0x3c: {  	p2 =	seq.s32 s10, $0x1;
	s10 =	sld [smem:$0x3FB1]  }
0x3d: {  	_ =	shalt  }
0x3e: {  	_ =	shalt  }
0x3f: {  	_ =	shalt  }
0x40: {  	_ =	shalt  }
0x41: {  	_ =	shalt  }
0x42: {  	_ =	shalt  }
0x43: {  	_ =	shalt  }
0x44: {  	_ =	shalt  }
0x45: {  	_ =	shalt  }
0x46: {  	_ =	shalt  }
0x47: {  	_ =	shalt  }
0x48: {  	_ =	shalt  }
0x49: {  	_ =	shalt  }
0x4a: {  	_ =	shalt  }
0x4b: {  	_ =	shalt  }
0x4c: {  	_ =	shalt  }
0x4d: {  	_ =	shalt  }
0x4e: {  	_ =	shalt  }
0x4f: {  	_ =	shalt  }
0x50: {  	_ =	shalt  }
0x51: {  	_ =	shalt  }
0x52: {  	_ =	shalt  }
0x53: {  	_ =	shalt  }
0x54: {  	_ =	shalt  }
0x55: {  	_ =	shalt  }
0x56: {  	_ =	shalt  }
0x57: {  	_ =	shalt  }
0x58: {  	_ =	shalt  }
0x59: {  	_ =	shalt  }
0x5a: {  	_ =	shalt  }
0x5b: {  	_ =	shalt  }
0x5c: {  	_ =	shalt  }
0x5d: {  	_ =	shalt  }
0x5e: {  	_ =	shalt  }
0x5f: {  	_ =	shalt  }
0x60: {  	_ =	shalt  }
0x61: {  	_ =	shalt  }
0x62: {  	_ =	shalt  }
0x63: {  	_ =	shalt  }
0x64: {  	_ =	shalt  }
0x65: {  	_ =	shalt  }
0x66: {  	_ =	shalt  }
0x67: {  	_ =	shalt  }
0x68: {  	_ =	shalt  }
0x69: {  	_ =	shalt  }
0x6a: {  	_ =	shalt  }
0x6b: {  	_ =	shalt  }
0x6c: {  	_ =	shalt  }
0x6d: {  	_ =	shalt  }
0x6e: {  	_ =	shalt  }
0x6f: {  	_ =	shalt  }
0x70: {  	_ =	shalt  }
0x71: {  	_ =	shalt  }
0x72: {  	_ =	shalt  }
0x73: {  	_ =	shalt  }
0x74: {  	_ =	shalt  }
0x75: {  	_ =	shalt  }
0x76: {  	_ =	shalt  }
0x77: {  	_ =	shalt  }
0x78: {  	_ =	shalt  }
0x79: {  	_ =	shalt  }
0x7a: {  	_ =	shalt  }
0x7b: {  	_ =	shalt  }
0x7c: {  	_ =	shalt  }
0x7d: {  	_ =	shalt  }
0x7e: {  	_ =	shalt  }
0x7f: {  	_ =	shalt  }
0x80: {  	_ =	shalt  }
0x81: {  	_ =	shalt  }
0x82: {  	_ =	shalt  }
0x83: {  	_ =	shalt  }
0x84: {  	_ =	shalt  }
0x85: {  	_ =	shalt  }
0x86: {  	_ =	shalt  }
0x87: {  	_ =	shalt  }
.Lfunc_end0:
.L_simem_size_0:
called_computation.2_lowered:
.L_overlay_start_0:
0x88: {  	s2 =	sld [smem:$0x3FD9]  }
0x89: {  	s3 =	sld [smem:$0x3FFE];
	_ =	sdelay $0x1  }
0x8a: {  	s1 =	srdreg.scid  }
0x8b: {  	s0 =	sand.u32 $0x1, s1  }
0x8c: {  	s17 =	sshll.u32 s0, $0xA;
	s2 =	sadd.s32 s3, s2  }
0x8d: {  	s2 =	sadd.s32 s2, s17  }
0x8e: {  	[smem:$0x3FBD] =	sst s2  }
0x8f: {  	_ = 	snop  }
0x90: {  	s2 =	sld [smem:$0x3FD0];
	(tm) =	ssettm $0x1  }
0x91: {  	s18 =	sld [smem:$0x3FFB];
	_ =	sdelay $0x3  }
0x92: {  	_ =	strace s18  }
0x93: {  	s3 =	sld [smem:$0x3FFC];
	_ =	sdelay $0x3  }
0x94: {  	_ =	strace s3  }
0x95: {  	s3 =	sld [smem:$0x3FFD];
	_ =	sdelay $0x3  }
0x96: {  	_ =	strace s3  }
0x97: {  	_ =	strace $0x8FFFFFFF  }
0x98: {  	s19 =	sld [smem:$0x3FDB];
	_ =	sdelay $0x1  }
0x99: {  	s4 =	simm.s32 $_scs_section_size  }
0x9a: {  	s5 =	simm.s32 $_size__tile_overlayer_lowered;
	s6 =	simm.s32 $_tile_overlayer_lowered  }
0x9b: {  	s22 =	simm.s32 $0x1BFF;
	s21 =	sshll.u32 s6, $0x1;
	s3 =	sadd.s32 s4, s19  }
0x9c: {  	s7 =	simm.s32 $0x0;
	s20 =	sshll.u32 s5, $0x1;
	s5 =	sadd.s32 s21, s3  }
0x9d: {  	[timem:s7], [sflag:s22] =	dma.local [hbm:s5], s20  }
0x9e: {  	_ =	swait.ge [sflag:s22], s20  }
0x9f: {  	s4 =	ssub.s32 $0x0, s20;
	[sflag:s22] =	ssyncset.done $0x0  }
0xa0: {  	[sflag:s22] =	ssyncadd.s32 s4;
	_ =	sdelay $0x1  }
0xa1: {  	s23 =	simm.s32 $0x1B8B  }
0xa2: {  	_ =	swait.ge [sflag:s23], $0x1  }
0xa3: {  	[sflag:s23] =	ssyncset.done $0x0  }
0xa4: {  	s25 =	simm.s32 $0x1B8E;
	s24 =	sld [smem:$0x3FFE];
	[sflag:s23] =	ssyncadd.s32 $0xFFFFFFFF  }
0xa5: {  	s26 =	simm.s32 $execute0_lowered;
	[smem:$0x3FD2] =	sst s25  }
0xa6: {  	s5 =	sshll.u32 s26, $0x1;
	_ =	strace $0x8000004C;
	[dreg:$0x1] =	wrdreg $0xFFFFFFFF  }
0xa7: {  	s28 =	simm.s32 $_size_execute0_lowered;
	s3 =	sadd.s32 s3, s5;
	[dreg:$0x0] =	wrdreg $0x0  }
0xa8: {  	s5 =	sshll.u32 s28, $0x1;
	[dreg:$0x2] =	wrdreg s3  }
0xa9: {  	[dreg:$0x3] =	wrdreg s5  }
0xaa: {  	[dreg:$0x4] =	wrdreg $0xC0  }
0xab: {  	_ =	task [dreg:s7], $0x5FFFF  }
0xac: {  	[dreg:$0x1] =	wrdreg $0xFFFFFFFF  }
0xad: {  	[dreg:$0x0] =	wrdreg $0x60  }
0xae: {  	[dreg:$0x2] =	wrdreg s24  }
0xaf: {  	[dreg:$0x3] =	wrdreg s2  }
0xb0: {  	[dreg:$0x4] =	wrdreg $0x80000  }
0xb1: {  	[dreg:$0x5] =	wrdreg $0x9  }
0xb2: {  	_ =	task.clear_ibuf [dreg:s7], $0x6FFFF;
	_ =	strace $0x9000004C  }
0xb3: {  	s29 =	simm.s32 $0x9;
	_ =	strace $0x8000004E  }
0xb4: {  	_ =	swait.ge [sflag:s29], $0x1  }
0xb5: {  	[sflag:s29] =	ssyncadd.s32 $0xFFFFFFFF  }
0xb6: {  	_ =	strace $0x9000004E  }
0xb7: {  	_ =	sfence  }
0xb8: {  	s30 =	sld [smem:$0x0];
	_ =	sdelay $0x2  }
0xb9: {  	s31 =	sshll.u32 s1, $0xD;
	s1 =	sshrl.u32 s1, $0x2  }
0xba: {  	s3 =	sand.u32 $0x4000, s31;
	s1 =	sadd.s32 s1, s30  }
0xbb: {  	s0 =	sor.u32 s3, s0;
	s1 =	sshll.u32 s1, $0x11  }
0xbc: {  	s0 =	sor.u32 s1, s0  }
0xbd: {  	s0 =	sadd.s32 $0x8F2B, s0  }
0xbe: {  	[sflag:s0] =	ssyncadd.remote.s32 $0x1  }
0xbf: {  	_ =	sfence.sel $0xFFFF  }
0xc0: {  	[dreg:$0x0] =	wrdreg $0xFFFFFFFF;
	(pc) =	sbr.abs _section_cstart, $3  }
0xc1: {  	[dreg:$0x1] =	wrdreg $0xFFFFFFFF  }
0xc2: {  	_ =	task.clear_ibuf [dreg:s7], $0x2FFFF;
	_ =	strace $0x9FFFFFFF  }
0xc3: {  	(tm) =	ssettm $0x7FFFFFFF  }
tec
execute0_lowered:
.L_overlay_start_1:
0x0: {  	(tag) =	ssettag $0x1  }
0x1: {  	s0 =	rddreg [dreg:$0x0]  }
0x2: {  	s1 =	rddreg [dreg:$0x1]  }
0x3: {  	s2 =	rddreg [dreg:$0x2]  }
0x4: {  	s4 =	simm.s32 $0x0;
	s17 =	stileid.u32;
	s3 =	srdreg.scid  }
0x5: {  	s28 =	simm.s32 $0x1;
	s29 =	simm.s32 $0x2;
	s30 =	simm.s32 $0x3  }
0x6: {  	s31 =	simm.s32 $0x4;
	[smem:$0x7FF] =	sst s4;
	s5 =	sadd.s32 $0x3800, s0  }
0x7: {  	s7 =	smul.u32 $0x2A000, s17;
	s6 =	sadd.s32 $0x53800, s0;
	s18 =	sadd.s32 $0x7B800, s0  }
0x8: {  	s3 =	sand.u32 $0x1, s3;
	s0 =	sadd.s32 $0xCBC00, s0;
	s26 =	smul.u32 $0xA000, s17  }
0x9: {  	s12 =	smul.u32 $0x28000, s17;
	_ =	strace $0x8000004D;
	s9 =	ssub.s32 $0x2, s3  }
0xa: {  	s19 =	smul.u32 $0x140000, s3;
	s7 =	sshrl.u32 s7, $0x2;
	s10 =	sshrl.u32 s9, $0x1  }
0xb: {  	s21 =	sadd.s32 $0x2000, s26;
	s12 =	sshrl.u32 s12, $0x2;
	s23 =	sadd.s32 $0x4000, s26  }
0xc: {  	s24 =	sadd.s32 $0x6000, s26;
	s8 =	sadd.s32 s7, s2;
	s9 =	ssub.s32 s9, s10  }
0xd: {  	s13 =	sadd.s32 s26, s19;
	s14 =	sadd.s32 s19, s21;
	s12 =	sadd.s32 s12, s2  }
0xe: {  	s7 =	sadd.s32 $0x8000, s26;
	s16 =	sadd.s32 $0x2000, s8;
	[dreg:$0xe] =	wrdreg s12  }
0xf: {  	s25 =	sadd.s32 s19, s23;
	s11 =	sadd.s32 $0x4000, s8;
	[dreg:$0x4] =	wrdreg s16  }
0x10: {  	s21 =	sadd.s32 s21, s2;
	s20 =	sadd.s32 $0x6000, s8;
	[dreg:$0x5] =	wrdreg s11  }
0x11: {  	s15 =	sadd.s32 $0x8000, s8;
	s13 =	sshrl.u32 s13, $0x3;
	[dreg:$0x6] =	wrdreg s20  }
0x12: {  	s14 =	sshrl.u32 s14, $0x3;
	s10 =	sadd.s32 s19, s7;
	[dreg:$0x7] =	wrdreg s15  }
0x13: {  	s20 =	sadd.s32 s0, s13;
	s22 =	sadd.s32 s0, s14;
	s16 =	sadd.s32 s19, s24  }
0x14: {  	s15 =	sshrl.u32 s25, $0x3;
	s13 =	smax.u32 s9, $0x1;
	[dreg:$0x9] =	wrdreg s22  }
0x15: {  	s10 =	sshrl.u32 s10, $0x3;
	s19 =	smul.u32 $0xA0000, s3;
	[dreg:$0xf] =	wrdreg s13  }
0x16: {  	s3 =	simm.s32 $0x4000;
	s15 =	sadd.s32 s0, s15;
	[dreg:$0x8] =	wrdreg s20  }
0x17: {  	s16 =	sshrl.u32 s16, $0x3;
	s14 =	sadd.s32 $0x14000, s20;
	[dreg:$0xa] =	wrdreg s15  }
0x18: {  	s22 =	sadd.s32 s23, s2;
	s25 =	sadd.s32 $0x15000, s20;
	[dreg:$0x10] =	wrdreg s14  }
0x19: {  	s23 =	sadd.s32 s24, s2;
	s26 =	sadd.s32 s0, s16;
	[dreg:$0x14] =	wrdreg s25  }
0x1a: {  	s24 =	sadd.s32 s7, s2;
	s0 =	sadd.s32 s0, s10;
	[dreg:$0xb] =	wrdreg s26  }
0x1b: {  	s13 =	simm.s32 $0x3F80;
	s10 =	sadd.s32 $0xA000, s8;
	[dreg:$0xc] =	wrdreg s0  }
0x1c: {  	s7 =	simm.s32 $0x0;
	s15 =	sadd.s32 $0x14400, s20;
	[dreg:$0xd] =	wrdreg s10  }
0x1d: {  	s16 =	sadd.s32 $0x14800, s20;
	s14 =	simm.s32 $0x5;
	[dreg:$0x11] =	wrdreg s15  }
0x1e: {  	s25 =	simm.s32 $0x6000;
	s26 =	smul.u32 $0x5, s17;
	[dreg:$0x12] =	wrdreg s16  }
0x1f: {  	s17 =	sadd.s32 $0x14C00, s20;
	s15 =	simm.s32 $0x2000;
	s16 =	simm.s32 $0x40  }
0x20: {  	s0 =	simm.s32 $0x3F00;
	[dreg:$0x13] =	wrdreg s17;
	s17 =	simm.s32 $0x80  }
.LBB2_1:
0x21: {  	[tilespmem:s3], [sflag:$0x5] =	stream.linear.gather [hbm4b:s18+s4], $0x2000, $0x38;
	[tilespmem:$0x12800] =	vst v63  }
0x22: {  	_ =	swait.ge [sflag:s14], $0x2000  }
0x23: {  	[sflag:s14] =	ssyncset.done $0x0  }
0x24: {  	[sflag:s14] =	ssyncadd.s32 $0xFFFFE000  }
0x25: {  	[spmem:s8] =	stream.linear.scatter [tilespmem:s3], [sflag:$0x5], $0x2000, $0x38;
	[tilespmem:$0x12800] =	vst v63  }
0x26: {  	_ =	swait.ge [sflag:s14], $0x2000  }
0x27: {  	[sflag:s14] =	ssyncset.done $0x0  }
0x28: {  	s9 =	rddreg [dreg:$0x4];
	[sflag:s14] =	ssyncadd.s32 $0xFFFFE000  }
0x29: {  	[spmem:s9] =	stream.linear.scatter [tilespmem:s3], [sflag:$0x5], $0x2000, $0x38;
	[tilespmem:$0x12800] =	vst v63  }
0x2a: {  	_ =	swait.ge [sflag:s14], $0x2000  }
0x2b: {  	[sflag:s14] =	ssyncset.done $0x0  }
0x2c: {  	s10 =	rddreg [dreg:$0x5];
	[sflag:s14] =	ssyncadd.s32 $0xFFFFE000  }
0x2d: {  	[spmem:s10] =	stream.linear.scatter [tilespmem:s3], [sflag:$0x5], $0x2000, $0x38;
	[tilespmem:$0x12800] =	vst v63  }
0x2e: {  	_ =	swait.ge [sflag:s14], $0x2000  }
0x2f: {  	[sflag:s14] =	ssyncset.done $0x0  }
0x30: {  	s11 =	rddreg [dreg:$0x6];
	[sflag:s14] =	ssyncadd.s32 $0xFFFFE000  }
0x31: {  	[spmem:s11] =	stream.linear.scatter [tilespmem:s3], [sflag:$0x5], $0x2000, $0x38;
	[tilespmem:$0x12800] =	vst v63  }
0x32: {  	_ =	swait.ge [sflag:s14], $0x2000  }
0x33: {  	[sflag:s14] =	ssyncset.done $0x0  }
0x34: {  	s12 =	rddreg [dreg:$0x7];
	[sflag:s14] =	ssyncadd.s32 $0xFFFFE000  }
0x35: {  	[spmem:s12] =	stream.linear.scatter [tilespmem:s3], [sflag:$0x5], $0x2000, $0x38;
	[tilespmem:$0x12800] =	vst v63  }
0x36: {  	_ =	swait.ge [sflag:s14], $0x2000  }
0x37: {  	[sflag:s14] =	ssyncset.done $0x0  }
0x38: {  	s20 =	rddreg [dreg:$0xd];
	[sflag:s14] =	ssyncadd.s32 $0xFFFFE000  }
0x39: {  	[spmem:s20] =	stream.linear.scatter [tilespmem:s3], [sflag:$0x5], $0x800, $0x38;
	[tilespmem:$0x12800] =	vst v63  }
0x3a: {  	_ =	swait.ge [sflag:s14], $0x800  }
0x3b: {  	[sflag:s14] =	ssyncset.done $0x0  }
0x3c: {  	[sflag:s14] =	ssyncadd.s32 $0xFFFFF800  }
0x3d: {  	s9 =	simm.s32 $0x0;
	[bflag:$0x0] =	sbarrier.arrive $0xFFFF  }
.LBB2_2:
0x3e: {  	s10 =	sadd.s32 s26, s9  }
0x3f: {  	s11 =	sshll.u32 s10, $0xD  }
0x40: {  	s11 =	sadd.s32 s19, s11  }
0x41: {  	s11 =	sshrl.u32 s11, $0x3  }
0x42: {  	s12 =	simm.s32 $0x0;
	s11 =	sadd.s32 s6, s11  }
0x43: {  	[tilespmem:s12], [sflag:$0x5] =	stream.linear.gather [hbm4b:s11+s12], $0x2000, $0x38;
	[tilespmem:$0x12800] =	vst v63  }
0x44: {  	_ =	swait.ge [sflag:s14], $0x2000  }
0x45: {  	s10 =	sshll.u32 s10, $0xA;
	[sflag:s14] =	ssyncset.done $0x0  }
0x46: {  	s10 =	sadd.s32 s1, s10;
	[sflag:s14] =	ssyncadd.s32 $0xFFFFE000  }
0x47: {  	[tilespmem:s15], [sflag:$0x5] =	stream.linear.gather [hbm4b:s10+s12], $0x2000, $0x38;
	[tilespmem:$0x12800] =	vst v63  }
0x48: {  	_ =	swait.ge [sflag:s14], $0x2000  }
0x49: {  	[sflag:s14] =	ssyncset.done $0x0  }
0x4a: {  	[sflag:s14] =	ssyncadd.s32 $0xFFFFE000  }
0x4b: {  	[tilespmem:s3], [sflag:$0x1] =	stream.indirect.gather [hbm4b:s5+s16], $0x80, s12, s16, $0xb8;
	[tilespmem:$0x12800] =	vst v63  }
0x4c: {  	_ = 	snop  }
0x4d: {  	[tilespmem:s25], [sflag:$0x2] =	stream.indirect.gather [hbm4b:s5+s16], $0x80, s17, s16, $0xb8;
	[tilespmem:$0x12800] =	vst v63  }
0x4e: {  	_ =	swait.ge [sflag:s28], $0x2000  }
0x4f: {  	[sflag:s28] =	ssyncset.done $0x0  }
0x50: {  	s11 =	simm.s32 $0x2000;
	[sflag:s28] =	ssyncadd.s32 $0xFFFFE000  }
0x51: {  	[spmem:s2] =	stream.indirect.scatter.add.f32 [tilespmem:s3], [sflag:$0x3], $0x80, s11, s16, $0xb8;
	[tilespmem:$0x12800] =	vst v63  }
0x52: {  	_ =	swait.ge [sflag:s29], $0x2000  }
0x53: {  	[sflag:s29] =	ssyncset.done $0x0  }
0x54: {  	s12 =	simm.s32 $0x2080;
	[sflag:s29] =	ssyncadd.s32 $0xFFFFE000  }
0x55: {  	[spmem:s2] =	stream.indirect.scatter.add.f32 [tilespmem:s25], [sflag:$0x4], $0x80, s12, s16, $0xb8;
	[tilespmem:$0x12800] =	vst v63  }
0x56: {  	_ =	swait.ge [sflag:s30], $0x2000  }
0x57: {  	[sflag:s30] =	ssyncset.done $0x0  }
0x58: {  	s20 =	simm.s32 $0x100;
	[sflag:s30] =	ssyncadd.s32 $0xFFFFE000  }
0x59: {  	[tilespmem:s3], [sflag:$0x1] =	stream.indirect.gather [hbm4b:s5+s16], $0x80, s20, s16, $0xb8;
	[tilespmem:$0x12800] =	vst v63  }
0x5a: {  	_ =	swait.ge [sflag:s31], $0x2000  }
0x5b: {  	[sflag:s31] =	ssyncset.done $0x0  }
0x5c: {  	s10 =	simm.s32 $0x400;
	s11 =	simm.s32 $0x180;
	[sflag:s31] =	ssyncadd.s32 $0xFFFFE000  }
.LBB2_3:
0x5d: {  	[tilespmem:s25], [sflag:$0x2] =	stream.indirect.gather [hbm4b:s5+s16], $0x80, s11, s16, $0xb8;
	[tilespmem:$0x12800] =	vst v63  }
0x5e: {  	s11 =	smov.u32 s10  }
0x5f: {  	p0 =	sne.s32 s10, $0x7800;
	s10 =	sadd.s32 $0x400, s10;
	_ =	swait.ge [sflag:s28], $0x2000  }
0x60: {  	s11 =	sshra.s32 s11, $0x2;
	[sflag:s28] =	ssyncset.done $0x0  }
0x61: {  	s12 =	sadd.s32 $0x2000, s11;
	[sflag:s28] =	ssyncadd.s32 $0xFFFFE000  }
0x62: {  	[spmem:s2] =	stream.indirect.scatter.add.f32 [tilespmem:s3], [sflag:$0x3], $0x80, s12, s16, $0xb8;
	[tilespmem:$0x12800] =	vst v63  }
0x63: {  	_ =	swait.ge [sflag:s29], $0x2000  }
0x64: {  	[sflag:s29] =	ssyncset.done $0x0  }
0x65: {  	s12 =	sadd.s32 $0x2080, s11;
	[sflag:s29] =	ssyncadd.s32 $0xFFFFE000  }
0x66: {  	[spmem:s2] =	stream.indirect.scatter.add.f32 [tilespmem:s25], [sflag:$0x4], $0x80, s12, s16, $0xb8;
	[tilespmem:$0x12800] =	vst v63  }
0x67: {  	_ =	swait.ge [sflag:s30], $0x2000  }
0x68: {  	[sflag:s30] =	ssyncset.done $0x0  }
.Ltmp0:
0x69: {  	s12 =	sadd.s32 $0x100, s11;
	[sflag:s30] =	ssyncadd.s32 $0xFFFFE000;
	(pc) =	sbr.rel @p0 .LBB2_3-.Ltmp0, $4  }
0x6a: {  	[tilespmem:s3], [sflag:$0x1] =	stream.indirect.gather [hbm4b:s5+s16], $0x80, s12, s16, $0xb8;
	[tilespmem:$0x12800] =	vst v63  }
0x6b: {  	_ =	swait.ge [sflag:s31], $0x2000  }
0x6c: {  	[sflag:s31] =	ssyncset.done $0x0  }
0x6d: {  	s11 =	sadd.s32 $0x180, s11;
	[sflag:s31] =	ssyncadd.s32 $0xFFFFE000  }
0x6e: {  	[tilespmem:s25], [sflag:$0x2] =	stream.indirect.gather [hbm4b:s5+s16], $0x80, s11, s16, $0xb8;
	[tilespmem:$0x12800] =	vst v63  }
0x6f: {  	_ =	swait.ge [sflag:s28], $0x2000  }
0x70: {  	[sflag:s28] =	ssyncset.done $0x0  }
0x71: {  	[sflag:s28] =	ssyncadd.s32 $0xFFFFE000  }
0x72: {  	[spmem:s2] =	stream.indirect.scatter.add.f32 [tilespmem:s3], [sflag:$0x3], $0x80, s0, s16, $0xb8;
	[tilespmem:$0x12800] =	vst v63  }
0x73: {  	_ =	swait.ge [sflag:s29], $0x2000  }
0x74: {  	[sflag:s29] =	ssyncset.done $0x0  }
0x75: {  	s9 =	sadd.s32 $0x1, s9;
	[sflag:s29] =	ssyncadd.s32 $0xFFFFE000  }
0x76: {  	[spmem:s2] =	stream.indirect.scatter.add.f32 [tilespmem:s25], [sflag:$0x4], $0x80, s13, s16, $0xb8;
	[tilespmem:$0x12800] =	vst v63  }
0x77: {  	p0 =	sne.s32 s9, $0x5;
	_ =	swait.ge [sflag:s30], $0x2000  }
.Ltmp1:
0x78: {  	[sflag:s30] =	ssyncset.done $0x0;
	(pc) =	sbr.rel @p0 .LBB2_2-.Ltmp1, $4  }
0x79: {  	[sflag:s30] =	ssyncadd.s32 $0xFFFFE000  }
0x7a: {  	_ =	swait.ge [sflag:s31], $0x2000  }
0x7b: {  	[sflag:s31] =	ssyncset.done $0x0  }
0x7c: {  	[sflag:s31] =	ssyncadd.s32 $0xFFFFE000  }
0x7d: {  	[bflag:$0x0] =	sbarrier.arrive $0xFFFF  }
0x7e: {  	s9 =	rddreg [dreg:$0xe]  }
0x7f: {  	[tilespmem:s3], [sflag:$0x5] =	stream.linear.gather [spmem:s9], $0x2000, $0x38;
	[tilespmem:$0x12800] =	vst v63  }
0x80: {  	_ =	swait.ge [sflag:s14], $0x2000  }
0x81: {  	[sflag:s14] =	ssyncset.done $0x0  }
0x82: {  	s9 =	simm.s32 $0x0;
	s10 =	rddreg [dreg:$0x8];
	[sflag:s14] =	ssyncadd.s32 $0xFFFFE000  }
0x83: {  	[hbm4b:s10+s9] =	stream.linear.scatter [tilespmem:s3], [sflag:$0x5], $0x2000, $0x38;
	[tilespmem:$0x12800] =	vst v63  }
0x84: {  	_ =	swait.ge [sflag:s14], $0x2000  }
0x85: {  	[sflag:s14] =	ssyncset.done $0x0  }
0x86: {  	[sflag:s14] =	ssyncadd.s32 $0xFFFFE000  }
0x87: {  	[tilespmem:s3], [sflag:$0x5] =	stream.linear.gather [spmem:s21], $0x2000, $0x38;
	[tilespmem:$0x12800] =	vst v63  }
0x88: {  	_ =	swait.ge [sflag:s14], $0x2000  }
0x89: {  	[sflag:s14] =	ssyncset.done $0x0  }
0x8a: {  	s11 =	rddreg [dreg:$0x9];
	[sflag:s14] =	ssyncadd.s32 $0xFFFFE000  }
0x8b: {  	[hbm4b:s11+s9] =	stream.linear.scatter [tilespmem:s3], [sflag:$0x5], $0x2000, $0x38;
	[tilespmem:$0x12800] =	vst v63  }
0x8c: {  	_ =	swait.ge [sflag:s14], $0x2000  }
0x8d: {  	[sflag:s14] =	ssyncset.done $0x0  }
0x8e: {  	[sflag:s14] =	ssyncadd.s32 $0xFFFFE000  }
0x8f: {  	[tilespmem:s3], [sflag:$0x5] =	stream.linear.gather [spmem:s22], $0x2000, $0x38;
	[tilespmem:$0x12800] =	vst v63  }
0x90: {  	_ =	swait.ge [sflag:s14], $0x2000  }
0x91: {  	[sflag:s14] =	ssyncset.done $0x0  }
0x92: {  	s12 =	rddreg [dreg:$0xa];
	[sflag:s14] =	ssyncadd.s32 $0xFFFFE000  }
0x93: {  	[hbm4b:s12+s9] =	stream.linear.scatter [tilespmem:s3], [sflag:$0x5], $0x2000, $0x38;
	[tilespmem:$0x12800] =	vst v63  }
0x94: {  	_ =	swait.ge [sflag:s14], $0x2000  }
0x95: {  	[sflag:s14] =	ssyncset.done $0x0  }
0x96: {  	[sflag:s14] =	ssyncadd.s32 $0xFFFFE000  }
0x97: {  	[tilespmem:s3], [sflag:$0x5] =	stream.linear.gather [spmem:s23], $0x2000, $0x38;
	[tilespmem:$0x12800] =	vst v63  }
0x98: {  	_ =	swait.ge [sflag:s14], $0x2000  }
0x99: {  	[sflag:s14] =	ssyncset.done $0x0  }
0x9a: {  	s20 =	rddreg [dreg:$0xb];
	[sflag:s14] =	ssyncadd.s32 $0xFFFFE000  }
0x9b: {  	[hbm4b:s20+s9] =	stream.linear.scatter [tilespmem:s3], [sflag:$0x5], $0x2000, $0x38;
	[tilespmem:$0x12800] =	vst v63  }
0x9c: {  	_ =	swait.ge [sflag:s14], $0x2000  }
0x9d: {  	[sflag:s14] =	ssyncset.done $0x0  }
0x9e: {  	[sflag:s14] =	ssyncadd.s32 $0xFFFFE000  }
0x9f: {  	[tilespmem:s3], [sflag:$0x5] =	stream.linear.gather [spmem:s24], $0x2000, $0x38;
	[tilespmem:$0x12800] =	vst v63  }
0xa0: {  	_ =	swait.ge [sflag:s14], $0x2000  }
0xa1: {  	[sflag:s14] =	ssyncset.done $0x0  }
0xa2: {  	s11 =	rddreg [dreg:$0xc];
	[sflag:s14] =	ssyncadd.s32 $0xFFFFE000  }
0xa3: {  	[hbm4b:s11+s9] =	stream.linear.scatter [tilespmem:s3], [sflag:$0x5], $0x2000, $0x38;
	[tilespmem:$0x12800] =	vst v63  }
0xa4: {  	_ =	swait.ge [sflag:s14], $0x2000  }
0xa5: {  	[sflag:s14] =	ssyncset.done $0x0  }
0xa6: {  	[sflag:s14] =	ssyncadd.s32 $0xFFFFE000  }
0xa7: {  	[tilespmem:s3], [sflag:$0x5] =	stream.linear.gather [hbm4b:s18+s9], $0x2000, $0x38;
	[tilespmem:$0x12800] =	vst v63  }
0xa8: {  	_ =	swait.ge [sflag:s14], $0x2000  }
0xa9: {  	[sflag:s14] =	ssyncset.done $0x0  }
0xaa: {  	[sflag:s14] =	ssyncadd.s32 $0xFFFFE000  }
0xab: {  	[spmem:s8] =	stream.linear.scatter [tilespmem:s3], [sflag:$0x5], $0x2000, $0x38;
	[tilespmem:$0x12800] =	vst v63  }
0xac: {  	_ =	swait.ge [sflag:s14], $0x2000  }
0xad: {  	[sflag:s14] =	ssyncset.done $0x0  }
0xae: {  	s12 =	rddreg [dreg:$0x4];
	[sflag:s14] =	ssyncadd.s32 $0xFFFFE000  }
0xaf: {  	[spmem:s12] =	stream.linear.scatter [tilespmem:s3], [sflag:$0x5], $0x2000, $0x38;
	[tilespmem:$0x12800] =	vst v63  }
0xb0: {  	_ =	swait.ge [sflag:s14], $0x2000  }
0xb1: {  	[sflag:s14] =	ssyncset.done $0x0  }
0xb2: {  	s20 =	smov.u32 s18;
	s18 =	rddreg [dreg:$0x5];
	[sflag:s14] =	ssyncadd.s32 $0xFFFFE000  }
0xb3: {  	[spmem:s18] =	stream.linear.scatter [tilespmem:s3], [sflag:$0x5], $0x2000, $0x38;
	[tilespmem:$0x12800] =	vst v63  }
0xb4: {  	_ =	swait.ge [sflag:s14], $0x2000  }
0xb5: {  	[sflag:s14] =	ssyncset.done $0x0  }
0xb6: {  	s11 =	rddreg [dreg:$0x6];
	[sflag:s14] =	ssyncadd.s32 $0xFFFFE000  }
0xb7: {  	[spmem:s11] =	stream.linear.scatter [tilespmem:s3], [sflag:$0x5], $0x2000, $0x38;
	[tilespmem:$0x12800] =	vst v63  }
0xb8: {  	_ =	swait.ge [sflag:s14], $0x2000  }
0xb9: {  	[sflag:s14] =	ssyncset.done $0x0  }
0xba: {  	s12 =	rddreg [dreg:$0x7];
	[sflag:s14] =	ssyncadd.s32 $0xFFFFE000  }
0xbb: {  	[spmem:s12] =	stream.linear.scatter [tilespmem:s3], [sflag:$0x5], $0x2000, $0x38;
	[tilespmem:$0x12800] =	vst v63  }
0xbc: {  	_ =	swait.ge [sflag:s14], $0x2000  }
0xbd: {  	[sflag:s14] =	ssyncset.done $0x0  }
0xbe: {  	s18 =	rddreg [dreg:$0xd];
	[sflag:s14] =	ssyncadd.s32 $0xFFFFE000  }
0xbf: {  	[spmem:s18] =	stream.linear.scatter [tilespmem:s3], [sflag:$0x5], $0x800, $0x38;
	[tilespmem:$0x12800] =	vst v63  }
0xc0: {  	_ =	swait.ge [sflag:s14], $0x800  }
0xc1: {  	[sflag:s14] =	ssyncset.done $0x0  }
0xc2: {  	[sflag:s14] =	ssyncadd.s32 $0xFFFFF800  }
0xc3: {  	s10 =	simm.s32 $0x0;
	[bflag:$0x0] =	sbarrier.arrive $0xFFFF  }
.LBB2_6:
0xc4: {  	s11 =	sadd.s32 s26, s10  }
0xc5: {  	s11 =	sshll.u32 s11, $0xD  }
0xc6: {  	s12 =	sadd.s32 s19, s11  }
0xc7: {  	s12 =	sshrl.u32 s12, $0x3  }
0xc8: {  	s12 =	sadd.s32 s6, s12  }
0xc9: {  	[tilespmem:s9], [sflag:$0x5] =	stream.linear.gather [hbm4b:s12+s9], $0x2000, $0x38;
	[tilespmem:$0x12800] =	vst v63  }
0xca: {  	s11 =	sshrl.u32 s11, $0x3;
	_ =	swait.ge [sflag:s14], $0x2000  }
0xcb: {  	s11 =	sadd.s32 s1, s11;
	[sflag:s14] =	ssyncset.done $0x0  }
0xcc: {  	s11 =	sadd.s32 $0x14000, s11;
	[sflag:s14] =	ssyncadd.s32 $0xFFFFE000  }
0xcd: {  	[tilespmem:s15], [sflag:$0x5] =	stream.linear.gather [hbm4b:s11+s9], $0x2000, $0x38;
	[tilespmem:$0x12800] =	vst v63  }
0xce: {  	_ =	swait.ge [sflag:s14], $0x2000  }
0xcf: {  	[sflag:s14] =	ssyncset.done $0x0  }
0xd0: {  	[sflag:s14] =	ssyncadd.s32 $0xFFFFE000  }
0xd1: {  	[tilespmem:s3], [sflag:$0x1] =	stream.indirect.gather [hbm4b:s5+s16], $0x80, s9, s16, $0xb8;
	[tilespmem:$0x12800] =	vst v63  }
0xd2: {  	_ = 	snop  }
0xd3: {  	[tilespmem:s25], [sflag:$0x2] =	stream.indirect.gather [hbm4b:s5+s16], $0x80, s17, s16, $0xb8;
	[tilespmem:$0x12800] =	vst v63  }
0xd4: {  	_ =	swait.ge [sflag:s28], $0x2000  }
0xd5: {  	[sflag:s28] =	ssyncset.done $0x0  }
0xd6: {  	s18 =	simm.s32 $0x2000;
	[sflag:s28] =	ssyncadd.s32 $0xFFFFE000  }
0xd7: {  	[spmem:s2] =	stream.indirect.scatter.add.f32 [tilespmem:s3], [sflag:$0x3], $0x80, s18, s16, $0xb8;
	[tilespmem:$0x12800] =	vst v63  }
0xd8: {  	_ =	swait.ge [sflag:s29], $0x2000  }
0xd9: {  	[sflag:s29] =	ssyncset.done $0x0  }
0xda: {  	s12 =	simm.s32 $0x2080;
	[sflag:s29] =	ssyncadd.s32 $0xFFFFE000  }
0xdb: {  	[spmem:s2] =	stream.indirect.scatter.add.f32 [tilespmem:s25], [sflag:$0x4], $0x80, s12, s16, $0xb8;
	[tilespmem:$0x12800] =	vst v63  }
0xdc: {  	_ =	swait.ge [sflag:s30], $0x2000  }
0xdd: {  	[sflag:s30] =	ssyncset.done $0x0  }
0xde: {  	s18 =	simm.s32 $0x100;
	[sflag:s30] =	ssyncadd.s32 $0xFFFFE000  }
0xdf: {  	[tilespmem:s3], [sflag:$0x1] =	stream.indirect.gather [hbm4b:s5+s16], $0x80, s18, s16, $0xb8;
	[tilespmem:$0x12800] =	vst v63  }
0xe0: {  	_ =	swait.ge [sflag:s31], $0x2000  }
0xe1: {  	[sflag:s31] =	ssyncset.done $0x0  }
0xe2: {  	s11 =	simm.s32 $0x400;
	s12 =	simm.s32 $0x180;
	[sflag:s31] =	ssyncadd.s32 $0xFFFFE000  }
.LBB2_7:
0xe3: {  	[tilespmem:s25], [sflag:$0x2] =	stream.indirect.gather [hbm4b:s5+s16], $0x80, s12, s16, $0xb8;
	[tilespmem:$0x12800] =	vst v63  }
0xe4: {  	s12 =	smov.u32 s11  }
0xe5: {  	p0 =	sne.s32 s11, $0x7800;
	s11 =	sadd.s32 $0x400, s11;
	_ =	swait.ge [sflag:s28], $0x2000  }
0xe6: {  	s12 =	sshra.s32 s12, $0x2;
	[sflag:s28] =	ssyncset.done $0x0  }
0xe7: {  	s18 =	sadd.s32 $0x2000, s12;
	[sflag:s28] =	ssyncadd.s32 $0xFFFFE000  }
0xe8: {  	[spmem:s2] =	stream.indirect.scatter.add.f32 [tilespmem:s3], [sflag:$0x3], $0x80, s18, s16, $0xb8;
	[tilespmem:$0x12800] =	vst v63  }
0xe9: {  	_ =	swait.ge [sflag:s29], $0x2000  }
0xea: {  	[sflag:s29] =	ssyncset.done $0x0  }
0xeb: {  	s18 =	sadd.s32 $0x2080, s12;
	[sflag:s29] =	ssyncadd.s32 $0xFFFFE000  }
0xec: {  	[spmem:s2] =	stream.indirect.scatter.add.f32 [tilespmem:s25], [sflag:$0x4], $0x80, s18, s16, $0xb8;
	[tilespmem:$0x12800] =	vst v63  }
0xed: {  	_ =	swait.ge [sflag:s30], $0x2000  }
0xee: {  	[sflag:s30] =	ssyncset.done $0x0  }
.Ltmp2:
0xef: {  	s18 =	sadd.s32 $0x100, s12;
	[sflag:s30] =	ssyncadd.s32 $0xFFFFE000;
	(pc) =	sbr.rel @p0 .LBB2_7-.Ltmp2, $4  }
0xf0: {  	[tilespmem:s3], [sflag:$0x1] =	stream.indirect.gather [hbm4b:s5+s16], $0x80, s18, s16, $0xb8;
	[tilespmem:$0x12800] =	vst v63  }
0xf1: {  	_ =	swait.ge [sflag:s31], $0x2000  }
0xf2: {  	[sflag:s31] =	ssyncset.done $0x0  }
0xf3: {  	s12 =	sadd.s32 $0x180, s12;
	[sflag:s31] =	ssyncadd.s32 $0xFFFFE000  }
0xf4: {  	[tilespmem:s25], [sflag:$0x2] =	stream.indirect.gather [hbm4b:s5+s16], $0x80, s12, s16, $0xb8;
	[tilespmem:$0x12800] =	vst v63  }
0xf5: {  	_ =	swait.ge [sflag:s28], $0x2000  }
0xf6: {  	[sflag:s28] =	ssyncset.done $0x0  }
0xf7: {  	[sflag:s28] =	ssyncadd.s32 $0xFFFFE000  }
0xf8: {  	[spmem:s2] =	stream.indirect.scatter.add.f32 [tilespmem:s3], [sflag:$0x3], $0x80, s0, s16, $0xb8;
	[tilespmem:$0x12800] =	vst v63  }
0xf9: {  	_ =	swait.ge [sflag:s29], $0x2000  }
0xfa: {  	[sflag:s29] =	ssyncset.done $0x0  }
0xfb: {  	s10 =	sadd.s32 $0x1, s10;
	[sflag:s29] =	ssyncadd.s32 $0xFFFFE000  }
0xfc: {  	[spmem:s2] =	stream.indirect.scatter.add.f32 [tilespmem:s25], [sflag:$0x4], $0x80, s13, s16, $0xb8;
	[tilespmem:$0x12800] =	vst v63  }
0xfd: {  	p0 =	sne.s32 s10, $0x5;
	_ =	swait.ge [sflag:s30], $0x2000  }
.Ltmp3:
0xfe: {  	[sflag:s30] =	ssyncset.done $0x0;
	(pc) =	sbr.rel @p0 .LBB2_6-.Ltmp3, $4  }
0xff: {  	[sflag:s30] =	ssyncadd.s32 $0xFFFFE000  }
0x100: {  	_ =	swait.ge [sflag:s31], $0x2000  }
0x101: {  	[sflag:s31] =	ssyncset.done $0x0  }
0x102: {  	[sflag:s31] =	ssyncadd.s32 $0xFFFFE000  }
0x103: {  	[bflag:$0x0] =	sbarrier.arrive $0xFFFF  }
0x104: {  	s9 =	rddreg [dreg:$0xe]  }
0x105: {  	[tilespmem:s3], [sflag:$0x5] =	stream.linear.gather [spmem:s9], $0x2000, $0x38;
	[tilespmem:$0x12800] =	vst v63  }
0x106: {  	_ =	swait.ge [sflag:s14], $0x2000  }
0x107: {  	[sflag:s14] =	ssyncset.done $0x0  }
0x108: {  	s12 =	rddreg [dreg:$0x10];
	[sflag:s14] =	ssyncadd.s32 $0xFFFFE000  }
0x109: {  	[hbm4b:s12+s4] =	stream.linear.scatter [tilespmem:s3], [sflag:$0x5], $0x2000, $0x38;
	[tilespmem:$0x12800] =	vst v63  }
0x10a: {  	_ =	swait.ge [sflag:s14], $0x2000  }
0x10b: {  	[sflag:s14] =	ssyncset.done $0x0  }
0x10c: {  	[sflag:s14] =	ssyncadd.s32 $0xFFFFE000  }
0x10d: {  	[tilespmem:s3], [sflag:$0x5] =	stream.linear.gather [spmem:s21], $0x2000, $0x38;
	[tilespmem:$0x12800] =	vst v63  }
0x10e: {  	_ =	swait.ge [sflag:s14], $0x2000  }
0x10f: {  	[sflag:s14] =	ssyncset.done $0x0  }
0x110: {  	s18 =	rddreg [dreg:$0x11];
	[sflag:s14] =	ssyncadd.s32 $0xFFFFE000  }
0x111: {  	[hbm4b:s18+s4] =	stream.linear.scatter [tilespmem:s3], [sflag:$0x5], $0x2000, $0x38;
	[tilespmem:$0x12800] =	vst v63  }
0x112: {  	_ =	swait.ge [sflag:s14], $0x2000  }
0x113: {  	[sflag:s14] =	ssyncset.done $0x0  }
0x114: {  	[sflag:s14] =	ssyncadd.s32 $0xFFFFE000  }
0x115: {  	[tilespmem:s3], [sflag:$0x5] =	stream.linear.gather [spmem:s22], $0x2000, $0x38;
	[tilespmem:$0x12800] =	vst v63  }
0x116: {  	_ =	swait.ge [sflag:s14], $0x2000  }
0x117: {  	[sflag:s14] =	ssyncset.done $0x0  }
0x118: {  	s10 =	rddreg [dreg:$0x12];
	[sflag:s14] =	ssyncadd.s32 $0xFFFFE000  }
0x119: {  	[hbm4b:s10+s4] =	stream.linear.scatter [tilespmem:s3], [sflag:$0x5], $0x2000, $0x38;
	[tilespmem:$0x12800] =	vst v63  }
0x11a: {  	_ =	swait.ge [sflag:s14], $0x2000  }
0x11b: {  	[sflag:s14] =	ssyncset.done $0x0  }
0x11c: {  	[sflag:s14] =	ssyncadd.s32 $0xFFFFE000  }
0x11d: {  	[tilespmem:s3], [sflag:$0x5] =	stream.linear.gather [spmem:s23], $0x2000, $0x38;
	[tilespmem:$0x12800] =	vst v63  }
0x11e: {  	_ =	swait.ge [sflag:s14], $0x2000  }
0x11f: {  	[sflag:s14] =	ssyncset.done $0x0  }
0x120: {  	s11 =	rddreg [dreg:$0x13];
	[sflag:s14] =	ssyncadd.s32 $0xFFFFE000  }
0x121: {  	[hbm4b:s11+s4] =	stream.linear.scatter [tilespmem:s3], [sflag:$0x5], $0x2000, $0x38;
	[tilespmem:$0x12800] =	vst v63  }
0x122: {  	_ =	swait.ge [sflag:s14], $0x2000  }
0x123: {  	[sflag:s14] =	ssyncset.done $0x0  }
0x124: {  	[sflag:s14] =	ssyncadd.s32 $0xFFFFE000  }
0x125: {  	[tilespmem:s3], [sflag:$0x5] =	stream.linear.gather [spmem:s24], $0x2000, $0x38;
	[tilespmem:$0x12800] =	vst v63  }
0x126: {  	_ =	swait.ge [sflag:s14], $0x2000  }
0x127: {  	[sflag:s14] =	ssyncset.done $0x0  }
0x128: {  	s12 =	rddreg [dreg:$0x14];
	[sflag:s14] =	ssyncadd.s32 $0xFFFFE000  }
0x129: {  	[hbm4b:s12+s4] =	stream.linear.scatter [tilespmem:s3], [sflag:$0x5], $0x2000, $0x38;
	[tilespmem:$0x12800] =	vst v63  }
0x12a: {  	_ =	swait.ge [sflag:s14], $0x2000  }
0x12b: {  	s7 =	sadd.s32 $0x1, s7;
	s18 =	rddreg [dreg:$0xf]  }
0x12c: {  	p0 =	sne.s32 s7, s18  }
.Ltmp4:
0x12d: {  	_ = 	snop;
	(pc) =	sbr.rel @p0 .LBB2_1-.Ltmp4, $3  }
0x12e: {  	_ =	sdelay $0x1  }
0x12f: {  	[sflag:s14] =	ssyncset.done $0x0  }
0x130: {  	[sflag:s14] =	ssyncadd.s32 $0xFFFFE000;
	s18 =	smov.u32 s20  }
0x131: {  	_ =	sfence.sel $0x180000  }
0x132: {  	[bflag:$0x0] =	sbarrier.arrive $0xFFFF  }
0x133: {  	_ =	strace $0x9000004D  }
0x134: {  	s0 =	stileid.u32;
	[bflag:$0x2] =	sbarrier.arrive $0xFFFF  }
0x135: {  	p0 =	sne.s32 s0, $0x0;
	s0 =	rddreg [dreg:$0x3]  }
0x136: {  	s0 =	sadd.s32 @!p0 $0x100000, s0  }
0x137: {  	[sflag:s0] =	ssyncadd.tile.s32 @!p0 $0x1;
	_ =	shalt  }
.Lfunc_end2:
_tile_overlayer_lowered:
.L_overlay_start_2:
0x138: {  	(tag) =	ssettag $0x2  }
0x139: {  	s0 =	rddreg [dreg:$0x0];
	s2 =	stileid.u32  }
0x13a: {  	s1 =	rddreg [dreg:$0x1];
	p0 =	sne.s32 s2, $0x0  }
0x13b: {  	s3 =	rddreg [dreg:$0x2];
	[bflag:$0x3] =	sbarrier.arrive $0xFFFF;
	s2 =	simm.s32 @!p0 $0x1C05  }
0x13c: {  	[timem:s3], [sflag:s2] =	dma.local @!p0 [hbm:s0], s1  }
0x13d: {  	s0 =	simm.s32 @!p0 $0x5  }
0x13e: {  	_ =	swait.ge @!p0 [sflag:s0], s1  }
0x13f: {  	s1 =	ssub.s32 @!p0 $0x0, s1;
	[sflag:s0] =	ssyncset.done @!p0 $0x0  }
0x140: {  	[sflag:s0] =	ssyncadd.s32 @!p0 s1  }
0x141: {  	[bflag:$0x3] =	sbarrier.arrive $0xFFFF  }
0x142: {  	_ =	shalt  }

// kernel: kernel.8.cloned.1.call-start
scs
__scs_entry_jumppad:
0x0: {  	(pc) =	sbr.rel $0x88, $3  }
0x1: {  	(tag) =	ssettag $0x0;
	lr =	simm.s32 $0x1  }
0x2: {  	[smem:$0x3F96] =	sst lr;
	_ =	strace $0xD0000000  }
0x3: {  	_ = 	snop  }
0x4: {  	_ = 	snop  }
0x5: {  	_ = 	snop  }
0x6: {  	_ = 	snop  }
0x7: {  	_ = 	snop  }
__scs_overlays_trampoline_lowered:
0x8: {  	[smem:$0x3FA5] =	sst s0  }
0x9: {  	[smem:$0x3FA6] =	sst s1  }
0xa: {  	[smem:$0x3FA7] =	sst s2  }
0xb: {  	[smem:$0x3FA8] =	sst s3  }
0xc: {  	[smem:$0x3FA9] =	sst s4  }
0xd: {  	[smem:$0x3FAA] =	sst s5  }
0xe: {  	[smem:$0x3FAB] =	sst s6  }
0xf: {  	[smem:$0x3FAC] =	sst s7  }
0x10: {  	[smem:$0x3FAD] =	sst s8  }
0x11: {  	[smem:$0x3FAE] =	sst s9;
	s0 =	simm.s32 @!p0 $0x0  }
0x12: {  	s1 =	sld [smem:$0x3F94];
	s0 =	simm.s32 @p0 $0x1  }
0x13: {  	[smem:$0x3FAF] =	sst s0;
	s0 =	simm.s32 @!p1 $0x0  }
0x14: {  	s2 =	sld [smem:$0x3F93];
	s0 =	simm.s32 @p1 $0x1  }
0x15: {  	[smem:$0x3FB0] =	sst s0;
	s0 =	simm.s32 @!p2 $0x0  }
0x16: {  	s3 =	sld [smem:$0x3FDB];
	s0 =	simm.s32 @p2 $0x1  }
0x17: {  	s4 =	simm.s32 $0x1BF5;
	[smem:$0x3FB2] =	sst s0  }
0x18: {  	s0 =	sld [smem:$0x3F95];
	_ =	swait.ge [sflag:s4], $0x0  }
0x19: {  	s7 =	sld [smem:$0x3F96]  }
0x1a: {  	s8 =	sadd.s32 $0xFFFFE003, lr  }
0x1b: {  	s9 =	sadd.s32 $0xFFFFFEF7, lr;
	s5 =	simm.s32 $0xFFFFFFFF;
	p2 =	slt.u32 s8, $0xFFFFF086  }
0x1c: {  	p1 =	slt.u32 s9, $0xF7A;
	s5 =	simm.s32 @!p2 $0x0  }
0x1d: {  	s5 =	simm.s32 @p1 $0x1;
	p0 =	seq.s32 s7, s2  }
0x1e: {  	s7 =	smul.u32 @!p0 $0xF7A, s2;
	p2 =	seq.s32 @!p0 s5, $0x0  }
0x1f: {  	s9 =	smul.u32 $0xF7A, s1;
	s8 =	simm.s32 @!p0 $0x1BF5;
	p2 =	por !p2, p0  }
0x20: {  	[sflag:s8] =	ssyncset.s32 @!p0 $0xFFFFF086;
	s6 =	sadd.s32 @!p0 s3, s7;
	s7 =	simm.s32 @!p0 $0x108  }
0x21: {  	s3 =	sadd.s32 s3, s9;
	s6 =	sadd.s32 @!p0 $0x88, s6;
	s7 =	simm.s32 @p2 $0x1082  }
0x22: {  	[simem:s7], [sflag:s8] =	dma.local @!p0 [hbm:s6], $0xF7A  }
0x23: {  	s9 =	sor.u32 $0xD0000000, s2;
	s6 =	simm.s32 $0x108;
	_ =	swait.ge @!p0 [sflag:s8], $0x0  }
0x24: {  	s3 =	sadd.s32 $0x88, s3;
	s6 =	simm.s32 @!p1 $0x1082;
	[sflag:s4] =	ssyncset.s32 $0xFFFFF086  }
0x25: {  	[simem:s6], [sflag:s4] =	dma.local [hbm:s3], $0xF7A  }
0x26: {  	[smem:$0x3F96] =	sst s1;
	(tag) =	ssettag s2;
	_ =	strace s9  }
0x27: {  	s1 =	sld [smem:$0x3FA6]  }
0x28: {  	s2 =	sld [smem:$0x3FA7]  }
0x29: {  	s4 =	sld [smem:$0x3FA9]  }
0x2a: {  	p0 =	seq.s32 s5, $0x0;
	s5 =	sld [smem:$0x3FAA]  }
0x2b: {  	s6 =	sld [smem:$0x3FAB]  }
0x2c: {  	s7 =	sld [smem:$0x3FAC]  }
0x2d: {  	s3 =	simm.s32 $0x108;
	s8 =	sld [smem:$0x3FAD]  }
0x2e: {  	s3 =	simm.s32 @!p0 $0x1082;
	s9 =	sld [smem:$0x3FAE]  }
0x2f: {  	lr =	sadd.s32 s0, s3;
	s0 =	sld [smem:$0x3FA5]  }
0x30: {  	s3 =	sld [smem:$0x3FA8]  }
0x31: {  	[smem:$0x3FB1] =	sst s10  }
0x32: {  	s10 =	sld [smem:$0x3FAF];
	_ =	sdelay $0x3  }
0x33: {  	p0 =	seq.s32 s10, $0x1;
	s10 =	sld [smem:$0x3FB1];
	_ =	sdelay $0x3  }
0x34: {  	[smem:$0x3FB1] =	sst s10  }
0x35: {  	s10 =	sld [smem:$0x3FB0];
	_ =	sdelay $0x3  }
0x36: {  	p1 =	seq.s32 s10, $0x1;
	s10 =	sld [smem:$0x3FB1];
	_ =	sdelay $0x3  }
0x37: {  	[smem:$0x3FB1] =	sst s10  }
0x38: {  	s10 =	sld [smem:$0x3FB2]  }
0x39: {  	_ = 	snop;
	(pc) =	sbr.ind lr, $3  }
0x3a: {  	_ = 	snop  }
0x3b: {  	_ = 	snop  }
0x3c: {  	p2 =	seq.s32 s10, $0x1;
	s10 =	sld [smem:$0x3FB1]  }
0x3d: {  	_ =	shalt  }
0x3e: {  	_ =	shalt  }
0x3f: {  	_ =	shalt  }
0x40: {  	_ =	shalt  }
0x41: {  	_ =	shalt  }
0x42: {  	_ =	shalt  }
0x43: {  	_ =	shalt  }
0x44: {  	_ =	shalt  }
0x45: {  	_ =	shalt  }
0x46: {  	_ =	shalt  }
0x47: {  	_ =	shalt  }
0x48: {  	_ =	shalt  }
0x49: {  	_ =	shalt  }
0x4a: {  	_ =	shalt  }
0x4b: {  	_ =	shalt  }
0x4c: {  	_ =	shalt  }
0x4d: {  	_ =	shalt  }
0x4e: {  	_ =	shalt  }
0x4f: {  	_ =	shalt  }
0x50: {  	_ =	shalt  }
0x51: {  	_ =	shalt  }
0x52: {  	_ =	shalt  }
0x53: {  	_ =	shalt  }
0x54: {  	_ =	shalt  }
0x55: {  	_ =	shalt  }
0x56: {  	_ =	shalt  }
0x57: {  	_ =	shalt  }
0x58: {  	_ =	shalt  }
0x59: {  	_ =	shalt  }
0x5a: {  	_ =	shalt  }
0x5b: {  	_ =	shalt  }
0x5c: {  	_ =	shalt  }
0x5d: {  	_ =	shalt  }
0x5e: {  	_ =	shalt  }
0x5f: {  	_ =	shalt  }
0x60: {  	_ =	shalt  }
0x61: {  	_ =	shalt  }
0x62: {  	_ =	shalt  }
0x63: {  	_ =	shalt  }
0x64: {  	_ =	shalt  }
0x65: {  	_ =	shalt  }
0x66: {  	_ =	shalt  }
0x67: {  	_ =	shalt  }
0x68: {  	_ =	shalt  }
0x69: {  	_ =	shalt  }
0x6a: {  	_ =	shalt  }
0x6b: {  	_ =	shalt  }
0x6c: {  	_ =	shalt  }
0x6d: {  	_ =	shalt  }
0x6e: {  	_ =	shalt  }
0x6f: {  	_ =	shalt  }
0x70: {  	_ =	shalt  }
0x71: {  	_ =	shalt  }
0x72: {  	_ =	shalt  }
0x73: {  	_ =	shalt  }
0x74: {  	_ =	shalt  }
0x75: {  	_ =	shalt  }
0x76: {  	_ =	shalt  }
0x77: {  	_ =	shalt  }
0x78: {  	_ =	shalt  }
0x79: {  	_ =	shalt  }
0x7a: {  	_ =	shalt  }
0x7b: {  	_ =	shalt  }
0x7c: {  	_ =	shalt  }
0x7d: {  	_ =	shalt  }
0x7e: {  	_ =	shalt  }
0x7f: {  	_ =	shalt  }
0x80: {  	_ =	shalt  }
0x81: {  	_ =	shalt  }
0x82: {  	_ =	shalt  }
0x83: {  	_ =	shalt  }
0x84: {  	_ =	shalt  }
0x85: {  	_ =	shalt  }
0x86: {  	_ =	shalt  }
0x87: {  	_ =	shalt  }
.Lfunc_end0:
.L_simem_size_0:
called_computation_lowered:
.L_overlay_start_0:
0x88: {  	s2 =	sld [smem:$0x3FD9]  }
0x89: {  	s3 =	sld [smem:$0x3FFE];
	_ =	sdelay $0x1  }
0x8a: {  	s1 =	srdreg.scid  }
0x8b: {  	s0 =	sand.u32 $0x1, s1  }
0x8c: {  	s17 =	sshll.u32 s0, $0xA;
	s2 =	sadd.s32 s3, s2  }
0x8d: {  	s2 =	sadd.s32 s2, s17  }
0x8e: {  	[smem:$0x3FBD] =	sst s2  }
0x8f: {  	_ = 	snop  }
0x90: {  	s2 =	sld [smem:$0x3FD0];
	(tm) =	ssettm $0x1  }
0x91: {  	s18 =	sld [smem:$0x3FFB];
	_ =	sdelay $0x3  }
0x92: {  	_ =	strace s18  }
0x93: {  	s3 =	sld [smem:$0x3FFC];
	_ =	sdelay $0x3  }
0x94: {  	_ =	strace s3  }
0x95: {  	s3 =	sld [smem:$0x3FFD];
	_ =	sdelay $0x3  }
0x96: {  	_ =	strace s3  }
0x97: {  	_ =	strace $0x8FFFFFFF  }
0x98: {  	s19 =	sld [smem:$0x3FDB];
	_ =	sdelay $0x1  }
0x99: {  	s4 =	simm.s32 $_scs_section_size  }
0x9a: {  	s5 =	simm.s32 $_size__tile_overlayer_lowered;
	s6 =	simm.s32 $_tile_overlayer_lowered  }
0x9b: {  	s22 =	simm.s32 $0x1BFF;
	s21 =	sshll.u32 s6, $0x1;
	s3 =	sadd.s32 s4, s19  }
0x9c: {  	s7 =	simm.s32 $0x0;
	s20 =	sshll.u32 s5, $0x1;
	s5 =	sadd.s32 s21, s3  }
0x9d: {  	[timem:s7], [sflag:s22] =	dma.local [hbm:s5], s20  }
0x9e: {  	_ =	swait.ge [sflag:s22], s20  }
0x9f: {  	s4 =	ssub.s32 $0x0, s20;
	[sflag:s22] =	ssyncset.done $0x0  }
0xa0: {  	[sflag:s22] =	ssyncadd.s32 s4;
	_ =	sdelay $0x1  }
0xa1: {  	s23 =	simm.s32 $0x1B8B  }
0xa2: {  	_ =	swait.ge [sflag:s23], $0x1  }
0xa3: {  	[sflag:s23] =	ssyncset.done $0x0  }
0xa4: {  	s25 =	simm.s32 $0x1B8E;
	s24 =	sld [smem:$0x3FFE];
	[sflag:s23] =	ssyncadd.s32 $0xFFFFFFFF  }
0xa5: {  	s26 =	simm.s32 $execute0_lowered;
	[smem:$0x3FD2] =	sst s25  }
0xa6: {  	s5 =	sshll.u32 s26, $0x1;
	_ =	strace $0x80000046;
	[dreg:$0x1] =	wrdreg $0xFFFFFFFF  }
0xa7: {  	s28 =	simm.s32 $_size_execute0_lowered;
	s3 =	sadd.s32 s3, s5;
	[dreg:$0x0] =	wrdreg $0x0  }
0xa8: {  	s5 =	sshll.u32 s28, $0x1;
	[dreg:$0x2] =	wrdreg s3  }
0xa9: {  	[dreg:$0x3] =	wrdreg s5  }
0xaa: {  	[dreg:$0x4] =	wrdreg $0xC0  }
0xab: {  	_ =	task [dreg:s7], $0x5FFFF  }
0xac: {  	[dreg:$0x1] =	wrdreg $0xFFFFFFFF  }
0xad: {  	[dreg:$0x0] =	wrdreg $0x60  }
0xae: {  	[dreg:$0x2] =	wrdreg s24  }
0xaf: {  	[dreg:$0x3] =	wrdreg s2  }
0xb0: {  	[dreg:$0x4] =	wrdreg $0x80000  }
0xb1: {  	[dreg:$0x5] =	wrdreg $0x9  }
0xb2: {  	_ =	task.clear_ibuf [dreg:s7], $0x6FFFF;
	_ =	strace $0x90000046  }
0xb3: {  	s29 =	simm.s32 $0x9;
	_ =	strace $0x80000048  }
0xb4: {  	_ =	swait.ge [sflag:s29], $0x1  }
0xb5: {  	[sflag:s29] =	ssyncadd.s32 $0xFFFFFFFF  }
0xb6: {  	_ =	strace $0x90000048  }
0xb7: {  	_ =	sfence  }
0xb8: {  	s30 =	sld [smem:$0x0];
	_ =	sdelay $0x2  }
0xb9: {  	s31 =	sshll.u32 s1, $0xD;
	s1 =	sshrl.u32 s1, $0x2  }
0xba: {  	s3 =	sand.u32 $0x4000, s31;
	s1 =	sadd.s32 s1, s30  }
0xbb: {  	s0 =	sor.u32 s3, s0;
	s1 =	sshll.u32 s1, $0x11  }
0xbc: {  	s0 =	sor.u32 s1, s0  }
0xbd: {  	s0 =	sadd.s32 $0x8F2B, s0  }
0xbe: {  	[sflag:s0] =	ssyncadd.remote.s32 $0x1  }
0xbf: {  	_ =	sfence.sel $0xFFFF  }
0xc0: {  	[dreg:$0x0] =	wrdreg $0xFFFFFFFF;
	(pc) =	sbr.abs _section_cstart, $3  }
0xc1: {  	[dreg:$0x1] =	wrdreg $0xFFFFFFFF  }
0xc2: {  	_ =	task.clear_ibuf [dreg:s7], $0x2FFFF;
	_ =	strace $0x9FFFFFFF  }
0xc3: {  	(tm) =	ssettm $0x7FFFFFFF  }
tec
execute0_lowered:
.L_overlay_start_1:
0x0: {  	(tag) =	ssettag $0x1  }
0x1: {  	s0 =	rddreg [dreg:$0x0]  }
0x2: {  	s1 =	rddreg [dreg:$0x1]  }
0x3: {  	s2 =	rddreg [dreg:$0x2]  }
0x4: {  	s4 =	simm.s32 $0x0;
	s17 =	stileid.u32;
	s3 =	srdreg.scid  }
0x5: {  	s28 =	simm.s32 $0x1;
	s29 =	simm.s32 $0x2;
	s30 =	simm.s32 $0x3  }
0x6: {  	s31 =	simm.s32 $0x4;
	[smem:$0x7FF] =	sst s4;
	s5 =	sadd.s32 $0x3800, s0  }
0x7: {  	s7 =	smul.u32 $0x2A000, s17;
	s6 =	sadd.s32 $0x53800, s0;
	s18 =	sadd.s32 $0x7B800, s0  }
0x8: {  	s3 =	sand.u32 $0x1, s3;
	s0 =	sadd.s32 $0x7BC00, s0;
	s26 =	smul.u32 $0xA000, s17  }
0x9: {  	s12 =	smul.u32 $0x28000, s17;
	_ =	strace $0x80000047;
	s9 =	ssub.s32 $0x2, s3  }
0xa: {  	s19 =	smul.u32 $0x140000, s3;
	s7 =	sshrl.u32 s7, $0x2;
	s10 =	sshrl.u32 s9, $0x1  }
0xb: {  	s21 =	sadd.s32 $0x2000, s26;
	s12 =	sshrl.u32 s12, $0x2;
	s23 =	sadd.s32 $0x4000, s26  }
0xc: {  	s24 =	sadd.s32 $0x6000, s26;
	s8 =	sadd.s32 s7, s2;
	s9 =	ssub.s32 s9, s10  }
0xd: {  	s13 =	sadd.s32 s26, s19;
	s14 =	sadd.s32 s19, s21;
	s12 =	sadd.s32 s12, s2  }
0xe: {  	s7 =	sadd.s32 $0x8000, s26;
	s16 =	sadd.s32 $0x2000, s8;
	[dreg:$0xe] =	wrdreg s12  }
0xf: {  	s25 =	sadd.s32 s19, s23;
	s11 =	sadd.s32 $0x4000, s8;
	[dreg:$0x4] =	wrdreg s16  }
0x10: {  	s21 =	sadd.s32 s21, s2;
	s20 =	sadd.s32 $0x6000, s8;
	[dreg:$0x5] =	wrdreg s11  }
0x11: {  	s15 =	sadd.s32 $0x8000, s8;
	s13 =	sshrl.u32 s13, $0x3;
	[dreg:$0x6] =	wrdreg s20  }
0x12: {  	s14 =	sshrl.u32 s14, $0x3;
	s10 =	sadd.s32 s19, s7;
	[dreg:$0x7] =	wrdreg s15  }
0x13: {  	s20 =	sadd.s32 s0, s13;
	s22 =	sadd.s32 s0, s14;
	s16 =	sadd.s32 s19, s24  }
0x14: {  	s15 =	sshrl.u32 s25, $0x3;
	s13 =	smax.u32 s9, $0x1;
	[dreg:$0x9] =	wrdreg s22  }
0x15: {  	s10 =	sshrl.u32 s10, $0x3;
	s19 =	smul.u32 $0xA0000, s3;
	[dreg:$0xf] =	wrdreg s13  }
0x16: {  	s3 =	simm.s32 $0x4000;
	s15 =	sadd.s32 s0, s15;
	[dreg:$0x8] =	wrdreg s20  }
0x17: {  	s16 =	sshrl.u32 s16, $0x3;
	s14 =	sadd.s32 $0x14000, s20;
	[dreg:$0xa] =	wrdreg s15  }
0x18: {  	s22 =	sadd.s32 s23, s2;
	s25 =	sadd.s32 $0x15000, s20;
	[dreg:$0x10] =	wrdreg s14  }
0x19: {  	s23 =	sadd.s32 s24, s2;
	s26 =	sadd.s32 s0, s16;
	[dreg:$0x14] =	wrdreg s25  }
0x1a: {  	s24 =	sadd.s32 s7, s2;
	s0 =	sadd.s32 s0, s10;
	[dreg:$0xb] =	wrdreg s26  }
0x1b: {  	s13 =	simm.s32 $0x3F80;
	s10 =	sadd.s32 $0xA000, s8;
	[dreg:$0xc] =	wrdreg s0  }
0x1c: {  	s7 =	simm.s32 $0x0;
	s15 =	sadd.s32 $0x14400, s20;
	[dreg:$0xd] =	wrdreg s10  }
0x1d: {  	s16 =	sadd.s32 $0x14800, s20;
	s14 =	simm.s32 $0x5;
	[dreg:$0x11] =	wrdreg s15  }
0x1e: {  	s25 =	simm.s32 $0x6000;
	s26 =	smul.u32 $0x5, s17;
	[dreg:$0x12] =	wrdreg s16  }
0x1f: {  	s17 =	sadd.s32 $0x14C00, s20;
	s15 =	simm.s32 $0x2000;
	s16 =	simm.s32 $0x40  }
0x20: {  	s0 =	simm.s32 $0x3F00;
	[dreg:$0x13] =	wrdreg s17;
	s17 =	simm.s32 $0x80  }
.LBB2_1:
0x21: {  	[tilespmem:s3], [sflag:$0x5] =	stream.linear.gather [hbm4b:s18+s4], $0x2000, $0x38;
	[tilespmem:$0x12800] =	vst v63  }
0x22: {  	_ =	swait.ge [sflag:s14], $0x2000  }
0x23: {  	[sflag:s14] =	ssyncset.done $0x0  }
0x24: {  	[sflag:s14] =	ssyncadd.s32 $0xFFFFE000  }
0x25: {  	[spmem:s8] =	stream.linear.scatter [tilespmem:s3], [sflag:$0x5], $0x2000, $0x38;
	[tilespmem:$0x12800] =	vst v63  }
0x26: {  	_ =	swait.ge [sflag:s14], $0x2000  }
0x27: {  	[sflag:s14] =	ssyncset.done $0x0  }
0x28: {  	s9 =	rddreg [dreg:$0x4];
	[sflag:s14] =	ssyncadd.s32 $0xFFFFE000  }
0x29: {  	[spmem:s9] =	stream.linear.scatter [tilespmem:s3], [sflag:$0x5], $0x2000, $0x38;
	[tilespmem:$0x12800] =	vst v63  }
0x2a: {  	_ =	swait.ge [sflag:s14], $0x2000  }
0x2b: {  	[sflag:s14] =	ssyncset.done $0x0  }
0x2c: {  	s10 =	rddreg [dreg:$0x5];
	[sflag:s14] =	ssyncadd.s32 $0xFFFFE000  }
0x2d: {  	[spmem:s10] =	stream.linear.scatter [tilespmem:s3], [sflag:$0x5], $0x2000, $0x38;
	[tilespmem:$0x12800] =	vst v63  }
0x2e: {  	_ =	swait.ge [sflag:s14], $0x2000  }
0x2f: {  	[sflag:s14] =	ssyncset.done $0x0  }
0x30: {  	s11 =	rddreg [dreg:$0x6];
	[sflag:s14] =	ssyncadd.s32 $0xFFFFE000  }
0x31: {  	[spmem:s11] =	stream.linear.scatter [tilespmem:s3], [sflag:$0x5], $0x2000, $0x38;
	[tilespmem:$0x12800] =	vst v63  }
0x32: {  	_ =	swait.ge [sflag:s14], $0x2000  }
0x33: {  	[sflag:s14] =	ssyncset.done $0x0  }
0x34: {  	s12 =	rddreg [dreg:$0x7];
	[sflag:s14] =	ssyncadd.s32 $0xFFFFE000  }
0x35: {  	[spmem:s12] =	stream.linear.scatter [tilespmem:s3], [sflag:$0x5], $0x2000, $0x38;
	[tilespmem:$0x12800] =	vst v63  }
0x36: {  	_ =	swait.ge [sflag:s14], $0x2000  }
0x37: {  	[sflag:s14] =	ssyncset.done $0x0  }
0x38: {  	s20 =	rddreg [dreg:$0xd];
	[sflag:s14] =	ssyncadd.s32 $0xFFFFE000  }
0x39: {  	[spmem:s20] =	stream.linear.scatter [tilespmem:s3], [sflag:$0x5], $0x800, $0x38;
	[tilespmem:$0x12800] =	vst v63  }
0x3a: {  	_ =	swait.ge [sflag:s14], $0x800  }
0x3b: {  	[sflag:s14] =	ssyncset.done $0x0  }
0x3c: {  	[sflag:s14] =	ssyncadd.s32 $0xFFFFF800  }
0x3d: {  	s9 =	simm.s32 $0x0;
	[bflag:$0x0] =	sbarrier.arrive $0xFFFF  }
.LBB2_2:
0x3e: {  	s10 =	sadd.s32 s26, s9  }
0x3f: {  	s11 =	sshll.u32 s10, $0xD  }
0x40: {  	s11 =	sadd.s32 s19, s11  }
0x41: {  	s11 =	sshrl.u32 s11, $0x3  }
0x42: {  	s12 =	simm.s32 $0x0;
	s11 =	sadd.s32 s6, s11  }
0x43: {  	[tilespmem:s12], [sflag:$0x5] =	stream.linear.gather [hbm4b:s11+s12], $0x2000, $0x38;
	[tilespmem:$0x12800] =	vst v63  }
0x44: {  	_ =	swait.ge [sflag:s14], $0x2000  }
0x45: {  	s10 =	sshll.u32 s10, $0xA;
	[sflag:s14] =	ssyncset.done $0x0  }
0x46: {  	s10 =	sadd.s32 s1, s10;
	[sflag:s14] =	ssyncadd.s32 $0xFFFFE000  }
0x47: {  	[tilespmem:s15], [sflag:$0x5] =	stream.linear.gather [hbm4b:s10+s12], $0x2000, $0x38;
	[tilespmem:$0x12800] =	vst v63  }
0x48: {  	_ =	swait.ge [sflag:s14], $0x2000  }
0x49: {  	[sflag:s14] =	ssyncset.done $0x0  }
0x4a: {  	[sflag:s14] =	ssyncadd.s32 $0xFFFFE000  }
0x4b: {  	[tilespmem:s3], [sflag:$0x1] =	stream.indirect.gather [hbm4b:s5+s16], $0x80, s12, s16, $0xb8;
	[tilespmem:$0x12800] =	vst v63  }
0x4c: {  	_ = 	snop  }
0x4d: {  	[tilespmem:s25], [sflag:$0x2] =	stream.indirect.gather [hbm4b:s5+s16], $0x80, s17, s16, $0xb8;
	[tilespmem:$0x12800] =	vst v63  }
0x4e: {  	_ =	swait.ge [sflag:s28], $0x2000  }
0x4f: {  	[sflag:s28] =	ssyncset.done $0x0  }
0x50: {  	s11 =	simm.s32 $0x2000;
	[sflag:s28] =	ssyncadd.s32 $0xFFFFE000  }
0x51: {  	[spmem:s2] =	stream.indirect.scatter.add.f32 [tilespmem:s3], [sflag:$0x3], $0x80, s11, s16, $0xb8;
	[tilespmem:$0x12800] =	vst v63  }
0x52: {  	_ =	swait.ge [sflag:s29], $0x2000  }
0x53: {  	[sflag:s29] =	ssyncset.done $0x0  }
0x54: {  	s12 =	simm.s32 $0x2080;
	[sflag:s29] =	ssyncadd.s32 $0xFFFFE000  }
0x55: {  	[spmem:s2] =	stream.indirect.scatter.add.f32 [tilespmem:s25], [sflag:$0x4], $0x80, s12, s16, $0xb8;
	[tilespmem:$0x12800] =	vst v63  }
0x56: {  	_ =	swait.ge [sflag:s30], $0x2000  }
0x57: {  	[sflag:s30] =	ssyncset.done $0x0  }
0x58: {  	s20 =	simm.s32 $0x100;
	[sflag:s30] =	ssyncadd.s32 $0xFFFFE000  }
0x59: {  	[tilespmem:s3], [sflag:$0x1] =	stream.indirect.gather [hbm4b:s5+s16], $0x80, s20, s16, $0xb8;
	[tilespmem:$0x12800] =	vst v63  }
0x5a: {  	_ =	swait.ge [sflag:s31], $0x2000  }
0x5b: {  	[sflag:s31] =	ssyncset.done $0x0  }
0x5c: {  	s10 =	simm.s32 $0x400;
	s11 =	simm.s32 $0x180;
	[sflag:s31] =	ssyncadd.s32 $0xFFFFE000  }
.LBB2_3:
0x5d: {  	[tilespmem:s25], [sflag:$0x2] =	stream.indirect.gather [hbm4b:s5+s16], $0x80, s11, s16, $0xb8;
	[tilespmem:$0x12800] =	vst v63  }
0x5e: {  	s11 =	smov.u32 s10  }
0x5f: {  	p0 =	sne.s32 s10, $0x7800;
	s10 =	sadd.s32 $0x400, s10;
	_ =	swait.ge [sflag:s28], $0x2000  }
0x60: {  	s11 =	sshra.s32 s11, $0x2;
	[sflag:s28] =	ssyncset.done $0x0  }
0x61: {  	s12 =	sadd.s32 $0x2000, s11;
	[sflag:s28] =	ssyncadd.s32 $0xFFFFE000  }
0x62: {  	[spmem:s2] =	stream.indirect.scatter.add.f32 [tilespmem:s3], [sflag:$0x3], $0x80, s12, s16, $0xb8;
	[tilespmem:$0x12800] =	vst v63  }
0x63: {  	_ =	swait.ge [sflag:s29], $0x2000  }
0x64: {  	[sflag:s29] =	ssyncset.done $0x0  }
0x65: {  	s12 =	sadd.s32 $0x2080, s11;
	[sflag:s29] =	ssyncadd.s32 $0xFFFFE000  }
0x66: {  	[spmem:s2] =	stream.indirect.scatter.add.f32 [tilespmem:s25], [sflag:$0x4], $0x80, s12, s16, $0xb8;
	[tilespmem:$0x12800] =	vst v63  }
0x67: {  	_ =	swait.ge [sflag:s30], $0x2000  }
0x68: {  	[sflag:s30] =	ssyncset.done $0x0  }
.Ltmp0:
0x69: {  	s12 =	sadd.s32 $0x100, s11;
	[sflag:s30] =	ssyncadd.s32 $0xFFFFE000;
	(pc) =	sbr.rel @p0 .LBB2_3-.Ltmp0, $4  }
0x6a: {  	[tilespmem:s3], [sflag:$0x1] =	stream.indirect.gather [hbm4b:s5+s16], $0x80, s12, s16, $0xb8;
	[tilespmem:$0x12800] =	vst v63  }
0x6b: {  	_ =	swait.ge [sflag:s31], $0x2000  }
0x6c: {  	[sflag:s31] =	ssyncset.done $0x0  }
0x6d: {  	s11 =	sadd.s32 $0x180, s11;
	[sflag:s31] =	ssyncadd.s32 $0xFFFFE000  }
0x6e: {  	[tilespmem:s25], [sflag:$0x2] =	stream.indirect.gather [hbm4b:s5+s16], $0x80, s11, s16, $0xb8;
	[tilespmem:$0x12800] =	vst v63  }
0x6f: {  	_ =	swait.ge [sflag:s28], $0x2000  }
0x70: {  	[sflag:s28] =	ssyncset.done $0x0  }
0x71: {  	[sflag:s28] =	ssyncadd.s32 $0xFFFFE000  }
0x72: {  	[spmem:s2] =	stream.indirect.scatter.add.f32 [tilespmem:s3], [sflag:$0x3], $0x80, s0, s16, $0xb8;
	[tilespmem:$0x12800] =	vst v63  }
0x73: {  	_ =	swait.ge [sflag:s29], $0x2000  }
0x74: {  	[sflag:s29] =	ssyncset.done $0x0  }
0x75: {  	s9 =	sadd.s32 $0x1, s9;
	[sflag:s29] =	ssyncadd.s32 $0xFFFFE000  }
0x76: {  	[spmem:s2] =	stream.indirect.scatter.add.f32 [tilespmem:s25], [sflag:$0x4], $0x80, s13, s16, $0xb8;
	[tilespmem:$0x12800] =	vst v63  }
0x77: {  	p0 =	sne.s32 s9, $0x5;
	_ =	swait.ge [sflag:s30], $0x2000  }
.Ltmp1:
0x78: {  	[sflag:s30] =	ssyncset.done $0x0;
	(pc) =	sbr.rel @p0 .LBB2_2-.Ltmp1, $4  }
0x79: {  	[sflag:s30] =	ssyncadd.s32 $0xFFFFE000  }
0x7a: {  	_ =	swait.ge [sflag:s31], $0x2000  }
0x7b: {  	[sflag:s31] =	ssyncset.done $0x0  }
0x7c: {  	[sflag:s31] =	ssyncadd.s32 $0xFFFFE000  }
0x7d: {  	[bflag:$0x0] =	sbarrier.arrive $0xFFFF  }
0x7e: {  	s9 =	rddreg [dreg:$0xe]  }
0x7f: {  	[tilespmem:s3], [sflag:$0x5] =	stream.linear.gather [spmem:s9], $0x2000, $0x38;
	[tilespmem:$0x12800] =	vst v63  }
0x80: {  	_ =	swait.ge [sflag:s14], $0x2000  }
0x81: {  	[sflag:s14] =	ssyncset.done $0x0  }
0x82: {  	s9 =	simm.s32 $0x0;
	s10 =	rddreg [dreg:$0x8];
	[sflag:s14] =	ssyncadd.s32 $0xFFFFE000  }
0x83: {  	[hbm4b:s10+s9] =	stream.linear.scatter [tilespmem:s3], [sflag:$0x5], $0x2000, $0x38;
	[tilespmem:$0x12800] =	vst v63  }
0x84: {  	_ =	swait.ge [sflag:s14], $0x2000  }
0x85: {  	[sflag:s14] =	ssyncset.done $0x0  }
0x86: {  	[sflag:s14] =	ssyncadd.s32 $0xFFFFE000  }
0x87: {  	[tilespmem:s3], [sflag:$0x5] =	stream.linear.gather [spmem:s21], $0x2000, $0x38;
	[tilespmem:$0x12800] =	vst v63  }
0x88: {  	_ =	swait.ge [sflag:s14], $0x2000  }
0x89: {  	[sflag:s14] =	ssyncset.done $0x0  }
0x8a: {  	s11 =	rddreg [dreg:$0x9];
	[sflag:s14] =	ssyncadd.s32 $0xFFFFE000  }
0x8b: {  	[hbm4b:s11+s9] =	stream.linear.scatter [tilespmem:s3], [sflag:$0x5], $0x2000, $0x38;
	[tilespmem:$0x12800] =	vst v63  }
0x8c: {  	_ =	swait.ge [sflag:s14], $0x2000  }
0x8d: {  	[sflag:s14] =	ssyncset.done $0x0  }
0x8e: {  	[sflag:s14] =	ssyncadd.s32 $0xFFFFE000  }
0x8f: {  	[tilespmem:s3], [sflag:$0x5] =	stream.linear.gather [spmem:s22], $0x2000, $0x38;
	[tilespmem:$0x12800] =	vst v63  }
0x90: {  	_ =	swait.ge [sflag:s14], $0x2000  }
0x91: {  	[sflag:s14] =	ssyncset.done $0x0  }
0x92: {  	s12 =	rddreg [dreg:$0xa];
	[sflag:s14] =	ssyncadd.s32 $0xFFFFE000  }
0x93: {  	[hbm4b:s12+s9] =	stream.linear.scatter [tilespmem:s3], [sflag:$0x5], $0x2000, $0x38;
	[tilespmem:$0x12800] =	vst v63  }
0x94: {  	_ =	swait.ge [sflag:s14], $0x2000  }
0x95: {  	[sflag:s14] =	ssyncset.done $0x0  }
0x96: {  	[sflag:s14] =	ssyncadd.s32 $0xFFFFE000  }
0x97: {  	[tilespmem:s3], [sflag:$0x5] =	stream.linear.gather [spmem:s23], $0x2000, $0x38;
	[tilespmem:$0x12800] =	vst v63  }
0x98: {  	_ =	swait.ge [sflag:s14], $0x2000  }
0x99: {  	[sflag:s14] =	ssyncset.done $0x0  }
0x9a: {  	s20 =	rddreg [dreg:$0xb];
	[sflag:s14] =	ssyncadd.s32 $0xFFFFE000  }
0x9b: {  	[hbm4b:s20+s9] =	stream.linear.scatter [tilespmem:s3], [sflag:$0x5], $0x2000, $0x38;
	[tilespmem:$0x12800] =	vst v63  }
0x9c: {  	_ =	swait.ge [sflag:s14], $0x2000  }
0x9d: {  	[sflag:s14] =	ssyncset.done $0x0  }
0x9e: {  	[sflag:s14] =	ssyncadd.s32 $0xFFFFE000  }
0x9f: {  	[tilespmem:s3], [sflag:$0x5] =	stream.linear.gather [spmem:s24], $0x2000, $0x38;
	[tilespmem:$0x12800] =	vst v63  }
0xa0: {  	_ =	swait.ge [sflag:s14], $0x2000  }
0xa1: {  	[sflag:s14] =	ssyncset.done $0x0  }
0xa2: {  	s11 =	rddreg [dreg:$0xc];
	[sflag:s14] =	ssyncadd.s32 $0xFFFFE000  }
0xa3: {  	[hbm4b:s11+s9] =	stream.linear.scatter [tilespmem:s3], [sflag:$0x5], $0x2000, $0x38;
	[tilespmem:$0x12800] =	vst v63  }
0xa4: {  	_ =	swait.ge [sflag:s14], $0x2000  }
0xa5: {  	[sflag:s14] =	ssyncset.done $0x0  }
0xa6: {  	[sflag:s14] =	ssyncadd.s32 $0xFFFFE000  }
0xa7: {  	[tilespmem:s3], [sflag:$0x5] =	stream.linear.gather [hbm4b:s18+s9], $0x2000, $0x38;
	[tilespmem:$0x12800] =	vst v63  }
0xa8: {  	_ =	swait.ge [sflag:s14], $0x2000  }
0xa9: {  	[sflag:s14] =	ssyncset.done $0x0  }
0xaa: {  	[sflag:s14] =	ssyncadd.s32 $0xFFFFE000  }
0xab: {  	[spmem:s8] =	stream.linear.scatter [tilespmem:s3], [sflag:$0x5], $0x2000, $0x38;
	[tilespmem:$0x12800] =	vst v63  }
0xac: {  	_ =	swait.ge [sflag:s14], $0x2000  }
0xad: {  	[sflag:s14] =	ssyncset.done $0x0  }
0xae: {  	s12 =	rddreg [dreg:$0x4];
	[sflag:s14] =	ssyncadd.s32 $0xFFFFE000  }
0xaf: {  	[spmem:s12] =	stream.linear.scatter [tilespmem:s3], [sflag:$0x5], $0x2000, $0x38;
	[tilespmem:$0x12800] =	vst v63  }
0xb0: {  	_ =	swait.ge [sflag:s14], $0x2000  }
0xb1: {  	[sflag:s14] =	ssyncset.done $0x0  }
0xb2: {  	s20 =	smov.u32 s18;
	s18 =	rddreg [dreg:$0x5];
	[sflag:s14] =	ssyncadd.s32 $0xFFFFE000  }
0xb3: {  	[spmem:s18] =	stream.linear.scatter [tilespmem:s3], [sflag:$0x5], $0x2000, $0x38;
	[tilespmem:$0x12800] =	vst v63  }
0xb4: {  	_ =	swait.ge [sflag:s14], $0x2000  }
0xb5: {  	[sflag:s14] =	ssyncset.done $0x0  }
0xb6: {  	s11 =	rddreg [dreg:$0x6];
	[sflag:s14] =	ssyncadd.s32 $0xFFFFE000  }
0xb7: {  	[spmem:s11] =	stream.linear.scatter [tilespmem:s3], [sflag:$0x5], $0x2000, $0x38;
	[tilespmem:$0x12800] =	vst v63  }
0xb8: {  	_ =	swait.ge [sflag:s14], $0x2000  }
0xb9: {  	[sflag:s14] =	ssyncset.done $0x0  }
0xba: {  	s12 =	rddreg [dreg:$0x7];
	[sflag:s14] =	ssyncadd.s32 $0xFFFFE000  }
0xbb: {  	[spmem:s12] =	stream.linear.scatter [tilespmem:s3], [sflag:$0x5], $0x2000, $0x38;
	[tilespmem:$0x12800] =	vst v63  }
0xbc: {  	_ =	swait.ge [sflag:s14], $0x2000  }
0xbd: {  	[sflag:s14] =	ssyncset.done $0x0  }
0xbe: {  	s18 =	rddreg [dreg:$0xd];
	[sflag:s14] =	ssyncadd.s32 $0xFFFFE000  }
0xbf: {  	[spmem:s18] =	stream.linear.scatter [tilespmem:s3], [sflag:$0x5], $0x800, $0x38;
	[tilespmem:$0x12800] =	vst v63  }
0xc0: {  	_ =	swait.ge [sflag:s14], $0x800  }
0xc1: {  	[sflag:s14] =	ssyncset.done $0x0  }
0xc2: {  	[sflag:s14] =	ssyncadd.s32 $0xFFFFF800  }
0xc3: {  	s10 =	simm.s32 $0x0;
	[bflag:$0x0] =	sbarrier.arrive $0xFFFF  }
.LBB2_6:
0xc4: {  	s11 =	sadd.s32 s26, s10  }
0xc5: {  	s11 =	sshll.u32 s11, $0xD  }
0xc6: {  	s12 =	sadd.s32 s19, s11  }
0xc7: {  	s12 =	sshrl.u32 s12, $0x3  }
0xc8: {  	s12 =	sadd.s32 s6, s12  }
0xc9: {  	[tilespmem:s9], [sflag:$0x5] =	stream.linear.gather [hbm4b:s12+s9], $0x2000, $0x38;
	[tilespmem:$0x12800] =	vst v63  }
0xca: {  	s11 =	sshrl.u32 s11, $0x3;
	_ =	swait.ge [sflag:s14], $0x2000  }
0xcb: {  	s11 =	sadd.s32 s1, s11;
	[sflag:s14] =	ssyncset.done $0x0  }
0xcc: {  	s11 =	sadd.s32 $0x14000, s11;
	[sflag:s14] =	ssyncadd.s32 $0xFFFFE000  }
0xcd: {  	[tilespmem:s15], [sflag:$0x5] =	stream.linear.gather [hbm4b:s11+s9], $0x2000, $0x38;
	[tilespmem:$0x12800] =	vst v63  }
0xce: {  	_ =	swait.ge [sflag:s14], $0x2000  }
0xcf: {  	[sflag:s14] =	ssyncset.done $0x0  }
0xd0: {  	[sflag:s14] =	ssyncadd.s32 $0xFFFFE000  }
0xd1: {  	[tilespmem:s3], [sflag:$0x1] =	stream.indirect.gather [hbm4b:s5+s16], $0x80, s9, s16, $0xb8;
	[tilespmem:$0x12800] =	vst v63  }
0xd2: {  	_ = 	snop  }
0xd3: {  	[tilespmem:s25], [sflag:$0x2] =	stream.indirect.gather [hbm4b:s5+s16], $0x80, s17, s16, $0xb8;
	[tilespmem:$0x12800] =	vst v63  }
0xd4: {  	_ =	swait.ge [sflag:s28], $0x2000  }
0xd5: {  	[sflag:s28] =	ssyncset.done $0x0  }
0xd6: {  	s18 =	simm.s32 $0x2000;
	[sflag:s28] =	ssyncadd.s32 $0xFFFFE000  }
0xd7: {  	[spmem:s2] =	stream.indirect.scatter.add.f32 [tilespmem:s3], [sflag:$0x3], $0x80, s18, s16, $0xb8;
	[tilespmem:$0x12800] =	vst v63  }
0xd8: {  	_ =	swait.ge [sflag:s29], $0x2000  }
0xd9: {  	[sflag:s29] =	ssyncset.done $0x0  }
0xda: {  	s12 =	simm.s32 $0x2080;
	[sflag:s29] =	ssyncadd.s32 $0xFFFFE000  }
0xdb: {  	[spmem:s2] =	stream.indirect.scatter.add.f32 [tilespmem:s25], [sflag:$0x4], $0x80, s12, s16, $0xb8;
	[tilespmem:$0x12800] =	vst v63  }
0xdc: {  	_ =	swait.ge [sflag:s30], $0x2000  }
0xdd: {  	[sflag:s30] =	ssyncset.done $0x0  }
0xde: {  	s18 =	simm.s32 $0x100;
	[sflag:s30] =	ssyncadd.s32 $0xFFFFE000  }
0xdf: {  	[tilespmem:s3], [sflag:$0x1] =	stream.indirect.gather [hbm4b:s5+s16], $0x80, s18, s16, $0xb8;
	[tilespmem:$0x12800] =	vst v63  }
0xe0: {  	_ =	swait.ge [sflag:s31], $0x2000  }
0xe1: {  	[sflag:s31] =	ssyncset.done $0x0  }
0xe2: {  	s11 =	simm.s32 $0x400;
	s12 =	simm.s32 $0x180;
	[sflag:s31] =	ssyncadd.s32 $0xFFFFE000  }
.LBB2_7:
0xe3: {  	[tilespmem:s25], [sflag:$0x2] =	stream.indirect.gather [hbm4b:s5+s16], $0x80, s12, s16, $0xb8;
	[tilespmem:$0x12800] =	vst v63  }
0xe4: {  	s12 =	smov.u32 s11  }
0xe5: {  	p0 =	sne.s32 s11, $0x7800;
	s11 =	sadd.s32 $0x400, s11;
	_ =	swait.ge [sflag:s28], $0x2000  }
0xe6: {  	s12 =	sshra.s32 s12, $0x2;
	[sflag:s28] =	ssyncset.done $0x0  }
0xe7: {  	s18 =	sadd.s32 $0x2000, s12;
	[sflag:s28] =	ssyncadd.s32 $0xFFFFE000  }
0xe8: {  	[spmem:s2] =	stream.indirect.scatter.add.f32 [tilespmem:s3], [sflag:$0x3], $0x80, s18, s16, $0xb8;
	[tilespmem:$0x12800] =	vst v63  }
0xe9: {  	_ =	swait.ge [sflag:s29], $0x2000  }
0xea: {  	[sflag:s29] =	ssyncset.done $0x0  }
0xeb: {  	s18 =	sadd.s32 $0x2080, s12;
	[sflag:s29] =	ssyncadd.s32 $0xFFFFE000  }
0xec: {  	[spmem:s2] =	stream.indirect.scatter.add.f32 [tilespmem:s25], [sflag:$0x4], $0x80, s18, s16, $0xb8;
	[tilespmem:$0x12800] =	vst v63  }
0xed: {  	_ =	swait.ge [sflag:s30], $0x2000  }
0xee: {  	[sflag:s30] =	ssyncset.done $0x0  }
.Ltmp2:
0xef: {  	s18 =	sadd.s32 $0x100, s12;
	[sflag:s30] =	ssyncadd.s32 $0xFFFFE000;
	(pc) =	sbr.rel @p0 .LBB2_7-.Ltmp2, $4  }
0xf0: {  	[tilespmem:s3], [sflag:$0x1] =	stream.indirect.gather [hbm4b:s5+s16], $0x80, s18, s16, $0xb8;
	[tilespmem:$0x12800] =	vst v63  }
0xf1: {  	_ =	swait.ge [sflag:s31], $0x2000  }
0xf2: {  	[sflag:s31] =	ssyncset.done $0x0  }
0xf3: {  	s12 =	sadd.s32 $0x180, s12;
	[sflag:s31] =	ssyncadd.s32 $0xFFFFE000  }
0xf4: {  	[tilespmem:s25], [sflag:$0x2] =	stream.indirect.gather [hbm4b:s5+s16], $0x80, s12, s16, $0xb8;
	[tilespmem:$0x12800] =	vst v63  }
0xf5: {  	_ =	swait.ge [sflag:s28], $0x2000  }
0xf6: {  	[sflag:s28] =	ssyncset.done $0x0  }
0xf7: {  	[sflag:s28] =	ssyncadd.s32 $0xFFFFE000  }
0xf8: {  	[spmem:s2] =	stream.indirect.scatter.add.f32 [tilespmem:s3], [sflag:$0x3], $0x80, s0, s16, $0xb8;
	[tilespmem:$0x12800] =	vst v63  }
0xf9: {  	_ =	swait.ge [sflag:s29], $0x2000  }
0xfa: {  	[sflag:s29] =	ssyncset.done $0x0  }
0xfb: {  	s10 =	sadd.s32 $0x1, s10;
	[sflag:s29] =	ssyncadd.s32 $0xFFFFE000  }
0xfc: {  	[spmem:s2] =	stream.indirect.scatter.add.f32 [tilespmem:s25], [sflag:$0x4], $0x80, s13, s16, $0xb8;
	[tilespmem:$0x12800] =	vst v63  }
0xfd: {  	p0 =	sne.s32 s10, $0x5;
	_ =	swait.ge [sflag:s30], $0x2000  }
.Ltmp3:
0xfe: {  	[sflag:s30] =	ssyncset.done $0x0;
	(pc) =	sbr.rel @p0 .LBB2_6-.Ltmp3, $4  }
0xff: {  	[sflag:s30] =	ssyncadd.s32 $0xFFFFE000  }
0x100: {  	_ =	swait.ge [sflag:s31], $0x2000  }
0x101: {  	[sflag:s31] =	ssyncset.done $0x0  }
0x102: {  	[sflag:s31] =	ssyncadd.s32 $0xFFFFE000  }
0x103: {  	[bflag:$0x0] =	sbarrier.arrive $0xFFFF  }
0x104: {  	s9 =	rddreg [dreg:$0xe]  }
0x105: {  	[tilespmem:s3], [sflag:$0x5] =	stream.linear.gather [spmem:s9], $0x2000, $0x38;
	[tilespmem:$0x12800] =	vst v63  }
0x106: {  	_ =	swait.ge [sflag:s14], $0x2000  }
0x107: {  	[sflag:s14] =	ssyncset.done $0x0  }
0x108: {  	s12 =	rddreg [dreg:$0x10];
	[sflag:s14] =	ssyncadd.s32 $0xFFFFE000  }
0x109: {  	[hbm4b:s12+s4] =	stream.linear.scatter [tilespmem:s3], [sflag:$0x5], $0x2000, $0x38;
	[tilespmem:$0x12800] =	vst v63  }
0x10a: {  	_ =	swait.ge [sflag:s14], $0x2000  }
0x10b: {  	[sflag:s14] =	ssyncset.done $0x0  }
0x10c: {  	[sflag:s14] =	ssyncadd.s32 $0xFFFFE000  }
0x10d: {  	[tilespmem:s3], [sflag:$0x5] =	stream.linear.gather [spmem:s21], $0x2000, $0x38;
	[tilespmem:$0x12800] =	vst v63  }
0x10e: {  	_ =	swait.ge [sflag:s14], $0x2000  }
0x10f: {  	[sflag:s14] =	ssyncset.done $0x0  }
0x110: {  	s18 =	rddreg [dreg:$0x11];
	[sflag:s14] =	ssyncadd.s32 $0xFFFFE000  }
0x111: {  	[hbm4b:s18+s4] =	stream.linear.scatter [tilespmem:s3], [sflag:$0x5], $0x2000, $0x38;
	[tilespmem:$0x12800] =	vst v63  }
0x112: {  	_ =	swait.ge [sflag:s14], $0x2000  }
0x113: {  	[sflag:s14] =	ssyncset.done $0x0  }
0x114: {  	[sflag:s14] =	ssyncadd.s32 $0xFFFFE000  }
0x115: {  	[tilespmem:s3], [sflag:$0x5] =	stream.linear.gather [spmem:s22], $0x2000, $0x38;
	[tilespmem:$0x12800] =	vst v63  }
0x116: {  	_ =	swait.ge [sflag:s14], $0x2000  }
0x117: {  	[sflag:s14] =	ssyncset.done $0x0  }
0x118: {  	s10 =	rddreg [dreg:$0x12];
	[sflag:s14] =	ssyncadd.s32 $0xFFFFE000  }
0x119: {  	[hbm4b:s10+s4] =	stream.linear.scatter [tilespmem:s3], [sflag:$0x5], $0x2000, $0x38;
	[tilespmem:$0x12800] =	vst v63  }
0x11a: {  	_ =	swait.ge [sflag:s14], $0x2000  }
0x11b: {  	[sflag:s14] =	ssyncset.done $0x0  }
0x11c: {  	[sflag:s14] =	ssyncadd.s32 $0xFFFFE000  }
0x11d: {  	[tilespmem:s3], [sflag:$0x5] =	stream.linear.gather [spmem:s23], $0x2000, $0x38;
	[tilespmem:$0x12800] =	vst v63  }
0x11e: {  	_ =	swait.ge [sflag:s14], $0x2000  }
0x11f: {  	[sflag:s14] =	ssyncset.done $0x0  }
0x120: {  	s11 =	rddreg [dreg:$0x13];
	[sflag:s14] =	ssyncadd.s32 $0xFFFFE000  }
0x121: {  	[hbm4b:s11+s4] =	stream.linear.scatter [tilespmem:s3], [sflag:$0x5], $0x2000, $0x38;
	[tilespmem:$0x12800] =	vst v63  }
0x122: {  	_ =	swait.ge [sflag:s14], $0x2000  }
0x123: {  	[sflag:s14] =	ssyncset.done $0x0  }
0x124: {  	[sflag:s14] =	ssyncadd.s32 $0xFFFFE000  }
0x125: {  	[tilespmem:s3], [sflag:$0x5] =	stream.linear.gather [spmem:s24], $0x2000, $0x38;
	[tilespmem:$0x12800] =	vst v63  }
0x126: {  	_ =	swait.ge [sflag:s14], $0x2000  }
0x127: {  	[sflag:s14] =	ssyncset.done $0x0  }
0x128: {  	s12 =	rddreg [dreg:$0x14];
	[sflag:s14] =	ssyncadd.s32 $0xFFFFE000  }
0x129: {  	[hbm4b:s12+s4] =	stream.linear.scatter [tilespmem:s3], [sflag:$0x5], $0x2000, $0x38;
	[tilespmem:$0x12800] =	vst v63  }
0x12a: {  	_ =	swait.ge [sflag:s14], $0x2000  }
0x12b: {  	s7 =	sadd.s32 $0x1, s7;
	s18 =	rddreg [dreg:$0xf]  }
0x12c: {  	p0 =	sne.s32 s7, s18  }
.Ltmp4:
0x12d: {  	_ = 	snop;
	(pc) =	sbr.rel @p0 .LBB2_1-.Ltmp4, $3  }
0x12e: {  	_ =	sdelay $0x1  }
0x12f: {  	[sflag:s14] =	ssyncset.done $0x0  }
0x130: {  	[sflag:s14] =	ssyncadd.s32 $0xFFFFE000;
	s18 =	smov.u32 s20  }
0x131: {  	_ =	sfence.sel $0x180000  }
0x132: {  	[bflag:$0x0] =	sbarrier.arrive $0xFFFF  }
0x133: {  	_ =	strace $0x90000047  }
0x134: {  	s0 =	stileid.u32;
	[bflag:$0x2] =	sbarrier.arrive $0xFFFF  }
0x135: {  	p0 =	sne.s32 s0, $0x0;
	s0 =	rddreg [dreg:$0x3]  }
0x136: {  	s0 =	sadd.s32 @!p0 $0x100000, s0  }
0x137: {  	[sflag:s0] =	ssyncadd.tile.s32 @!p0 $0x1;
	_ =	shalt  }
.Lfunc_end2:
_tile_overlayer_lowered:
.L_overlay_start_2:
0x138: {  	(tag) =	ssettag $0x2  }
0x139: {  	s0 =	rddreg [dreg:$0x0];
	s2 =	stileid.u32  }
0x13a: {  	s1 =	rddreg [dreg:$0x1];
	p0 =	sne.s32 s2, $0x0  }
0x13b: {  	s3 =	rddreg [dreg:$0x2];
	[bflag:$0x3] =	sbarrier.arrive $0xFFFF;
	s2 =	simm.s32 @!p0 $0x1C05  }
0x13c: {  	[timem:s3], [sflag:s2] =	dma.local @!p0 [hbm:s0], s1  }
0x13d: {  	s0 =	simm.s32 @!p0 $0x5  }
0x13e: {  	_ =	swait.ge @!p0 [sflag:s0], s1  }
0x13f: {  	s1 =	ssub.s32 @!p0 $0x0, s1;
	[sflag:s0] =	ssyncset.done @!p0 $0x0  }
0x140: {  	[sflag:s0] =	ssyncadd.s32 @!p0 s1  }
0x141: {  	[bflag:$0x3] =	sbarrier.arrive $0xFFFF  }
0x142: {  	_ =	shalt  }

</sc_bundles>
